<compile_context>
chip_gen: v7x
topology: tpu7x:2x2x1
jax: 0.10.2.dev20260603
libtpu: 0.0.44.dev20260713+nightly
codegen_flags: <defaults>
</compile_context>

<pallas_src>
import functools

import jax
import jax.numpy as jnp
from jax import lax
from jax.experimental import pallas as pl
from jax.experimental.pallas import tpu as pltpu
from jax.experimental.pallas import tpu_sc as plsc

NW = 32
CHUNK = 128
NBUF = 8
L16 = 16


def _transpose_body(v, d, n_full, tail_w,
                    tbl_t_hbm, tail_t_hbm, out_hbm,
                    in_v0, in_v1, out_v0, out_v1,
                    sem_i0, sem_i1, sem_o0, sem_o1):
    wid = lax.axis_index("s") * 2 + lax.axis_index("c")
    base_trips = n_full // NW
    extra = n_full - base_trips * NW
    trips = base_trips + jnp.where(wid < extra, 1, 0)

    iota = lax.iota(jnp.int32, L16)
    pitch = 2 * d + 1
    iota_p = iota * pitch

    in_bufs = (in_v0, in_v1)
    out_bufs = (out_v0, out_v1)
    sem_is = (sem_i0, sem_i1)
    sem_os = (sem_o0, sem_o1)

    def unit_col(k):
        return (wid + k * NW) * CHUNK

    def g_start(k, p):
        pltpu.async_copy(tbl_t_hbm.at[:, pl.ds(unit_col(k), CHUNK)],
                         in_bufs[p], sem_is[p])

    def g_wait(p):
        pltpu.make_async_copy(tbl_t_hbm.at[:, pl.ds(0, CHUNK)],
                              in_bufs[p], sem_is[p]).wait()

    def s_start(k, p):
        pltpu.async_copy(out_bufs[p].at[:, pl.ds(0, 2 * d)],
                         out_hbm.at[pl.ds(unit_col(k), CHUNK), pl.ds(0, 2 * d)],
                         sem_os[p])

    def s_wait(p):
        pltpu.make_async_copy(out_bufs[p].at[:, pl.ds(0, 2 * d)],
                              out_hbm.at[pl.ds(0, CHUNK), pl.ds(0, 2 * d)],
                              sem_os[p]).wait()

    def transpose_block(in_v, out_v, width):
        rows = [iota + (k * L16) for k in range(width // L16)]

        def dbody(d8, carry):
            dd = d8 * 8
            for u in range(8):
                col = jnp.zeros((L16,), jnp.int32) + (dd + u)
                xs = [in_v[dd + u, pl.ds(k * L16, L16)]
                      for k in range(width // L16)]
                for k, x in enumerate(xs):
                    plsc.store_scatter(out_v, [rows[k], col], x)
            return carry
        lax.fori_loop(0, d // 8, dbody, 0)

    @pl.when(trips > 0)
    def _():
        g_start(0, 0)

        def body(k, carry):
            def do(pp):
                @pl.when(lax.rem(k, 2) == pp)
                def _():
                    @pl.when(k + 1 < trips)
                    def _():
                        g_start(k + 1, 1 - pp)
                    g_wait(pp)
                    @pl.when(k >= 2)
                    def _():
                        s_wait(pp)
                    transpose_block(in_bufs[pp], out_bufs[pp], CHUNK)
                    s_start(k, pp)
            do(0)
            do(1)
            return carry

        lax.fori_loop(0, trips, body, 0)
        for pp in range(2):
            @pl.when(trips > pp)
            def _():
                s_wait(pp)

    if tail_w:
        @pl.when(wid == NW - 1)
        def _():
            cp = pltpu.async_copy(tail_t_hbm, in_v0, sem_i0)
            cp.wait()
            transpose_block(in_v0, out_v0, tail_w)
            cp2 = pltpu.async_copy(
                out_v0.at[pl.ds(0, tail_w), pl.ds(0, 2 * d)],
                out_hbm.at[pl.ds(v, tail_w), pl.ds(0, 2 * d)], sem_o0)
            cp2.wait()


def _gather_body(n_chunks, b_per_w, d,
                 idx_hbm, table_hbm, out_hbm, idx_v, rows, sems):
    wid = lax.axis_index("s") * 2 + lax.axis_index("c")
    pltpu.sync_copy(idx_hbm.at[wid], idx_v)
    base = wid * b_per_w

    def g_start(j, b):
        pltpu.async_copy(table_hbm.at[idx_v.at[j]], rows[b], sems[b])

    def s_start(j, b):
        pltpu.async_copy(
            rows[b],
            out_hbm.at[pl.ds(base + j * CHUNK, CHUNK), pl.ds(0, d)],
            sems[b])

    def wait(b):
        pltpu.make_async_copy(out_hbm.at[pl.ds(0, CHUNK), pl.ds(0, d)],
                              rows[b], sems[b]).wait()

    half = NBUF // 2
    for b in range(half):
        g_start(b, b)
    for j in range(half):
        wait(j)
        s_start(j, j)
        g_start(j + half, j + half)
    for j in range(half, NBUF):
        wait(j - half)
        g_start(j + half, j - half)
        wait(j)
        s_start(j, j)

    def body(k, carry):
        j0 = k * NBUF
        for b in range(NBUF):
            j = j0 + b
            wait((b + half) % NBUF)
            g_start(j + half, (b + half) % NBUF)
            wait(b)
            s_start(j, b)
        return carry

    lax.fori_loop(1, n_chunks // NBUF - 1, body, 0)

    j0 = n_chunks - NBUF
    for b in range(half):
        j = j0 + b
        wait(b + half)
        g_start(j + half, b + half)
        wait(b)
        s_start(j, b)
    for b in range(half, NBUF):
        j = j0 + b
        wait(b - half)
        wait(b)
        s_start(j, b)
    for b in range(half, NBUF):
        wait(b)


def kernel(paths, path_table):
    b, l = paths.shape
    v, d = path_table.shape
    n_flat = b * l
    b_per_w = n_flat // NW
    n_chunks = b_per_w // CHUNK
    n_full = v // CHUNK
    tail_w = v - n_full * CHUNK
    tail_base = n_full * CHUNK

    mesh = plsc.VectorSubcoreMesh(core_axis_name="c", subcore_axis_name="s")

    transpose_kernel = functools.partial(
        pl.kernel,
        out_type=jax.ShapeDtypeStruct((v + tail_w, 2 * d), jnp.float32),
        mesh=mesh,
        compiler_params=pltpu.CompilerParams(use_tc_tiling_on_sc=True,
                                             needs_layout_passes=False),
        scratch_types=[
            pltpu.VMEM((d, CHUNK), jnp.float32),
            pltpu.VMEM((d, CHUNK), jnp.float32),
            pltpu.VMEM((CHUNK, 2 * d + 1), jnp.float32),
            pltpu.VMEM((CHUNK, 2 * d + 1), jnp.float32),
            pltpu.SemaphoreType.DMA,
            pltpu.SemaphoreType.DMA,
            pltpu.SemaphoreType.DMA,
            pltpu.SemaphoreType.DMA,
        ],
    )(functools.partial(_transpose_body, v, d, n_full, tail_w))

    tail_t = jnp.pad(path_table[tail_base:].T, ((0, 0), (0, CHUNK - tail_w)))
    tbl2 = transpose_kernel(path_table.T, tail_t).reshape((v + tail_w) * 2, d)

    slot = jnp.where(paths >= tail_base, v + (paths - tail_base), paths) * 2
    idx = slot.reshape(NW, n_chunks, CHUNK).astype(jnp.int32)

    gather_kernel = functools.partial(
        pl.kernel,
        out_type=jax.ShapeDtypeStruct((n_flat, 2 * d), jnp.float32),
        mesh=mesh,
        compiler_params=pltpu.CompilerParams(use_tc_tiling_on_sc=False),
        scratch_types=[
            pltpu.VMEM((n_chunks, CHUNK), jnp.int32),
            [pltpu.VMEM((CHUNK, d), jnp.float32) for _ in range(NBUF)],
            [pltpu.SemaphoreType.DMA for _ in range(NBUF)],
        ],
    )(functools.partial(_gather_body, n_chunks, b_per_w, d))

    out = gather_kernel(idx, tbl2)
    return out.reshape(b, l, 2 * d)[:, :, :d]

# --- scband reference (transcript-rebuilt; emitter-appended) ---
"""Pipeline reference for scband-path-encoder-45913200394754 (READ-ONLY COPY).

The authoritative reference and input builder live on the scoring server;
editing this copy changes nothing except your own understanding.
"""

import jax, jax.numpy as jnp
import numpy as np

PATH_VOCAB = 1000000
EMBED_DIM = 64
BATCH = 4096
MAX_PATHS = 200


def setup_inputs(seed: int = 0) -> dict:
    key = jax.random.key(seed)
    k_idx, k_tab = jax.random.split(key)
    paths = jax.random.randint(k_idx, (BATCH, MAX_PATHS), 0, PATH_VOCAB, dtype=jnp.int64 if jax.config.jax_enable_x64 else jnp.int32)
    path_table = jax.random.normal(k_tab, (PATH_VOCAB, EMBED_DIM), dtype=jnp.float32)
    # padding_idx=0: embedding row 0 is initialized to zeros in torch
    path_table = path_table.at[0].set(0.0)
    return {"paths": paths, "path_table": path_table}


def reference(paths, path_table):
    # nn.Embedding lookup: [B, L] -> [B, L, D]
    # Dropout is identity in eval mode.
    path_embeddings = jnp.take(path_table, paths, axis=0)
    return path_embeddings

if __name__ == "__main__":
    import jax
    _d = setup_inputs()
    print(jax.jit(kernel)(*tuple(_d.values())))

</pallas_src>

<mosaic_0001>
#map = affine_map<(d0, d1) -> (0, 0)>
module attributes {stable_mosaic.version = 14 : i64} {
  func.func @_transpose_body(%arg0: i32, %arg1: i32, %arg2: memref<64x1000000xf32, #tpu.memory_space<hbm>>, %arg3: memref<64x128xf32, #tpu.memory_space<hbm>>, %arg4: memref<1000064x128xf32, #tpu.memory_space<hbm>>, %arg5: memref<64x128xf32, #tpu.memory_space<vmem>>, %arg6: memref<64x128xf32, #tpu.memory_space<vmem>>, %arg7: memref<128x129xf32, #tpu.memory_space<vmem>>, %arg8: memref<128x129xf32, #tpu.memory_space<vmem>>, %arg9: memref<!tpu.dma_semaphore, #tpu.memory_space<semaphore_mem>>, %arg10: memref<!tpu.dma_semaphore, #tpu.memory_space<semaphore_mem>>, %arg11: memref<!tpu.dma_semaphore, #tpu.memory_space<semaphore_mem>>, %arg12: memref<!tpu.dma_semaphore, #tpu.memory_space<semaphore_mem>>) attributes {dimension_semantics = [#tpu.dimension_semantics<core_parallel>, #tpu.dimension_semantics<subcore_parallel>], iteration_bounds = array<i64: 2, 16>, scalar_prefetch = 0 : i64, scratch_operands = 8 : i64, tpu.core_type = #tpu.core_type<sc_vector_subcore>, window_params = [{transform_indices = #map}, {transform_indices = #map}, {transform_indices = #map}]} {
    %mul3A = arith.constant 2 : i32
    %mul3A_0 = arith.muli %arg1, %mul3A : i32
    %add3A = arith.addi %mul3A_0, %arg0 : i32
    %lt3A = arith.constant 4 : i32
    %lt3A_1 = arith.cmpi slt, %add3A, %lt3A : i32
    %jit3A = arith.constant 1 : i32
    %jit3A_2 = arith.constant 0 : i32
    %select_n3A = arith.select %lt3A_1, %jit3A, %jit3A_2 : i32
    %add3A_3 = arith.constant 244 : i32
    %add3A_4 = arith.addi %add3A_3, %select_n3A : i32
    %iota3A = tpu.iota {dimensions = array<i32: 0>} : vector<16xi32>
    %mul3A_5 = arith.constant 129 : i32
    %mul3A_6 = vector.broadcast %mul3A_5 : i32 to vector<16xi32>
    %mul3A_7 = arith.muli %iota3A, %mul3A_6 : vector<16xi32>
    %gt3A = arith.constant 0 : i32
    %gt3A_8 = arith.cmpi sgt, %add3A_4, %gt3A : i32
    %convert_element_type3A = arith.extui %gt3A_8 : i1 to i32
    %cond3A = arith.constant 0 : i32
    %cond3A_9 = arith.cmpi ne, %convert_element_type3A, %cond3A : i32
    scf.if %cond3A_9 {
      %add3A_14 = arith.constant 0 : i32
      %add3A_15 = arith.addi %add3A, %add3A_14 : i32
      %mul3A_16 = arith.constant 128 : i32
      %mul3A_17 = arith.muli %add3A_15, %mul3A_16 : i32
      %dma_start3A = arith.constant 0 : i32
      %dma_start3A_18 = tpu.memref_slice %arg2[%dma_start3A, %mul3A_17] : memref<64x1000000xf32, #tpu.memory_space<hbm>> -> memref<64x128xf32, #tpu.memory_space<hbm>>
      %dma_start3A_19 = arith.constant 0 : i32
      %dma_start3A_20 = tpu.memref_slice %arg2[%dma_start3A_19, %mul3A_17] : memref<64x1000000xf32, #tpu.memory_space<hbm>> -> memref<64x128xf32, #tpu.memory_space<hbm>>
      tpu.enqueue_dma source(%dma_start3A_20 : memref<64x128xf32, #tpu.memory_space<hbm>>) target(%arg5 : memref<64x128xf32, #tpu.memory_space<vmem>>) target_semaphore(%arg9 : memref<!tpu.dma_semaphore, #tpu.memory_space<semaphore_mem>>)
      %while3A = arith.constant 0 : i32
      %while3A_21 = arith.constant 0 : i32
      %while3A_22 = arith.subi %add3A_4, %while3A_21 : i32
      %while3A_23 = arith.addi %while3A_21, %while3A_22 : i32
      %while3A_24 = arith.constant 1 : i32
      %while3A_25 = arith.divsi %while3A_22, %while3A_24 : i32
      %while3A_26 = arith.muli %while3A_25, %while3A_24 : i32
      %while3A_27 = arith.addi %while3A_21, %while3A_26 : i32
      %while3A_28 = arith.constant 1 : i32
      scf.for %while3A_40 = %while3A_21 to %while3A_27 step %while3A_28  : i32 {
        %rem3A = arith.constant 2 : i32
        %rem3A_41 = arith.remsi %while3A_40, %rem3A : i32
        %eq3A_42 = arith.constant 0 : i32
        %eq3A_43 = arith.cmpi eq, %rem3A_41, %eq3A_42 : i32
        %convert_element_type3A_44 = arith.extui %eq3A_43 : i1 to i32
        %cond3A_45 = arith.constant 0 : i32
        %cond3A_46 = arith.cmpi ne, %convert_element_type3A_44, %cond3A_45 : i32
        scf.if %cond3A_46 {
          %add3A_54 = arith.constant 1 : i32
          %add3A_55 = arith.addi %while3A_40, %add3A_54 : i32
          %lt3A_56 = arith.cmpi slt, %add3A_55, %add3A_4 : i32
          %convert_element_type3A_57 = arith.extui %lt3A_56 : i1 to i32
          %cond3A_58 = arith.constant 0 : i32
          %cond3A_59 = arith.cmpi ne, %convert_element_type3A_57, %cond3A_58 : i32
          scf.if %cond3A_59 {
            %add3A_113 = arith.constant 1 : i32
            %add3A_114 = arith.addi %while3A_40, %add3A_113 : i32
            %mul3A_115 = arith.constant 32 : i32
            %mul3A_116 = arith.muli %add3A_114, %mul3A_115 : i32
            %add3A_117 = arith.addi %add3A, %mul3A_116 : i32
            %mul3A_118 = arith.constant 128 : i32
            %mul3A_119 = arith.muli %add3A_117, %mul3A_118 : i32
            %dma_start3A_120 = arith.constant 0 : i32
            %dma_start3A_121 = tpu.memref_slice %arg2[%dma_start3A_120, %mul3A_119] : memref<64x1000000xf32, #tpu.memory_space<hbm>> -> memref<64x128xf32, #tpu.memory_space<hbm>>
            %dma_start3A_122 = arith.constant 0 : i32
            %dma_start3A_123 = tpu.memref_slice %arg2[%dma_start3A_122, %mul3A_119] : memref<64x1000000xf32, #tpu.memory_space<hbm>> -> memref<64x128xf32, #tpu.memory_space<hbm>>
            tpu.enqueue_dma source(%dma_start3A_123 : memref<64x128xf32, #tpu.memory_space<hbm>>) target(%arg6 : memref<64x128xf32, #tpu.memory_space<vmem>>) target_semaphore(%arg10 : memref<!tpu.dma_semaphore, #tpu.memory_space<semaphore_mem>>)
          } else {
          }
          %dma_wait3A = arith.constant 0 : i32
          %dma_wait3A_60 = arith.constant 0 : i32
          %dma_wait3A_61 = tpu.memref_slice %arg2[%dma_wait3A, %dma_wait3A_60] : memref<64x1000000xf32, #tpu.memory_space<hbm>> -> memref<64x128xf32, #tpu.memory_space<hbm>>
          %dma_wait3A_62 = arith.constant 0 : i32
          %dma_wait3A_63 = arith.constant 0 : i32
          %dma_wait3A_64 = tpu.memref_slice %arg2[%dma_wait3A_62, %dma_wait3A_63] : memref<64x1000000xf32, #tpu.memory_space<hbm>> -> memref<64x128xf32, #tpu.memory_space<hbm>>
          tpu.wait_dma2 semaphore(%arg9 : memref<!tpu.dma_semaphore, #tpu.memory_space<semaphore_mem>>) src(%dma_wait3A_64 : memref<64x128xf32, #tpu.memory_space<hbm>>) dst(%arg5 : memref<64x128xf32, #tpu.memory_space<vmem>>)
          %ge3A = arith.constant 2 : i32
          %ge3A_65 = arith.cmpi sge, %while3A_40, %ge3A : i32
          %convert_element_type3A_66 = arith.extui %ge3A_65 : i1 to i32
          %cond3A_67 = arith.constant 0 : i32
          %cond3A_68 = arith.cmpi ne, %convert_element_type3A_66, %cond3A_67 : i32
          scf.if %cond3A_68 {
            %dma_wait3A_113 = arith.constant 0 : i32
            %dma_wait3A_114 = arith.constant 0 : i32
            %dma_wait3A_115 = tpu.memref_slice %arg7[%dma_wait3A_113, %dma_wait3A_114] : memref<128x129xf32, #tpu.memory_space<vmem>> -> memref<128x128xf32, #tpu.memory_space<vmem>>
            %dma_wait3A_116 = arith.constant 0 : i32
            %dma_wait3A_117 = arith.constant 0 : i32
            %dma_wait3A_118 = tpu.memref_slice %arg4[%dma_wait3A_116, %dma_wait3A_117] : memref<1000064x128xf32, #tpu.memory_space<hbm>> -> memref<128x128xf32, #tpu.memory_space<hbm>>
            %dma_wait3A_119 = arith.constant 0 : i32
            %dma_wait3A_120 = arith.constant 0 : i32
            %dma_wait3A_121 = tpu.memref_slice %arg4[%dma_wait3A_119, %dma_wait3A_120] : memref<1000064x128xf32, #tpu.memory_space<hbm>> -> memref<128x128xf32, #tpu.memory_space<hbm>>
            %dma_wait3A_122 = arith.constant 0 : i32
            %dma_wait3A_123 = arith.constant 0 : i32
            %dma_wait3A_124 = tpu.memref_slice %arg7[%dma_wait3A_122, %dma_wait3A_123] : memref<128x129xf32, #tpu.memory_space<vmem>> -> memref<128x128xf32, #tpu.memory_space<vmem>>
            tpu.wait_dma2 semaphore(%arg11 : memref<!tpu.dma_semaphore, #tpu.memory_space<semaphore_mem>>) src(%dma_wait3A_124 : memref<128x128xf32, #tpu.memory_space<vmem>>) dst(%dma_wait3A_121 : memref<128x128xf32, #tpu.memory_space<hbm>>)
          } else {
          }
          %add3A_69 = arith.constant 0 : i32
          %add3A_70 = vector.broadcast %add3A_69 : i32 to vector<16xi32>
          %add3A_71 = arith.addi %iota3A, %add3A_70 : vector<16xi32>
          %add3A_72 = arith.constant 16 : i32
          %add3A_73 = vector.broadcast %add3A_72 : i32 to vector<16xi32>
          %add3A_74 = arith.addi %iota3A, %add3A_73 : vector<16xi32>
          %add3A_75 = arith.constant 32 : i32
          %add3A_76 = vector.broadcast %add3A_75 : i32 to vector<16xi32>
          %add3A_77 = arith.addi %iota3A, %add3A_76 : vector<16xi32>
          %add3A_78 = arith.constant 48 : i32
          %add3A_79 = vector.broadcast %add3A_78 : i32 to vector<16xi32>
          %add3A_80 = arith.addi %iota3A, %add3A_79 : vector<16xi32>
          %add3A_81 = arith.constant 64 : i32
          %add3A_82 = vector.broadcast %add3A_81 : i32 to vector<16xi32>
          %add3A_83 = arith.addi %iota3A, %add3A_82 : vector<16xi32>
          %add3A_84 = arith.constant 80 : i32
          %add3A_85 = vector.broadcast %add3A_84 : i32 to vector<16xi32>
          %add3A_86 = arith.addi %iota3A, %add3A_85 : vector<16xi32>
          %add3A_87 = arith.constant 96 : i32
          %add3A_88 = vector.broadcast %add3A_87 : i32 to vector<16xi32>
          %add3A_89 = arith.addi %iota3A, %add3A_88 : vector<16xi32>
          %add3A_90 = arith.constant 112 : i32
          %add3A_91 = vector.broadcast %add3A_90 : i32 to vector<16xi32>
          %add3A_92 = arith.addi %iota3A, %add3A_91 : vector<16xi32>
          %scan3A = arith.constant 0 : i32
          %scan3A_93 = arith.constant 0 : i32
          %scan3A_94 = arith.constant 8 : i32
          %scan3A_95 = arith.addi %scan3A_93, %scan3A_94 : i32
          %scan3A_96 = arith.constant 1 : i32
          scf.for %scan3A_113 = %scan3A_93 to %scan3A_95 step %scan3A_96  : i32 {
            %mul3A_114 = arith.constant 8 : i32
            %mul3A_115 = arith.muli %scan3A_113, %mul3A_114 : i32
            %broadcast_in_dim3A = arith.constant 0 : i32
            %broadcast_in_dim3A_116 = vector.broadcast %broadcast_in_dim3A : i32 to vector<16xi32>
            %add3A_117 = arith.constant 0 : i32
            %add3A_118 = arith.addi %mul3A_115, %add3A_117 : i32
            %add3A_119 = vector.broadcast %add3A_118 : i32 to vector<16xi32>
            %add3A_120 = arith.addi %broadcast_in_dim3A_116, %add3A_119 : vector<16xi32>
            %add3A_121 = arith.constant 0 : i32
            %add3A_122 = arith.addi %mul3A_115, %add3A_121 : i32
            %get3A = arith.index_cast %add3A_122 : i32 to index
            %get3A_123 = arith.constant 0 : index
            %get3A_124 = tpu.vector_load %arg5[%get3A, %get3A_123] {strides = array<i32>} : memref<64x128xf32, #tpu.memory_space<vmem>>, vector<16xf32>,
            %add3A_125 = arith.constant 0 : i32
            %add3A_126 = arith.addi %mul3A_115, %add3A_125 : i32
            %get3A_127 = arith.index_cast %add3A_126 : i32 to index
            %get3A_128 = arith.constant 16 : index
            %get3A_129 = tpu.vector_load %arg5[%get3A_127, %get3A_128] {strides = array<i32>} : memref<64x128xf32, #tpu.memory_space<vmem>>, vector<16xf32>,
            %add3A_130 = arith.constant 0 : i32
            %add3A_131 = arith.addi %mul3A_115, %add3A_130 : i32
            %get3A_132 = arith.index_cast %add3A_131 : i32 to index
            %get3A_133 = arith.constant 32 : index
            %get3A_134 = tpu.vector_load %arg5[%get3A_132, %get3A_133] {strides = array<i32>} : memref<64x128xf32, #tpu.memory_space<vmem>>, vector<16xf32>,
            %add3A_135 = arith.constant 0 : i32
            %add3A_136 = arith.addi %mul3A_115, %add3A_135 : i32
            %get3A_137 = arith.index_cast %add3A_136 : i32 to index
            %get3A_138 = arith.constant 48 : index
            %get3A_139 = tpu.vector_load %arg5[%get3A_137, %get3A_138] {strides = array<i32>} : memref<64x128xf32, #tpu.memory_space<vmem>>, vector<16xf32>,
            %add3A_140 = arith.constant 0 : i32
            %add3A_141 = arith.addi %mul3A_115, %add3A_140 : i32
            %get3A_142 = arith.index_cast %add3A_141 : i32 to index
            %get3A_143 = arith.constant 64 : index
            %get3A_144 = tpu.vector_load %arg5[%get3A_142, %get3A_143] {strides = array<i32>} : memref<64x128xf32, #tpu.memory_space<vmem>>, vector<16xf32>,
            %add3A_145 = arith.constant 0 : i32
            %add3A_146 = arith.addi %mul3A_115, %add3A_145 : i32
            %get3A_147 = arith.index_cast %add3A_146 : i32 to index
            %get3A_148 = arith.constant 80 : index
            %get3A_149 = tpu.vector_load %arg5[%get3A_147, %get3A_148] {strides = array<i32>} : memref<64x128xf32, #tpu.memory_space<vmem>>, vector<16xf32>,
            %add3A_150 = arith.constant 0 : i32
            %add3A_151 = arith.addi %mul3A_115, %add3A_150 : i32
            %get3A_152 = arith.index_cast %add3A_151 : i32 to index
            %get3A_153 = arith.constant 96 : index
            %get3A_154 = tpu.vector_load %arg5[%get3A_152, %get3A_153] {strides = array<i32>} : memref<64x128xf32, #tpu.memory_space<vmem>>, vector<16xf32>,
            %add3A_155 = arith.constant 0 : i32
            %add3A_156 = arith.addi %mul3A_115, %add3A_155 : i32
            %get3A_157 = arith.index_cast %add3A_156 : i32 to index
            %get3A_158 = arith.constant 112 : index
            %get3A_159 = tpu.vector_load %arg5[%get3A_157, %get3A_158] {strides = array<i32>} : memref<64x128xf32, #tpu.memory_space<vmem>>, vector<16xf32>,
            tpu.vector_store_idx %arg7[%add3A_71, %add3A_120], %get3A_124 : memref<128x129xf32, #tpu.memory_space<vmem>>[vector<16xi32>, vector<16xi32>], vector<16xf32>,
            tpu.vector_store_idx %arg7[%add3A_74, %add3A_120], %get3A_129 : memref<128x129xf32, #tpu.memory_space<vmem>>[vector<16xi32>, vector<16xi32>], vector<16xf32>,
            tpu.vector_store_idx %arg7[%add3A_77, %add3A_120], %get3A_134 : memref<128x129xf32, #tpu.memory_space<vmem>>[vector<16xi32>, vector<16xi32>], vector<16xf32>,
            tpu.vector_store_idx %arg7[%add3A_80, %add3A_120], %get3A_139 : memref<128x129xf32, #tpu.memory_space<vmem>>[vector<16xi32>, vector<16xi32>], vector<16xf32>,
            tpu.vector_store_idx %arg7[%add3A_83, %add3A_120], %get3A_144 : memref<128x129xf32, #tpu.memory_space<vmem>>[vector<16xi32>, vector<16xi32>], vector<16xf32>,
            tpu.vector_store_idx %arg7[%add3A_86, %add3A_120], %get3A_149 : memref<128x129xf32, #tpu.memory_space<vmem>>[vector<16xi32>, vector<16xi32>], vector<16xf32>,
            tpu.vector_store_idx %arg7[%add3A_89, %add3A_120], %get3A_154 : memref<128x129xf32, #tpu.memory_space<vmem>>[vector<16xi32>, vector<16xi32>], vector<16xf32>,
            tpu.vector_store_idx %arg7[%add3A_92, %add3A_120], %get3A_159 : memref<128x129xf32, #tpu.memory_space<vmem>>[vector<16xi32>, vector<16xi32>], vector<16xf32>,
            %broadcast_in_dim3A_160 = arith.constant 0 : i32
            %broadcast_in_dim3A_161 = vector.broadcast %broadcast_in_dim3A_160 : i32 to vector<16xi32>
            %add3A_162 = arith.constant 1 : i32
            %add3A_163 = arith.addi %mul3A_115, %add3A_162 : i32
            %add3A_164 = vector.broadcast %add3A_163 : i32 to vector<16xi32>
            %add3A_165 = arith.addi %broadcast_in_dim3A_161, %add3A_164 : vector<16xi32>
            %add3A_166 = arith.constant 1 : i32
            %add3A_167 = arith.addi %mul3A_115, %add3A_166 : i32
            %get3A_168 = arith.index_cast %add3A_167 : i32 to index
            %get3A_169 = arith.constant 0 : index
            %get3A_170 = tpu.vector_load %arg5[%get3A_168, %get3A_169] {strides = array<i32>} : memref<64x128xf32, #tpu.memory_space<vmem>>, vector<16xf32>,
            %add3A_171 = arith.constant 1 : i32
            %add3A_172 = arith.addi %mul3A_115, %add3A_171 : i32
            %get3A_173 = arith.index_cast %add3A_172 : i32 to index
            %get3A_174 = arith.constant 16 : index
            %get3A_175 = tpu.vector_load %arg5[%get3A_173, %get3A_174] {strides = array<i32>} : memref<64x128xf32, #tpu.memory_space<vmem>>, vector<16xf32>,
            %add3A_176 = arith.constant 1 : i32
            %add3A_177 = arith.addi %mul3A_115, %add3A_176 : i32
            %get3A_178 = arith.index_cast %add3A_177 : i32 to index
            %get3A_179 = arith.constant 32 : index
            %get3A_180 = tpu.vector_load %arg5[%get3A_178, %get3A_179] {strides = array<i32>} : memref<64x128xf32, #tpu.memory_space<vmem>>, vector<16xf32>,
            %add3A_181 = arith.constant 1 : i32
            %add3A_182 = arith.addi %mul3A_115, %add3A_181 : i32
            %get3A_183 = arith.index_cast %add3A_182 : i32 to index
            %get3A_184 = arith.constant 48 : index
            %get3A_185 = tpu.vector_load %arg5[%get3A_183, %get3A_184] {strides = array<i32>} : memref<64x128xf32, #tpu.memory_space<vmem>>, vector<16xf32>,
            %add3A_186 = arith.constant 1 : i32
            %add3A_187 = arith.addi %mul3A_115, %add3A_186 : i32
            %get3A_188 = arith.index_cast %add3A_187 : i32 to index
            %get3A_189 = arith.constant 64 : index
            %get3A_190 = tpu.vector_load %arg5[%get3A_188, %get3A_189] {strides = array<i32>} : memref<64x128xf32, #tpu.memory_space<vmem>>, vector<16xf32>,
            %add3A_191 = arith.constant 1 : i32
            %add3A_192 = arith.addi %mul3A_115, %add3A_191 : i32
            %get3A_193 = arith.index_cast %add3A_192 : i32 to index
            %get3A_194 = arith.constant 80 : index
            %get3A_195 = tpu.vector_load %arg5[%get3A_193, %get3A_194] {strides = array<i32>} : memref<64x128xf32, #tpu.memory_space<vmem>>, vector<16xf32>,
            %add3A_196 = arith.constant 1 : i32
            %add3A_197 = arith.addi %mul3A_115, %add3A_196 : i32
            %get3A_198 = arith.index_cast %add3A_197 : i32 to index
            %get3A_199 = arith.constant 96 : index
            %get3A_200 = tpu.vector_load %arg5[%get3A_198, %get3A_199] {strides = array<i32>} : memref<64x128xf32, #tpu.memory_space<vmem>>, vector<16xf32>,
            %add3A_201 = arith.constant 1 : i32
            %add3A_202 = arith.addi %mul3A_115, %add3A_201 : i32
            %get3A_203 = arith.index_cast %add3A_202 : i32 to index
            %get3A_204 = arith.constant 112 : index
            %get3A_205 = tpu.vector_load %arg5[%get3A_203, %get3A_204] {strides = array<i32>} : memref<64x128xf32, #tpu.memory_space<vmem>>, vector<16xf32>,
            tpu.vector_store_idx %arg7[%add3A_71, %add3A_165], %get3A_170 : memref<128x129xf32, #tpu.memory_space<vmem>>[vector<16xi32>, vector<16xi32>], vector<16xf32>,
            tpu.vector_store_idx %arg7[%add3A_74, %add3A_165], %get3A_175 : memref<128x129xf32, #tpu.memory_space<vmem>>[vector<16xi32>, vector<16xi32>], vector<16xf32>,
            tpu.vector_store_idx %arg7[%add3A_77, %add3A_165], %get3A_180 : memref<128x129xf32, #tpu.memory_space<vmem>>[vector<16xi32>, vector<16xi32>], vector<16xf32>,
            tpu.vector_store_idx %arg7[%add3A_80, %add3A_165], %get3A_185 : memref<128x129xf32, #tpu.memory_space<vmem>>[vector<16xi32>, vector<16xi32>], vector<16xf32>,
            tpu.vector_store_idx %arg7[%add3A_83, %add3A_165], %get3A_190 : memref<128x129xf32, #tpu.memory_space<vmem>>[vector<16xi32>, vector<16xi32>], vector<16xf32>,
            tpu.vector_store_idx %arg7[%add3A_86, %add3A_165], %get3A_195 : memref<128x129xf32, #tpu.memory_space<vmem>>[vector<16xi32>, vector<16xi32>], vector<16xf32>,
            tpu.vector_store_idx %arg7[%add3A_89, %add3A_165], %get3A_200 : memref<128x129xf32, #tpu.memory_space<vmem>>[vector<16xi32>, vector<16xi32>], vector<16xf32>,
            tpu.vector_store_idx %arg7[%add3A_92, %add3A_165], %get3A_205 : memref<128x129xf32, #tpu.memory_space<vmem>>[vector<16xi32>, vector<16xi32>], vector<16xf32>,
            %broadcast_in_dim3A_206 = arith.constant 0 : i32
            %broadcast_in_dim3A_207 = vector.broadcast %broadcast_in_dim3A_206 : i32 to vector<16xi32>
            %add3A_208 = arith.constant 2 : i32
            %add3A_209 = arith.addi %mul3A_115, %add3A_208 : i32
            %add3A_210 = vector.broadcast %add3A_209 : i32 to vector<16xi32>
            %add3A_211 = arith.addi %broadcast_in_dim3A_207, %add3A_210 : vector<16xi32>
            %add3A_212 = arith.constant 2 : i32
            %add3A_213 = arith.addi %mul3A_115, %add3A_212 : i32
            %get3A_214 = arith.index_cast %add3A_213 : i32 to index
            %get3A_215 = arith.constant 0 : index
            %get3A_216 = tpu.vector_load %arg5[%get3A_214, %get3A_215] {strides = array<i32>} : memref<64x128xf32, #tpu.memory_space<vmem>>, vector<16xf32>,
            %add3A_217 = arith.constant 2 : i32
            %add3A_218 = arith.addi %mul3A_115, %add3A_217 : i32
            %get3A_219 = arith.index_cast %add3A_218 : i32 to index
            %get3A_220 = arith.constant 16 : index
            %get3A_221 = tpu.vector_load %arg5[%get3A_219, %get3A_220] {strides = array<i32>} : memref<64x128xf32, #tpu.memory_space<vmem>>, vector<16xf32>,
            %add3A_222 = arith.constant 2 : i32
            %add3A_223 = arith.addi %mul3A_115, %add3A_222 : i32
            %get3A_224 = arith.index_cast %add3A_223 : i32 to index
            %get3A_225 = arith.constant 32 : index
            %get3A_226 = tpu.vector_load %arg5[%get3A_224, %get3A_225] {strides = array<i32>} : memref<64x128xf32, #tpu.memory_space<vmem>>, vector<16xf32>,
            %add3A_227 = arith.constant 2 : i32
            %add3A_228 = arith.addi %mul3A_115, %add3A_227 : i32
            %get3A_229 = arith.index_cast %add3A_228 : i32 to index
            %get3A_230 = arith.constant 48 : index
            %get3A_231 = tpu.vector_load %arg5[%get3A_229, %get3A_230] {strides = array<i32>} : memref<64x128xf32, #tpu.memory_space<vmem>>, vector<16xf32>,
            %add3A_232 = arith.constant 2 : i32
            %add3A_233 = arith.addi %mul3A_115, %add3A_232 : i32
            %get3A_234 = arith.index_cast %add3A_233 : i32 to index
            %get3A_235 = arith.constant 64 : index
            %get3A_236 = tpu.vector_load %arg5[%get3A_234, %get3A_235] {strides = array<i32>} : memref<64x128xf32, #tpu.memory_space<vmem>>, vector<16xf32>,
            %add3A_237 = arith.constant 2 : i32
            %add3A_238 = arith.addi %mul3A_115, %add3A_237 : i32
            %get3A_239 = arith.index_cast %add3A_238 : i32 to index
            %get3A_240 = arith.constant 80 : index
            %get3A_241 = tpu.vector_load %arg5[%get3A_239, %get3A_240] {strides = array<i32>} : memref<64x128xf32, #tpu.memory_space<vmem>>, vector<16xf32>,
            %add3A_242 = arith.constant 2 : i32
            %add3A_243 = arith.addi %mul3A_115, %add3A_242 : i32
            %get3A_244 = arith.index_cast %add3A_243 : i32 to index
            %get3A_245 = arith.constant 96 : index
            %get3A_246 = tpu.vector_load %arg5[%get3A_244, %get3A_245] {strides = array<i32>} : memref<64x128xf32, #tpu.memory_space<vmem>>, vector<16xf32>,
            %add3A_247 = arith.constant 2 : i32
            %add3A_248 = arith.addi %mul3A_115, %add3A_247 : i32
            %get3A_249 = arith.index_cast %add3A_248 : i32 to index
            %get3A_250 = arith.constant 112 : index
            %get3A_251 = tpu.vector_load %arg5[%get3A_249, %get3A_250] {strides = array<i32>} : memref<64x128xf32, #tpu.memory_space<vmem>>, vector<16xf32>,
            tpu.vector_store_idx %arg7[%add3A_71, %add3A_211], %get3A_216 : memref<128x129xf32, #tpu.memory_space<vmem>>[vector<16xi32>, vector<16xi32>], vector<16xf32>,
            tpu.vector_store_idx %arg7[%add3A_74, %add3A_211], %get3A_221 : memref<128x129xf32, #tpu.memory_space<vmem>>[vector<16xi32>, vector<16xi32>], vector<16xf32>,
            tpu.vector_store_idx %arg7[%add3A_77, %add3A_211], %get3A_226 : memref<128x129xf32, #tpu.memory_space<vmem>>[vector<16xi32>, vector<16xi32>], vector<16xf32>,
            tpu.vector_store_idx %arg7[%add3A_80, %add3A_211], %get3A_231 : memref<128x129xf32, #tpu.memory_space<vmem>>[vector<16xi32>, vector<16xi32>], vector<16xf32>,
            tpu.vector_store_idx %arg7[%add3A_83, %add3A_211], %get3A_236 : memref<128x129xf32, #tpu.memory_space<vmem>>[vector<16xi32>, vector<16xi32>], vector<16xf32>,
            tpu.vector_store_idx %arg7[%add3A_86, %add3A_211], %get3A_241 : memref<128x129xf32, #tpu.memory_space<vmem>>[vector<16xi32>, vector<16xi32>], vector<16xf32>,
            tpu.vector_store_idx %arg7[%add3A_89, %add3A_211], %get3A_246 : memref<128x129xf32, #tpu.memory_space<vmem>>[vector<16xi32>, vector<16xi32>], vector<16xf32>,
            tpu.vector_store_idx %arg7[%add3A_92, %add3A_211], %get3A_251 : memref<128x129xf32, #tpu.memory_space<vmem>>[vector<16xi32>, vector<16xi32>], vector<16xf32>,
            %broadcast_in_dim3A_252 = arith.constant 0 : i32
            %broadcast_in_dim3A_253 = vector.broadcast %broadcast_in_dim3A_252 : i32 to vector<16xi32>
            %add3A_254 = arith.constant 3 : i32
            %add3A_255 = arith.addi %mul3A_115, %add3A_254 : i32
            %add3A_256 = vector.broadcast %add3A_255 : i32 to vector<16xi32>
            %add3A_257 = arith.addi %broadcast_in_dim3A_253, %add3A_256 : vector<16xi32>
            %add3A_258 = arith.constant 3 : i32
            %add3A_259 = arith.addi %mul3A_115, %add3A_258 : i32
            %get3A_260 = arith.index_cast %add3A_259 : i32 to index
            %get3A_261 = arith.constant 0 : index
            %get3A_262 = tpu.vector_load %arg5[%get3A_260, %get3A_261] {strides = array<i32>} : memref<64x128xf32, #tpu.memory_space<vmem>>, vector<16xf32>,
            %add3A_263 = arith.constant 3 : i32
            %add3A_264 = arith.addi %mul3A_115, %add3A_263 : i32
            %get3A_265 = arith.index_cast %add3A_264 : i32 to index
            %get3A_266 = arith.constant 16 : index
            %get3A_267 = tpu.vector_load %arg5[%get3A_265, %get3A_266] {strides = array<i32>} : memref<64x128xf32, #tpu.memory_space<vmem>>, vector<16xf32>,
            %add3A_268 = arith.constant 3 : i32
            %add3A_269 = arith.addi %mul3A_115, %add3A_268 : i32
            %get3A_270 = arith.index_cast %add3A_269 : i32 to index
            %get3A_271 = arith.constant 32 : index
            %get3A_272 = tpu.vector_load %arg5[%get3A_270, %get3A_271] {strides = array<i32>} : memref<64x128xf32, #tpu.memory_space<vmem>>, vector<16xf32>,
            %add3A_273 = arith.constant 3 : i32
            %add3A_274 = arith.addi %mul3A_115, %add3A_273 : i32
            %get3A_275 = arith.index_cast %add3A_274 : i32 to index
            %get3A_276 = arith.constant 48 : index
            %get3A_277 = tpu.vector_load %arg5[%get3A_275, %get3A_276] {strides = array<i32>} : memref<64x128xf32, #tpu.memory_space<vmem>>, vector<16xf32>,
            %add3A_278 = arith.constant 3 : i32
            %add3A_279 = arith.addi %mul3A_115, %add3A_278 : i32
            %get3A_280 = arith.index_cast %add3A_279 : i32 to index
            %get3A_281 = arith.constant 64 : index
            %get3A_282 = tpu.vector_load %arg5[%get3A_280, %get3A_281] {strides = array<i32>} : memref<64x128xf32, #tpu.memory_space<vmem>>, vector<16xf32>,
            %add3A_283 = arith.constant 3 : i32
            %add3A_284 = arith.addi %mul3A_115, %add3A_283 : i32
            %get3A_285 = arith.index_cast %add3A_284 : i32 to index
            %get3A_286 = arith.constant 80 : index
            %get3A_287 = tpu.vector_load %arg5[%get3A_285, %get3A_286] {strides = array<i32>} : memref<64x128xf32, #tpu.memory_space<vmem>>, vector<16xf32>,
            %add3A_288 = arith.constant 3 : i32
            %add3A_289 = arith.addi %mul3A_115, %add3A_288 : i32
            %get3A_290 = arith.index_cast %add3A_289 : i32 to index
            %get3A_291 = arith.constant 96 : index
            %get3A_292 = tpu.vector_load %arg5[%get3A_290, %get3A_291] {strides = array<i32>} : memref<64x128xf32, #tpu.memory_space<vmem>>, vector<16xf32>,
            %add3A_293 = arith.constant 3 : i32
            %add3A_294 = arith.addi %mul3A_115, %add3A_293 : i32
            %get3A_295 = arith.index_cast %add3A_294 : i32 to index
            %get3A_296 = arith.constant 112 : index
            %get3A_297 = tpu.vector_load %arg5[%get3A_295, %get3A_296] {strides = array<i32>} : memref<64x128xf32, #tpu.memory_space<vmem>>, vector<16xf32>,
            tpu.vector_store_idx %arg7[%add3A_71, %add3A_257], %get3A_262 : memref<128x129xf32, #tpu.memory_space<vmem>>[vector<16xi32>, vector<16xi32>], vector<16xf32>,
            tpu.vector_store_idx %arg7[%add3A_74, %add3A_257], %get3A_267 : memref<128x129xf32, #tpu.memory_space<vmem>>[vector<16xi32>, vector<16xi32>], vector<16xf32>,
            tpu.vector_store_idx %arg7[%add3A_77, %add3A_257], %get3A_272 : memref<128x129xf32, #tpu.memory_space<vmem>>[vector<16xi32>, vector<16xi32>], vector<16xf32>,
            tpu.vector_store_idx %arg7[%add3A_80, %add3A_257], %get3A_277 : memref<128x129xf32, #tpu.memory_space<vmem>>[vector<16xi32>, vector<16xi32>], vector<16xf32>,
            tpu.vector_store_idx %arg7[%add3A_83, %add3A_257], %get3A_282 : memref<128x129xf32, #tpu.memory_space<vmem>>[vector<16xi32>, vector<16xi32>], vector<16xf32>,
            tpu.vector_store_idx %arg7[%add3A_86, %add3A_257], %get3A_287 : memref<128x129xf32, #tpu.memory_space<vmem>>[vector<16xi32>, vector<16xi32>], vector<16xf32>,
            tpu.vector_store_idx %arg7[%add3A_89, %add3A_257], %get3A_292 : memref<128x129xf32, #tpu.memory_space<vmem>>[vector<16xi32>, vector<16xi32>], vector<16xf32>,
            tpu.vector_store_idx %arg7[%add3A_92, %add3A_257], %get3A_297 : memref<128x129xf32, #tpu.memory_space<vmem>>[vector<16xi32>, vector<16xi32>], vector<16xf32>,
            %broadcast_in_dim3A_298 = arith.constant 0 : i32
            %broadcast_in_dim3A_299 = vector.broadcast %broadcast_in_dim3A_298 : i32 to vector<16xi32>
            %add3A_300 = arith.constant 4 : i32
            %add3A_301 = arith.addi %mul3A_115, %add3A_300 : i32
            %add3A_302 = vector.broadcast %add3A_301 : i32 to vector<16xi32>
            %add3A_303 = arith.addi %broadcast_in_dim3A_299, %add3A_302 : vector<16xi32>
            %add3A_304 = arith.constant 4 : i32
            %add3A_305 = arith.addi %mul3A_115, %add3A_304 : i32
            %get3A_306 = arith.index_cast %add3A_305 : i32 to index
            %get3A_307 = arith.constant 0 : index
            %get3A_308 = tpu.vector_load %arg5[%get3A_306, %get3A_307] {strides = array<i32>} : memref<64x128xf32, #tpu.memory_space<vmem>>, vector<16xf32>,
            %add3A_309 = arith.constant 4 : i32
            %add3A_310 = arith.addi %mul3A_115, %add3A_309 : i32
            %get3A_311 = arith.index_cast %add3A_310 : i32 to index
            %get3A_312 = arith.constant 16 : index
            %get3A_313 = tpu.vector_load %arg5[%get3A_311, %get3A_312] {strides = array<i32>} : memref<64x128xf32, #tpu.memory_space<vmem>>, vector<16xf32>,
            %add3A_314 = arith.constant 4 : i32
            %add3A_315 = arith.addi %mul3A_115, %add3A_314 : i32
            %get3A_316 = arith.index_cast %add3A_315 : i32 to index
            %get3A_317 = arith.constant 32 : index
            %get3A_318 = tpu.vector_load %arg5[%get3A_316, %get3A_317] {strides = array<i32>} : memref<64x128xf32, #tpu.memory_space<vmem>>, vector<16xf32>,
            %add3A_319 = arith.constant 4 : i32
            %add3A_320 = arith.addi %mul3A_115, %add3A_319 : i32
            %get3A_321 = arith.index_cast %add3A_320 : i32 to index
            %get3A_322 = arith.constant 48 : index
            %get3A_323 = tpu.vector_load %arg5[%get3A_321, %get3A_322] {strides = array<i32>} : memref<64x128xf32, #tpu.memory_space<vmem>>, vector<16xf32>,
            %add3A_324 = arith.constant 4 : i32
            %add3A_325 = arith.addi %mul3A_115, %add3A_324 : i32
            %get3A_326 = arith.index_cast %add3A_325 : i32 to index
            %get3A_327 = arith.constant 64 : index
            %get3A_328 = tpu.vector_load %arg5[%get3A_326, %get3A_327] {strides = array<i32>} : memref<64x128xf32, #tpu.memory_space<vmem>>, vector<16xf32>,
            %add3A_329 = arith.constant 4 : i32
            %add3A_330 = arith.addi %mul3A_115, %add3A_329 : i32
            %get3A_331 = arith.index_cast %add3A_330 : i32 to index
            %get3A_332 = arith.constant 80 : index
            %get3A_333 = tpu.vector_load %arg5[%get3A_331, %get3A_332] {strides = array<i32>} : memref<64x128xf32, #tpu.memory_space<vmem>>, vector<16xf32>,
            %add3A_334 = arith.constant 4 : i32
            %add3A_335 = arith.addi %mul3A_115, %add3A_334 : i32
            %get3A_336 = arith.index_cast %add3A_335 : i32 to index
            %get3A_337 = arith.constant 96 : index
            %get3A_338 = tpu.vector_load %arg5[%get3A_336, %get3A_337] {strides = array<i32>} : memref<64x128xf32, #tpu.memory_space<vmem>>, vector<16xf32>,
            %add3A_339 = arith.constant 4 : i32
            %add3A_340 = arith.addi %mul3A_115, %add3A_339 : i32
            %get3A_341 = arith.index_cast %add3A_340 : i32 to index
            %get3A_342 = arith.constant 112 : index
            %get3A_343 = tpu.vector_load %arg5[%get3A_341, %get3A_342] {strides = array<i32>} : memref<64x128xf32, #tpu.memory_space<vmem>>, vector<16xf32>,
            tpu.vector_store_idx %arg7[%add3A_71, %add3A_303], %get3A_308 : memref<128x129xf32, #tpu.memory_space<vmem>>[vector<16xi32>, vector<16xi32>], vector<16xf32>,
            tpu.vector_store_idx %arg7[%add3A_74, %add3A_303], %get3A_313 : memref<128x129xf32, #tpu.memory_space<vmem>>[vector<16xi32>, vector<16xi32>], vector<16xf32>,
            tpu.vector_store_idx %arg7[%add3A_77, %add3A_303], %get3A_318 : memref<128x129xf32, #tpu.memory_space<vmem>>[vector<16xi32>, vector<16xi32>], vector<16xf32>,
            tpu.vector_store_idx %arg7[%add3A_80, %add3A_303], %get3A_323 : memref<128x129xf32, #tpu.memory_space<vmem>>[vector<16xi32>, vector<16xi32>], vector<16xf32>,
            tpu.vector_store_idx %arg7[%add3A_83, %add3A_303], %get3A_328 : memref<128x129xf32, #tpu.memory_space<vmem>>[vector<16xi32>, vector<16xi32>], vector<16xf32>,
            tpu.vector_store_idx %arg7[%add3A_86, %add3A_303], %get3A_333 : memref<128x129xf32, #tpu.memory_space<vmem>>[vector<16xi32>, vector<16xi32>], vector<16xf32>,
            tpu.vector_store_idx %arg7[%add3A_89, %add3A_303], %get3A_338 : memref<128x129xf32, #tpu.memory_space<vmem>>[vector<16xi32>, vector<16xi32>], vector<16xf32>,
            tpu.vector_store_idx %arg7[%add3A_92, %add3A_303], %get3A_343 : memref<128x129xf32, #tpu.memory_space<vmem>>[vector<16xi32>, vector<16xi32>], vector<16xf32>,
            %broadcast_in_dim3A_344 = arith.constant 0 : i32
            %broadcast_in_dim3A_345 = vector.broadcast %broadcast_in_dim3A_344 : i32 to vector<16xi32>
            %add3A_346 = arith.constant 5 : i32
            %add3A_347 = arith.addi %mul3A_115, %add3A_346 : i32
            %add3A_348 = vector.broadcast %add3A_347 : i32 to vector<16xi32>
            %add3A_349 = arith.addi %broadcast_in_dim3A_345, %add3A_348 : vector<16xi32>
            %add3A_350 = arith.constant 5 : i32
            %add3A_351 = arith.addi %mul3A_115, %add3A_350 : i32
            %get3A_352 = arith.index_cast %add3A_351 : i32 to index
            %get3A_353 = arith.constant 0 : index
            %get3A_354 = tpu.vector_load %arg5[%get3A_352, %get3A_353] {strides = array<i32>} : memref<64x128xf32, #tpu.memory_space<vmem>>, vector<16xf32>,
            %add3A_355 = arith.constant 5 : i32
            %add3A_356 = arith.addi %mul3A_115, %add3A_355 : i32
            %get3A_357 = arith.index_cast %add3A_356 : i32 to index
            %get3A_358 = arith.constant 16 : index
            %get3A_359 = tpu.vector_load %arg5[%get3A_357, %get3A_358] {strides = array<i32>} : memref<64x128xf32, #tpu.memory_space<vmem>>, vector<16xf32>,
            %add3A_360 = arith.constant 5 : i32
            %add3A_361 = arith.addi %mul3A_115, %add3A_360 : i32
            %get3A_362 = arith.index_cast %add3A_361 : i32 to index
            %get3A_363 = arith.constant 32 : index
            %get3A_364 = tpu.vector_load %arg5[%get3A_362, %get3A_363] {strides = array<i32>} : memref<64x128xf32, #tpu.memory_space<vmem>>, vector<16xf32>,
            %add3A_365 = arith.constant 5 : i32
            %add3A_366 = arith.addi %mul3A_115, %add3A_365 : i32
            %get3A_367 = arith.index_cast %add3A_366 : i32 to index
            %get3A_368 = arith.constant 48 : index
            %get3A_369 = tpu.vector_load %arg5[%get3A_367, %get3A_368] {strides = array<i32>} : memref<64x128xf32, #tpu.memory_space<vmem>>, vector<16xf32>,
            %add3A_370 = arith.constant 5 : i32
            %add3A_371 = arith.addi %mul3A_115, %add3A_370 : i32
            %get3A_372 = arith.index_cast %add3A_371 : i32 to index
            %get3A_373 = arith.constant 64 : index
            %get3A_374 = tpu.vector_load %arg5[%get3A_372, %get3A_373] {strides = array<i32>} : memref<64x128xf32, #tpu.memory_space<vmem>>, vector<16xf32>,
            %add3A_375 = arith.constant 5 : i32
            %add3A_376 = arith.addi %mul3A_115, %add3A_375 : i32
            %get3A_377 = arith.index_cast %add3A_376 : i32 to index
            %get3A_378 = arith.constant 80 : index
            %get3A_379 = tpu.vector_load %arg5[%get3A_377, %get3A_378] {strides = array<i32>} : memref<64x128xf32, #tpu.memory_space<vmem>>, vector<16xf32>,
            %add3A_380 = arith.constant 5 : i32
            %add3A_381 = arith.addi %mul3A_115, %add3A_380 : i32
            %get3A_382 = arith.index_cast %add3A_381 : i32 to index
            %get3A_383 = arith.constant 96 : index
            %get3A_384 = tpu.vector_load %arg5[%get3A_382, %get3A_383] {strides = array<i32>} : memref<64x128xf32, #tpu.memory_space<vmem>>, vector<16xf32>,
            %add3A_385 = arith.constant 5 : i32
            %add3A_386 = arith.addi %mul3A_115, %add3A_385 : i32
            %get3A_387 = arith.index_cast %add3A_386 : i32 to index
            %get3A_388 = arith.constant 112 : index
            %get3A_389 = tpu.vector_load %arg5[%get3A_387, %get3A_388] {strides = array<i32>} : memref<64x128xf32, #tpu.memory_space<vmem>>, vector<16xf32>,
            tpu.vector_store_idx %arg7[%add3A_71, %add3A_349], %get3A_354 : memref<128x129xf32, #tpu.memory_space<vmem>>[vector<16xi32>, vector<16xi32>], vector<16xf32>,
            tpu.vector_store_idx %arg7[%add3A_74, %add3A_349], %get3A_359 : memref<128x129xf32, #tpu.memory_space<vmem>>[vector<16xi32>, vector<16xi32>], vector<16xf32>,
            tpu.vector_store_idx %arg7[%add3A_77, %add3A_349], %get3A_364 : memref<128x129xf32, #tpu.memory_space<vmem>>[vector<16xi32>, vector<16xi32>], vector<16xf32>,
            tpu.vector_store_idx %arg7[%add3A_80, %add3A_349], %get3A_369 : memref<128x129xf32, #tpu.memory_space<vmem>>[vector<16xi32>, vector<16xi32>], vector<16xf32>,
            tpu.vector_store_idx %arg7[%add3A_83, %add3A_349], %get3A_374 : memref<128x129xf32, #tpu.memory_space<vmem>>[vector<16xi32>, vector<16xi32>], vector<16xf32>,
            tpu.vector_store_idx %arg7[%add3A_86, %add3A_349], %get3A_379 : memref<128x129xf32, #tpu.memory_space<vmem>>[vector<16xi32>, vector<16xi32>], vector<16xf32>,
            tpu.vector_store_idx %arg7[%add3A_89, %add3A_349], %get3A_384 : memref<128x129xf32, #tpu.memory_space<vmem>>[vector<16xi32>, vector<16xi32>], vector<16xf32>,
            tpu.vector_store_idx %arg7[%add3A_92, %add3A_349], %get3A_389 : memref<128x129xf32, #tpu.memory_space<vmem>>[vector<16xi32>, vector<16xi32>], vector<16xf32>,
            %broadcast_in_dim3A_390 = arith.constant 0 : i32
            %broadcast_in_dim3A_391 = vector.broadcast %broadcast_in_dim3A_390 : i32 to vector<16xi32>
            %add3A_392 = arith.constant 6 : i32
            %add3A_393 = arith.addi %mul3A_115, %add3A_392 : i32
            %add3A_394 = vector.broadcast %add3A_393 : i32 to vector<16xi32>
            %add3A_395 = arith.addi %broadcast_in_dim3A_391, %add3A_394 : vector<16xi32>
            %add3A_396 = arith.constant 6 : i32
            %add3A_397 = arith.addi %mul3A_115, %add3A_396 : i32
            %get3A_398 = arith.index_cast %add3A_397 : i32 to index
            %get3A_399 = arith.constant 0 : index
            %get3A_400 = tpu.vector_load %arg5[%get3A_398, %get3A_399] {strides = array<i32>} : memref<64x128xf32, #tpu.memory_space<vmem>>, vector<16xf32>,
            %add3A_401 = arith.constant 6 : i32
            %add3A_402 = arith.addi %mul3A_115, %add3A_401 : i32
            %get3A_403 = arith.index_cast %add3A_402 : i32 to index
            %get3A_404 = arith.constant 16 : index
            %get3A_405 = tpu.vector_load %arg5[%get3A_403, %get3A_404] {strides = array<i32>} : memref<64x128xf32, #tpu.memory_space<vmem>>, vector<16xf32>,
            %add3A_406 = arith.constant 6 : i32
            %add3A_407 = arith.addi %mul3A_115, %add3A_406 : i32
            %get3A_408 = arith.index_cast %add3A_407 : i32 to index
            %get3A_409 = arith.constant 32 : index
            %get3A_410 = tpu.vector_load %arg5[%get3A_408, %get3A_409] {strides = array<i32>} : memref<64x128xf32, #tpu.memory_space<vmem>>, vector<16xf32>,
            %add3A_411 = arith.constant 6 : i32
            %add3A_412 = arith.addi %mul3A_115, %add3A_411 : i32
            %get3A_413 = arith.index_cast %add3A_412 : i32 to index
            %get3A_414 = arith.constant 48 : index
            %get3A_415 = tpu.vector_load %arg5[%get3A_413, %get3A_414] {strides = array<i32>} : memref<64x128xf32, #tpu.memory_space<vmem>>, vector<16xf32>,
            %add3A_416 = arith.constant 6 : i32
            %add3A_417 = arith.addi %mul3A_115, %add3A_416 : i32
            %get3A_418 = arith.index_cast %add3A_417 : i32 to index
            %get3A_419 = arith.constant 64 : index
            %get3A_420 = tpu.vector_load %arg5[%get3A_418, %get3A_419] {strides = array<i32>} : memref<64x128xf32, #tpu.memory_space<vmem>>, vector<16xf32>,
            %add3A_421 = arith.constant 6 : i32
            %add3A_422 = arith.addi %mul3A_115, %add3A_421 : i32
            %get3A_423 = arith.index_cast %add3A_422 : i32 to index
            %get3A_424 = arith.constant 80 : index
            %get3A_425 = tpu.vector_load %arg5[%get3A_423, %get3A_424] {strides = array<i32>} : memref<64x128xf32, #tpu.memory_space<vmem>>, vector<16xf32>,
            %add3A_426 = arith.constant 6 : i32
            %add3A_427 = arith.addi %mul3A_115, %add3A_426 : i32
            %get3A_428 = arith.index_cast %add3A_427 : i32 to index
            %get3A_429 = arith.constant 96 : index
            %get3A_430 = tpu.vector_load %arg5[%get3A_428, %get3A_429] {strides = array<i32>} : memref<64x128xf32, #tpu.memory_space<vmem>>, vector<16xf32>,
            %add3A_431 = arith.constant 6 : i32
            %add3A_432 = arith.addi %mul3A_115, %add3A_431 : i32
            %get3A_433 = arith.index_cast %add3A_432 : i32 to index
            %get3A_434 = arith.constant 112 : index
            %get3A_435 = tpu.vector_load %arg5[%get3A_433, %get3A_434] {strides = array<i32>} : memref<64x128xf32, #tpu.memory_space<vmem>>, vector<16xf32>,
            tpu.vector_store_idx %arg7[%add3A_71, %add3A_395], %get3A_400 : memref<128x129xf32, #tpu.memory_space<vmem>>[vector<16xi32>, vector<16xi32>], vector<16xf32>,
            tpu.vector_store_idx %arg7[%add3A_74, %add3A_395], %get3A_405 : memref<128x129xf32, #tpu.memory_space<vmem>>[vector<16xi32>, vector<16xi32>], vector<16xf32>,
            tpu.vector_store_idx %arg7[%add3A_77, %add3A_395], %get3A_410 : memref<128x129xf32, #tpu.memory_space<vmem>>[vector<16xi32>, vector<16xi32>], vector<16xf32>,
            tpu.vector_store_idx %arg7[%add3A_80, %add3A_395], %get3A_415 : memref<128x129xf32, #tpu.memory_space<vmem>>[vector<16xi32>, vector<16xi32>], vector<16xf32>,
            tpu.vector_store_idx %arg7[%add3A_83, %add3A_395], %get3A_420 : memref<128x129xf32, #tpu.memory_space<vmem>>[vector<16xi32>, vector<16xi32>], vector<16xf32>,
            tpu.vector_store_idx %arg7[%add3A_86, %add3A_395], %get3A_425 : memref<128x129xf32, #tpu.memory_space<vmem>>[vector<16xi32>, vector<16xi32>], vector<16xf32>,
            tpu.vector_store_idx %arg7[%add3A_89, %add3A_395], %get3A_430 : memref<128x129xf32, #tpu.memory_space<vmem>>[vector<16xi32>, vector<16xi32>], vector<16xf32>,
            tpu.vector_store_idx %arg7[%add3A_92, %add3A_395], %get3A_435 : memref<128x129xf32, #tpu.memory_space<vmem>>[vector<16xi32>, vector<16xi32>], vector<16xf32>,
            %broadcast_in_dim3A_436 = arith.constant 0 : i32
            %broadcast_in_dim3A_437 = vector.broadcast %broadcast_in_dim3A_436 : i32 to vector<16xi32>
            %add3A_438 = arith.constant 7 : i32
            %add3A_439 = arith.addi %mul3A_115, %add3A_438 : i32
            %add3A_440 = vector.broadcast %add3A_439 : i32 to vector<16xi32>
            %add3A_441 = arith.addi %broadcast_in_dim3A_437, %add3A_440 : vector<16xi32>
            %add3A_442 = arith.constant 7 : i32
            %add3A_443 = arith.addi %mul3A_115, %add3A_442 : i32
            %get3A_444 = arith.index_cast %add3A_443 : i32 to index
            %get3A_445 = arith.constant 0 : index
            %get3A_446 = tpu.vector_load %arg5[%get3A_444, %get3A_445] {strides = array<i32>} : memref<64x128xf32, #tpu.memory_space<vmem>>, vector<16xf32>,
            %add3A_447 = arith.constant 7 : i32
            %add3A_448 = arith.addi %mul3A_115, %add3A_447 : i32
            %get3A_449 = arith.index_cast %add3A_448 : i32 to index
            %get3A_450 = arith.constant 16 : index
            %get3A_451 = tpu.vector_load %arg5[%get3A_449, %get3A_450] {strides = array<i32>} : memref<64x128xf32, #tpu.memory_space<vmem>>, vector<16xf32>,
            %add3A_452 = arith.constant 7 : i32
            %add3A_453 = arith.addi %mul3A_115, %add3A_452 : i32
            %get3A_454 = arith.index_cast %add3A_453 : i32 to index
            %get3A_455 = arith.constant 32 : index
            %get3A_456 = tpu.vector_load %arg5[%get3A_454, %get3A_455] {strides = array<i32>} : memref<64x128xf32, #tpu.memory_space<vmem>>, vector<16xf32>,
            %add3A_457 = arith.constant 7 : i32
            %add3A_458 = arith.addi %mul3A_115, %add3A_457 : i32
            %get3A_459 = arith.index_cast %add3A_458 : i32 to index
            %get3A_460 = arith.constant 48 : index
            %get3A_461 = tpu.vector_load %arg5[%get3A_459, %get3A_460] {strides = array<i32>} : memref<64x128xf32, #tpu.memory_space<vmem>>, vector<16xf32>,
            %add3A_462 = arith.constant 7 : i32
            %add3A_463 = arith.addi %mul3A_115, %add3A_462 : i32
            %get3A_464 = arith.index_cast %add3A_463 : i32 to index
            %get3A_465 = arith.constant 64 : index
            %get3A_466 = tpu.vector_load %arg5[%get3A_464, %get3A_465] {strides = array<i32>} : memref<64x128xf32, #tpu.memory_space<vmem>>, vector<16xf32>,
            %add3A_467 = arith.constant 7 : i32
            %add3A_468 = arith.addi %mul3A_115, %add3A_467 : i32
            %get3A_469 = arith.index_cast %add3A_468 : i32 to index
            %get3A_470 = arith.constant 80 : index
            %get3A_471 = tpu.vector_load %arg5[%get3A_469, %get3A_470] {strides = array<i32>} : memref<64x128xf32, #tpu.memory_space<vmem>>, vector<16xf32>,
            %add3A_472 = arith.constant 7 : i32
            %add3A_473 = arith.addi %mul3A_115, %add3A_472 : i32
            %get3A_474 = arith.index_cast %add3A_473 : i32 to index
            %get3A_475 = arith.constant 96 : index
            %get3A_476 = tpu.vector_load %arg5[%get3A_474, %get3A_475] {strides = array<i32>} : memref<64x128xf32, #tpu.memory_space<vmem>>, vector<16xf32>,
            %add3A_477 = arith.constant 7 : i32
            %add3A_478 = arith.addi %mul3A_115, %add3A_477 : i32
            %get3A_479 = arith.index_cast %add3A_478 : i32 to index
            %get3A_480 = arith.constant 112 : index
            %get3A_481 = tpu.vector_load %arg5[%get3A_479, %get3A_480] {strides = array<i32>} : memref<64x128xf32, #tpu.memory_space<vmem>>, vector<16xf32>,
            tpu.vector_store_idx %arg7[%add3A_71, %add3A_441], %get3A_446 : memref<128x129xf32, #tpu.memory_space<vmem>>[vector<16xi32>, vector<16xi32>], vector<16xf32>,
            tpu.vector_store_idx %arg7[%add3A_74, %add3A_441], %get3A_451 : memref<128x129xf32, #tpu.memory_space<vmem>>[vector<16xi32>, vector<16xi32>], vector<16xf32>,
            tpu.vector_store_idx %arg7[%add3A_77, %add3A_441], %get3A_456 : memref<128x129xf32, #tpu.memory_space<vmem>>[vector<16xi32>, vector<16xi32>], vector<16xf32>,
            tpu.vector_store_idx %arg7[%add3A_80, %add3A_441], %get3A_461 : memref<128x129xf32, #tpu.memory_space<vmem>>[vector<16xi32>, vector<16xi32>], vector<16xf32>,
            tpu.vector_store_idx %arg7[%add3A_83, %add3A_441], %get3A_466 : memref<128x129xf32, #tpu.memory_space<vmem>>[vector<16xi32>, vector<16xi32>], vector<16xf32>,
            tpu.vector_store_idx %arg7[%add3A_86, %add3A_441], %get3A_471 : memref<128x129xf32, #tpu.memory_space<vmem>>[vector<16xi32>, vector<16xi32>], vector<16xf32>,
            tpu.vector_store_idx %arg7[%add3A_89, %add3A_441], %get3A_476 : memref<128x129xf32, #tpu.memory_space<vmem>>[vector<16xi32>, vector<16xi32>], vector<16xf32>,
            tpu.vector_store_idx %arg7[%add3A_92, %add3A_441], %get3A_481 : memref<128x129xf32, #tpu.memory_space<vmem>>[vector<16xi32>, vector<16xi32>], vector<16xf32>,
          }
          %scan3A_97 = arith.constant 8 : i32
          %mul3A_98 = arith.constant 32 : i32
          %mul3A_99 = arith.muli %while3A_40, %mul3A_98 : i32
          %add3A_100 = arith.addi %add3A, %mul3A_99 : i32
          %mul3A_101 = arith.constant 128 : i32
          %mul3A_102 = arith.muli %add3A_100, %mul3A_101 : i32
          %dma_start3A_103 = arith.constant 0 : i32
          %dma_start3A_104 = arith.constant 0 : i32
          %dma_start3A_105 = tpu.memref_slice %arg7[%dma_start3A_103, %dma_start3A_104] : memref<128x129xf32, #tpu.memory_space<vmem>> -> memref<128x128xf32, #tpu.memory_space<vmem>>
          %dma_start3A_106 = arith.constant 0 : i32
          %dma_start3A_107 = tpu.memref_slice %arg4[%mul3A_102, %dma_start3A_106] : memref<1000064x128xf32, #tpu.memory_space<hbm>> -> memref<128x128xf32, #tpu.memory_space<hbm>>
          %dma_start3A_108 = arith.constant 0 : i32
          %dma_start3A_109 = tpu.memref_slice %arg4[%mul3A_102, %dma_start3A_108] : memref<1000064x128xf32, #tpu.memory_space<hbm>> -> memref<128x128xf32, #tpu.memory_space<hbm>>
          %dma_start3A_110 = arith.constant 0 : i32
          %dma_start3A_111 = arith.constant 0 : i32
          %dma_start3A_112 = tpu.memref_slice %arg7[%dma_start3A_110, %dma_start3A_111] : memref<128x129xf32, #tpu.memory_space<vmem>> -> memref<128x128xf32, #tpu.memory_space<vmem>>
          tpu.enqueue_dma source(%dma_start3A_112 : memref<128x128xf32, #tpu.memory_space<vmem>>) target(%dma_start3A_109 : memref<128x128xf32, #tpu.memory_space<hbm>>) target_semaphore(%arg11 : memref<!tpu.dma_semaphore, #tpu.memory_space<semaphore_mem>>)
        } else {
        }
        %rem3A_47 = arith.constant 2 : i32
        %rem3A_48 = arith.remsi %while3A_40, %rem3A_47 : i32
        %eq3A_49 = arith.constant 1 : i32
        %eq3A_50 = arith.cmpi eq, %rem3A_48, %eq3A_49 : i32
        %convert_element_type3A_51 = arith.extui %eq3A_50 : i1 to i32
        %cond3A_52 = arith.constant 0 : i32
        %cond3A_53 = arith.cmpi ne, %convert_element_type3A_51, %cond3A_52 : i32
        scf.if %cond3A_53 {
          %add3A_54 = arith.constant 1 : i32
          %add3A_55 = arith.addi %while3A_40, %add3A_54 : i32
          %lt3A_56 = arith.cmpi slt, %add3A_55, %add3A_4 : i32
          %convert_element_type3A_57 = arith.extui %lt3A_56 : i1 to i32
          %cond3A_58 = arith.constant 0 : i32
          %cond3A_59 = arith.cmpi ne, %convert_element_type3A_57, %cond3A_58 : i32
          scf.if %cond3A_59 {
            %add3A_113 = arith.constant 1 : i32
            %add3A_114 = arith.addi %while3A_40, %add3A_113 : i32
            %mul3A_115 = arith.constant 32 : i32
            %mul3A_116 = arith.muli %add3A_114, %mul3A_115 : i32
            %add3A_117 = arith.addi %add3A, %mul3A_116 : i32
            %mul3A_118 = arith.constant 128 : i32
            %mul3A_119 = arith.muli %add3A_117, %mul3A_118 : i32
            %dma_start3A_120 = arith.constant 0 : i32
            %dma_start3A_121 = tpu.memref_slice %arg2[%dma_start3A_120, %mul3A_119] : memref<64x1000000xf32, #tpu.memory_space<hbm>> -> memref<64x128xf32, #tpu.memory_space<hbm>>
            %dma_start3A_122 = arith.constant 0 : i32
            %dma_start3A_123 = tpu.memref_slice %arg2[%dma_start3A_122, %mul3A_119] : memref<64x1000000xf32, #tpu.memory_space<hbm>> -> memref<64x128xf32, #tpu.memory_space<hbm>>
            tpu.enqueue_dma source(%dma_start3A_123 : memref<64x128xf32, #tpu.memory_space<hbm>>) target(%arg5 : memref<64x128xf32, #tpu.memory_space<vmem>>) target_semaphore(%arg9 : memref<!tpu.dma_semaphore, #tpu.memory_space<semaphore_mem>>)
          } else {
          }
          %dma_wait3A = arith.constant 0 : i32
          %dma_wait3A_60 = arith.constant 0 : i32
          %dma_wait3A_61 = tpu.memref_slice %arg2[%dma_wait3A, %dma_wait3A_60] : memref<64x1000000xf32, #tpu.memory_space<hbm>> -> memref<64x128xf32, #tpu.memory_space<hbm>>
          %dma_wait3A_62 = arith.constant 0 : i32
          %dma_wait3A_63 = arith.constant 0 : i32
          %dma_wait3A_64 = tpu.memref_slice %arg2[%dma_wait3A_62, %dma_wait3A_63] : memref<64x1000000xf32, #tpu.memory_space<hbm>> -> memref<64x128xf32, #tpu.memory_space<hbm>>
          tpu.wait_dma2 semaphore(%arg10 : memref<!tpu.dma_semaphore, #tpu.memory_space<semaphore_mem>>) src(%dma_wait3A_64 : memref<64x128xf32, #tpu.memory_space<hbm>>) dst(%arg6 : memref<64x128xf32, #tpu.memory_space<vmem>>)
          %ge3A = arith.constant 2 : i32
          %ge3A_65 = arith.cmpi sge, %while3A_40, %ge3A : i32
          %convert_element_type3A_66 = arith.extui %ge3A_65 : i1 to i32
          %cond3A_67 = arith.constant 0 : i32
          %cond3A_68 = arith.cmpi ne, %convert_element_type3A_66, %cond3A_67 : i32
          scf.if %cond3A_68 {
            %dma_wait3A_113 = arith.constant 0 : i32
            %dma_wait3A_114 = arith.constant 0 : i32
            %dma_wait3A_115 = tpu.memref_slice %arg8[%dma_wait3A_113, %dma_wait3A_114] : memref<128x129xf32, #tpu.memory_space<vmem>> -> memref<128x128xf32, #tpu.memory_space<vmem>>
            %dma_wait3A_116 = arith.constant 0 : i32
            %dma_wait3A_117 = arith.constant 0 : i32
            %dma_wait3A_118 = tpu.memref_slice %arg4[%dma_wait3A_116, %dma_wait3A_117] : memref<1000064x128xf32, #tpu.memory_space<hbm>> -> memref<128x128xf32, #tpu.memory_space<hbm>>
            %dma_wait3A_119 = arith.constant 0 : i32
            %dma_wait3A_120 = arith.constant 0 : i32
            %dma_wait3A_121 = tpu.memref_slice %arg4[%dma_wait3A_119, %dma_wait3A_120] : memref<1000064x128xf32, #tpu.memory_space<hbm>> -> memref<128x128xf32, #tpu.memory_space<hbm>>
            %dma_wait3A_122 = arith.constant 0 : i32
            %dma_wait3A_123 = arith.constant 0 : i32
            %dma_wait3A_124 = tpu.memref_slice %arg8[%dma_wait3A_122, %dma_wait3A_123] : memref<128x129xf32, #tpu.memory_space<vmem>> -> memref<128x128xf32, #tpu.memory_space<vmem>>
            tpu.wait_dma2 semaphore(%arg12 : memref<!tpu.dma_semaphore, #tpu.memory_space<semaphore_mem>>) src(%dma_wait3A_124 : memref<128x128xf32, #tpu.memory_space<vmem>>) dst(%dma_wait3A_121 : memref<128x128xf32, #tpu.memory_space<hbm>>)
          } else {
          }
          %add3A_69 = arith.constant 0 : i32
          %add3A_70 = vector.broadcast %add3A_69 : i32 to vector<16xi32>
          %add3A_71 = arith.addi %iota3A, %add3A_70 : vector<16xi32>
          %add3A_72 = arith.constant 16 : i32
          %add3A_73 = vector.broadcast %add3A_72 : i32 to vector<16xi32>
          %add3A_74 = arith.addi %iota3A, %add3A_73 : vector<16xi32>
          %add3A_75 = arith.constant 32 : i32
          %add3A_76 = vector.broadcast %add3A_75 : i32 to vector<16xi32>
          %add3A_77 = arith.addi %iota3A, %add3A_76 : vector<16xi32>
          %add3A_78 = arith.constant 48 : i32
          %add3A_79 = vector.broadcast %add3A_78 : i32 to vector<16xi32>
          %add3A_80 = arith.addi %iota3A, %add3A_79 : vector<16xi32>
          %add3A_81 = arith.constant 64 : i32
          %add3A_82 = vector.broadcast %add3A_81 : i32 to vector<16xi32>
          %add3A_83 = arith.addi %iota3A, %add3A_82 : vector<16xi32>
          %add3A_84 = arith.constant 80 : i32
          %add3A_85 = vector.broadcast %add3A_84 : i32 to vector<16xi32>
          %add3A_86 = arith.addi %iota3A, %add3A_85 : vector<16xi32>
          %add3A_87 = arith.constant 96 : i32
          %add3A_88 = vector.broadcast %add3A_87 : i32 to vector<16xi32>
          %add3A_89 = arith.addi %iota3A, %add3A_88 : vector<16xi32>
          %add3A_90 = arith.constant 112 : i32
          %add3A_91 = vector.broadcast %add3A_90 : i32 to vector<16xi32>
          %add3A_92 = arith.addi %iota3A, %add3A_91 : vector<16xi32>
          %scan3A = arith.constant 0 : i32
          %scan3A_93 = arith.constant 0 : i32
          %scan3A_94 = arith.constant 8 : i32
          %scan3A_95 = arith.addi %scan3A_93, %scan3A_94 : i32
          %scan3A_96 = arith.constant 1 : i32
          scf.for %scan3A_113 = %scan3A_93 to %scan3A_95 step %scan3A_96  : i32 {
            %mul3A_114 = arith.constant 8 : i32
            %mul3A_115 = arith.muli %scan3A_113, %mul3A_114 : i32
            %broadcast_in_dim3A = arith.constant 0 : i32
            %broadcast_in_dim3A_116 = vector.broadcast %broadcast_in_dim3A : i32 to vector<16xi32>
            %add3A_117 = arith.constant 0 : i32
            %add3A_118 = arith.addi %mul3A_115, %add3A_117 : i32
            %add3A_119 = vector.broadcast %add3A_118 : i32 to vector<16xi32>
            %add3A_120 = arith.addi %broadcast_in_dim3A_116, %add3A_119 : vector<16xi32>
            %add3A_121 = arith.constant 0 : i32
            %add3A_122 = arith.addi %mul3A_115, %add3A_121 : i32
            %get3A = arith.index_cast %add3A_122 : i32 to index
            %get3A_123 = arith.constant 0 : index
            %get3A_124 = tpu.vector_load %arg6[%get3A, %get3A_123] {strides = array<i32>} : memref<64x128xf32, #tpu.memory_space<vmem>>, vector<16xf32>,
            %add3A_125 = arith.constant 0 : i32
            %add3A_126 = arith.addi %mul3A_115, %add3A_125 : i32
            %get3A_127 = arith.index_cast %add3A_126 : i32 to index
            %get3A_128 = arith.constant 16 : index
            %get3A_129 = tpu.vector_load %arg6[%get3A_127, %get3A_128] {strides = array<i32>} : memref<64x128xf32, #tpu.memory_space<vmem>>, vector<16xf32>,
            %add3A_130 = arith.constant 0 : i32
            %add3A_131 = arith.addi %mul3A_115, %add3A_130 : i32
            %get3A_132 = arith.index_cast %add3A_131 : i32 to index
            %get3A_133 = arith.constant 32 : index
            %get3A_134 = tpu.vector_load %arg6[%get3A_132, %get3A_133] {strides = array<i32>} : memref<64x128xf32, #tpu.memory_space<vmem>>, vector<16xf32>,
            %add3A_135 = arith.constant 0 : i32
            %add3A_136 = arith.addi %mul3A_115, %add3A_135 : i32
            %get3A_137 = arith.index_cast %add3A_136 : i32 to index
            %get3A_138 = arith.constant 48 : index
            %get3A_139 = tpu.vector_load %arg6[%get3A_137, %get3A_138] {strides = array<i32>} : memref<64x128xf32, #tpu.memory_space<vmem>>, vector<16xf32>,
            %add3A_140 = arith.constant 0 : i32
            %add3A_141 = arith.addi %mul3A_115, %add3A_140 : i32
            %get3A_142 = arith.index_cast %add3A_141 : i32 to index
            %get3A_143 = arith.constant 64 : index
            %get3A_144 = tpu.vector_load %arg6[%get3A_142, %get3A_143] {strides = array<i32>} : memref<64x128xf32, #tpu.memory_space<vmem>>, vector<16xf32>,
            %add3A_145 = arith.constant 0 : i32
            %add3A_146 = arith.addi %mul3A_115, %add3A_145 : i32
            %get3A_147 = arith.index_cast %add3A_146 : i32 to index
            %get3A_148 = arith.constant 80 : index
            %get3A_149 = tpu.vector_load %arg6[%get3A_147, %get3A_148] {strides = array<i32>} : memref<64x128xf32, #tpu.memory_space<vmem>>, vector<16xf32>,
            %add3A_150 = arith.constant 0 : i32
            %add3A_151 = arith.addi %mul3A_115, %add3A_150 : i32
            %get3A_152 = arith.index_cast %add3A_151 : i32 to index
            %get3A_153 = arith.constant 96 : index
            %get3A_154 = tpu.vector_load %arg6[%get3A_152, %get3A_153] {strides = array<i32>} : memref<64x128xf32, #tpu.memory_space<vmem>>, vector<16xf32>,
            %add3A_155 = arith.constant 0 : i32
            %add3A_156 = arith.addi %mul3A_115, %add3A_155 : i32
            %get3A_157 = arith.index_cast %add3A_156 : i32 to index
            %get3A_158 = arith.constant 112 : index
            %get3A_159 = tpu.vector_load %arg6[%get3A_157, %get3A_158] {strides = array<i32>} : memref<64x128xf32, #tpu.memory_space<vmem>>, vector<16xf32>,
            tpu.vector_store_idx %arg8[%add3A_71, %add3A_120], %get3A_124 : memref<128x129xf32, #tpu.memory_space<vmem>>[vector<16xi32>, vector<16xi32>], vector<16xf32>,
            tpu.vector_store_idx %arg8[%add3A_74, %add3A_120], %get3A_129 : memref<128x129xf32, #tpu.memory_space<vmem>>[vector<16xi32>, vector<16xi32>], vector<16xf32>,
            tpu.vector_store_idx %arg8[%add3A_77, %add3A_120], %get3A_134 : memref<128x129xf32, #tpu.memory_space<vmem>>[vector<16xi32>, vector<16xi32>], vector<16xf32>,
            tpu.vector_store_idx %arg8[%add3A_80, %add3A_120], %get3A_139 : memref<128x129xf32, #tpu.memory_space<vmem>>[vector<16xi32>, vector<16xi32>], vector<16xf32>,
            tpu.vector_store_idx %arg8[%add3A_83, %add3A_120], %get3A_144 : memref<128x129xf32, #tpu.memory_space<vmem>>[vector<16xi32>, vector<16xi32>], vector<16xf32>,
            tpu.vector_store_idx %arg8[%add3A_86, %add3A_120], %get3A_149 : memref<128x129xf32, #tpu.memory_space<vmem>>[vector<16xi32>, vector<16xi32>], vector<16xf32>,
            tpu.vector_store_idx %arg8[%add3A_89, %add3A_120], %get3A_154 : memref<128x129xf32, #tpu.memory_space<vmem>>[vector<16xi32>, vector<16xi32>], vector<16xf32>,
            tpu.vector_store_idx %arg8[%add3A_92, %add3A_120], %get3A_159 : memref<128x129xf32, #tpu.memory_space<vmem>>[vector<16xi32>, vector<16xi32>], vector<16xf32>,
            %broadcast_in_dim3A_160 = arith.constant 0 : i32
            %broadcast_in_dim3A_161 = vector.broadcast %broadcast_in_dim3A_160 : i32 to vector<16xi32>
            %add3A_162 = arith.constant 1 : i32
            %add3A_163 = arith.addi %mul3A_115, %add3A_162 : i32
            %add3A_164 = vector.broadcast %add3A_163 : i32 to vector<16xi32>
            %add3A_165 = arith.addi %broadcast_in_dim3A_161, %add3A_164 : vector<16xi32>
            %add3A_166 = arith.constant 1 : i32
            %add3A_167 = arith.addi %mul3A_115, %add3A_166 : i32
            %get3A_168 = arith.index_cast %add3A_167 : i32 to index
            %get3A_169 = arith.constant 0 : index
            %get3A_170 = tpu.vector_load %arg6[%get3A_168, %get3A_169] {strides = array<i32>} : memref<64x128xf32, #tpu.memory_space<vmem>>, vector<16xf32>,
            %add3A_171 = arith.constant 1 : i32
            %add3A_172 = arith.addi %mul3A_115, %add3A_171 : i32
            %get3A_173 = arith.index_cast %add3A_172 : i32 to index
            %get3A_174 = arith.constant 16 : index
            %get3A_175 = tpu.vector_load %arg6[%get3A_173, %get3A_174] {strides = array<i32>} : memref<64x128xf32, #tpu.memory_space<vmem>>, vector<16xf32>,
            %add3A_176 = arith.constant 1 : i32
            %add3A_177 = arith.addi %mul3A_115, %add3A_176 : i32
            %get3A_178 = arith.index_cast %add3A_177 : i32 to index
            %get3A_179 = arith.constant 32 : index
            %get3A_180 = tpu.vector_load %arg6[%get3A_178, %get3A_179] {strides = array<i32>} : memref<64x128xf32, #tpu.memory_space<vmem>>, vector<16xf32>,
            %add3A_181 = arith.constant 1 : i32
            %add3A_182 = arith.addi %mul3A_115, %add3A_181 : i32
            %get3A_183 = arith.index_cast %add3A_182 : i32 to index
            %get3A_184 = arith.constant 48 : index
            %get3A_185 = tpu.vector_load %arg6[%get3A_183, %get3A_184] {strides = array<i32>} : memref<64x128xf32, #tpu.memory_space<vmem>>, vector<16xf32>,
            %add3A_186 = arith.constant 1 : i32
            %add3A_187 = arith.addi %mul3A_115, %add3A_186 : i32
            %get3A_188 = arith.index_cast %add3A_187 : i32 to index
            %get3A_189 = arith.constant 64 : index
            %get3A_190 = tpu.vector_load %arg6[%get3A_188, %get3A_189] {strides = array<i32>} : memref<64x128xf32, #tpu.memory_space<vmem>>, vector<16xf32>,
            %add3A_191 = arith.constant 1 : i32
            %add3A_192 = arith.addi %mul3A_115, %add3A_191 : i32
            %get3A_193 = arith.index_cast %add3A_192 : i32 to index
            %get3A_194 = arith.constant 80 : index
            %get3A_195 = tpu.vector_load %arg6[%get3A_193, %get3A_194] {strides = array<i32>} : memref<64x128xf32, #tpu.memory_space<vmem>>, vector<16xf32>,
            %add3A_196 = arith.constant 1 : i32
            %add3A_197 = arith.addi %mul3A_115, %add3A_196 : i32
            %get3A_198 = arith.index_cast %add3A_197 : i32 to index
            %get3A_199 = arith.constant 96 : index
            %get3A_200 = tpu.vector_load %arg6[%get3A_198, %get3A_199] {strides = array<i32>} : memref<64x128xf32, #tpu.memory_space<vmem>>, vector<16xf32>,
            %add3A_201 = arith.constant 1 : i32
            %add3A_202 = arith.addi %mul3A_115, %add3A_201 : i32
            %get3A_203 = arith.index_cast %add3A_202 : i32 to index
            %get3A_204 = arith.constant 112 : index
            %get3A_205 = tpu.vector_load %arg6[%get3A_203, %get3A_204] {strides = array<i32>} : memref<64x128xf32, #tpu.memory_space<vmem>>, vector<16xf32>,
            tpu.vector_store_idx %arg8[%add3A_71, %add3A_165], %get3A_170 : memref<128x129xf32, #tpu.memory_space<vmem>>[vector<16xi32>, vector<16xi32>], vector<16xf32>,
            tpu.vector_store_idx %arg8[%add3A_74, %add3A_165], %get3A_175 : memref<128x129xf32, #tpu.memory_space<vmem>>[vector<16xi32>, vector<16xi32>], vector<16xf32>,
            tpu.vector_store_idx %arg8[%add3A_77, %add3A_165], %get3A_180 : memref<128x129xf32, #tpu.memory_space<vmem>>[vector<16xi32>, vector<16xi32>], vector<16xf32>,
            tpu.vector_store_idx %arg8[%add3A_80, %add3A_165], %get3A_185 : memref<128x129xf32, #tpu.memory_space<vmem>>[vector<16xi32>, vector<16xi32>], vector<16xf32>,
            tpu.vector_store_idx %arg8[%add3A_83, %add3A_165], %get3A_190 : memref<128x129xf32, #tpu.memory_space<vmem>>[vector<16xi32>, vector<16xi32>], vector<16xf32>,
            tpu.vector_store_idx %arg8[%add3A_86, %add3A_165], %get3A_195 : memref<128x129xf32, #tpu.memory_space<vmem>>[vector<16xi32>, vector<16xi32>], vector<16xf32>,
            tpu.vector_store_idx %arg8[%add3A_89, %add3A_165], %get3A_200 : memref<128x129xf32, #tpu.memory_space<vmem>>[vector<16xi32>, vector<16xi32>], vector<16xf32>,
            tpu.vector_store_idx %arg8[%add3A_92, %add3A_165], %get3A_205 : memref<128x129xf32, #tpu.memory_space<vmem>>[vector<16xi32>, vector<16xi32>], vector<16xf32>,
            %broadcast_in_dim3A_206 = arith.constant 0 : i32
            %broadcast_in_dim3A_207 = vector.broadcast %broadcast_in_dim3A_206 : i32 to vector<16xi32>
            %add3A_208 = arith.constant 2 : i32
            %add3A_209 = arith.addi %mul3A_115, %add3A_208 : i32
            %add3A_210 = vector.broadcast %add3A_209 : i32 to vector<16xi32>
            %add3A_211 = arith.addi %broadcast_in_dim3A_207, %add3A_210 : vector<16xi32>
            %add3A_212 = arith.constant 2 : i32
            %add3A_213 = arith.addi %mul3A_115, %add3A_212 : i32
            %get3A_214 = arith.index_cast %add3A_213 : i32 to index
            %get3A_215 = arith.constant 0 : index
            %get3A_216 = tpu.vector_load %arg6[%get3A_214, %get3A_215] {strides = array<i32>} : memref<64x128xf32, #tpu.memory_space<vmem>>, vector<16xf32>,
            %add3A_217 = arith.constant 2 : i32
            %add3A_218 = arith.addi %mul3A_115, %add3A_217 : i32
            %get3A_219 = arith.index_cast %add3A_218 : i32 to index
            %get3A_220 = arith.constant 16 : index
            %get3A_221 = tpu.vector_load %arg6[%get3A_219, %get3A_220] {strides = array<i32>} : memref<64x128xf32, #tpu.memory_space<vmem>>, vector<16xf32>,
            %add3A_222 = arith.constant 2 : i32
            %add3A_223 = arith.addi %mul3A_115, %add3A_222 : i32
            %get3A_224 = arith.index_cast %add3A_223 : i32 to index
            %get3A_225 = arith.constant 32 : index
            %get3A_226 = tpu.vector_load %arg6[%get3A_224, %get3A_225] {strides = array<i32>} : memref<64x128xf32, #tpu.memory_space<vmem>>, vector<16xf32>,
            %add3A_227 = arith.constant 2 : i32
            %add3A_228 = arith.addi %mul3A_115, %add3A_227 : i32
            %get3A_229 = arith.index_cast %add3A_228 : i32 to index
            %get3A_230 = arith.constant 48 : index
            %get3A_231 = tpu.vector_load %arg6[%get3A_229, %get3A_230] {strides = array<i32>} : memref<64x128xf32, #tpu.memory_space<vmem>>, vector<16xf32>,
            %add3A_232 = arith.constant 2 : i32
            %add3A_233 = arith.addi %mul3A_115, %add3A_232 : i32
            %get3A_234 = arith.index_cast %add3A_233 : i32 to index
            %get3A_235 = arith.constant 64 : index
            %get3A_236 = tpu.vector_load %arg6[%get3A_234, %get3A_235] {strides = array<i32>} : memref<64x128xf32, #tpu.memory_space<vmem>>, vector<16xf32>,
            %add3A_237 = arith.constant 2 : i32
            %add3A_238 = arith.addi %mul3A_115, %add3A_237 : i32
            %get3A_239 = arith.index_cast %add3A_238 : i32 to index
            %get3A_240 = arith.constant 80 : index
            %get3A_241 = tpu.vector_load %arg6[%get3A_239, %get3A_240] {strides = array<i32>} : memref<64x128xf32, #tpu.memory_space<vmem>>, vector<16xf32>,
            %add3A_242 = arith.constant 2 : i32
            %add3A_243 = arith.addi %mul3A_115, %add3A_242 : i32
            %get3A_244 = arith.index_cast %add3A_243 : i32 to index
            %get3A_245 = arith.constant 96 : index
            %get3A_246 = tpu.vector_load %arg6[%get3A_244, %get3A_245] {strides = array<i32>} : memref<64x128xf32, #tpu.memory_space<vmem>>, vector<16xf32>,
            %add3A_247 = arith.constant 2 : i32
            %add3A_248 = arith.addi %mul3A_115, %add3A_247 : i32
            %get3A_249 = arith.index_cast %add3A_248 : i32 to index
            %get3A_250 = arith.constant 112 : index
            %get3A_251 = tpu.vector_load %arg6[%get3A_249, %get3A_250] {strides = array<i32>} : memref<64x128xf32, #tpu.memory_space<vmem>>, vector<16xf32>,
            tpu.vector_store_idx %arg8[%add3A_71, %add3A_211], %get3A_216 : memref<128x129xf32, #tpu.memory_space<vmem>>[vector<16xi32>, vector<16xi32>], vector<16xf32>,
            tpu.vector_store_idx %arg8[%add3A_74, %add3A_211], %get3A_221 : memref<128x129xf32, #tpu.memory_space<vmem>>[vector<16xi32>, vector<16xi32>], vector<16xf32>,
            tpu.vector_store_idx %arg8[%add3A_77, %add3A_211], %get3A_226 : memref<128x129xf32, #tpu.memory_space<vmem>>[vector<16xi32>, vector<16xi32>], vector<16xf32>,
            tpu.vector_store_idx %arg8[%add3A_80, %add3A_211], %get3A_231 : memref<128x129xf32, #tpu.memory_space<vmem>>[vector<16xi32>, vector<16xi32>], vector<16xf32>,
            tpu.vector_store_idx %arg8[%add3A_83, %add3A_211], %get3A_236 : memref<128x129xf32, #tpu.memory_space<vmem>>[vector<16xi32>, vector<16xi32>], vector<16xf32>,
            tpu.vector_store_idx %arg8[%add3A_86, %add3A_211], %get3A_241 : memref<128x129xf32, #tpu.memory_space<vmem>>[vector<16xi32>, vector<16xi32>], vector<16xf32>,
            tpu.vector_store_idx %arg8[%add3A_89, %add3A_211], %get3A_246 : memref<128x129xf32, #tpu.memory_space<vmem>>[vector<16xi32>, vector<16xi32>], vector<16xf32>,
            tpu.vector_store_idx %arg8[%add3A_92, %add3A_211], %get3A_251 : memref<128x129xf32, #tpu.memory_space<vmem>>[vector<16xi32>, vector<16xi32>], vector<16xf32>,
            %broadcast_in_dim3A_252 = arith.constant 0 : i32
            %broadcast_in_dim3A_253 = vector.broadcast %broadcast_in_dim3A_252 : i32 to vector<16xi32>
            %add3A_254 = arith.constant 3 : i32
            %add3A_255 = arith.addi %mul3A_115, %add3A_254 : i32
            %add3A_256 = vector.broadcast %add3A_255 : i32 to vector<16xi32>
            %add3A_257 = arith.addi %broadcast_in_dim3A_253, %add3A_256 : vector<16xi32>
            %add3A_258 = arith.constant 3 : i32
            %add3A_259 = arith.addi %mul3A_115, %add3A_258 : i32
            %get3A_260 = arith.index_cast %add3A_259 : i32 to index
            %get3A_261 = arith.constant 0 : index
            %get3A_262 = tpu.vector_load %arg6[%get3A_260, %get3A_261] {strides = array<i32>} : memref<64x128xf32, #tpu.memory_space<vmem>>, vector<16xf32>,
            %add3A_263 = arith.constant 3 : i32
            %add3A_264 = arith.addi %mul3A_115, %add3A_263 : i32
            %get3A_265 = arith.index_cast %add3A_264 : i32 to index
            %get3A_266 = arith.constant 16 : index
            %get3A_267 = tpu.vector_load %arg6[%get3A_265, %get3A_266] {strides = array<i32>} : memref<64x128xf32, #tpu.memory_space<vmem>>, vector<16xf32>,
            %add3A_268 = arith.constant 3 : i32
            %add3A_269 = arith.addi %mul3A_115, %add3A_268 : i32
            %get3A_270 = arith.index_cast %add3A_269 : i32 to index
            %get3A_271 = arith.constant 32 : index
            %get3A_272 = tpu.vector_load %arg6[%get3A_270, %get3A_271] {strides = array<i32>} : memref<64x128xf32, #tpu.memory_space<vmem>>, vector<16xf32>,
            %add3A_273 = arith.constant 3 : i32
            %add3A_274 = arith.addi %mul3A_115, %add3A_273 : i32
            %get3A_275 = arith.index_cast %add3A_274 : i32 to index
            %get3A_276 = arith.constant 48 : index
            %get3A_277 = tpu.vector_load %arg6[%get3A_275, %get3A_276] {strides = array<i32>} : memref<64x128xf32, #tpu.memory_space<vmem>>, vector<16xf32>,
            %add3A_278 = arith.constant 3 : i32
            %add3A_279 = arith.addi %mul3A_115, %add3A_278 : i32
            %get3A_280 = arith.index_cast %add3A_279 : i32 to index
            %get3A_281 = arith.constant 64 : index
            %get3A_282 = tpu.vector_load %arg6[%get3A_280, %get3A_281] {strides = array<i32>} : memref<64x128xf32, #tpu.memory_space<vmem>>, vector<16xf32>,
            %add3A_283 = arith.constant 3 : i32
            %add3A_284 = arith.addi %mul3A_115, %add3A_283 : i32
            %get3A_285 = arith.index_cast %add3A_284 : i32 to index
            %get3A_286 = arith.constant 80 : index
            %get3A_287 = tpu.vector_load %arg6[%get3A_285, %get3A_286] {strides = array<i32>} : memref<64x128xf32, #tpu.memory_space<vmem>>, vector<16xf32>,
            %add3A_288 = arith.constant 3 : i32
            %add3A_289 = arith.addi %mul3A_115, %add3A_288 : i32
            %get3A_290 = arith.index_cast %add3A_289 : i32 to index
            %get3A_291 = arith.constant 96 : index
            %get3A_292 = tpu.vector_load %arg6[%get3A_290, %get3A_291] {strides = array<i32>} : memref<64x128xf32, #tpu.memory_space<vmem>>, vector<16xf32>,
            %add3A_293 = arith.constant 3 : i32
            %add3A_294 = arith.addi %mul3A_115, %add3A_293 : i32
            %get3A_295 = arith.index_cast %add3A_294 : i32 to index
            %get3A_296 = arith.constant 112 : index
            %get3A_297 = tpu.vector_load %arg6[%get3A_295, %get3A_296] {strides = array<i32>} : memref<64x128xf32, #tpu.memory_space<vmem>>, vector<16xf32>,
            tpu.vector_store_idx %arg8[%add3A_71, %add3A_257], %get3A_262 : memref<128x129xf32, #tpu.memory_space<vmem>>[vector<16xi32>, vector<16xi32>], vector<16xf32>,
            tpu.vector_store_idx %arg8[%add3A_74, %add3A_257], %get3A_267 : memref<128x129xf32, #tpu.memory_space<vmem>>[vector<16xi32>, vector<16xi32>], vector<16xf32>,
            tpu.vector_store_idx %arg8[%add3A_77, %add3A_257], %get3A_272 : memref<128x129xf32, #tpu.memory_space<vmem>>[vector<16xi32>, vector<16xi32>], vector<16xf32>,
            tpu.vector_store_idx %arg8[%add3A_80, %add3A_257], %get3A_277 : memref<128x129xf32, #tpu.memory_space<vmem>>[vector<16xi32>, vector<16xi32>], vector<16xf32>,
            tpu.vector_store_idx %arg8[%add3A_83, %add3A_257], %get3A_282 : memref<128x129xf32, #tpu.memory_space<vmem>>[vector<16xi32>, vector<16xi32>], vector<16xf32>,
            tpu.vector_store_idx %arg8[%add3A_86, %add3A_257], %get3A_287 : memref<128x129xf32, #tpu.memory_space<vmem>>[vector<16xi32>, vector<16xi32>], vector<16xf32>,
            tpu.vector_store_idx %arg8[%add3A_89, %add3A_257], %get3A_292 : memref<128x129xf32, #tpu.memory_space<vmem>>[vector<16xi32>, vector<16xi32>], vector<16xf32>,
            tpu.vector_store_idx %arg8[%add3A_92, %add3A_257], %get3A_297 : memref<128x129xf32, #tpu.memory_space<vmem>>[vector<16xi32>, vector<16xi32>], vector<16xf32>,
            %broadcast_in_dim3A_298 = arith.constant 0 : i32
            %broadcast_in_dim3A_299 = vector.broadcast %broadcast_in_dim3A_298 : i32 to vector<16xi32>
            %add3A_300 = arith.constant 4 : i32
            %add3A_301 = arith.addi %mul3A_115, %add3A_300 : i32
            %add3A_302 = vector.broadcast %add3A_301 : i32 to vector<16xi32>
            %add3A_303 = arith.addi %broadcast_in_dim3A_299, %add3A_302 : vector<16xi32>
            %add3A_304 = arith.constant 4 : i32
            %add3A_305 = arith.addi %mul3A_115, %add3A_304 : i32
            %get3A_306 = arith.index_cast %add3A_305 : i32 to index
            %get3A_307 = arith.constant 0 : index
            %get3A_308 = tpu.vector_load %arg6[%get3A_306, %get3A_307] {strides = array<i32>} : memref<64x128xf32, #tpu.memory_space<vmem>>, vector<16xf32>,
            %add3A_309 = arith.constant 4 : i32
            %add3A_310 = arith.addi %mul3A_115, %add3A_309 : i32
            %get3A_311 = arith.index_cast %add3A_310 : i32 to index
            %get3A_312 = arith.constant 16 : index
            %get3A_313 = tpu.vector_load %arg6[%get3A_311, %get3A_312] {strides = array<i32>} : memref<64x128xf32, #tpu.memory_space<vmem>>, vector<16xf32>,
            %add3A_314 = arith.constant 4 : i32
            %add3A_315 = arith.addi %mul3A_115, %add3A_314 : i32
            %get3A_316 = arith.index_cast %add3A_315 : i32 to index
            %get3A_317 = arith.constant 32 : index
            %get3A_318 = tpu.vector_load %arg6[%get3A_316, %get3A_317] {strides = array<i32>} : memref<64x128xf32, #tpu.memory_space<vmem>>, vector<16xf32>,
            %add3A_319 = arith.constant 4 : i32
            %add3A_320 = arith.addi %mul3A_115, %add3A_319 : i32
            %get3A_321 = arith.index_cast %add3A_320 : i32 to index
            %get3A_322 = arith.constant 48 : index
            %get3A_323 = tpu.vector_load %arg6[%get3A_321, %get3A_322] {strides = array<i32>} : memref<64x128xf32, #tpu.memory_space<vmem>>, vector<16xf32>,
            %add3A_324 = arith.constant 4 : i32
            %add3A_325 = arith.addi %mul3A_115, %add3A_324 : i32
            %get3A_326 = arith.index_cast %add3A_325 : i32 to index
            %get3A_327 = arith.constant 64 : index
            %get3A_328 = tpu.vector_load %arg6[%get3A_326, %get3A_327] {strides = array<i32>} : memref<64x128xf32, #tpu.memory_space<vmem>>, vector<16xf32>,
            %add3A_329 = arith.constant 4 : i32
            %add3A_330 = arith.addi %mul3A_115, %add3A_329 : i32
            %get3A_331 = arith.index_cast %add3A_330 : i32 to index
            %get3A_332 = arith.constant 80 : index
            %get3A_333 = tpu.vector_load %arg6[%get3A_331, %get3A_332] {strides = array<i32>} : memref<64x128xf32, #tpu.memory_space<vmem>>, vector<16xf32>,
            %add3A_334 = arith.constant 4 : i32
            %add3A_335 = arith.addi %mul3A_115, %add3A_334 : i32
            %get3A_336 = arith.index_cast %add3A_335 : i32 to index
            %get3A_337 = arith.constant 96 : index
            %get3A_338 = tpu.vector_load %arg6[%get3A_336, %get3A_337] {strides = array<i32>} : memref<64x128xf32, #tpu.memory_space<vmem>>, vector<16xf32>,
            %add3A_339 = arith.constant 4 : i32
            %add3A_340 = arith.addi %mul3A_115, %add3A_339 : i32
            %get3A_341 = arith.index_cast %add3A_340 : i32 to index
            %get3A_342 = arith.constant 112 : index
            %get3A_343 = tpu.vector_load %arg6[%get3A_341, %get3A_342] {strides = array<i32>} : memref<64x128xf32, #tpu.memory_space<vmem>>, vector<16xf32>,
            tpu.vector_store_idx %arg8[%add3A_71, %add3A_303], %get3A_308 : memref<128x129xf32, #tpu.memory_space<vmem>>[vector<16xi32>, vector<16xi32>], vector<16xf32>,
            tpu.vector_store_idx %arg8[%add3A_74, %add3A_303], %get3A_313 : memref<128x129xf32, #tpu.memory_space<vmem>>[vector<16xi32>, vector<16xi32>], vector<16xf32>,
            tpu.vector_store_idx %arg8[%add3A_77, %add3A_303], %get3A_318 : memref<128x129xf32, #tpu.memory_space<vmem>>[vector<16xi32>, vector<16xi32>], vector<16xf32>,
            tpu.vector_store_idx %arg8[%add3A_80, %add3A_303], %get3A_323 : memref<128x129xf32, #tpu.memory_space<vmem>>[vector<16xi32>, vector<16xi32>], vector<16xf32>,
            tpu.vector_store_idx %arg8[%add3A_83, %add3A_303], %get3A_328 : memref<128x129xf32, #tpu.memory_space<vmem>>[vector<16xi32>, vector<16xi32>], vector<16xf32>,
            tpu.vector_store_idx %arg8[%add3A_86, %add3A_303], %get3A_333 : memref<128x129xf32, #tpu.memory_space<vmem>>[vector<16xi32>, vector<16xi32>], vector<16xf32>,
            tpu.vector_store_idx %arg8[%add3A_89, %add3A_303], %get3A_338 : memref<128x129xf32, #tpu.memory_space<vmem>>[vector<16xi32>, vector<16xi32>], vector<16xf32>,
            tpu.vector_store_idx %arg8[%add3A_92, %add3A_303], %get3A_343 : memref<128x129xf32, #tpu.memory_space<vmem>>[vector<16xi32>, vector<16xi32>], vector<16xf32>,
            %broadcast_in_dim3A_344 = arith.constant 0 : i32
            %broadcast_in_dim3A_345 = vector.broadcast %broadcast_in_dim3A_344 : i32 to vector<16xi32>
            %add3A_346 = arith.constant 5 : i32
            %add3A_347 = arith.addi %mul3A_115, %add3A_346 : i32
            %add3A_348 = vector.broadcast %add3A_347 : i32 to vector<16xi32>
            %add3A_349 = arith.addi %broadcast_in_dim3A_345, %add3A_348 : vector<16xi32>
            %add3A_350 = arith.constant 5 : i32
            %add3A_351 = arith.addi %mul3A_115, %add3A_350 : i32
            %get3A_352 = arith.index_cast %add3A_351 : i32 to index
            %get3A_353 = arith.constant 0 : index
            %get3A_354 = tpu.vector_load %arg6[%get3A_352, %get3A_353] {strides = array<i32>} : memref<64x128xf32, #tpu.memory_space<vmem>>, vector<16xf32>,
            %add3A_355 = arith.constant 5 : i32
            %add3A_356 = arith.addi %mul3A_115, %add3A_355 : i32
            %get3A_357 = arith.index_cast %add3A_356 : i32 to index
            %get3A_358 = arith.constant 16 : index
            %get3A_359 = tpu.vector_load %arg6[%get3A_357, %get3A_358] {strides = array<i32>} : memref<64x128xf32, #tpu.memory_space<vmem>>, vector<16xf32>,
            %add3A_360 = arith.constant 5 : i32
            %add3A_361 = arith.addi %mul3A_115, %add3A_360 : i32
            %get3A_362 = arith.index_cast %add3A_361 : i32 to index
            %get3A_363 = arith.constant 32 : index
            %get3A_364 = tpu.vector_load %arg6[%get3A_362, %get3A_363] {strides = array<i32>} : memref<64x128xf32, #tpu.memory_space<vmem>>, vector<16xf32>,
            %add3A_365 = arith.constant 5 : i32
            %add3A_366 = arith.addi %mul3A_115, %add3A_365 : i32
            %get3A_367 = arith.index_cast %add3A_366 : i32 to index
            %get3A_368 = arith.constant 48 : index
            %get3A_369 = tpu.vector_load %arg6[%get3A_367, %get3A_368] {strides = array<i32>} : memref<64x128xf32, #tpu.memory_space<vmem>>, vector<16xf32>,
            %add3A_370 = arith.constant 5 : i32
            %add3A_371 = arith.addi %mul3A_115, %add3A_370 : i32
            %get3A_372 = arith.index_cast %add3A_371 : i32 to index
            %get3A_373 = arith.constant 64 : index
            %get3A_374 = tpu.vector_load %arg6[%get3A_372, %get3A_373] {strides = array<i32>} : memref<64x128xf32, #tpu.memory_space<vmem>>, vector<16xf32>,
            %add3A_375 = arith.constant 5 : i32
            %add3A_376 = arith.addi %mul3A_115, %add3A_375 : i32
            %get3A_377 = arith.index_cast %add3A_376 : i32 to index
            %get3A_378 = arith.constant 80 : index
            %get3A_379 = tpu.vector_load %arg6[%get3A_377, %get3A_378] {strides = array<i32>} : memref<64x128xf32, #tpu.memory_space<vmem>>, vector<16xf32>,
            %add3A_380 = arith.constant 5 : i32
            %add3A_381 = arith.addi %mul3A_115, %add3A_380 : i32
            %get3A_382 = arith.index_cast %add3A_381 : i32 to index
            %get3A_383 = arith.constant 96 : index
            %get3A_384 = tpu.vector_load %arg6[%get3A_382, %get3A_383] {strides = array<i32>} : memref<64x128xf32, #tpu.memory_space<vmem>>, vector<16xf32>,
            %add3A_385 = arith.constant 5 : i32
            %add3A_386 = arith.addi %mul3A_115, %add3A_385 : i32
            %get3A_387 = arith.index_cast %add3A_386 : i32 to index
            %get3A_388 = arith.constant 112 : index
            %get3A_389 = tpu.vector_load %arg6[%get3A_387, %get3A_388] {strides = array<i32>} : memref<64x128xf32, #tpu.memory_space<vmem>>, vector<16xf32>,
            tpu.vector_store_idx %arg8[%add3A_71, %add3A_349], %get3A_354 : memref<128x129xf32, #tpu.memory_space<vmem>>[vector<16xi32>, vector<16xi32>], vector<16xf32>,
            tpu.vector_store_idx %arg8[%add3A_74, %add3A_349], %get3A_359 : memref<128x129xf32, #tpu.memory_space<vmem>>[vector<16xi32>, vector<16xi32>], vector<16xf32>,
            tpu.vector_store_idx %arg8[%add3A_77, %add3A_349], %get3A_364 : memref<128x129xf32, #tpu.memory_space<vmem>>[vector<16xi32>, vector<16xi32>], vector<16xf32>,
            tpu.vector_store_idx %arg8[%add3A_80, %add3A_349], %get3A_369 : memref<128x129xf32, #tpu.memory_space<vmem>>[vector<16xi32>, vector<16xi32>], vector<16xf32>,
            tpu.vector_store_idx %arg8[%add3A_83, %add3A_349], %get3A_374 : memref<128x129xf32, #tpu.memory_space<vmem>>[vector<16xi32>, vector<16xi32>], vector<16xf32>,
            tpu.vector_store_idx %arg8[%add3A_86, %add3A_349], %get3A_379 : memref<128x129xf32, #tpu.memory_space<vmem>>[vector<16xi32>, vector<16xi32>], vector<16xf32>,
            tpu.vector_store_idx %arg8[%add3A_89, %add3A_349], %get3A_384 : memref<128x129xf32, #tpu.memory_space<vmem>>[vector<16xi32>, vector<16xi32>], vector<16xf32>,
            tpu.vector_store_idx %arg8[%add3A_92, %add3A_349], %get3A_389 : memref<128x129xf32, #tpu.memory_space<vmem>>[vector<16xi32>, vector<16xi32>], vector<16xf32>,
            %broadcast_in_dim3A_390 = arith.constant 0 : i32
            %broadcast_in_dim3A_391 = vector.broadcast %broadcast_in_dim3A_390 : i32 to vector<16xi32>
            %add3A_392 = arith.constant 6 : i32
            %add3A_393 = arith.addi %mul3A_115, %add3A_392 : i32
            %add3A_394 = vector.broadcast %add3A_393 : i32 to vector<16xi32>
            %add3A_395 = arith.addi %broadcast_in_dim3A_391, %add3A_394 : vector<16xi32>
            %add3A_396 = arith.constant 6 : i32
            %add3A_397 = arith.addi %mul3A_115, %add3A_396 : i32
            %get3A_398 = arith.index_cast %add3A_397 : i32 to index
            %get3A_399 = arith.constant 0 : index
            %get3A_400 = tpu.vector_load %arg6[%get3A_398, %get3A_399] {strides = array<i32>} : memref<64x128xf32, #tpu.memory_space<vmem>>, vector<16xf32>,
            %add3A_401 = arith.constant 6 : i32
            %add3A_402 = arith.addi %mul3A_115, %add3A_401 : i32
            %get3A_403 = arith.index_cast %add3A_402 : i32 to index
            %get3A_404 = arith.constant 16 : index
            %get3A_405 = tpu.vector_load %arg6[%get3A_403, %get3A_404] {strides = array<i32>} : memref<64x128xf32, #tpu.memory_space<vmem>>, vector<16xf32>,
            %add3A_406 = arith.constant 6 : i32
            %add3A_407 = arith.addi %mul3A_115, %add3A_406 : i32
            %get3A_408 = arith.index_cast %add3A_407 : i32 to index
            %get3A_409 = arith.constant 32 : index
            %get3A_410 = tpu.vector_load %arg6[%get3A_408, %get3A_409] {strides = array<i32>} : memref<64x128xf32, #tpu.memory_space<vmem>>, vector<16xf32>,
            %add3A_411 = arith.constant 6 : i32
            %add3A_412 = arith.addi %mul3A_115, %add3A_411 : i32
            %get3A_413 = arith.index_cast %add3A_412 : i32 to index
            %get3A_414 = arith.constant 48 : index
            %get3A_415 = tpu.vector_load %arg6[%get3A_413, %get3A_414] {strides = array<i32>} : memref<64x128xf32, #tpu.memory_space<vmem>>, vector<16xf32>,
            %add3A_416 = arith.constant 6 : i32
            %add3A_417 = arith.addi %mul3A_115, %add3A_416 : i32
            %get3A_418 = arith.index_cast %add3A_417 : i32 to index
            %get3A_419 = arith.constant 64 : index
            %get3A_420 = tpu.vector_load %arg6[%get3A_418, %get3A_419] {strides = array<i32>} : memref<64x128xf32, #tpu.memory_space<vmem>>, vector<16xf32>,
            %add3A_421 = arith.constant 6 : i32
            %add3A_422 = arith.addi %mul3A_115, %add3A_421 : i32
            %get3A_423 = arith.index_cast %add3A_422 : i32 to index
            %get3A_424 = arith.constant 80 : index
            %get3A_425 = tpu.vector_load %arg6[%get3A_423, %get3A_424] {strides = array<i32>} : memref<64x128xf32, #tpu.memory_space<vmem>>, vector<16xf32>,
            %add3A_426 = arith.constant 6 : i32
            %add3A_427 = arith.addi %mul3A_115, %add3A_426 : i32
            %get3A_428 = arith.index_cast %add3A_427 : i32 to index
            %get3A_429 = arith.constant 96 : index
            %get3A_430 = tpu.vector_load %arg6[%get3A_428, %get3A_429] {strides = array<i32>} : memref<64x128xf32, #tpu.memory_space<vmem>>, vector<16xf32>,
            %add3A_431 = arith.constant 6 : i32
            %add3A_432 = arith.addi %mul3A_115, %add3A_431 : i32
            %get3A_433 = arith.index_cast %add3A_432 : i32 to index
            %get3A_434 = arith.constant 112 : index
            %get3A_435 = tpu.vector_load %arg6[%get3A_433, %get3A_434] {strides = array<i32>} : memref<64x128xf32, #tpu.memory_space<vmem>>, vector<16xf32>,
            tpu.vector_store_idx %arg8[%add3A_71, %add3A_395], %get3A_400 : memref<128x129xf32, #tpu.memory_space<vmem>>[vector<16xi32>, vector<16xi32>], vector<16xf32>,
            tpu.vector_store_idx %arg8[%add3A_74, %add3A_395], %get3A_405 : memref<128x129xf32, #tpu.memory_space<vmem>>[vector<16xi32>, vector<16xi32>], vector<16xf32>,
            tpu.vector_store_idx %arg8[%add3A_77, %add3A_395], %get3A_410 : memref<128x129xf32, #tpu.memory_space<vmem>>[vector<16xi32>, vector<16xi32>], vector<16xf32>,
            tpu.vector_store_idx %arg8[%add3A_80, %add3A_395], %get3A_415 : memref<128x129xf32, #tpu.memory_space<vmem>>[vector<16xi32>, vector<16xi32>], vector<16xf32>,
            tpu.vector_store_idx %arg8[%add3A_83, %add3A_395], %get3A_420 : memref<128x129xf32, #tpu.memory_space<vmem>>[vector<16xi32>, vector<16xi32>], vector<16xf32>,
            tpu.vector_store_idx %arg8[%add3A_86, %add3A_395], %get3A_425 : memref<128x129xf32, #tpu.memory_space<vmem>>[vector<16xi32>, vector<16xi32>], vector<16xf32>,
            tpu.vector_store_idx %arg8[%add3A_89, %add3A_395], %get3A_430 : memref<128x129xf32, #tpu.memory_space<vmem>>[vector<16xi32>, vector<16xi32>], vector<16xf32>,
            tpu.vector_store_idx %arg8[%add3A_92, %add3A_395], %get3A_435 : memref<128x129xf32, #tpu.memory_space<vmem>>[vector<16xi32>, vector<16xi32>], vector<16xf32>,
            %broadcast_in_dim3A_436 = arith.constant 0 : i32
            %broadcast_in_dim3A_437 = vector.broadcast %broadcast_in_dim3A_436 : i32 to vector<16xi32>
            %add3A_438 = arith.constant 7 : i32
            %add3A_439 = arith.addi %mul3A_115, %add3A_438 : i32
            %add3A_440 = vector.broadcast %add3A_439 : i32 to vector<16xi32>
            %add3A_441 = arith.addi %broadcast_in_dim3A_437, %add3A_440 : vector<16xi32>
            %add3A_442 = arith.constant 7 : i32
            %add3A_443 = arith.addi %mul3A_115, %add3A_442 : i32
            %get3A_444 = arith.index_cast %add3A_443 : i32 to index
            %get3A_445 = arith.constant 0 : index
            %get3A_446 = tpu.vector_load %arg6[%get3A_444, %get3A_445] {strides = array<i32>} : memref<64x128xf32, #tpu.memory_space<vmem>>, vector<16xf32>,
            %add3A_447 = arith.constant 7 : i32
            %add3A_448 = arith.addi %mul3A_115, %add3A_447 : i32
            %get3A_449 = arith.index_cast %add3A_448 : i32 to index
            %get3A_450 = arith.constant 16 : index
            %get3A_451 = tpu.vector_load %arg6[%get3A_449, %get3A_450] {strides = array<i32>} : memref<64x128xf32, #tpu.memory_space<vmem>>, vector<16xf32>,
            %add3A_452 = arith.constant 7 : i32
            %add3A_453 = arith.addi %mul3A_115, %add3A_452 : i32
            %get3A_454 = arith.index_cast %add3A_453 : i32 to index
            %get3A_455 = arith.constant 32 : index
            %get3A_456 = tpu.vector_load %arg6[%get3A_454, %get3A_455] {strides = array<i32>} : memref<64x128xf32, #tpu.memory_space<vmem>>, vector<16xf32>,
            %add3A_457 = arith.constant 7 : i32
            %add3A_458 = arith.addi %mul3A_115, %add3A_457 : i32
            %get3A_459 = arith.index_cast %add3A_458 : i32 to index
            %get3A_460 = arith.constant 48 : index
            %get3A_461 = tpu.vector_load %arg6[%get3A_459, %get3A_460] {strides = array<i32>} : memref<64x128xf32, #tpu.memory_space<vmem>>, vector<16xf32>,
            %add3A_462 = arith.constant 7 : i32
            %add3A_463 = arith.addi %mul3A_115, %add3A_462 : i32
            %get3A_464 = arith.index_cast %add3A_463 : i32 to index
            %get3A_465 = arith.constant 64 : index
            %get3A_466 = tpu.vector_load %arg6[%get3A_464, %get3A_465] {strides = array<i32>} : memref<64x128xf32, #tpu.memory_space<vmem>>, vector<16xf32>,
            %add3A_467 = arith.constant 7 : i32
            %add3A_468 = arith.addi %mul3A_115, %add3A_467 : i32
            %get3A_469 = arith.index_cast %add3A_468 : i32 to index
            %get3A_470 = arith.constant 80 : index
            %get3A_471 = tpu.vector_load %arg6[%get3A_469, %get3A_470] {strides = array<i32>} : memref<64x128xf32, #tpu.memory_space<vmem>>, vector<16xf32>,
            %add3A_472 = arith.constant 7 : i32
            %add3A_473 = arith.addi %mul3A_115, %add3A_472 : i32
            %get3A_474 = arith.index_cast %add3A_473 : i32 to index
            %get3A_475 = arith.constant 96 : index
            %get3A_476 = tpu.vector_load %arg6[%get3A_474, %get3A_475] {strides = array<i32>} : memref<64x128xf32, #tpu.memory_space<vmem>>, vector<16xf32>,
            %add3A_477 = arith.constant 7 : i32
            %add3A_478 = arith.addi %mul3A_115, %add3A_477 : i32
            %get3A_479 = arith.index_cast %add3A_478 : i32 to index
            %get3A_480 = arith.constant 112 : index
            %get3A_481 = tpu.vector_load %arg6[%get3A_479, %get3A_480] {strides = array<i32>} : memref<64x128xf32, #tpu.memory_space<vmem>>, vector<16xf32>,
            tpu.vector_store_idx %arg8[%add3A_71, %add3A_441], %get3A_446 : memref<128x129xf32, #tpu.memory_space<vmem>>[vector<16xi32>, vector<16xi32>], vector<16xf32>,
            tpu.vector_store_idx %arg8[%add3A_74, %add3A_441], %get3A_451 : memref<128x129xf32, #tpu.memory_space<vmem>>[vector<16xi32>, vector<16xi32>], vector<16xf32>,
            tpu.vector_store_idx %arg8[%add3A_77, %add3A_441], %get3A_456 : memref<128x129xf32, #tpu.memory_space<vmem>>[vector<16xi32>, vector<16xi32>], vector<16xf32>,
            tpu.vector_store_idx %arg8[%add3A_80, %add3A_441], %get3A_461 : memref<128x129xf32, #tpu.memory_space<vmem>>[vector<16xi32>, vector<16xi32>], vector<16xf32>,
            tpu.vector_store_idx %arg8[%add3A_83, %add3A_441], %get3A_466 : memref<128x129xf32, #tpu.memory_space<vmem>>[vector<16xi32>, vector<16xi32>], vector<16xf32>,
            tpu.vector_store_idx %arg8[%add3A_86, %add3A_441], %get3A_471 : memref<128x129xf32, #tpu.memory_space<vmem>>[vector<16xi32>, vector<16xi32>], vector<16xf32>,
            tpu.vector_store_idx %arg8[%add3A_89, %add3A_441], %get3A_476 : memref<128x129xf32, #tpu.memory_space<vmem>>[vector<16xi32>, vector<16xi32>], vector<16xf32>,
            tpu.vector_store_idx %arg8[%add3A_92, %add3A_441], %get3A_481 : memref<128x129xf32, #tpu.memory_space<vmem>>[vector<16xi32>, vector<16xi32>], vector<16xf32>,
          }
          %scan3A_97 = arith.constant 8 : i32
          %mul3A_98 = arith.constant 32 : i32
          %mul3A_99 = arith.muli %while3A_40, %mul3A_98 : i32
          %add3A_100 = arith.addi %add3A, %mul3A_99 : i32
          %mul3A_101 = arith.constant 128 : i32
          %mul3A_102 = arith.muli %add3A_100, %mul3A_101 : i32
          %dma_start3A_103 = arith.constant 0 : i32
          %dma_start3A_104 = arith.constant 0 : i32
          %dma_start3A_105 = tpu.memref_slice %arg8[%dma_start3A_103, %dma_start3A_104] : memref<128x129xf32, #tpu.memory_space<vmem>> -> memref<128x128xf32, #tpu.memory_space<vmem>>
          %dma_start3A_106 = arith.constant 0 : i32
          %dma_start3A_107 = tpu.memref_slice %arg4[%mul3A_102, %dma_start3A_106] : memref<1000064x128xf32, #tpu.memory_space<hbm>> -> memref<128x128xf32, #tpu.memory_space<hbm>>
          %dma_start3A_108 = arith.constant 0 : i32
          %dma_start3A_109 = tpu.memref_slice %arg4[%mul3A_102, %dma_start3A_108] : memref<1000064x128xf32, #tpu.memory_space<hbm>> -> memref<128x128xf32, #tpu.memory_space<hbm>>
          %dma_start3A_110 = arith.constant 0 : i32
          %dma_start3A_111 = arith.constant 0 : i32
          %dma_start3A_112 = tpu.memref_slice %arg8[%dma_start3A_110, %dma_start3A_111] : memref<128x129xf32, #tpu.memory_space<vmem>> -> memref<128x128xf32, #tpu.memory_space<vmem>>
          tpu.enqueue_dma source(%dma_start3A_112 : memref<128x128xf32, #tpu.memory_space<vmem>>) target(%dma_start3A_109 : memref<128x128xf32, #tpu.memory_space<hbm>>) target_semaphore(%arg12 : memref<!tpu.dma_semaphore, #tpu.memory_space<semaphore_mem>>)
        } else {
        }
      }
      %while3A_29 = arith.constant 1 : i32
      scf.for %while3A_40 = %while3A_27 to %while3A_23 step %while3A_29  : i32 {
        %rem3A = arith.constant 2 : i32
        %rem3A_41 = arith.remsi %while3A_40, %rem3A : i32
        %eq3A_42 = arith.constant 0 : i32
        %eq3A_43 = arith.cmpi eq, %rem3A_41, %eq3A_42 : i32
        %convert_element_type3A_44 = arith.extui %eq3A_43 : i1 to i32
        %cond3A_45 = arith.constant 0 : i32
        %cond3A_46 = arith.cmpi ne, %convert_element_type3A_44, %cond3A_45 : i32
        scf.if %cond3A_46 {
          %add3A_54 = arith.constant 1 : i32
          %add3A_55 = arith.addi %while3A_40, %add3A_54 : i32
          %lt3A_56 = arith.cmpi slt, %add3A_55, %add3A_4 : i32
          %convert_element_type3A_57 = arith.extui %lt3A_56 : i1 to i32
          %cond3A_58 = arith.constant 0 : i32
          %cond3A_59 = arith.cmpi ne, %convert_element_type3A_57, %cond3A_58 : i32
          scf.if %cond3A_59 {
            %add3A_113 = arith.constant 1 : i32
            %add3A_114 = arith.addi %while3A_40, %add3A_113 : i32
            %mul3A_115 = arith.constant 32 : i32
            %mul3A_116 = arith.muli %add3A_114, %mul3A_115 : i32
            %add3A_117 = arith.addi %add3A, %mul3A_116 : i32
            %mul3A_118 = arith.constant 128 : i32
            %mul3A_119 = arith.muli %add3A_117, %mul3A_118 : i32
            %dma_start3A_120 = arith.constant 0 : i32
            %dma_start3A_121 = tpu.memref_slice %arg2[%dma_start3A_120, %mul3A_119] : memref<64x1000000xf32, #tpu.memory_space<hbm>> -> memref<64x128xf32, #tpu.memory_space<hbm>>
            %dma_start3A_122 = arith.constant 0 : i32
            %dma_start3A_123 = tpu.memref_slice %arg2[%dma_start3A_122, %mul3A_119] : memref<64x1000000xf32, #tpu.memory_space<hbm>> -> memref<64x128xf32, #tpu.memory_space<hbm>>
            tpu.enqueue_dma source(%dma_start3A_123 : memref<64x128xf32, #tpu.memory_space<hbm>>) target(%arg6 : memref<64x128xf32, #tpu.memory_space<vmem>>) target_semaphore(%arg10 : memref<!tpu.dma_semaphore, #tpu.memory_space<semaphore_mem>>)
          } else {
          }
          %dma_wait3A = arith.constant 0 : i32
          %dma_wait3A_60 = arith.constant 0 : i32
          %dma_wait3A_61 = tpu.memref_slice %arg2[%dma_wait3A, %dma_wait3A_60] : memref<64x1000000xf32, #tpu.memory_space<hbm>> -> memref<64x128xf32, #tpu.memory_space<hbm>>
          %dma_wait3A_62 = arith.constant 0 : i32
          %dma_wait3A_63 = arith.constant 0 : i32
          %dma_wait3A_64 = tpu.memref_slice %arg2[%dma_wait3A_62, %dma_wait3A_63] : memref<64x1000000xf32, #tpu.memory_space<hbm>> -> memref<64x128xf32, #tpu.memory_space<hbm>>
          tpu.wait_dma2 semaphore(%arg9 : memref<!tpu.dma_semaphore, #tpu.memory_space<semaphore_mem>>) src(%dma_wait3A_64 : memref<64x128xf32, #tpu.memory_space<hbm>>) dst(%arg5 : memref<64x128xf32, #tpu.memory_space<vmem>>)
          %ge3A = arith.constant 2 : i32
          %ge3A_65 = arith.cmpi sge, %while3A_40, %ge3A : i32
          %convert_element_type3A_66 = arith.extui %ge3A_65 : i1 to i32
          %cond3A_67 = arith.constant 0 : i32
          %cond3A_68 = arith.cmpi ne, %convert_element_type3A_66, %cond3A_67 : i32
          scf.if %cond3A_68 {
            %dma_wait3A_113 = arith.constant 0 : i32
            %dma_wait3A_114 = arith.constant 0 : i32
            %dma_wait3A_115 = tpu.memref_slice %arg7[%dma_wait3A_113, %dma_wait3A_114] : memref<128x129xf32, #tpu.memory_space<vmem>> -> memref<128x128xf32, #tpu.memory_space<vmem>>
            %dma_wait3A_116 = arith.constant 0 : i32
            %dma_wait3A_117 = arith.constant 0 : i32
            %dma_wait3A_118 = tpu.memref_slice %arg4[%dma_wait3A_116, %dma_wait3A_117] : memref<1000064x128xf32, #tpu.memory_space<hbm>> -> memref<128x128xf32, #tpu.memory_space<hbm>>
            %dma_wait3A_119 = arith.constant 0 : i32
            %dma_wait3A_120 = arith.constant 0 : i32
            %dma_wait3A_121 = tpu.memref_slice %arg4[%dma_wait3A_119, %dma_wait3A_120] : memref<1000064x128xf32, #tpu.memory_space<hbm>> -> memref<128x128xf32, #tpu.memory_space<hbm>>
            %dma_wait3A_122 = arith.constant 0 : i32
            %dma_wait3A_123 = arith.constant 0 : i32
            %dma_wait3A_124 = tpu.memref_slice %arg7[%dma_wait3A_122, %dma_wait3A_123] : memref<128x129xf32, #tpu.memory_space<vmem>> -> memref<128x128xf32, #tpu.memory_space<vmem>>
            tpu.wait_dma2 semaphore(%arg11 : memref<!tpu.dma_semaphore, #tpu.memory_space<semaphore_mem>>) src(%dma_wait3A_124 : memref<128x128xf32, #tpu.memory_space<vmem>>) dst(%dma_wait3A_121 : memref<128x128xf32, #tpu.memory_space<hbm>>)
          } else {
          }
          %add3A_69 = arith.constant 0 : i32
          %add3A_70 = vector.broadcast %add3A_69 : i32 to vector<16xi32>
          %add3A_71 = arith.addi %iota3A, %add3A_70 : vector<16xi32>
          %add3A_72 = arith.constant 16 : i32
          %add3A_73 = vector.broadcast %add3A_72 : i32 to vector<16xi32>
          %add3A_74 = arith.addi %iota3A, %add3A_73 : vector<16xi32>
          %add3A_75 = arith.constant 32 : i32
          %add3A_76 = vector.broadcast %add3A_75 : i32 to vector<16xi32>
          %add3A_77 = arith.addi %iota3A, %add3A_76 : vector<16xi32>
          %add3A_78 = arith.constant 48 : i32
          %add3A_79 = vector.broadcast %add3A_78 : i32 to vector<16xi32>
          %add3A_80 = arith.addi %iota3A, %add3A_79 : vector<16xi32>
          %add3A_81 = arith.constant 64 : i32
          %add3A_82 = vector.broadcast %add3A_81 : i32 to vector<16xi32>
          %add3A_83 = arith.addi %iota3A, %add3A_82 : vector<16xi32>
          %add3A_84 = arith.constant 80 : i32
          %add3A_85 = vector.broadcast %add3A_84 : i32 to vector<16xi32>
          %add3A_86 = arith.addi %iota3A, %add3A_85 : vector<16xi32>
          %add3A_87 = arith.constant 96 : i32
          %add3A_88 = vector.broadcast %add3A_87 : i32 to vector<16xi32>
          %add3A_89 = arith.addi %iota3A, %add3A_88 : vector<16xi32>
          %add3A_90 = arith.constant 112 : i32
          %add3A_91 = vector.broadcast %add3A_90 : i32 to vector<16xi32>
          %add3A_92 = arith.addi %iota3A, %add3A_91 : vector<16xi32>
          %scan3A = arith.constant 0 : i32
          %scan3A_93 = arith.constant 0 : i32
          %scan3A_94 = arith.constant 8 : i32
          %scan3A_95 = arith.addi %scan3A_93, %scan3A_94 : i32
          %scan3A_96 = arith.constant 1 : i32
          scf.for %scan3A_113 = %scan3A_93 to %scan3A_95 step %scan3A_96  : i32 {
            %mul3A_114 = arith.constant 8 : i32
            %mul3A_115 = arith.muli %scan3A_113, %mul3A_114 : i32
            %broadcast_in_dim3A = arith.constant 0 : i32
            %broadcast_in_dim3A_116 = vector.broadcast %broadcast_in_dim3A : i32 to vector<16xi32>
            %add3A_117 = arith.constant 0 : i32
            %add3A_118 = arith.addi %mul3A_115, %add3A_117 : i32
            %add3A_119 = vector.broadcast %add3A_118 : i32 to vector<16xi32>
            %add3A_120 = arith.addi %broadcast_in_dim3A_116, %add3A_119 : vector<16xi32>
            %add3A_121 = arith.constant 0 : i32
            %add3A_122 = arith.addi %mul3A_115, %add3A_121 : i32
            %get3A = arith.index_cast %add3A_122 : i32 to index
            %get3A_123 = arith.constant 0 : index
            %get3A_124 = tpu.vector_load %arg5[%get3A, %get3A_123] {strides = array<i32>} : memref<64x128xf32, #tpu.memory_space<vmem>>, vector<16xf32>,
            %add3A_125 = arith.constant 0 : i32
            %add3A_126 = arith.addi %mul3A_115, %add3A_125 : i32
            %get3A_127 = arith.index_cast %add3A_126 : i32 to index
            %get3A_128 = arith.constant 16 : index
            %get3A_129 = tpu.vector_load %arg5[%get3A_127, %get3A_128] {strides = array<i32>} : memref<64x128xf32, #tpu.memory_space<vmem>>, vector<16xf32>,
            %add3A_130 = arith.constant 0 : i32
            %add3A_131 = arith.addi %mul3A_115, %add3A_130 : i32
            %get3A_132 = arith.index_cast %add3A_131 : i32 to index
            %get3A_133 = arith.constant 32 : index
            %get3A_134 = tpu.vector_load %arg5[%get3A_132, %get3A_133] {strides = array<i32>} : memref<64x128xf32, #tpu.memory_space<vmem>>, vector<16xf32>,
            %add3A_135 = arith.constant 0 : i32
            %add3A_136 = arith.addi %mul3A_115, %add3A_135 : i32
            %get3A_137 = arith.index_cast %add3A_136 : i32 to index
            %get3A_138 = arith.constant 48 : index
            %get3A_139 = tpu.vector_load %arg5[%get3A_137, %get3A_138] {strides = array<i32>} : memref<64x128xf32, #tpu.memory_space<vmem>>, vector<16xf32>,
            %add3A_140 = arith.constant 0 : i32
            %add3A_141 = arith.addi %mul3A_115, %add3A_140 : i32
            %get3A_142 = arith.index_cast %add3A_141 : i32 to index
            %get3A_143 = arith.constant 64 : index
            %get3A_144 = tpu.vector_load %arg5[%get3A_142, %get3A_143] {strides = array<i32>} : memref<64x128xf32, #tpu.memory_space<vmem>>, vector<16xf32>,
            %add3A_145 = arith.constant 0 : i32
            %add3A_146 = arith.addi %mul3A_115, %add3A_145 : i32
            %get3A_147 = arith.index_cast %add3A_146 : i32 to index
            %get3A_148 = arith.constant 80 : index
            %get3A_149 = tpu.vector_load %arg5[%get3A_147, %get3A_148] {strides = array<i32>} : memref<64x128xf32, #tpu.memory_space<vmem>>, vector<16xf32>,
            %add3A_150 = arith.constant 0 : i32
            %add3A_151 = arith.addi %mul3A_115, %add3A_150 : i32
            %get3A_152 = arith.index_cast %add3A_151 : i32 to index
            %get3A_153 = arith.constant 96 : index
            %get3A_154 = tpu.vector_load %arg5[%get3A_152, %get3A_153] {strides = array<i32>} : memref<64x128xf32, #tpu.memory_space<vmem>>, vector<16xf32>,
            %add3A_155 = arith.constant 0 : i32
            %add3A_156 = arith.addi %mul3A_115, %add3A_155 : i32
            %get3A_157 = arith.index_cast %add3A_156 : i32 to index
            %get3A_158 = arith.constant 112 : index
            %get3A_159 = tpu.vector_load %arg5[%get3A_157, %get3A_158] {strides = array<i32>} : memref<64x128xf32, #tpu.memory_space<vmem>>, vector<16xf32>,
            tpu.vector_store_idx %arg7[%add3A_71, %add3A_120], %get3A_124 : memref<128x129xf32, #tpu.memory_space<vmem>>[vector<16xi32>, vector<16xi32>], vector<16xf32>,
            tpu.vector_store_idx %arg7[%add3A_74, %add3A_120], %get3A_129 : memref<128x129xf32, #tpu.memory_space<vmem>>[vector<16xi32>, vector<16xi32>], vector<16xf32>,
            tpu.vector_store_idx %arg7[%add3A_77, %add3A_120], %get3A_134 : memref<128x129xf32, #tpu.memory_space<vmem>>[vector<16xi32>, vector<16xi32>], vector<16xf32>,
            tpu.vector_store_idx %arg7[%add3A_80, %add3A_120], %get3A_139 : memref<128x129xf32, #tpu.memory_space<vmem>>[vector<16xi32>, vector<16xi32>], vector<16xf32>,
            tpu.vector_store_idx %arg7[%add3A_83, %add3A_120], %get3A_144 : memref<128x129xf32, #tpu.memory_space<vmem>>[vector<16xi32>, vector<16xi32>], vector<16xf32>,
            tpu.vector_store_idx %arg7[%add3A_86, %add3A_120], %get3A_149 : memref<128x129xf32, #tpu.memory_space<vmem>>[vector<16xi32>, vector<16xi32>], vector<16xf32>,
            tpu.vector_store_idx %arg7[%add3A_89, %add3A_120], %get3A_154 : memref<128x129xf32, #tpu.memory_space<vmem>>[vector<16xi32>, vector<16xi32>], vector<16xf32>,
            tpu.vector_store_idx %arg7[%add3A_92, %add3A_120], %get3A_159 : memref<128x129xf32, #tpu.memory_space<vmem>>[vector<16xi32>, vector<16xi32>], vector<16xf32>,
            %broadcast_in_dim3A_160 = arith.constant 0 : i32
            %broadcast_in_dim3A_161 = vector.broadcast %broadcast_in_dim3A_160 : i32 to vector<16xi32>
            %add3A_162 = arith.constant 1 : i32
            %add3A_163 = arith.addi %mul3A_115, %add3A_162 : i32
            %add3A_164 = vector.broadcast %add3A_163 : i32 to vector<16xi32>
            %add3A_165 = arith.addi %broadcast_in_dim3A_161, %add3A_164 : vector<16xi32>
            %add3A_166 = arith.constant 1 : i32
            %add3A_167 = arith.addi %mul3A_115, %add3A_166 : i32
            %get3A_168 = arith.index_cast %add3A_167 : i32 to index
            %get3A_169 = arith.constant 0 : index
            %get3A_170 = tpu.vector_load %arg5[%get3A_168, %get3A_169] {strides = array<i32>} : memref<64x128xf32, #tpu.memory_space<vmem>>, vector<16xf32>,
            %add3A_171 = arith.constant 1 : i32
            %add3A_172 = arith.addi %mul3A_115, %add3A_171 : i32
            %get3A_173 = arith.index_cast %add3A_172 : i32 to index
            %get3A_174 = arith.constant 16 : index
            %get3A_175 = tpu.vector_load %arg5[%get3A_173, %get3A_174] {strides = array<i32>} : memref<64x128xf32, #tpu.memory_space<vmem>>, vector<16xf32>,
            %add3A_176 = arith.constant 1 : i32
            %add3A_177 = arith.addi %mul3A_115, %add3A_176 : i32
            %get3A_178 = arith.index_cast %add3A_177 : i32 to index
            %get3A_179 = arith.constant 32 : index
            %get3A_180 = tpu.vector_load %arg5[%get3A_178, %get3A_179] {strides = array<i32>} : memref<64x128xf32, #tpu.memory_space<vmem>>, vector<16xf32>,
            %add3A_181 = arith.constant 1 : i32
            %add3A_182 = arith.addi %mul3A_115, %add3A_181 : i32
            %get3A_183 = arith.index_cast %add3A_182 : i32 to index
            %get3A_184 = arith.constant 48 : index
            %get3A_185 = tpu.vector_load %arg5[%get3A_183, %get3A_184] {strides = array<i32>} : memref<64x128xf32, #tpu.memory_space<vmem>>, vector<16xf32>,
            %add3A_186 = arith.constant 1 : i32
            %add3A_187 = arith.addi %mul3A_115, %add3A_186 : i32
            %get3A_188 = arith.index_cast %add3A_187 : i32 to index
            %get3A_189 = arith.constant 64 : index
            %get3A_190 = tpu.vector_load %arg5[%get3A_188, %get3A_189] {strides = array<i32>} : memref<64x128xf32, #tpu.memory_space<vmem>>, vector<16xf32>,
            %add3A_191 = arith.constant 1 : i32
            %add3A_192 = arith.addi %mul3A_115, %add3A_191 : i32
            %get3A_193 = arith.index_cast %add3A_192 : i32 to index
            %get3A_194 = arith.constant 80 : index
            %get3A_195 = tpu.vector_load %arg5[%get3A_193, %get3A_194] {strides = array<i32>} : memref<64x128xf32, #tpu.memory_space<vmem>>, vector<16xf32>,
            %add3A_196 = arith.constant 1 : i32
            %add3A_197 = arith.addi %mul3A_115, %add3A_196 : i32
            %get3A_198 = arith.index_cast %add3A_197 : i32 to index
            %get3A_199 = arith.constant 96 : index
            %get3A_200 = tpu.vector_load %arg5[%get3A_198, %get3A_199] {strides = array<i32>} : memref<64x128xf32, #tpu.memory_space<vmem>>, vector<16xf32>,
            %add3A_201 = arith.constant 1 : i32
            %add3A_202 = arith.addi %mul3A_115, %add3A_201 : i32
            %get3A_203 = arith.index_cast %add3A_202 : i32 to index
            %get3A_204 = arith.constant 112 : index
            %get3A_205 = tpu.vector_load %arg5[%get3A_203, %get3A_204] {strides = array<i32>} : memref<64x128xf32, #tpu.memory_space<vmem>>, vector<16xf32>,
            tpu.vector_store_idx %arg7[%add3A_71, %add3A_165], %get3A_170 : memref<128x129xf32, #tpu.memory_space<vmem>>[vector<16xi32>, vector<16xi32>], vector<16xf32>,
            tpu.vector_store_idx %arg7[%add3A_74, %add3A_165], %get3A_175 : memref<128x129xf32, #tpu.memory_space<vmem>>[vector<16xi32>, vector<16xi32>], vector<16xf32>,
            tpu.vector_store_idx %arg7[%add3A_77, %add3A_165], %get3A_180 : memref<128x129xf32, #tpu.memory_space<vmem>>[vector<16xi32>, vector<16xi32>], vector<16xf32>,
            tpu.vector_store_idx %arg7[%add3A_80, %add3A_165], %get3A_185 : memref<128x129xf32, #tpu.memory_space<vmem>>[vector<16xi32>, vector<16xi32>], vector<16xf32>,
            tpu.vector_store_idx %arg7[%add3A_83, %add3A_165], %get3A_190 : memref<128x129xf32, #tpu.memory_space<vmem>>[vector<16xi32>, vector<16xi32>], vector<16xf32>,
            tpu.vector_store_idx %arg7[%add3A_86, %add3A_165], %get3A_195 : memref<128x129xf32, #tpu.memory_space<vmem>>[vector<16xi32>, vector<16xi32>], vector<16xf32>,
            tpu.vector_store_idx %arg7[%add3A_89, %add3A_165], %get3A_200 : memref<128x129xf32, #tpu.memory_space<vmem>>[vector<16xi32>, vector<16xi32>], vector<16xf32>,
            tpu.vector_store_idx %arg7[%add3A_92, %add3A_165], %get3A_205 : memref<128x129xf32, #tpu.memory_space<vmem>>[vector<16xi32>, vector<16xi32>], vector<16xf32>,
            %broadcast_in_dim3A_206 = arith.constant 0 : i32
            %broadcast_in_dim3A_207 = vector.broadcast %broadcast_in_dim3A_206 : i32 to vector<16xi32>
            %add3A_208 = arith.constant 2 : i32
            %add3A_209 = arith.addi %mul3A_115, %add3A_208 : i32
            %add3A_210 = vector.broadcast %add3A_209 : i32 to vector<16xi32>
            %add3A_211 = arith.addi %broadcast_in_dim3A_207, %add3A_210 : vector<16xi32>
            %add3A_212 = arith.constant 2 : i32
            %add3A_213 = arith.addi %mul3A_115, %add3A_212 : i32
            %get3A_214 = arith.index_cast %add3A_213 : i32 to index
            %get3A_215 = arith.constant 0 : index
            %get3A_216 = tpu.vector_load %arg5[%get3A_214, %get3A_215] {strides = array<i32>} : memref<64x128xf32, #tpu.memory_space<vmem>>, vector<16xf32>,
            %add3A_217 = arith.constant 2 : i32
            %add3A_218 = arith.addi %mul3A_115, %add3A_217 : i32
            %get3A_219 = arith.index_cast %add3A_218 : i32 to index
            %get3A_220 = arith.constant 16 : index
            %get3A_221 = tpu.vector_load %arg5[%get3A_219, %get3A_220] {strides = array<i32>} : memref<64x128xf32, #tpu.memory_space<vmem>>, vector<16xf32>,
            %add3A_222 = arith.constant 2 : i32
            %add3A_223 = arith.addi %mul3A_115, %add3A_222 : i32
            %get3A_224 = arith.index_cast %add3A_223 : i32 to index
            %get3A_225 = arith.constant 32 : index
            %get3A_226 = tpu.vector_load %arg5[%get3A_224, %get3A_225] {strides = array<i32>} : memref<64x128xf32, #tpu.memory_space<vmem>>, vector<16xf32>,
            %add3A_227 = arith.constant 2 : i32
            %add3A_228 = arith.addi %mul3A_115, %add3A_227 : i32
            %get3A_229 = arith.index_cast %add3A_228 : i32 to index
            %get3A_230 = arith.constant 48 : index
            %get3A_231 = tpu.vector_load %arg5[%get3A_229, %get3A_230] {strides = array<i32>} : memref<64x128xf32, #tpu.memory_space<vmem>>, vector<16xf32>,
            %add3A_232 = arith.constant 2 : i32
            %add3A_233 = arith.addi %mul3A_115, %add3A_232 : i32
            %get3A_234 = arith.index_cast %add3A_233 : i32 to index
            %get3A_235 = arith.constant 64 : index
            %get3A_236 = tpu.vector_load %arg5[%get3A_234, %get3A_235] {strides = array<i32>} : memref<64x128xf32, #tpu.memory_space<vmem>>, vector<16xf32>,
            %add3A_237 = arith.constant 2 : i32
            %add3A_238 = arith.addi %mul3A_115, %add3A_237 : i32
            %get3A_239 = arith.index_cast %add3A_238 : i32 to index
            %get3A_240 = arith.constant 80 : index
            %get3A_241 = tpu.vector_load %arg5[%get3A_239, %get3A_240] {strides = array<i32>} : memref<64x128xf32, #tpu.memory_space<vmem>>, vector<16xf32>,
            %add3A_242 = arith.constant 2 : i32
            %add3A_243 = arith.addi %mul3A_115, %add3A_242 : i32
            %get3A_244 = arith.index_cast %add3A_243 : i32 to index
            %get3A_245 = arith.constant 96 : index
            %get3A_246 = tpu.vector_load %arg5[%get3A_244, %get3A_245] {strides = array<i32>} : memref<64x128xf32, #tpu.memory_space<vmem>>, vector<16xf32>,
            %add3A_247 = arith.constant 2 : i32
            %add3A_248 = arith.addi %mul3A_115, %add3A_247 : i32
            %get3A_249 = arith.index_cast %add3A_248 : i32 to index
            %get3A_250 = arith.constant 112 : index
            %get3A_251 = tpu.vector_load %arg5[%get3A_249, %get3A_250] {strides = array<i32>} : memref<64x128xf32, #tpu.memory_space<vmem>>, vector<16xf32>,
            tpu.vector_store_idx %arg7[%add3A_71, %add3A_211], %get3A_216 : memref<128x129xf32, #tpu.memory_space<vmem>>[vector<16xi32>, vector<16xi32>], vector<16xf32>,
            tpu.vector_store_idx %arg7[%add3A_74, %add3A_211], %get3A_221 : memref<128x129xf32, #tpu.memory_space<vmem>>[vector<16xi32>, vector<16xi32>], vector<16xf32>,
            tpu.vector_store_idx %arg7[%add3A_77, %add3A_211], %get3A_226 : memref<128x129xf32, #tpu.memory_space<vmem>>[vector<16xi32>, vector<16xi32>], vector<16xf32>,
            tpu.vector_store_idx %arg7[%add3A_80, %add3A_211], %get3A_231 : memref<128x129xf32, #tpu.memory_space<vmem>>[vector<16xi32>, vector<16xi32>], vector<16xf32>,
            tpu.vector_store_idx %arg7[%add3A_83, %add3A_211], %get3A_236 : memref<128x129xf32, #tpu.memory_space<vmem>>[vector<16xi32>, vector<16xi32>], vector<16xf32>,
            tpu.vector_store_idx %arg7[%add3A_86, %add3A_211], %get3A_241 : memref<128x129xf32, #tpu.memory_space<vmem>>[vector<16xi32>, vector<16xi32>], vector<16xf32>,
            tpu.vector_store_idx %arg7[%add3A_89, %add3A_211], %get3A_246 : memref<128x129xf32, #tpu.memory_space<vmem>>[vector<16xi32>, vector<16xi32>], vector<16xf32>,
            tpu.vector_store_idx %arg7[%add3A_92, %add3A_211], %get3A_251 : memref<128x129xf32, #tpu.memory_space<vmem>>[vector<16xi32>, vector<16xi32>], vector<16xf32>,
            %broadcast_in_dim3A_252 = arith.constant 0 : i32
            %broadcast_in_dim3A_253 = vector.broadcast %broadcast_in_dim3A_252 : i32 to vector<16xi32>
            %add3A_254 = arith.constant 3 : i32
            %add3A_255 = arith.addi %mul3A_115, %add3A_254 : i32
            %add3A_256 = vector.broadcast %add3A_255 : i32 to vector<16xi32>
            %add3A_257 = arith.addi %broadcast_in_dim3A_253, %add3A_256 : vector<16xi32>
            %add3A_258 = arith.constant 3 : i32
            %add3A_259 = arith.addi %mul3A_115, %add3A_258 : i32
            %get3A_260 = arith.index_cast %add3A_259 : i32 to index
            %get3A_261 = arith.constant 0 : index
            %get3A_262 = tpu.vector_load %arg5[%get3A_260, %get3A_261] {strides = array<i32>} : memref<64x128xf32, #tpu.memory_space<vmem>>, vector<16xf32>,
            %add3A_263 = arith.constant 3 : i32
            %add3A_264 = arith.addi %mul3A_115, %add3A_263 : i32
            %get3A_265 = arith.index_cast %add3A_264 : i32 to index
            %get3A_266 = arith.constant 16 : index
            %get3A_267 = tpu.vector_load %arg5[%get3A_265, %get3A_266] {strides = array<i32>} : memref<64x128xf32, #tpu.memory_space<vmem>>, vector<16xf32>,
            %add3A_268 = arith.constant 3 : i32
            %add3A_269 = arith.addi %mul3A_115, %add3A_268 : i32
            %get3A_270 = arith.index_cast %add3A_269 : i32 to index
            %get3A_271 = arith.constant 32 : index
            %get3A_272 = tpu.vector_load %arg5[%get3A_270, %get3A_271] {strides = array<i32>} : memref<64x128xf32, #tpu.memory_space<vmem>>, vector<16xf32>,
            %add3A_273 = arith.constant 3 : i32
            %add3A_274 = arith.addi %mul3A_115, %add3A_273 : i32
            %get3A_275 = arith.index_cast %add3A_274 : i32 to index
            %get3A_276 = arith.constant 48 : index
            %get3A_277 = tpu.vector_load %arg5[%get3A_275, %get3A_276] {strides = array<i32>} : memref<64x128xf32, #tpu.memory_space<vmem>>, vector<16xf32>,
            %add3A_278 = arith.constant 3 : i32
            %add3A_279 = arith.addi %mul3A_115, %add3A_278 : i32
            %get3A_280 = arith.index_cast %add3A_279 : i32 to index
            %get3A_281 = arith.constant 64 : index
            %get3A_282 = tpu.vector_load %arg5[%get3A_280, %get3A_281] {strides = array<i32>} : memref<64x128xf32, #tpu.memory_space<vmem>>, vector<16xf32>,
            %add3A_283 = arith.constant 3 : i32
            %add3A_284 = arith.addi %mul3A_115, %add3A_283 : i32
            %get3A_285 = arith.index_cast %add3A_284 : i32 to index
            %get3A_286 = arith.constant 80 : index
            %get3A_287 = tpu.vector_load %arg5[%get3A_285, %get3A_286] {strides = array<i32>} : memref<64x128xf32, #tpu.memory_space<vmem>>, vector<16xf32>,
            %add3A_288 = arith.constant 3 : i32
            %add3A_289 = arith.addi %mul3A_115, %add3A_288 : i32
            %get3A_290 = arith.index_cast %add3A_289 : i32 to index
            %get3A_291 = arith.constant 96 : index
            %get3A_292 = tpu.vector_load %arg5[%get3A_290, %get3A_291] {strides = array<i32>} : memref<64x128xf32, #tpu.memory_space<vmem>>, vector<16xf32>,
            %add3A_293 = arith.constant 3 : i32
            %add3A_294 = arith.addi %mul3A_115, %add3A_293 : i32
            %get3A_295 = arith.index_cast %add3A_294 : i32 to index
            %get3A_296 = arith.constant 112 : index
            %get3A_297 = tpu.vector_load %arg5[%get3A_295, %get3A_296] {strides = array<i32>} : memref<64x128xf32, #tpu.memory_space<vmem>>, vector<16xf32>,
            tpu.vector_store_idx %arg7[%add3A_71, %add3A_257], %get3A_262 : memref<128x129xf32, #tpu.memory_space<vmem>>[vector<16xi32>, vector<16xi32>], vector<16xf32>,
            tpu.vector_store_idx %arg7[%add3A_74, %add3A_257], %get3A_267 : memref<128x129xf32, #tpu.memory_space<vmem>>[vector<16xi32>, vector<16xi32>], vector<16xf32>,
            tpu.vector_store_idx %arg7[%add3A_77, %add3A_257], %get3A_272 : memref<128x129xf32, #tpu.memory_space<vmem>>[vector<16xi32>, vector<16xi32>], vector<16xf32>,
            tpu.vector_store_idx %arg7[%add3A_80, %add3A_257], %get3A_277 : memref<128x129xf32, #tpu.memory_space<vmem>>[vector<16xi32>, vector<16xi32>], vector<16xf32>,
            tpu.vector_store_idx %arg7[%add3A_83, %add3A_257], %get3A_282 : memref<128x129xf32, #tpu.memory_space<vmem>>[vector<16xi32>, vector<16xi32>], vector<16xf32>,
            tpu.vector_store_idx %arg7[%add3A_86, %add3A_257], %get3A_287 : memref<128x129xf32, #tpu.memory_space<vmem>>[vector<16xi32>, vector<16xi32>], vector<16xf32>,
            tpu.vector_store_idx %arg7[%add3A_89, %add3A_257], %get3A_292 : memref<128x129xf32, #tpu.memory_space<vmem>>[vector<16xi32>, vector<16xi32>], vector<16xf32>,
            tpu.vector_store_idx %arg7[%add3A_92, %add3A_257], %get3A_297 : memref<128x129xf32, #tpu.memory_space<vmem>>[vector<16xi32>, vector<16xi32>], vector<16xf32>,
            %broadcast_in_dim3A_298 = arith.constant 0 : i32
            %broadcast_in_dim3A_299 = vector.broadcast %broadcast_in_dim3A_298 : i32 to vector<16xi32>
            %add3A_300 = arith.constant 4 : i32
            %add3A_301 = arith.addi %mul3A_115, %add3A_300 : i32
            %add3A_302 = vector.broadcast %add3A_301 : i32 to vector<16xi32>
            %add3A_303 = arith.addi %broadcast_in_dim3A_299, %add3A_302 : vector<16xi32>
            %add3A_304 = arith.constant 4 : i32
            %add3A_305 = arith.addi %mul3A_115, %add3A_304 : i32
            %get3A_306 = arith.index_cast %add3A_305 : i32 to index
            %get3A_307 = arith.constant 0 : index
            %get3A_308 = tpu.vector_load %arg5[%get3A_306, %get3A_307] {strides = array<i32>} : memref<64x128xf32, #tpu.memory_space<vmem>>, vector<16xf32>,
            %add3A_309 = arith.constant 4 : i32
            %add3A_310 = arith.addi %mul3A_115, %add3A_309 : i32
            %get3A_311 = arith.index_cast %add3A_310 : i32 to index
            %get3A_312 = arith.constant 16 : index
            %get3A_313 = tpu.vector_load %arg5[%get3A_311, %get3A_312] {strides = array<i32>} : memref<64x128xf32, #tpu.memory_space<vmem>>, vector<16xf32>,
            %add3A_314 = arith.constant 4 : i32
            %add3A_315 = arith.addi %mul3A_115, %add3A_314 : i32
            %get3A_316 = arith.index_cast %add3A_315 : i32 to index
            %get3A_317 = arith.constant 32 : index
            %get3A_318 = tpu.vector_load %arg5[%get3A_316, %get3A_317] {strides = array<i32>} : memref<64x128xf32, #tpu.memory_space<vmem>>, vector<16xf32>,
            %add3A_319 = arith.constant 4 : i32
            %add3A_320 = arith.addi %mul3A_115, %add3A_319 : i32
            %get3A_321 = arith.index_cast %add3A_320 : i32 to index
            %get3A_322 = arith.constant 48 : index
            %get3A_323 = tpu.vector_load %arg5[%get3A_321, %get3A_322] {strides = array<i32>} : memref<64x128xf32, #tpu.memory_space<vmem>>, vector<16xf32>,
            %add3A_324 = arith.constant 4 : i32
            %add3A_325 = arith.addi %mul3A_115, %add3A_324 : i32
            %get3A_326 = arith.index_cast %add3A_325 : i32 to index
            %get3A_327 = arith.constant 64 : index
            %get3A_328 = tpu.vector_load %arg5[%get3A_326, %get3A_327] {strides = array<i32>} : memref<64x128xf32, #tpu.memory_space<vmem>>, vector<16xf32>,
            %add3A_329 = arith.constant 4 : i32
            %add3A_330 = arith.addi %mul3A_115, %add3A_329 : i32
            %get3A_331 = arith.index_cast %add3A_330 : i32 to index
            %get3A_332 = arith.constant 80 : index
            %get3A_333 = tpu.vector_load %arg5[%get3A_331, %get3A_332] {strides = array<i32>} : memref<64x128xf32, #tpu.memory_space<vmem>>, vector<16xf32>,
            %add3A_334 = arith.constant 4 : i32
            %add3A_335 = arith.addi %mul3A_115, %add3A_334 : i32
            %get3A_336 = arith.index_cast %add3A_335 : i32 to index
            %get3A_337 = arith.constant 96 : index
            %get3A_338 = tpu.vector_load %arg5[%get3A_336, %get3A_337] {strides = array<i32>} : memref<64x128xf32, #tpu.memory_space<vmem>>, vector<16xf32>,
            %add3A_339 = arith.constant 4 : i32
            %add3A_340 = arith.addi %mul3A_115, %add3A_339 : i32
            %get3A_341 = arith.index_cast %add3A_340 : i32 to index
            %get3A_342 = arith.constant 112 : index
            %get3A_343 = tpu.vector_load %arg5[%get3A_341, %get3A_342] {strides = array<i32>} : memref<64x128xf32, #tpu.memory_space<vmem>>, vector<16xf32>,
            tpu.vector_store_idx %arg7[%add3A_71, %add3A_303], %get3A_308 : memref<128x129xf32, #tpu.memory_space<vmem>>[vector<16xi32>, vector<16xi32>], vector<16xf32>,
            tpu.vector_store_idx %arg7[%add3A_74, %add3A_303], %get3A_313 : memref<128x129xf32, #tpu.memory_space<vmem>>[vector<16xi32>, vector<16xi32>], vector<16xf32>,
            tpu.vector_store_idx %arg7[%add3A_77, %add3A_303], %get3A_318 : memref<128x129xf32, #tpu.memory_space<vmem>>[vector<16xi32>, vector<16xi32>], vector<16xf32>,
            tpu.vector_store_idx %arg7[%add3A_80, %add3A_303], %get3A_323 : memref<128x129xf32, #tpu.memory_space<vmem>>[vector<16xi32>, vector<16xi32>], vector<16xf32>,
            tpu.vector_store_idx %arg7[%add3A_83, %add3A_303], %get3A_328 : memref<128x129xf32, #tpu.memory_space<vmem>>[vector<16xi32>, vector<16xi32>], vector<16xf32>,
            tpu.vector_store_idx %arg7[%add3A_86, %add3A_303], %get3A_333 : memref<128x129xf32, #tpu.memory_space<vmem>>[vector<16xi32>, vector<16xi32>], vector<16xf32>,
            tpu.vector_store_idx %arg7[%add3A_89, %add3A_303], %get3A_338 : memref<128x129xf32, #tpu.memory_space<vmem>>[vector<16xi32>, vector<16xi32>], vector<16xf32>,
            tpu.vector_store_idx %arg7[%add3A_92, %add3A_303], %get3A_343 : memref<128x129xf32, #tpu.memory_space<vmem>>[vector<16xi32>, vector<16xi32>], vector<16xf32>,
            %broadcast_in_dim3A_344 = arith.constant 0 : i32
            %broadcast_in_dim3A_345 = vector.broadcast %broadcast_in_dim3A_344 : i32 to vector<16xi32>
            %add3A_346 = arith.constant 5 : i32
            %add3A_347 = arith.addi %mul3A_115, %add3A_346 : i32
            %add3A_348 = vector.broadcast %add3A_347 : i32 to vector<16xi32>
            %add3A_349 = arith.addi %broadcast_in_dim3A_345, %add3A_348 : vector<16xi32>
            %add3A_350 = arith.constant 5 : i32
            %add3A_351 = arith.addi %mul3A_115, %add3A_350 : i32
            %get3A_352 = arith.index_cast %add3A_351 : i32 to index
            %get3A_353 = arith.constant 0 : index
            %get3A_354 = tpu.vector_load %arg5[%get3A_352, %get3A_353] {strides = array<i32>} : memref<64x128xf32, #tpu.memory_space<vmem>>, vector<16xf32>,
            %add3A_355 = arith.constant 5 : i32
            %add3A_356 = arith.addi %mul3A_115, %add3A_355 : i32
            %get3A_357 = arith.index_cast %add3A_356 : i32 to index
            %get3A_358 = arith.constant 16 : index
            %get3A_359 = tpu.vector_load %arg5[%get3A_357, %get3A_358] {strides = array<i32>} : memref<64x128xf32, #tpu.memory_space<vmem>>, vector<16xf32>,
            %add3A_360 = arith.constant 5 : i32
            %add3A_361 = arith.addi %mul3A_115, %add3A_360 : i32
            %get3A_362 = arith.index_cast %add3A_361 : i32 to index
            %get3A_363 = arith.constant 32 : index
            %get3A_364 = tpu.vector_load %arg5[%get3A_362, %get3A_363] {strides = array<i32>} : memref<64x128xf32, #tpu.memory_space<vmem>>, vector<16xf32>,
            %add3A_365 = arith.constant 5 : i32
            %add3A_366 = arith.addi %mul3A_115, %add3A_365 : i32
            %get3A_367 = arith.index_cast %add3A_366 : i32 to index
            %get3A_368 = arith.constant 48 : index
            %get3A_369 = tpu.vector_load %arg5[%get3A_367, %get3A_368] {strides = array<i32>} : memref<64x128xf32, #tpu.memory_space<vmem>>, vector<16xf32>,
            %add3A_370 = arith.constant 5 : i32
            %add3A_371 = arith.addi %mul3A_115, %add3A_370 : i32
            %get3A_372 = arith.index_cast %add3A_371 : i32 to index
            %get3A_373 = arith.constant 64 : index
            %get3A_374 = tpu.vector_load %arg5[%get3A_372, %get3A_373] {strides = array<i32>} : memref<64x128xf32, #tpu.memory_space<vmem>>, vector<16xf32>,
            %add3A_375 = arith.constant 5 : i32
            %add3A_376 = arith.addi %mul3A_115, %add3A_375 : i32
            %get3A_377 = arith.index_cast %add3A_376 : i32 to index
            %get3A_378 = arith.constant 80 : index
            %get3A_379 = tpu.vector_load %arg5[%get3A_377, %get3A_378] {strides = array<i32>} : memref<64x128xf32, #tpu.memory_space<vmem>>, vector<16xf32>,
            %add3A_380 = arith.constant 5 : i32
            %add3A_381 = arith.addi %mul3A_115, %add3A_380 : i32
            %get3A_382 = arith.index_cast %add3A_381 : i32 to index
            %get3A_383 = arith.constant 96 : index
            %get3A_384 = tpu.vector_load %arg5[%get3A_382, %get3A_383] {strides = array<i32>} : memref<64x128xf32, #tpu.memory_space<vmem>>, vector<16xf32>,
            %add3A_385 = arith.constant 5 : i32
            %add3A_386 = arith.addi %mul3A_115, %add3A_385 : i32
            %get3A_387 = arith.index_cast %add3A_386 : i32 to index
            %get3A_388 = arith.constant 112 : index
            %get3A_389 = tpu.vector_load %arg5[%get3A_387, %get3A_388] {strides = array<i32>} : memref<64x128xf32, #tpu.memory_space<vmem>>, vector<16xf32>,
            tpu.vector_store_idx %arg7[%add3A_71, %add3A_349], %get3A_354 : memref<128x129xf32, #tpu.memory_space<vmem>>[vector<16xi32>, vector<16xi32>], vector<16xf32>,
            tpu.vector_store_idx %arg7[%add3A_74, %add3A_349], %get3A_359 : memref<128x129xf32, #tpu.memory_space<vmem>>[vector<16xi32>, vector<16xi32>], vector<16xf32>,
            tpu.vector_store_idx %arg7[%add3A_77, %add3A_349], %get3A_364 : memref<128x129xf32, #tpu.memory_space<vmem>>[vector<16xi32>, vector<16xi32>], vector<16xf32>,
            tpu.vector_store_idx %arg7[%add3A_80, %add3A_349], %get3A_369 : memref<128x129xf32, #tpu.memory_space<vmem>>[vector<16xi32>, vector<16xi32>], vector<16xf32>,
            tpu.vector_store_idx %arg7[%add3A_83, %add3A_349], %get3A_374 : memref<128x129xf32, #tpu.memory_space<vmem>>[vector<16xi32>, vector<16xi32>], vector<16xf32>,
            tpu.vector_store_idx %arg7[%add3A_86, %add3A_349], %get3A_379 : memref<128x129xf32, #tpu.memory_space<vmem>>[vector<16xi32>, vector<16xi32>], vector<16xf32>,
            tpu.vector_store_idx %arg7[%add3A_89, %add3A_349], %get3A_384 : memref<128x129xf32, #tpu.memory_space<vmem>>[vector<16xi32>, vector<16xi32>], vector<16xf32>,
            tpu.vector_store_idx %arg7[%add3A_92, %add3A_349], %get3A_389 : memref<128x129xf32, #tpu.memory_space<vmem>>[vector<16xi32>, vector<16xi32>], vector<16xf32>,
            %broadcast_in_dim3A_390 = arith.constant 0 : i32
            %broadcast_in_dim3A_391 = vector.broadcast %broadcast_in_dim3A_390 : i32 to vector<16xi32>
            %add3A_392 = arith.constant 6 : i32
            %add3A_393 = arith.addi %mul3A_115, %add3A_392 : i32
            %add3A_394 = vector.broadcast %add3A_393 : i32 to vector<16xi32>
            %add3A_395 = arith.addi %broadcast_in_dim3A_391, %add3A_394 : vector<16xi32>
            %add3A_396 = arith.constant 6 : i32
            %add3A_397 = arith.addi %mul3A_115, %add3A_396 : i32
            %get3A_398 = arith.index_cast %add3A_397 : i32 to index
            %get3A_399 = arith.constant 0 : index
            %get3A_400 = tpu.vector_load %arg5[%get3A_398, %get3A_399] {strides = array<i32>} : memref<64x128xf32, #tpu.memory_space<vmem>>, vector<16xf32>,
            %add3A_401 = arith.constant 6 : i32
            %add3A_402 = arith.addi %mul3A_115, %add3A_401 : i32
            %get3A_403 = arith.index_cast %add3A_402 : i32 to index
            %get3A_404 = arith.constant 16 : index
            %get3A_405 = tpu.vector_load %arg5[%get3A_403, %get3A_404] {strides = array<i32>} : memref<64x128xf32, #tpu.memory_space<vmem>>, vector<16xf32>,
            %add3A_406 = arith.constant 6 : i32
            %add3A_407 = arith.addi %mul3A_115, %add3A_406 : i32
            %get3A_408 = arith.index_cast %add3A_407 : i32 to index
            %get3A_409 = arith.constant 32 : index
            %get3A_410 = tpu.vector_load %arg5[%get3A_408, %get3A_409] {strides = array<i32>} : memref<64x128xf32, #tpu.memory_space<vmem>>, vector<16xf32>,
            %add3A_411 = arith.constant 6 : i32
            %add3A_412 = arith.addi %mul3A_115, %add3A_411 : i32
            %get3A_413 = arith.index_cast %add3A_412 : i32 to index
            %get3A_414 = arith.constant 48 : index
            %get3A_415 = tpu.vector_load %arg5[%get3A_413, %get3A_414] {strides = array<i32>} : memref<64x128xf32, #tpu.memory_space<vmem>>, vector<16xf32>,
            %add3A_416 = arith.constant 6 : i32
            %add3A_417 = arith.addi %mul3A_115, %add3A_416 : i32
            %get3A_418 = arith.index_cast %add3A_417 : i32 to index
            %get3A_419 = arith.constant 64 : index
            %get3A_420 = tpu.vector_load %arg5[%get3A_418, %get3A_419] {strides = array<i32>} : memref<64x128xf32, #tpu.memory_space<vmem>>, vector<16xf32>,
            %add3A_421 = arith.constant 6 : i32
            %add3A_422 = arith.addi %mul3A_115, %add3A_421 : i32
            %get3A_423 = arith.index_cast %add3A_422 : i32 to index
            %get3A_424 = arith.constant 80 : index
            %get3A_425 = tpu.vector_load %arg5[%get3A_423, %get3A_424] {strides = array<i32>} : memref<64x128xf32, #tpu.memory_space<vmem>>, vector<16xf32>,
            %add3A_426 = arith.constant 6 : i32
            %add3A_427 = arith.addi %mul3A_115, %add3A_426 : i32
            %get3A_428 = arith.index_cast %add3A_427 : i32 to index
            %get3A_429 = arith.constant 96 : index
            %get3A_430 = tpu.vector_load %arg5[%get3A_428, %get3A_429] {strides = array<i32>} : memref<64x128xf32, #tpu.memory_space<vmem>>, vector<16xf32>,
            %add3A_431 = arith.constant 6 : i32
            %add3A_432 = arith.addi %mul3A_115, %add3A_431 : i32
            %get3A_433 = arith.index_cast %add3A_432 : i32 to index
            %get3A_434 = arith.constant 112 : index
            %get3A_435 = tpu.vector_load %arg5[%get3A_433, %get3A_434] {strides = array<i32>} : memref<64x128xf32, #tpu.memory_space<vmem>>, vector<16xf32>,
            tpu.vector_store_idx %arg7[%add3A_71, %add3A_395], %get3A_400 : memref<128x129xf32, #tpu.memory_space<vmem>>[vector<16xi32>, vector<16xi32>], vector<16xf32>,
            tpu.vector_store_idx %arg7[%add3A_74, %add3A_395], %get3A_405 : memref<128x129xf32, #tpu.memory_space<vmem>>[vector<16xi32>, vector<16xi32>], vector<16xf32>,
            tpu.vector_store_idx %arg7[%add3A_77, %add3A_395], %get3A_410 : memref<128x129xf32, #tpu.memory_space<vmem>>[vector<16xi32>, vector<16xi32>], vector<16xf32>,
            tpu.vector_store_idx %arg7[%add3A_80, %add3A_395], %get3A_415 : memref<128x129xf32, #tpu.memory_space<vmem>>[vector<16xi32>, vector<16xi32>], vector<16xf32>,
            tpu.vector_store_idx %arg7[%add3A_83, %add3A_395], %get3A_420 : memref<128x129xf32, #tpu.memory_space<vmem>>[vector<16xi32>, vector<16xi32>], vector<16xf32>,
            tpu.vector_store_idx %arg7[%add3A_86, %add3A_395], %get3A_425 : memref<128x129xf32, #tpu.memory_space<vmem>>[vector<16xi32>, vector<16xi32>], vector<16xf32>,
            tpu.vector_store_idx %arg7[%add3A_89, %add3A_395], %get3A_430 : memref<128x129xf32, #tpu.memory_space<vmem>>[vector<16xi32>, vector<16xi32>], vector<16xf32>,
            tpu.vector_store_idx %arg7[%add3A_92, %add3A_395], %get3A_435 : memref<128x129xf32, #tpu.memory_space<vmem>>[vector<16xi32>, vector<16xi32>], vector<16xf32>,
            %broadcast_in_dim3A_436 = arith.constant 0 : i32
            %broadcast_in_dim3A_437 = vector.broadcast %broadcast_in_dim3A_436 : i32 to vector<16xi32>
            %add3A_438 = arith.constant 7 : i32
            %add3A_439 = arith.addi %mul3A_115, %add3A_438 : i32
            %add3A_440 = vector.broadcast %add3A_439 : i32 to vector<16xi32>
            %add3A_441 = arith.addi %broadcast_in_dim3A_437, %add3A_440 : vector<16xi32>
            %add3A_442 = arith.constant 7 : i32
            %add3A_443 = arith.addi %mul3A_115, %add3A_442 : i32
            %get3A_444 = arith.index_cast %add3A_443 : i32 to index
            %get3A_445 = arith.constant 0 : index
            %get3A_446 = tpu.vector_load %arg5[%get3A_444, %get3A_445] {strides = array<i32>} : memref<64x128xf32, #tpu.memory_space<vmem>>, vector<16xf32>,
            %add3A_447 = arith.constant 7 : i32
            %add3A_448 = arith.addi %mul3A_115, %add3A_447 : i32
            %get3A_449 = arith.index_cast %add3A_448 : i32 to index
            %get3A_450 = arith.constant 16 : index
            %get3A_451 = tpu.vector_load %arg5[%get3A_449, %get3A_450] {strides = array<i32>} : memref<64x128xf32, #tpu.memory_space<vmem>>, vector<16xf32>,
            %add3A_452 = arith.constant 7 : i32
            %add3A_453 = arith.addi %mul3A_115, %add3A_452 : i32
            %get3A_454 = arith.index_cast %add3A_453 : i32 to index
            %get3A_455 = arith.constant 32 : index
            %get3A_456 = tpu.vector_load %arg5[%get3A_454, %get3A_455] {strides = array<i32>} : memref<64x128xf32, #tpu.memory_space<vmem>>, vector<16xf32>,
            %add3A_457 = arith.constant 7 : i32
            %add3A_458 = arith.addi %mul3A_115, %add3A_457 : i32
            %get3A_459 = arith.index_cast %add3A_458 : i32 to index
            %get3A_460 = arith.constant 48 : index
            %get3A_461 = tpu.vector_load %arg5[%get3A_459, %get3A_460] {strides = array<i32>} : memref<64x128xf32, #tpu.memory_space<vmem>>, vector<16xf32>,
            %add3A_462 = arith.constant 7 : i32
            %add3A_463 = arith.addi %mul3A_115, %add3A_462 : i32
            %get3A_464 = arith.index_cast %add3A_463 : i32 to index
            %get3A_465 = arith.constant 64 : index
            %get3A_466 = tpu.vector_load %arg5[%get3A_464, %get3A_465] {strides = array<i32>} : memref<64x128xf32, #tpu.memory_space<vmem>>, vector<16xf32>,
            %add3A_467 = arith.constant 7 : i32
            %add3A_468 = arith.addi %mul3A_115, %add3A_467 : i32
            %get3A_469 = arith.index_cast %add3A_468 : i32 to index
            %get3A_470 = arith.constant 80 : index
            %get3A_471 = tpu.vector_load %arg5[%get3A_469, %get3A_470] {strides = array<i32>} : memref<64x128xf32, #tpu.memory_space<vmem>>, vector<16xf32>,
            %add3A_472 = arith.constant 7 : i32
            %add3A_473 = arith.addi %mul3A_115, %add3A_472 : i32
            %get3A_474 = arith.index_cast %add3A_473 : i32 to index
            %get3A_475 = arith.constant 96 : index
            %get3A_476 = tpu.vector_load %arg5[%get3A_474, %get3A_475] {strides = array<i32>} : memref<64x128xf32, #tpu.memory_space<vmem>>, vector<16xf32>,
            %add3A_477 = arith.constant 7 : i32
            %add3A_478 = arith.addi %mul3A_115, %add3A_477 : i32
            %get3A_479 = arith.index_cast %add3A_478 : i32 to index
            %get3A_480 = arith.constant 112 : index
            %get3A_481 = tpu.vector_load %arg5[%get3A_479, %get3A_480] {strides = array<i32>} : memref<64x128xf32, #tpu.memory_space<vmem>>, vector<16xf32>,
            tpu.vector_store_idx %arg7[%add3A_71, %add3A_441], %get3A_446 : memref<128x129xf32, #tpu.memory_space<vmem>>[vector<16xi32>, vector<16xi32>], vector<16xf32>,
            tpu.vector_store_idx %arg7[%add3A_74, %add3A_441], %get3A_451 : memref<128x129xf32, #tpu.memory_space<vmem>>[vector<16xi32>, vector<16xi32>], vector<16xf32>,
            tpu.vector_store_idx %arg7[%add3A_77, %add3A_441], %get3A_456 : memref<128x129xf32, #tpu.memory_space<vmem>>[vector<16xi32>, vector<16xi32>], vector<16xf32>,
            tpu.vector_store_idx %arg7[%add3A_80, %add3A_441], %get3A_461 : memref<128x129xf32, #tpu.memory_space<vmem>>[vector<16xi32>, vector<16xi32>], vector<16xf32>,
            tpu.vector_store_idx %arg7[%add3A_83, %add3A_441], %get3A_466 : memref<128x129xf32, #tpu.memory_space<vmem>>[vector<16xi32>, vector<16xi32>], vector<16xf32>,
            tpu.vector_store_idx %arg7[%add3A_86, %add3A_441], %get3A_471 : memref<128x129xf32, #tpu.memory_space<vmem>>[vector<16xi32>, vector<16xi32>], vector<16xf32>,
            tpu.vector_store_idx %arg7[%add3A_89, %add3A_441], %get3A_476 : memref<128x129xf32, #tpu.memory_space<vmem>>[vector<16xi32>, vector<16xi32>], vector<16xf32>,
            tpu.vector_store_idx %arg7[%add3A_92, %add3A_441], %get3A_481 : memref<128x129xf32, #tpu.memory_space<vmem>>[vector<16xi32>, vector<16xi32>], vector<16xf32>,
          }
          %scan3A_97 = arith.constant 8 : i32
          %mul3A_98 = arith.constant 32 : i32
          %mul3A_99 = arith.muli %while3A_40, %mul3A_98 : i32
          %add3A_100 = arith.addi %add3A, %mul3A_99 : i32
          %mul3A_101 = arith.constant 128 : i32
          %mul3A_102 = arith.muli %add3A_100, %mul3A_101 : i32
          %dma_start3A_103 = arith.constant 0 : i32
          %dma_start3A_104 = arith.constant 0 : i32
          %dma_start3A_105 = tpu.memref_slice %arg7[%dma_start3A_103, %dma_start3A_104] : memref<128x129xf32, #tpu.memory_space<vmem>> -> memref<128x128xf32, #tpu.memory_space<vmem>>
          %dma_start3A_106 = arith.constant 0 : i32
          %dma_start3A_107 = tpu.memref_slice %arg4[%mul3A_102, %dma_start3A_106] : memref<1000064x128xf32, #tpu.memory_space<hbm>> -> memref<128x128xf32, #tpu.memory_space<hbm>>
          %dma_start3A_108 = arith.constant 0 : i32
          %dma_start3A_109 = tpu.memref_slice %arg4[%mul3A_102, %dma_start3A_108] : memref<1000064x128xf32, #tpu.memory_space<hbm>> -> memref<128x128xf32, #tpu.memory_space<hbm>>
          %dma_start3A_110 = arith.constant 0 : i32
          %dma_start3A_111 = arith.constant 0 : i32
          %dma_start3A_112 = tpu.memref_slice %arg7[%dma_start3A_110, %dma_start3A_111] : memref<128x129xf32, #tpu.memory_space<vmem>> -> memref<128x128xf32, #tpu.memory_space<vmem>>
          tpu.enqueue_dma source(%dma_start3A_112 : memref<128x128xf32, #tpu.memory_space<vmem>>) target(%dma_start3A_109 : memref<128x128xf32, #tpu.memory_space<hbm>>) target_semaphore(%arg11 : memref<!tpu.dma_semaphore, #tpu.memory_space<semaphore_mem>>)
        } else {
        }
        %rem3A_47 = arith.constant 2 : i32
        %rem3A_48 = arith.remsi %while3A_40, %rem3A_47 : i32
        %eq3A_49 = arith.constant 1 : i32
        %eq3A_50 = arith.cmpi eq, %rem3A_48, %eq3A_49 : i32
        %convert_element_type3A_51 = arith.extui %eq3A_50 : i1 to i32
        %cond3A_52 = arith.constant 0 : i32
        %cond3A_53 = arith.cmpi ne, %convert_element_type3A_51, %cond3A_52 : i32
        scf.if %cond3A_53 {
          %add3A_54 = arith.constant 1 : i32
          %add3A_55 = arith.addi %while3A_40, %add3A_54 : i32
          %lt3A_56 = arith.cmpi slt, %add3A_55, %add3A_4 : i32
          %convert_element_type3A_57 = arith.extui %lt3A_56 : i1 to i32
          %cond3A_58 = arith.constant 0 : i32
          %cond3A_59 = arith.cmpi ne, %convert_element_type3A_57, %cond3A_58 : i32
          scf.if %cond3A_59 {
            %add3A_113 = arith.constant 1 : i32
            %add3A_114 = arith.addi %while3A_40, %add3A_113 : i32
            %mul3A_115 = arith.constant 32 : i32
            %mul3A_116 = arith.muli %add3A_114, %mul3A_115 : i32
            %add3A_117 = arith.addi %add3A, %mul3A_116 : i32
            %mul3A_118 = arith.constant 128 : i32
            %mul3A_119 = arith.muli %add3A_117, %mul3A_118 : i32
            %dma_start3A_120 = arith.constant 0 : i32
            %dma_start3A_121 = tpu.memref_slice %arg2[%dma_start3A_120, %mul3A_119] : memref<64x1000000xf32, #tpu.memory_space<hbm>> -> memref<64x128xf32, #tpu.memory_space<hbm>>
            %dma_start3A_122 = arith.constant 0 : i32
            %dma_start3A_123 = tpu.memref_slice %arg2[%dma_start3A_122, %mul3A_119] : memref<64x1000000xf32, #tpu.memory_space<hbm>> -> memref<64x128xf32, #tpu.memory_space<hbm>>
            tpu.enqueue_dma source(%dma_start3A_123 : memref<64x128xf32, #tpu.memory_space<hbm>>) target(%arg5 : memref<64x128xf32, #tpu.memory_space<vmem>>) target_semaphore(%arg9 : memref<!tpu.dma_semaphore, #tpu.memory_space<semaphore_mem>>)
          } else {
          }
          %dma_wait3A = arith.constant 0 : i32
          %dma_wait3A_60 = arith.constant 0 : i32
          %dma_wait3A_61 = tpu.memref_slice %arg2[%dma_wait3A, %dma_wait3A_60] : memref<64x1000000xf32, #tpu.memory_space<hbm>> -> memref<64x128xf32, #tpu.memory_space<hbm>>
          %dma_wait3A_62 = arith.constant 0 : i32
          %dma_wait3A_63 = arith.constant 0 : i32
          %dma_wait3A_64 = tpu.memref_slice %arg2[%dma_wait3A_62, %dma_wait3A_63] : memref<64x1000000xf32, #tpu.memory_space<hbm>> -> memref<64x128xf32, #tpu.memory_space<hbm>>
          tpu.wait_dma2 semaphore(%arg10 : memref<!tpu.dma_semaphore, #tpu.memory_space<semaphore_mem>>) src(%dma_wait3A_64 : memref<64x128xf32, #tpu.memory_space<hbm>>) dst(%arg6 : memref<64x128xf32, #tpu.memory_space<vmem>>)
          %ge3A = arith.constant 2 : i32
          %ge3A_65 = arith.cmpi sge, %while3A_40, %ge3A : i32
          %convert_element_type3A_66 = arith.extui %ge3A_65 : i1 to i32
          %cond3A_67 = arith.constant 0 : i32
          %cond3A_68 = arith.cmpi ne, %convert_element_type3A_66, %cond3A_67 : i32
          scf.if %cond3A_68 {
            %dma_wait3A_113 = arith.constant 0 : i32
            %dma_wait3A_114 = arith.constant 0 : i32
            %dma_wait3A_115 = tpu.memref_slice %arg8[%dma_wait3A_113, %dma_wait3A_114] : memref<128x129xf32, #tpu.memory_space<vmem>> -> memref<128x128xf32, #tpu.memory_space<vmem>>
            %dma_wait3A_116 = arith.constant 0 : i32
            %dma_wait3A_117 = arith.constant 0 : i32
            %dma_wait3A_118 = tpu.memref_slice %arg4[%dma_wait3A_116, %dma_wait3A_117] : memref<1000064x128xf32, #tpu.memory_space<hbm>> -> memref<128x128xf32, #tpu.memory_space<hbm>>
            %dma_wait3A_119 = arith.constant 0 : i32
            %dma_wait3A_120 = arith.constant 0 : i32
            %dma_wait3A_121 = tpu.memref_slice %arg4[%dma_wait3A_119, %dma_wait3A_120] : memref<1000064x128xf32, #tpu.memory_space<hbm>> -> memref<128x128xf32, #tpu.memory_space<hbm>>
            %dma_wait3A_122 = arith.constant 0 : i32
            %dma_wait3A_123 = arith.constant 0 : i32
            %dma_wait3A_124 = tpu.memref_slice %arg8[%dma_wait3A_122, %dma_wait3A_123] : memref<128x129xf32, #tpu.memory_space<vmem>> -> memref<128x128xf32, #tpu.memory_space<vmem>>
            tpu.wait_dma2 semaphore(%arg12 : memref<!tpu.dma_semaphore, #tpu.memory_space<semaphore_mem>>) src(%dma_wait3A_124 : memref<128x128xf32, #tpu.memory_space<vmem>>) dst(%dma_wait3A_121 : memref<128x128xf32, #tpu.memory_space<hbm>>)
          } else {
          }
          %add3A_69 = arith.constant 0 : i32
          %add3A_70 = vector.broadcast %add3A_69 : i32 to vector<16xi32>
          %add3A_71 = arith.addi %iota3A, %add3A_70 : vector<16xi32>
          %add3A_72 = arith.constant 16 : i32
          %add3A_73 = vector.broadcast %add3A_72 : i32 to vector<16xi32>
          %add3A_74 = arith.addi %iota3A, %add3A_73 : vector<16xi32>
          %add3A_75 = arith.constant 32 : i32
          %add3A_76 = vector.broadcast %add3A_75 : i32 to vector<16xi32>
          %add3A_77 = arith.addi %iota3A, %add3A_76 : vector<16xi32>
          %add3A_78 = arith.constant 48 : i32
          %add3A_79 = vector.broadcast %add3A_78 : i32 to vector<16xi32>
          %add3A_80 = arith.addi %iota3A, %add3A_79 : vector<16xi32>
          %add3A_81 = arith.constant 64 : i32
          %add3A_82 = vector.broadcast %add3A_81 : i32 to vector<16xi32>
          %add3A_83 = arith.addi %iota3A, %add3A_82 : vector<16xi32>
          %add3A_84 = arith.constant 80 : i32
          %add3A_85 = vector.broadcast %add3A_84 : i32 to vector<16xi32>
          %add3A_86 = arith.addi %iota3A, %add3A_85 : vector<16xi32>
          %add3A_87 = arith.constant 96 : i32
          %add3A_88 = vector.broadcast %add3A_87 : i32 to vector<16xi32>
          %add3A_89 = arith.addi %iota3A, %add3A_88 : vector<16xi32>
          %add3A_90 = arith.constant 112 : i32
          %add3A_91 = vector.broadcast %add3A_90 : i32 to vector<16xi32>
          %add3A_92 = arith.addi %iota3A, %add3A_91 : vector<16xi32>
          %scan3A = arith.constant 0 : i32
          %scan3A_93 = arith.constant 0 : i32
          %scan3A_94 = arith.constant 8 : i32
          %scan3A_95 = arith.addi %scan3A_93, %scan3A_94 : i32
          %scan3A_96 = arith.constant 1 : i32
          scf.for %scan3A_113 = %scan3A_93 to %scan3A_95 step %scan3A_96  : i32 {
            %mul3A_114 = arith.constant 8 : i32
            %mul3A_115 = arith.muli %scan3A_113, %mul3A_114 : i32
            %broadcast_in_dim3A = arith.constant 0 : i32
            %broadcast_in_dim3A_116 = vector.broadcast %broadcast_in_dim3A : i32 to vector<16xi32>
            %add3A_117 = arith.constant 0 : i32
            %add3A_118 = arith.addi %mul3A_115, %add3A_117 : i32
            %add3A_119 = vector.broadcast %add3A_118 : i32 to vector<16xi32>
            %add3A_120 = arith.addi %broadcast_in_dim3A_116, %add3A_119 : vector<16xi32>
            %add3A_121 = arith.constant 0 : i32
            %add3A_122 = arith.addi %mul3A_115, %add3A_121 : i32
            %get3A = arith.index_cast %add3A_122 : i32 to index
            %get3A_123 = arith.constant 0 : index
            %get3A_124 = tpu.vector_load %arg6[%get3A, %get3A_123] {strides = array<i32>} : memref<64x128xf32, #tpu.memory_space<vmem>>, vector<16xf32>,
            %add3A_125 = arith.constant 0 : i32
            %add3A_126 = arith.addi %mul3A_115, %add3A_125 : i32
            %get3A_127 = arith.index_cast %add3A_126 : i32 to index
            %get3A_128 = arith.constant 16 : index
            %get3A_129 = tpu.vector_load %arg6[%get3A_127, %get3A_128] {strides = array<i32>} : memref<64x128xf32, #tpu.memory_space<vmem>>, vector<16xf32>,
            %add3A_130 = arith.constant 0 : i32
            %add3A_131 = arith.addi %mul3A_115, %add3A_130 : i32
            %get3A_132 = arith.index_cast %add3A_131 : i32 to index
            %get3A_133 = arith.constant 32 : index
            %get3A_134 = tpu.vector_load %arg6[%get3A_132, %get3A_133] {strides = array<i32>} : memref<64x128xf32, #tpu.memory_space<vmem>>, vector<16xf32>,
            %add3A_135 = arith.constant 0 : i32
            %add3A_136 = arith.addi %mul3A_115, %add3A_135 : i32
            %get3A_137 = arith.index_cast %add3A_136 : i32 to index
            %get3A_138 = arith.constant 48 : index
            %get3A_139 = tpu.vector_load %arg6[%get3A_137, %get3A_138] {strides = array<i32>} : memref<64x128xf32, #tpu.memory_space<vmem>>, vector<16xf32>,
            %add3A_140 = arith.constant 0 : i32
            %add3A_141 = arith.addi %mul3A_115, %add3A_140 : i32
            %get3A_142 = arith.index_cast %add3A_141 : i32 to index
            %get3A_143 = arith.constant 64 : index
            %get3A_144 = tpu.vector_load %arg6[%get3A_142, %get3A_143] {strides = array<i32>} : memref<64x128xf32, #tpu.memory_space<vmem>>, vector<16xf32>,
            %add3A_145 = arith.constant 0 : i32
            %add3A_146 = arith.addi %mul3A_115, %add3A_145 : i32
            %get3A_147 = arith.index_cast %add3A_146 : i32 to index
            %get3A_148 = arith.constant 80 : index
            %get3A_149 = tpu.vector_load %arg6[%get3A_147, %get3A_148] {strides = array<i32>} : memref<64x128xf32, #tpu.memory_space<vmem>>, vector<16xf32>,
            %add3A_150 = arith.constant 0 : i32
            %add3A_151 = arith.addi %mul3A_115, %add3A_150 : i32
            %get3A_152 = arith.index_cast %add3A_151 : i32 to index
            %get3A_153 = arith.constant 96 : index
            %get3A_154 = tpu.vector_load %arg6[%get3A_152, %get3A_153] {strides = array<i32>} : memref<64x128xf32, #tpu.memory_space<vmem>>, vector<16xf32>,
            %add3A_155 = arith.constant 0 : i32
            %add3A_156 = arith.addi %mul3A_115, %add3A_155 : i32
            %get3A_157 = arith.index_cast %add3A_156 : i32 to index
            %get3A_158 = arith.constant 112 : index
            %get3A_159 = tpu.vector_load %arg6[%get3A_157, %get3A_158] {strides = array<i32>} : memref<64x128xf32, #tpu.memory_space<vmem>>, vector<16xf32>,
            tpu.vector_store_idx %arg8[%add3A_71, %add3A_120], %get3A_124 : memref<128x129xf32, #tpu.memory_space<vmem>>[vector<16xi32>, vector<16xi32>], vector<16xf32>,
            tpu.vector_store_idx %arg8[%add3A_74, %add3A_120], %get3A_129 : memref<128x129xf32, #tpu.memory_space<vmem>>[vector<16xi32>, vector<16xi32>], vector<16xf32>,
            tpu.vector_store_idx %arg8[%add3A_77, %add3A_120], %get3A_134 : memref<128x129xf32, #tpu.memory_space<vmem>>[vector<16xi32>, vector<16xi32>], vector<16xf32>,
            tpu.vector_store_idx %arg8[%add3A_80, %add3A_120], %get3A_139 : memref<128x129xf32, #tpu.memory_space<vmem>>[vector<16xi32>, vector<16xi32>], vector<16xf32>,
            tpu.vector_store_idx %arg8[%add3A_83, %add3A_120], %get3A_144 : memref<128x129xf32, #tpu.memory_space<vmem>>[vector<16xi32>, vector<16xi32>], vector<16xf32>,
            tpu.vector_store_idx %arg8[%add3A_86, %add3A_120], %get3A_149 : memref<128x129xf32, #tpu.memory_space<vmem>>[vector<16xi32>, vector<16xi32>], vector<16xf32>,
            tpu.vector_store_idx %arg8[%add3A_89, %add3A_120], %get3A_154 : memref<128x129xf32, #tpu.memory_space<vmem>>[vector<16xi32>, vector<16xi32>], vector<16xf32>,
            tpu.vector_store_idx %arg8[%add3A_92, %add3A_120], %get3A_159 : memref<128x129xf32, #tpu.memory_space<vmem>>[vector<16xi32>, vector<16xi32>], vector<16xf32>,
            %broadcast_in_dim3A_160 = arith.constant 0 : i32
            %broadcast_in_dim3A_161 = vector.broadcast %broadcast_in_dim3A_160 : i32 to vector<16xi32>
            %add3A_162 = arith.constant 1 : i32
            %add3A_163 = arith.addi %mul3A_115, %add3A_162 : i32
            %add3A_164 = vector.broadcast %add3A_163 : i32 to vector<16xi32>
            %add3A_165 = arith.addi %broadcast_in_dim3A_161, %add3A_164 : vector<16xi32>
            %add3A_166 = arith.constant 1 : i32
            %add3A_167 = arith.addi %mul3A_115, %add3A_166 : i32
            %get3A_168 = arith.index_cast %add3A_167 : i32 to index
            %get3A_169 = arith.constant 0 : index
            %get3A_170 = tpu.vector_load %arg6[%get3A_168, %get3A_169] {strides = array<i32>} : memref<64x128xf32, #tpu.memory_space<vmem>>, vector<16xf32>,
            %add3A_171 = arith.constant 1 : i32
            %add3A_172 = arith.addi %mul3A_115, %add3A_171 : i32
            %get3A_173 = arith.index_cast %add3A_172 : i32 to index
            %get3A_174 = arith.constant 16 : index
            %get3A_175 = tpu.vector_load %arg6[%get3A_173, %get3A_174] {strides = array<i32>} : memref<64x128xf32, #tpu.memory_space<vmem>>, vector<16xf32>,
            %add3A_176 = arith.constant 1 : i32
            %add3A_177 = arith.addi %mul3A_115, %add3A_176 : i32
            %get3A_178 = arith.index_cast %add3A_177 : i32 to index
            %get3A_179 = arith.constant 32 : index
            %get3A_180 = tpu.vector_load %arg6[%get3A_178, %get3A_179] {strides = array<i32>} : memref<64x128xf32, #tpu.memory_space<vmem>>, vector<16xf32>,
            %add3A_181 = arith.constant 1 : i32
            %add3A_182 = arith.addi %mul3A_115, %add3A_181 : i32
            %get3A_183 = arith.index_cast %add3A_182 : i32 to index
            %get3A_184 = arith.constant 48 : index
            %get3A_185 = tpu.vector_load %arg6[%get3A_183, %get3A_184] {strides = array<i32>} : memref<64x128xf32, #tpu.memory_space<vmem>>, vector<16xf32>,
            %add3A_186 = arith.constant 1 : i32
            %add3A_187 = arith.addi %mul3A_115, %add3A_186 : i32
            %get3A_188 = arith.index_cast %add3A_187 : i32 to index
            %get3A_189 = arith.constant 64 : index
            %get3A_190 = tpu.vector_load %arg6[%get3A_188, %get3A_189] {strides = array<i32>} : memref<64x128xf32, #tpu.memory_space<vmem>>, vector<16xf32>,
            %add3A_191 = arith.constant 1 : i32
            %add3A_192 = arith.addi %mul3A_115, %add3A_191 : i32
            %get3A_193 = arith.index_cast %add3A_192 : i32 to index
            %get3A_194 = arith.constant 80 : index
            %get3A_195 = tpu.vector_load %arg6[%get3A_193, %get3A_194] {strides = array<i32>} : memref<64x128xf32, #tpu.memory_space<vmem>>, vector<16xf32>,
            %add3A_196 = arith.constant 1 : i32
            %add3A_197 = arith.addi %mul3A_115, %add3A_196 : i32
            %get3A_198 = arith.index_cast %add3A_197 : i32 to index
            %get3A_199 = arith.constant 96 : index
            %get3A_200 = tpu.vector_load %arg6[%get3A_198, %get3A_199] {strides = array<i32>} : memref<64x128xf32, #tpu.memory_space<vmem>>, vector<16xf32>,
            %add3A_201 = arith.constant 1 : i32
            %add3A_202 = arith.addi %mul3A_115, %add3A_201 : i32
            %get3A_203 = arith.index_cast %add3A_202 : i32 to index
            %get3A_204 = arith.constant 112 : index
            %get3A_205 = tpu.vector_load %arg6[%get3A_203, %get3A_204] {strides = array<i32>} : memref<64x128xf32, #tpu.memory_space<vmem>>, vector<16xf32>,
            tpu.vector_store_idx %arg8[%add3A_71, %add3A_165], %get3A_170 : memref<128x129xf32, #tpu.memory_space<vmem>>[vector<16xi32>, vector<16xi32>], vector<16xf32>,
            tpu.vector_store_idx %arg8[%add3A_74, %add3A_165], %get3A_175 : memref<128x129xf32, #tpu.memory_space<vmem>>[vector<16xi32>, vector<16xi32>], vector<16xf32>,
            tpu.vector_store_idx %arg8[%add3A_77, %add3A_165], %get3A_180 : memref<128x129xf32, #tpu.memory_space<vmem>>[vector<16xi32>, vector<16xi32>], vector<16xf32>,
            tpu.vector_store_idx %arg8[%add3A_80, %add3A_165], %get3A_185 : memref<128x129xf32, #tpu.memory_space<vmem>>[vector<16xi32>, vector<16xi32>], vector<16xf32>,
            tpu.vector_store_idx %arg8[%add3A_83, %add3A_165], %get3A_190 : memref<128x129xf32, #tpu.memory_space<vmem>>[vector<16xi32>, vector<16xi32>], vector<16xf32>,
            tpu.vector_store_idx %arg8[%add3A_86, %add3A_165], %get3A_195 : memref<128x129xf32, #tpu.memory_space<vmem>>[vector<16xi32>, vector<16xi32>], vector<16xf32>,
            tpu.vector_store_idx %arg8[%add3A_89, %add3A_165], %get3A_200 : memref<128x129xf32, #tpu.memory_space<vmem>>[vector<16xi32>, vector<16xi32>], vector<16xf32>,
            tpu.vector_store_idx %arg8[%add3A_92, %add3A_165], %get3A_205 : memref<128x129xf32, #tpu.memory_space<vmem>>[vector<16xi32>, vector<16xi32>], vector<16xf32>,
            %broadcast_in_dim3A_206 = arith.constant 0 : i32
            %broadcast_in_dim3A_207 = vector.broadcast %broadcast_in_dim3A_206 : i32 to vector<16xi32>
            %add3A_208 = arith.constant 2 : i32
            %add3A_209 = arith.addi %mul3A_115, %add3A_208 : i32
            %add3A_210 = vector.broadcast %add3A_209 : i32 to vector<16xi32>
            %add3A_211 = arith.addi %broadcast_in_dim3A_207, %add3A_210 : vector<16xi32>
            %add3A_212 = arith.constant 2 : i32
            %add3A_213 = arith.addi %mul3A_115, %add3A_212 : i32
            %get3A_214 = arith.index_cast %add3A_213 : i32 to index
            %get3A_215 = arith.constant 0 : index
            %get3A_216 = tpu.vector_load %arg6[%get3A_214, %get3A_215] {strides = array<i32>} : memref<64x128xf32, #tpu.memory_space<vmem>>, vector<16xf32>,
            %add3A_217 = arith.constant 2 : i32
            %add3A_218 = arith.addi %mul3A_115, %add3A_217 : i32
            %get3A_219 = arith.index_cast %add3A_218 : i32 to index
            %get3A_220 = arith.constant 16 : index
            %get3A_221 = tpu.vector_load %arg6[%get3A_219, %get3A_220] {strides = array<i32>} : memref<64x128xf32, #tpu.memory_space<vmem>>, vector<16xf32>,
            %add3A_222 = arith.constant 2 : i32
            %add3A_223 = arith.addi %mul3A_115, %add3A_222 : i32
            %get3A_224 = arith.index_cast %add3A_223 : i32 to index
            %get3A_225 = arith.constant 32 : index
            %get3A_226 = tpu.vector_load %arg6[%get3A_224, %get3A_225] {strides = array<i32>} : memref<64x128xf32, #tpu.memory_space<vmem>>, vector<16xf32>,
            %add3A_227 = arith.constant 2 : i32
            %add3A_228 = arith.addi %mul3A_115, %add3A_227 : i32
            %get3A_229 = arith.index_cast %add3A_228 : i32 to index
            %get3A_230 = arith.constant 48 : index
            %get3A_231 = tpu.vector_load %arg6[%get3A_229, %get3A_230] {strides = array<i32>} : memref<64x128xf32, #tpu.memory_space<vmem>>, vector<16xf32>,
            %add3A_232 = arith.constant 2 : i32
            %add3A_233 = arith.addi %mul3A_115, %add3A_232 : i32
            %get3A_234 = arith.index_cast %add3A_233 : i32 to index
            %get3A_235 = arith.constant 64 : index
            %get3A_236 = tpu.vector_load %arg6[%get3A_234, %get3A_235] {strides = array<i32>} : memref<64x128xf32, #tpu.memory_space<vmem>>, vector<16xf32>,
            %add3A_237 = arith.constant 2 : i32
            %add3A_238 = arith.addi %mul3A_115, %add3A_237 : i32
            %get3A_239 = arith.index_cast %add3A_238 : i32 to index
            %get3A_240 = arith.constant 80 : index
            %get3A_241 = tpu.vector_load %arg6[%get3A_239, %get3A_240] {strides = array<i32>} : memref<64x128xf32, #tpu.memory_space<vmem>>, vector<16xf32>,
            %add3A_242 = arith.constant 2 : i32
            %add3A_243 = arith.addi %mul3A_115, %add3A_242 : i32
            %get3A_244 = arith.index_cast %add3A_243 : i32 to index
            %get3A_245 = arith.constant 96 : index
            %get3A_246 = tpu.vector_load %arg6[%get3A_244, %get3A_245] {strides = array<i32>} : memref<64x128xf32, #tpu.memory_space<vmem>>, vector<16xf32>,
            %add3A_247 = arith.constant 2 : i32
            %add3A_248 = arith.addi %mul3A_115, %add3A_247 : i32
            %get3A_249 = arith.index_cast %add3A_248 : i32 to index
            %get3A_250 = arith.constant 112 : index
            %get3A_251 = tpu.vector_load %arg6[%get3A_249, %get3A_250] {strides = array<i32>} : memref<64x128xf32, #tpu.memory_space<vmem>>, vector<16xf32>,
            tpu.vector_store_idx %arg8[%add3A_71, %add3A_211], %get3A_216 : memref<128x129xf32, #tpu.memory_space<vmem>>[vector<16xi32>, vector<16xi32>], vector<16xf32>,
            tpu.vector_store_idx %arg8[%add3A_74, %add3A_211], %get3A_221 : memref<128x129xf32, #tpu.memory_space<vmem>>[vector<16xi32>, vector<16xi32>], vector<16xf32>,
            tpu.vector_store_idx %arg8[%add3A_77, %add3A_211], %get3A_226 : memref<128x129xf32, #tpu.memory_space<vmem>>[vector<16xi32>, vector<16xi32>], vector<16xf32>,
            tpu.vector_store_idx %arg8[%add3A_80, %add3A_211], %get3A_231 : memref<128x129xf32, #tpu.memory_space<vmem>>[vector<16xi32>, vector<16xi32>], vector<16xf32>,
            tpu.vector_store_idx %arg8[%add3A_83, %add3A_211], %get3A_236 : memref<128x129xf32, #tpu.memory_space<vmem>>[vector<16xi32>, vector<16xi32>], vector<16xf32>,
            tpu.vector_store_idx %arg8[%add3A_86, %add3A_211], %get3A_241 : memref<128x129xf32, #tpu.memory_space<vmem>>[vector<16xi32>, vector<16xi32>], vector<16xf32>,
            tpu.vector_store_idx %arg8[%add3A_89, %add3A_211], %get3A_246 : memref<128x129xf32, #tpu.memory_space<vmem>>[vector<16xi32>, vector<16xi32>], vector<16xf32>,
            tpu.vector_store_idx %arg8[%add3A_92, %add3A_211], %get3A_251 : memref<128x129xf32, #tpu.memory_space<vmem>>[vector<16xi32>, vector<16xi32>], vector<16xf32>,
            %broadcast_in_dim3A_252 = arith.constant 0 : i32
            %broadcast_in_dim3A_253 = vector.broadcast %broadcast_in_dim3A_252 : i32 to vector<16xi32>
            %add3A_254 = arith.constant 3 : i32
            %add3A_255 = arith.addi %mul3A_115, %add3A_254 : i32
            %add3A_256 = vector.broadcast %add3A_255 : i32 to vector<16xi32>
            %add3A_257 = arith.addi %broadcast_in_dim3A_253, %add3A_256 : vector<16xi32>
            %add3A_258 = arith.constant 3 : i32
            %add3A_259 = arith.addi %mul3A_115, %add3A_258 : i32
            %get3A_260 = arith.index_cast %add3A_259 : i32 to index
            %get3A_261 = arith.constant 0 : index
            %get3A_262 = tpu.vector_load %arg6[%get3A_260, %get3A_261] {strides = array<i32>} : memref<64x128xf32, #tpu.memory_space<vmem>>, vector<16xf32>,
            %add3A_263 = arith.constant 3 : i32
            %add3A_264 = arith.addi %mul3A_115, %add3A_263 : i32
            %get3A_265 = arith.index_cast %add3A_264 : i32 to index
            %get3A_266 = arith.constant 16 : index
            %get3A_267 = tpu.vector_load %arg6[%get3A_265, %get3A_266] {strides = array<i32>} : memref<64x128xf32, #tpu.memory_space<vmem>>, vector<16xf32>,
            %add3A_268 = arith.constant 3 : i32
            %add3A_269 = arith.addi %mul3A_115, %add3A_268 : i32
            %get3A_270 = arith.index_cast %add3A_269 : i32 to index
            %get3A_271 = arith.constant 32 : index
            %get3A_272 = tpu.vector_load %arg6[%get3A_270, %get3A_271] {strides = array<i32>} : memref<64x128xf32, #tpu.memory_space<vmem>>, vector<16xf32>,
            %add3A_273 = arith.constant 3 : i32
            %add3A_274 = arith.addi %mul3A_115, %add3A_273 : i32
            %get3A_275 = arith.index_cast %add3A_274 : i32 to index
            %get3A_276 = arith.constant 48 : index
            %get3A_277 = tpu.vector_load %arg6[%get3A_275, %get3A_276] {strides = array<i32>} : memref<64x128xf32, #tpu.memory_space<vmem>>, vector<16xf32>,
            %add3A_278 = arith.constant 3 : i32
            %add3A_279 = arith.addi %mul3A_115, %add3A_278 : i32
            %get3A_280 = arith.index_cast %add3A_279 : i32 to index
            %get3A_281 = arith.constant 64 : index
            %get3A_282 = tpu.vector_load %arg6[%get3A_280, %get3A_281] {strides = array<i32>} : memref<64x128xf32, #tpu.memory_space<vmem>>, vector<16xf32>,
            %add3A_283 = arith.constant 3 : i32
            %add3A_284 = arith.addi %mul3A_115, %add3A_283 : i32
            %get3A_285 = arith.index_cast %add3A_284 : i32 to index
            %get3A_286 = arith.constant 80 : index
            %get3A_287 = tpu.vector_load %arg6[%get3A_285, %get3A_286] {strides = array<i32>} : memref<64x128xf32, #tpu.memory_space<vmem>>, vector<16xf32>,
            %add3A_288 = arith.constant 3 : i32
            %add3A_289 = arith.addi %mul3A_115, %add3A_288 : i32
            %get3A_290 = arith.index_cast %add3A_289 : i32 to index
            %get3A_291 = arith.constant 96 : index
            %get3A_292 = tpu.vector_load %arg6[%get3A_290, %get3A_291] {strides = array<i32>} : memref<64x128xf32, #tpu.memory_space<vmem>>, vector<16xf32>,
            %add3A_293 = arith.constant 3 : i32
            %add3A_294 = arith.addi %mul3A_115, %add3A_293 : i32
            %get3A_295 = arith.index_cast %add3A_294 : i32 to index
            %get3A_296 = arith.constant 112 : index
            %get3A_297 = tpu.vector_load %arg6[%get3A_295, %get3A_296] {strides = array<i32>} : memref<64x128xf32, #tpu.memory_space<vmem>>, vector<16xf32>,
            tpu.vector_store_idx %arg8[%add3A_71, %add3A_257], %get3A_262 : memref<128x129xf32, #tpu.memory_space<vmem>>[vector<16xi32>, vector<16xi32>], vector<16xf32>,
            tpu.vector_store_idx %arg8[%add3A_74, %add3A_257], %get3A_267 : memref<128x129xf32, #tpu.memory_space<vmem>>[vector<16xi32>, vector<16xi32>], vector<16xf32>,
            tpu.vector_store_idx %arg8[%add3A_77, %add3A_257], %get3A_272 : memref<128x129xf32, #tpu.memory_space<vmem>>[vector<16xi32>, vector<16xi32>], vector<16xf32>,
            tpu.vector_store_idx %arg8[%add3A_80, %add3A_257], %get3A_277 : memref<128x129xf32, #tpu.memory_space<vmem>>[vector<16xi32>, vector<16xi32>], vector<16xf32>,
            tpu.vector_store_idx %arg8[%add3A_83, %add3A_257], %get3A_282 : memref<128x129xf32, #tpu.memory_space<vmem>>[vector<16xi32>, vector<16xi32>], vector<16xf32>,
            tpu.vector_store_idx %arg8[%add3A_86, %add3A_257], %get3A_287 : memref<128x129xf32, #tpu.memory_space<vmem>>[vector<16xi32>, vector<16xi32>], vector<16xf32>,
            tpu.vector_store_idx %arg8[%add3A_89, %add3A_257], %get3A_292 : memref<128x129xf32, #tpu.memory_space<vmem>>[vector<16xi32>, vector<16xi32>], vector<16xf32>,
            tpu.vector_store_idx %arg8[%add3A_92, %add3A_257], %get3A_297 : memref<128x129xf32, #tpu.memory_space<vmem>>[vector<16xi32>, vector<16xi32>], vector<16xf32>,
            %broadcast_in_dim3A_298 = arith.constant 0 : i32
            %broadcast_in_dim3A_299 = vector.broadcast %broadcast_in_dim3A_298 : i32 to vector<16xi32>
            %add3A_300 = arith.constant 4 : i32
            %add3A_301 = arith.addi %mul3A_115, %add3A_300 : i32
            %add3A_302 = vector.broadcast %add3A_301 : i32 to vector<16xi32>
            %add3A_303 = arith.addi %broadcast_in_dim3A_299, %add3A_302 : vector<16xi32>
            %add3A_304 = arith.constant 4 : i32
            %add3A_305 = arith.addi %mul3A_115, %add3A_304 : i32
            %get3A_306 = arith.index_cast %add3A_305 : i32 to index
            %get3A_307 = arith.constant 0 : index
            %get3A_308 = tpu.vector_load %arg6[%get3A_306, %get3A_307] {strides = array<i32>} : memref<64x128xf32, #tpu.memory_space<vmem>>, vector<16xf32>,
            %add3A_309 = arith.constant 4 : i32
            %add3A_310 = arith.addi %mul3A_115, %add3A_309 : i32
            %get3A_311 = arith.index_cast %add3A_310 : i32 to index
            %get3A_312 = arith.constant 16 : index
            %get3A_313 = tpu.vector_load %arg6[%get3A_311, %get3A_312] {strides = array<i32>} : memref<64x128xf32, #tpu.memory_space<vmem>>, vector<16xf32>,
            %add3A_314 = arith.constant 4 : i32
            %add3A_315 = arith.addi %mul3A_115, %add3A_314 : i32
            %get3A_316 = arith.index_cast %add3A_315 : i32 to index
            %get3A_317 = arith.constant 32 : index
            %get3A_318 = tpu.vector_load %arg6[%get3A_316, %get3A_317] {strides = array<i32>} : memref<64x128xf32, #tpu.memory_space<vmem>>, vector<16xf32>,
            %add3A_319 = arith.constant 4 : i32
            %add3A_320 = arith.addi %mul3A_115, %add3A_319 : i32
            %get3A_321 = arith.index_cast %add3A_320 : i32 to index
            %get3A_322 = arith.constant 48 : index
            %get3A_323 = tpu.vector_load %arg6[%get3A_321, %get3A_322] {strides = array<i32>} : memref<64x128xf32, #tpu.memory_space<vmem>>, vector<16xf32>,
            %add3A_324 = arith.constant 4 : i32
            %add3A_325 = arith.addi %mul3A_115, %add3A_324 : i32
            %get3A_326 = arith.index_cast %add3A_325 : i32 to index
            %get3A_327 = arith.constant 64 : index
            %get3A_328 = tpu.vector_load %arg6[%get3A_326, %get3A_327] {strides = array<i32>} : memref<64x128xf32, #tpu.memory_space<vmem>>, vector<16xf32>,
            %add3A_329 = arith.constant 4 : i32
            %add3A_330 = arith.addi %mul3A_115, %add3A_329 : i32
            %get3A_331 = arith.index_cast %add3A_330 : i32 to index
            %get3A_332 = arith.constant 80 : index
            %get3A_333 = tpu.vector_load %arg6[%get3A_331, %get3A_332] {strides = array<i32>} : memref<64x128xf32, #tpu.memory_space<vmem>>, vector<16xf32>,
            %add3A_334 = arith.constant 4 : i32
            %add3A_335 = arith.addi %mul3A_115, %add3A_334 : i32
            %get3A_336 = arith.index_cast %add3A_335 : i32 to index
            %get3A_337 = arith.constant 96 : index
            %get3A_338 = tpu.vector_load %arg6[%get3A_336, %get3A_337] {strides = array<i32>} : memref<64x128xf32, #tpu.memory_space<vmem>>, vector<16xf32>,
            %add3A_339 = arith.constant 4 : i32
            %add3A_340 = arith.addi %mul3A_115, %add3A_339 : i32
            %get3A_341 = arith.index_cast %add3A_340 : i32 to index
            %get3A_342 = arith.constant 112 : index
            %get3A_343 = tpu.vector_load %arg6[%get3A_341, %get3A_342] {strides = array<i32>} : memref<64x128xf32, #tpu.memory_space<vmem>>, vector<16xf32>,
            tpu.vector_store_idx %arg8[%add3A_71, %add3A_303], %get3A_308 : memref<128x129xf32, #tpu.memory_space<vmem>>[vector<16xi32>, vector<16xi32>], vector<16xf32>,
            tpu.vector_store_idx %arg8[%add3A_74, %add3A_303], %get3A_313 : memref<128x129xf32, #tpu.memory_space<vmem>>[vector<16xi32>, vector<16xi32>], vector<16xf32>,
            tpu.vector_store_idx %arg8[%add3A_77, %add3A_303], %get3A_318 : memref<128x129xf32, #tpu.memory_space<vmem>>[vector<16xi32>, vector<16xi32>], vector<16xf32>,
            tpu.vector_store_idx %arg8[%add3A_80, %add3A_303], %get3A_323 : memref<128x129xf32, #tpu.memory_space<vmem>>[vector<16xi32>, vector<16xi32>], vector<16xf32>,
            tpu.vector_store_idx %arg8[%add3A_83, %add3A_303], %get3A_328 : memref<128x129xf32, #tpu.memory_space<vmem>>[vector<16xi32>, vector<16xi32>], vector<16xf32>,
            tpu.vector_store_idx %arg8[%add3A_86, %add3A_303], %get3A_333 : memref<128x129xf32, #tpu.memory_space<vmem>>[vector<16xi32>, vector<16xi32>], vector<16xf32>,
            tpu.vector_store_idx %arg8[%add3A_89, %add3A_303], %get3A_338 : memref<128x129xf32, #tpu.memory_space<vmem>>[vector<16xi32>, vector<16xi32>], vector<16xf32>,
            tpu.vector_store_idx %arg8[%add3A_92, %add3A_303], %get3A_343 : memref<128x129xf32, #tpu.memory_space<vmem>>[vector<16xi32>, vector<16xi32>], vector<16xf32>,
            %broadcast_in_dim3A_344 = arith.constant 0 : i32
            %broadcast_in_dim3A_345 = vector.broadcast %broadcast_in_dim3A_344 : i32 to vector<16xi32>
            %add3A_346 = arith.constant 5 : i32
            %add3A_347 = arith.addi %mul3A_115, %add3A_346 : i32
            %add3A_348 = vector.broadcast %add3A_347 : i32 to vector<16xi32>
            %add3A_349 = arith.addi %broadcast_in_dim3A_345, %add3A_348 : vector<16xi32>
            %add3A_350 = arith.constant 5 : i32
            %add3A_351 = arith.addi %mul3A_115, %add3A_350 : i32
            %get3A_352 = arith.index_cast %add3A_351 : i32 to index
            %get3A_353 = arith.constant 0 : index
            %get3A_354 = tpu.vector_load %arg6[%get3A_352, %get3A_353] {strides = array<i32>} : memref<64x128xf32, #tpu.memory_space<vmem>>, vector<16xf32>,
            %add3A_355 = arith.constant 5 : i32
            %add3A_356 = arith.addi %mul3A_115, %add3A_355 : i32
            %get3A_357 = arith.index_cast %add3A_356 : i32 to index
            %get3A_358 = arith.constant 16 : index
            %get3A_359 = tpu.vector_load %arg6[%get3A_357, %get3A_358] {strides = array<i32>} : memref<64x128xf32, #tpu.memory_space<vmem>>, vector<16xf32>,
            %add3A_360 = arith.constant 5 : i32
            %add3A_361 = arith.addi %mul3A_115, %add3A_360 : i32
            %get3A_362 = arith.index_cast %add3A_361 : i32 to index
            %get3A_363 = arith.constant 32 : index
            %get3A_364 = tpu.vector_load %arg6[%get3A_362, %get3A_363] {strides = array<i32>} : memref<64x128xf32, #tpu.memory_space<vmem>>, vector<16xf32>,
            %add3A_365 = arith.constant 5 : i32
            %add3A_366 = arith.addi %mul3A_115, %add3A_365 : i32
            %get3A_367 = arith.index_cast %add3A_366 : i32 to index
            %get3A_368 = arith.constant 48 : index
            %get3A_369 = tpu.vector_load %arg6[%get3A_367, %get3A_368] {strides = array<i32>} : memref<64x128xf32, #tpu.memory_space<vmem>>, vector<16xf32>,
            %add3A_370 = arith.constant 5 : i32
            %add3A_371 = arith.addi %mul3A_115, %add3A_370 : i32
            %get3A_372 = arith.index_cast %add3A_371 : i32 to index
            %get3A_373 = arith.constant 64 : index
            %get3A_374 = tpu.vector_load %arg6[%get3A_372, %get3A_373] {strides = array<i32>} : memref<64x128xf32, #tpu.memory_space<vmem>>, vector<16xf32>,
            %add3A_375 = arith.constant 5 : i32
            %add3A_376 = arith.addi %mul3A_115, %add3A_375 : i32
            %get3A_377 = arith.index_cast %add3A_376 : i32 to index
            %get3A_378 = arith.constant 80 : index
            %get3A_379 = tpu.vector_load %arg6[%get3A_377, %get3A_378] {strides = array<i32>} : memref<64x128xf32, #tpu.memory_space<vmem>>, vector<16xf32>,
            %add3A_380 = arith.constant 5 : i32
            %add3A_381 = arith.addi %mul3A_115, %add3A_380 : i32
            %get3A_382 = arith.index_cast %add3A_381 : i32 to index
            %get3A_383 = arith.constant 96 : index
            %get3A_384 = tpu.vector_load %arg6[%get3A_382, %get3A_383] {strides = array<i32>} : memref<64x128xf32, #tpu.memory_space<vmem>>, vector<16xf32>,
            %add3A_385 = arith.constant 5 : i32
            %add3A_386 = arith.addi %mul3A_115, %add3A_385 : i32
            %get3A_387 = arith.index_cast %add3A_386 : i32 to index
            %get3A_388 = arith.constant 112 : index
            %get3A_389 = tpu.vector_load %arg6[%get3A_387, %get3A_388] {strides = array<i32>} : memref<64x128xf32, #tpu.memory_space<vmem>>, vector<16xf32>,
            tpu.vector_store_idx %arg8[%add3A_71, %add3A_349], %get3A_354 : memref<128x129xf32, #tpu.memory_space<vmem>>[vector<16xi32>, vector<16xi32>], vector<16xf32>,
            tpu.vector_store_idx %arg8[%add3A_74, %add3A_349], %get3A_359 : memref<128x129xf32, #tpu.memory_space<vmem>>[vector<16xi32>, vector<16xi32>], vector<16xf32>,
            tpu.vector_store_idx %arg8[%add3A_77, %add3A_349], %get3A_364 : memref<128x129xf32, #tpu.memory_space<vmem>>[vector<16xi32>, vector<16xi32>], vector<16xf32>,
            tpu.vector_store_idx %arg8[%add3A_80, %add3A_349], %get3A_369 : memref<128x129xf32, #tpu.memory_space<vmem>>[vector<16xi32>, vector<16xi32>], vector<16xf32>,
            tpu.vector_store_idx %arg8[%add3A_83, %add3A_349], %get3A_374 : memref<128x129xf32, #tpu.memory_space<vmem>>[vector<16xi32>, vector<16xi32>], vector<16xf32>,
            tpu.vector_store_idx %arg8[%add3A_86, %add3A_349], %get3A_379 : memref<128x129xf32, #tpu.memory_space<vmem>>[vector<16xi32>, vector<16xi32>], vector<16xf32>,
            tpu.vector_store_idx %arg8[%add3A_89, %add3A_349], %get3A_384 : memref<128x129xf32, #tpu.memory_space<vmem>>[vector<16xi32>, vector<16xi32>], vector<16xf32>,
            tpu.vector_store_idx %arg8[%add3A_92, %add3A_349], %get3A_389 : memref<128x129xf32, #tpu.memory_space<vmem>>[vector<16xi32>, vector<16xi32>], vector<16xf32>,
            %broadcast_in_dim3A_390 = arith.constant 0 : i32
            %broadcast_in_dim3A_391 = vector.broadcast %broadcast_in_dim3A_390 : i32 to vector<16xi32>
            %add3A_392 = arith.constant 6 : i32
            %add3A_393 = arith.addi %mul3A_115, %add3A_392 : i32
            %add3A_394 = vector.broadcast %add3A_393 : i32 to vector<16xi32>
            %add3A_395 = arith.addi %broadcast_in_dim3A_391, %add3A_394 : vector<16xi32>
            %add3A_396 = arith.constant 6 : i32
            %add3A_397 = arith.addi %mul3A_115, %add3A_396 : i32
            %get3A_398 = arith.index_cast %add3A_397 : i32 to index
            %get3A_399 = arith.constant 0 : index
            %get3A_400 = tpu.vector_load %arg6[%get3A_398, %get3A_399] {strides = array<i32>} : memref<64x128xf32, #tpu.memory_space<vmem>>, vector<16xf32>,
            %add3A_401 = arith.constant 6 : i32
            %add3A_402 = arith.addi %mul3A_115, %add3A_401 : i32
            %get3A_403 = arith.index_cast %add3A_402 : i32 to index
            %get3A_404 = arith.constant 16 : index
            %get3A_405 = tpu.vector_load %arg6[%get3A_403, %get3A_404] {strides = array<i32>} : memref<64x128xf32, #tpu.memory_space<vmem>>, vector<16xf32>,
            %add3A_406 = arith.constant 6 : i32
            %add3A_407 = arith.addi %mul3A_115, %add3A_406 : i32
            %get3A_408 = arith.index_cast %add3A_407 : i32 to index
            %get3A_409 = arith.constant 32 : index
            %get3A_410 = tpu.vector_load %arg6[%get3A_408, %get3A_409] {strides = array<i32>} : memref<64x128xf32, #tpu.memory_space<vmem>>, vector<16xf32>,
            %add3A_411 = arith.constant 6 : i32
            %add3A_412 = arith.addi %mul3A_115, %add3A_411 : i32
            %get3A_413 = arith.index_cast %add3A_412 : i32 to index
            %get3A_414 = arith.constant 48 : index
            %get3A_415 = tpu.vector_load %arg6[%get3A_413, %get3A_414] {strides = array<i32>} : memref<64x128xf32, #tpu.memory_space<vmem>>, vector<16xf32>,
            %add3A_416 = arith.constant 6 : i32
            %add3A_417 = arith.addi %mul3A_115, %add3A_416 : i32
            %get3A_418 = arith.index_cast %add3A_417 : i32 to index
            %get3A_419 = arith.constant 64 : index
            %get3A_420 = tpu.vector_load %arg6[%get3A_418, %get3A_419] {strides = array<i32>} : memref<64x128xf32, #tpu.memory_space<vmem>>, vector<16xf32>,
            %add3A_421 = arith.constant 6 : i32
            %add3A_422 = arith.addi %mul3A_115, %add3A_421 : i32
            %get3A_423 = arith.index_cast %add3A_422 : i32 to index
            %get3A_424 = arith.constant 80 : index
            %get3A_425 = tpu.vector_load %arg6[%get3A_423, %get3A_424] {strides = array<i32>} : memref<64x128xf32, #tpu.memory_space<vmem>>, vector<16xf32>,
            %add3A_426 = arith.constant 6 : i32
            %add3A_427 = arith.addi %mul3A_115, %add3A_426 : i32
            %get3A_428 = arith.index_cast %add3A_427 : i32 to index
            %get3A_429 = arith.constant 96 : index
            %get3A_430 = tpu.vector_load %arg6[%get3A_428, %get3A_429] {strides = array<i32>} : memref<64x128xf32, #tpu.memory_space<vmem>>, vector<16xf32>,
            %add3A_431 = arith.constant 6 : i32
            %add3A_432 = arith.addi %mul3A_115, %add3A_431 : i32
            %get3A_433 = arith.index_cast %add3A_432 : i32 to index
            %get3A_434 = arith.constant 112 : index
            %get3A_435 = tpu.vector_load %arg6[%get3A_433, %get3A_434] {strides = array<i32>} : memref<64x128xf32, #tpu.memory_space<vmem>>, vector<16xf32>,
            tpu.vector_store_idx %arg8[%add3A_71, %add3A_395], %get3A_400 : memref<128x129xf32, #tpu.memory_space<vmem>>[vector<16xi32>, vector<16xi32>], vector<16xf32>,
            tpu.vector_store_idx %arg8[%add3A_74, %add3A_395], %get3A_405 : memref<128x129xf32, #tpu.memory_space<vmem>>[vector<16xi32>, vector<16xi32>], vector<16xf32>,
            tpu.vector_store_idx %arg8[%add3A_77, %add3A_395], %get3A_410 : memref<128x129xf32, #tpu.memory_space<vmem>>[vector<16xi32>, vector<16xi32>], vector<16xf32>,
            tpu.vector_store_idx %arg8[%add3A_80, %add3A_395], %get3A_415 : memref<128x129xf32, #tpu.memory_space<vmem>>[vector<16xi32>, vector<16xi32>], vector<16xf32>,
            tpu.vector_store_idx %arg8[%add3A_83, %add3A_395], %get3A_420 : memref<128x129xf32, #tpu.memory_space<vmem>>[vector<16xi32>, vector<16xi32>], vector<16xf32>,
            tpu.vector_store_idx %arg8[%add3A_86, %add3A_395], %get3A_425 : memref<128x129xf32, #tpu.memory_space<vmem>>[vector<16xi32>, vector<16xi32>], vector<16xf32>,
            tpu.vector_store_idx %arg8[%add3A_89, %add3A_395], %get3A_430 : memref<128x129xf32, #tpu.memory_space<vmem>>[vector<16xi32>, vector<16xi32>], vector<16xf32>,
            tpu.vector_store_idx %arg8[%add3A_92, %add3A_395], %get3A_435 : memref<128x129xf32, #tpu.memory_space<vmem>>[vector<16xi32>, vector<16xi32>], vector<16xf32>,
            %broadcast_in_dim3A_436 = arith.constant 0 : i32
            %broadcast_in_dim3A_437 = vector.broadcast %broadcast_in_dim3A_436 : i32 to vector<16xi32>
            %add3A_438 = arith.constant 7 : i32
            %add3A_439 = arith.addi %mul3A_115, %add3A_438 : i32
            %add3A_440 = vector.broadcast %add3A_439 : i32 to vector<16xi32>
            %add3A_441 = arith.addi %broadcast_in_dim3A_437, %add3A_440 : vector<16xi32>
            %add3A_442 = arith.constant 7 : i32
            %add3A_443 = arith.addi %mul3A_115, %add3A_442 : i32
            %get3A_444 = arith.index_cast %add3A_443 : i32 to index
            %get3A_445 = arith.constant 0 : index
            %get3A_446 = tpu.vector_load %arg6[%get3A_444, %get3A_445] {strides = array<i32>} : memref<64x128xf32, #tpu.memory_space<vmem>>, vector<16xf32>,
            %add3A_447 = arith.constant 7 : i32
            %add3A_448 = arith.addi %mul3A_115, %add3A_447 : i32
            %get3A_449 = arith.index_cast %add3A_448 : i32 to index
            %get3A_450 = arith.constant 16 : index
            %get3A_451 = tpu.vector_load %arg6[%get3A_449, %get3A_450] {strides = array<i32>} : memref<64x128xf32, #tpu.memory_space<vmem>>, vector<16xf32>,
            %add3A_452 = arith.constant 7 : i32
            %add3A_453 = arith.addi %mul3A_115, %add3A_452 : i32
            %get3A_454 = arith.index_cast %add3A_453 : i32 to index
            %get3A_455 = arith.constant 32 : index
            %get3A_456 = tpu.vector_load %arg6[%get3A_454, %get3A_455] {strides = array<i32>} : memref<64x128xf32, #tpu.memory_space<vmem>>, vector<16xf32>,
            %add3A_457 = arith.constant 7 : i32
            %add3A_458 = arith.addi %mul3A_115, %add3A_457 : i32
            %get3A_459 = arith.index_cast %add3A_458 : i32 to index
            %get3A_460 = arith.constant 48 : index
            %get3A_461 = tpu.vector_load %arg6[%get3A_459, %get3A_460] {strides = array<i32>} : memref<64x128xf32, #tpu.memory_space<vmem>>, vector<16xf32>,
            %add3A_462 = arith.constant 7 : i32
            %add3A_463 = arith.addi %mul3A_115, %add3A_462 : i32
            %get3A_464 = arith.index_cast %add3A_463 : i32 to index
            %get3A_465 = arith.constant 64 : index
            %get3A_466 = tpu.vector_load %arg6[%get3A_464, %get3A_465] {strides = array<i32>} : memref<64x128xf32, #tpu.memory_space<vmem>>, vector<16xf32>,
            %add3A_467 = arith.constant 7 : i32
            %add3A_468 = arith.addi %mul3A_115, %add3A_467 : i32
            %get3A_469 = arith.index_cast %add3A_468 : i32 to index
            %get3A_470 = arith.constant 80 : index
            %get3A_471 = tpu.vector_load %arg6[%get3A_469, %get3A_470] {strides = array<i32>} : memref<64x128xf32, #tpu.memory_space<vmem>>, vector<16xf32>,
            %add3A_472 = arith.constant 7 : i32
            %add3A_473 = arith.addi %mul3A_115, %add3A_472 : i32
            %get3A_474 = arith.index_cast %add3A_473 : i32 to index
            %get3A_475 = arith.constant 96 : index
            %get3A_476 = tpu.vector_load %arg6[%get3A_474, %get3A_475] {strides = array<i32>} : memref<64x128xf32, #tpu.memory_space<vmem>>, vector<16xf32>,
            %add3A_477 = arith.constant 7 : i32
            %add3A_478 = arith.addi %mul3A_115, %add3A_477 : i32
            %get3A_479 = arith.index_cast %add3A_478 : i32 to index
            %get3A_480 = arith.constant 112 : index
            %get3A_481 = tpu.vector_load %arg6[%get3A_479, %get3A_480] {strides = array<i32>} : memref<64x128xf32, #tpu.memory_space<vmem>>, vector<16xf32>,
            tpu.vector_store_idx %arg8[%add3A_71, %add3A_441], %get3A_446 : memref<128x129xf32, #tpu.memory_space<vmem>>[vector<16xi32>, vector<16xi32>], vector<16xf32>,
            tpu.vector_store_idx %arg8[%add3A_74, %add3A_441], %get3A_451 : memref<128x129xf32, #tpu.memory_space<vmem>>[vector<16xi32>, vector<16xi32>], vector<16xf32>,
            tpu.vector_store_idx %arg8[%add3A_77, %add3A_441], %get3A_456 : memref<128x129xf32, #tpu.memory_space<vmem>>[vector<16xi32>, vector<16xi32>], vector<16xf32>,
            tpu.vector_store_idx %arg8[%add3A_80, %add3A_441], %get3A_461 : memref<128x129xf32, #tpu.memory_space<vmem>>[vector<16xi32>, vector<16xi32>], vector<16xf32>,
            tpu.vector_store_idx %arg8[%add3A_83, %add3A_441], %get3A_466 : memref<128x129xf32, #tpu.memory_space<vmem>>[vector<16xi32>, vector<16xi32>], vector<16xf32>,
            tpu.vector_store_idx %arg8[%add3A_86, %add3A_441], %get3A_471 : memref<128x129xf32, #tpu.memory_space<vmem>>[vector<16xi32>, vector<16xi32>], vector<16xf32>,
            tpu.vector_store_idx %arg8[%add3A_89, %add3A_441], %get3A_476 : memref<128x129xf32, #tpu.memory_space<vmem>>[vector<16xi32>, vector<16xi32>], vector<16xf32>,
            tpu.vector_store_idx %arg8[%add3A_92, %add3A_441], %get3A_481 : memref<128x129xf32, #tpu.memory_space<vmem>>[vector<16xi32>, vector<16xi32>], vector<16xf32>,
          }
          %scan3A_97 = arith.constant 8 : i32
          %mul3A_98 = arith.constant 32 : i32
          %mul3A_99 = arith.muli %while3A_40, %mul3A_98 : i32
          %add3A_100 = arith.addi %add3A, %mul3A_99 : i32
          %mul3A_101 = arith.constant 128 : i32
          %mul3A_102 = arith.muli %add3A_100, %mul3A_101 : i32
          %dma_start3A_103 = arith.constant 0 : i32
          %dma_start3A_104 = arith.constant 0 : i32
          %dma_start3A_105 = tpu.memref_slice %arg8[%dma_start3A_103, %dma_start3A_104] : memref<128x129xf32, #tpu.memory_space<vmem>> -> memref<128x128xf32, #tpu.memory_space<vmem>>
          %dma_start3A_106 = arith.constant 0 : i32
          %dma_start3A_107 = tpu.memref_slice %arg4[%mul3A_102, %dma_start3A_106] : memref<1000064x128xf32, #tpu.memory_space<hbm>> -> memref<128x128xf32, #tpu.memory_space<hbm>>
          %dma_start3A_108 = arith.constant 0 : i32
          %dma_start3A_109 = tpu.memref_slice %arg4[%mul3A_102, %dma_start3A_108] : memref<1000064x128xf32, #tpu.memory_space<hbm>> -> memref<128x128xf32, #tpu.memory_space<hbm>>
          %dma_start3A_110 = arith.constant 0 : i32
          %dma_start3A_111 = arith.constant 0 : i32
          %dma_start3A_112 = tpu.memref_slice %arg8[%dma_start3A_110, %dma_start3A_111] : memref<128x129xf32, #tpu.memory_space<vmem>> -> memref<128x128xf32, #tpu.memory_space<vmem>>
          tpu.enqueue_dma source(%dma_start3A_112 : memref<128x128xf32, #tpu.memory_space<vmem>>) target(%dma_start3A_109 : memref<128x128xf32, #tpu.memory_space<hbm>>) target_semaphore(%arg12 : memref<!tpu.dma_semaphore, #tpu.memory_space<semaphore_mem>>)
        } else {
        }
      }
      %gt3A_30 = arith.constant 0 : i32
      %gt3A_31 = arith.cmpi sgt, %add3A_4, %gt3A_30 : i32
      %convert_element_type3A_32 = arith.extui %gt3A_31 : i1 to i32
      %cond3A_33 = arith.constant 0 : i32
      %cond3A_34 = arith.cmpi ne, %convert_element_type3A_32, %cond3A_33 : i32
      scf.if %cond3A_34 {
        %dma_wait3A = arith.constant 0 : i32
        %dma_wait3A_40 = arith.constant 0 : i32
        %dma_wait3A_41 = tpu.memref_slice %arg7[%dma_wait3A, %dma_wait3A_40] : memref<128x129xf32, #tpu.memory_space<vmem>> -> memref<128x128xf32, #tpu.memory_space<vmem>>
        %dma_wait3A_42 = arith.constant 0 : i32
        %dma_wait3A_43 = arith.constant 0 : i32
        %dma_wait3A_44 = tpu.memref_slice %arg4[%dma_wait3A_42, %dma_wait3A_43] : memref<1000064x128xf32, #tpu.memory_space<hbm>> -> memref<128x128xf32, #tpu.memory_space<hbm>>
        %dma_wait3A_45 = arith.constant 0 : i32
        %dma_wait3A_46 = arith.constant 0 : i32
        %dma_wait3A_47 = tpu.memref_slice %arg4[%dma_wait3A_45, %dma_wait3A_46] : memref<1000064x128xf32, #tpu.memory_space<hbm>> -> memref<128x128xf32, #tpu.memory_space<hbm>>
        %dma_wait3A_48 = arith.constant 0 : i32
        %dma_wait3A_49 = arith.constant 0 : i32
        %dma_wait3A_50 = tpu.memref_slice %arg7[%dma_wait3A_48, %dma_wait3A_49] : memref<128x129xf32, #tpu.memory_space<vmem>> -> memref<128x128xf32, #tpu.memory_space<vmem>>
        tpu.wait_dma2 semaphore(%arg11 : memref<!tpu.dma_semaphore, #tpu.memory_space<semaphore_mem>>) src(%dma_wait3A_50 : memref<128x128xf32, #tpu.memory_space<vmem>>) dst(%dma_wait3A_47 : memref<128x128xf32, #tpu.memory_space<hbm>>)
      } else {
      }
      %gt3A_35 = arith.constant 1 : i32
      %gt3A_36 = arith.cmpi sgt, %add3A_4, %gt3A_35 : i32
      %convert_element_type3A_37 = arith.extui %gt3A_36 : i1 to i32
      %cond3A_38 = arith.constant 0 : i32
      %cond3A_39 = arith.cmpi ne, %convert_element_type3A_37, %cond3A_38 : i32
      scf.if %cond3A_39 {
        %dma_wait3A = arith.constant 0 : i32
        %dma_wait3A_40 = arith.constant 0 : i32
        %dma_wait3A_41 = tpu.memref_slice %arg8[%dma_wait3A, %dma_wait3A_40] : memref<128x129xf32, #tpu.memory_space<vmem>> -> memref<128x128xf32, #tpu.memory_space<vmem>>
        %dma_wait3A_42 = arith.constant 0 : i32
        %dma_wait3A_43 = arith.constant 0 : i32
        %dma_wait3A_44 = tpu.memref_slice %arg4[%dma_wait3A_42, %dma_wait3A_43] : memref<1000064x128xf32, #tpu.memory_space<hbm>> -> memref<128x128xf32, #tpu.memory_space<hbm>>
        %dma_wait3A_45 = arith.constant 0 : i32
        %dma_wait3A_46 = arith.constant 0 : i32
        %dma_wait3A_47 = tpu.memref_slice %arg4[%dma_wait3A_45, %dma_wait3A_46] : memref<1000064x128xf32, #tpu.memory_space<hbm>> -> memref<128x128xf32, #tpu.memory_space<hbm>>
        %dma_wait3A_48 = arith.constant 0 : i32
        %dma_wait3A_49 = arith.constant 0 : i32
        %dma_wait3A_50 = tpu.memref_slice %arg8[%dma_wait3A_48, %dma_wait3A_49] : memref<128x129xf32, #tpu.memory_space<vmem>> -> memref<128x128xf32, #tpu.memory_space<vmem>>
        tpu.wait_dma2 semaphore(%arg12 : memref<!tpu.dma_semaphore, #tpu.memory_space<semaphore_mem>>) src(%dma_wait3A_50 : memref<128x128xf32, #tpu.memory_space<vmem>>) dst(%dma_wait3A_47 : memref<128x128xf32, #tpu.memory_space<hbm>>)
      } else {
      }
    } else {
    }
    %eq3A = arith.constant 31 : i32
    %eq3A_10 = arith.cmpi eq, %add3A, %eq3A : i32
    %convert_element_type3A_11 = arith.extui %eq3A_10 : i1 to i32
    %cond3A_12 = arith.constant 0 : i32
    %cond3A_13 = arith.cmpi ne, %convert_element_type3A_11, %cond3A_12 : i32
    scf.if %cond3A_13 {
      tpu.enqueue_dma source(%arg3 : memref<64x128xf32, #tpu.memory_space<hbm>>) target(%arg5 : memref<64x128xf32, #tpu.memory_space<vmem>>) target_semaphore(%arg9 : memref<!tpu.dma_semaphore, #tpu.memory_space<semaphore_mem>>)
      tpu.wait_dma2 semaphore(%arg9 : memref<!tpu.dma_semaphore, #tpu.memory_space<semaphore_mem>>) src(%arg3 : memref<64x128xf32, #tpu.memory_space<hbm>>) dst(%arg5 : memref<64x128xf32, #tpu.memory_space<vmem>>)
      %add3A_14 = arith.constant 0 : i32
      %add3A_15 = vector.broadcast %add3A_14 : i32 to vector<16xi32>
      %add3A_16 = arith.addi %iota3A, %add3A_15 : vector<16xi32>
      %add3A_17 = arith.constant 16 : i32
      %add3A_18 = vector.broadcast %add3A_17 : i32 to vector<16xi32>
      %add3A_19 = arith.addi %iota3A, %add3A_18 : vector<16xi32>
      %add3A_20 = arith.constant 32 : i32
      %add3A_21 = vector.broadcast %add3A_20 : i32 to vector<16xi32>
      %add3A_22 = arith.addi %iota3A, %add3A_21 : vector<16xi32>
      %add3A_23 = arith.constant 48 : i32
      %add3A_24 = vector.broadcast %add3A_23 : i32 to vector<16xi32>
      %add3A_25 = arith.addi %iota3A, %add3A_24 : vector<16xi32>
      %scan3A = arith.constant 0 : i32
      %scan3A_26 = arith.constant 0 : i32
      %scan3A_27 = arith.constant 8 : i32
      %scan3A_28 = arith.addi %scan3A_26, %scan3A_27 : i32
      %scan3A_29 = arith.constant 1 : i32
      scf.for %scan3A_53 = %scan3A_26 to %scan3A_28 step %scan3A_29  : i32 {
        %mul3A_54 = arith.constant 8 : i32
        %mul3A_55 = arith.muli %scan3A_53, %mul3A_54 : i32
        %broadcast_in_dim3A = arith.constant 0 : i32
        %broadcast_in_dim3A_56 = vector.broadcast %broadcast_in_dim3A : i32 to vector<16xi32>
        %add3A_57 = arith.constant 0 : i32
        %add3A_58 = arith.addi %mul3A_55, %add3A_57 : i32
        %add3A_59 = vector.broadcast %add3A_58 : i32 to vector<16xi32>
        %add3A_60 = arith.addi %broadcast_in_dim3A_56, %add3A_59 : vector<16xi32>
        %add3A_61 = arith.constant 0 : i32
        %add3A_62 = arith.addi %mul3A_55, %add3A_61 : i32
        %get3A = arith.index_cast %add3A_62 : i32 to index
        %get3A_63 = arith.constant 0 : index
        %get3A_64 = tpu.vector_load %arg5[%get3A, %get3A_63] {strides = array<i32>} : memref<64x128xf32, #tpu.memory_space<vmem>>, vector<16xf32>,
        %add3A_65 = arith.constant 0 : i32
        %add3A_66 = arith.addi %mul3A_55, %add3A_65 : i32
        %get3A_67 = arith.index_cast %add3A_66 : i32 to index
        %get3A_68 = arith.constant 16 : index
        %get3A_69 = tpu.vector_load %arg5[%get3A_67, %get3A_68] {strides = array<i32>} : memref<64x128xf32, #tpu.memory_space<vmem>>, vector<16xf32>,
        %add3A_70 = arith.constant 0 : i32
        %add3A_71 = arith.addi %mul3A_55, %add3A_70 : i32
        %get3A_72 = arith.index_cast %add3A_71 : i32 to index
        %get3A_73 = arith.constant 32 : index
        %get3A_74 = tpu.vector_load %arg5[%get3A_72, %get3A_73] {strides = array<i32>} : memref<64x128xf32, #tpu.memory_space<vmem>>, vector<16xf32>,
        %add3A_75 = arith.constant 0 : i32
        %add3A_76 = arith.addi %mul3A_55, %add3A_75 : i32
        %get3A_77 = arith.index_cast %add3A_76 : i32 to index
        %get3A_78 = arith.constant 48 : index
        %get3A_79 = tpu.vector_load %arg5[%get3A_77, %get3A_78] {strides = array<i32>} : memref<64x128xf32, #tpu.memory_space<vmem>>, vector<16xf32>,
        tpu.vector_store_idx %arg7[%add3A_16, %add3A_60], %get3A_64 : memref<128x129xf32, #tpu.memory_space<vmem>>[vector<16xi32>, vector<16xi32>], vector<16xf32>,
        tpu.vector_store_idx %arg7[%add3A_19, %add3A_60], %get3A_69 : memref<128x129xf32, #tpu.memory_space<vmem>>[vector<16xi32>, vector<16xi32>], vector<16xf32>,
        tpu.vector_store_idx %arg7[%add3A_22, %add3A_60], %get3A_74 : memref<128x129xf32, #tpu.memory_space<vmem>>[vector<16xi32>, vector<16xi32>], vector<16xf32>,
        tpu.vector_store_idx %arg7[%add3A_25, %add3A_60], %get3A_79 : memref<128x129xf32, #tpu.memory_space<vmem>>[vector<16xi32>, vector<16xi32>], vector<16xf32>,
        %broadcast_in_dim3A_80 = arith.constant 0 : i32
        %broadcast_in_dim3A_81 = vector.broadcast %broadcast_in_dim3A_80 : i32 to vector<16xi32>
        %add3A_82 = arith.constant 1 : i32
        %add3A_83 = arith.addi %mul3A_55, %add3A_82 : i32
        %add3A_84 = vector.broadcast %add3A_83 : i32 to vector<16xi32>
        %add3A_85 = arith.addi %broadcast_in_dim3A_81, %add3A_84 : vector<16xi32>
        %add3A_86 = arith.constant 1 : i32
        %add3A_87 = arith.addi %mul3A_55, %add3A_86 : i32
        %get3A_88 = arith.index_cast %add3A_87 : i32 to index
        %get3A_89 = arith.constant 0 : index
        %get3A_90 = tpu.vector_load %arg5[%get3A_88, %get3A_89] {strides = array<i32>} : memref<64x128xf32, #tpu.memory_space<vmem>>, vector<16xf32>,
        %add3A_91 = arith.constant 1 : i32
        %add3A_92 = arith.addi %mul3A_55, %add3A_91 : i32
        %get3A_93 = arith.index_cast %add3A_92 : i32 to index
        %get3A_94 = arith.constant 16 : index
        %get3A_95 = tpu.vector_load %arg5[%get3A_93, %get3A_94] {strides = array<i32>} : memref<64x128xf32, #tpu.memory_space<vmem>>, vector<16xf32>,
        %add3A_96 = arith.constant 1 : i32
        %add3A_97 = arith.addi %mul3A_55, %add3A_96 : i32
        %get3A_98 = arith.index_cast %add3A_97 : i32 to index
        %get3A_99 = arith.constant 32 : index
        %get3A_100 = tpu.vector_load %arg5[%get3A_98, %get3A_99] {strides = array<i32>} : memref<64x128xf32, #tpu.memory_space<vmem>>, vector<16xf32>,
        %add3A_101 = arith.constant 1 : i32
        %add3A_102 = arith.addi %mul3A_55, %add3A_101 : i32
        %get3A_103 = arith.index_cast %add3A_102 : i32 to index
        %get3A_104 = arith.constant 48 : index
        %get3A_105 = tpu.vector_load %arg5[%get3A_103, %get3A_104] {strides = array<i32>} : memref<64x128xf32, #tpu.memory_space<vmem>>, vector<16xf32>,
        tpu.vector_store_idx %arg7[%add3A_16, %add3A_85], %get3A_90 : memref<128x129xf32, #tpu.memory_space<vmem>>[vector<16xi32>, vector<16xi32>], vector<16xf32>,
        tpu.vector_store_idx %arg7[%add3A_19, %add3A_85], %get3A_95 : memref<128x129xf32, #tpu.memory_space<vmem>>[vector<16xi32>, vector<16xi32>], vector<16xf32>,
        tpu.vector_store_idx %arg7[%add3A_22, %add3A_85], %get3A_100 : memref<128x129xf32, #tpu.memory_space<vmem>>[vector<16xi32>, vector<16xi32>], vector<16xf32>,
        tpu.vector_store_idx %arg7[%add3A_25, %add3A_85], %get3A_105 : memref<128x129xf32, #tpu.memory_space<vmem>>[vector<16xi32>, vector<16xi32>], vector<16xf32>,
        %broadcast_in_dim3A_106 = arith.constant 0 : i32
        %broadcast_in_dim3A_107 = vector.broadcast %broadcast_in_dim3A_106 : i32 to vector<16xi32>
        %add3A_108 = arith.constant 2 : i32
        %add3A_109 = arith.addi %mul3A_55, %add3A_108 : i32
        %add3A_110 = vector.broadcast %add3A_109 : i32 to vector<16xi32>
        %add3A_111 = arith.addi %broadcast_in_dim3A_107, %add3A_110 : vector<16xi32>
        %add3A_112 = arith.constant 2 : i32
        %add3A_113 = arith.addi %mul3A_55, %add3A_112 : i32
        %get3A_114 = arith.index_cast %add3A_113 : i32 to index
        %get3A_115 = arith.constant 0 : index
        %get3A_116 = tpu.vector_load %arg5[%get3A_114, %get3A_115] {strides = array<i32>} : memref<64x128xf32, #tpu.memory_space<vmem>>, vector<16xf32>,
        %add3A_117 = arith.constant 2 : i32
        %add3A_118 = arith.addi %mul3A_55, %add3A_117 : i32
        %get3A_119 = arith.index_cast %add3A_118 : i32 to index
        %get3A_120 = arith.constant 16 : index
        %get3A_121 = tpu.vector_load %arg5[%get3A_119, %get3A_120] {strides = array<i32>} : memref<64x128xf32, #tpu.memory_space<vmem>>, vector<16xf32>,
        %add3A_122 = arith.constant 2 : i32
        %add3A_123 = arith.addi %mul3A_55, %add3A_122 : i32
        %get3A_124 = arith.index_cast %add3A_123 : i32 to index
        %get3A_125 = arith.constant 32 : index
        %get3A_126 = tpu.vector_load %arg5[%get3A_124, %get3A_125] {strides = array<i32>} : memref<64x128xf32, #tpu.memory_space<vmem>>, vector<16xf32>,
        %add3A_127 = arith.constant 2 : i32
        %add3A_128 = arith.addi %mul3A_55, %add3A_127 : i32
        %get3A_129 = arith.index_cast %add3A_128 : i32 to index
        %get3A_130 = arith.constant 48 : index
        %get3A_131 = tpu.vector_load %arg5[%get3A_129, %get3A_130] {strides = array<i32>} : memref<64x128xf32, #tpu.memory_space<vmem>>, vector<16xf32>,
        tpu.vector_store_idx %arg7[%add3A_16, %add3A_111], %get3A_116 : memref<128x129xf32, #tpu.memory_space<vmem>>[vector<16xi32>, vector<16xi32>], vector<16xf32>,
        tpu.vector_store_idx %arg7[%add3A_19, %add3A_111], %get3A_121 : memref<128x129xf32, #tpu.memory_space<vmem>>[vector<16xi32>, vector<16xi32>], vector<16xf32>,
        tpu.vector_store_idx %arg7[%add3A_22, %add3A_111], %get3A_126 : memref<128x129xf32, #tpu.memory_space<vmem>>[vector<16xi32>, vector<16xi32>], vector<16xf32>,
        tpu.vector_store_idx %arg7[%add3A_25, %add3A_111], %get3A_131 : memref<128x129xf32, #tpu.memory_space<vmem>>[vector<16xi32>, vector<16xi32>], vector<16xf32>,
        %broadcast_in_dim3A_132 = arith.constant 0 : i32
        %broadcast_in_dim3A_133 = vector.broadcast %broadcast_in_dim3A_132 : i32 to vector<16xi32>
        %add3A_134 = arith.constant 3 : i32
        %add3A_135 = arith.addi %mul3A_55, %add3A_134 : i32
        %add3A_136 = vector.broadcast %add3A_135 : i32 to vector<16xi32>
        %add3A_137 = arith.addi %broadcast_in_dim3A_133, %add3A_136 : vector<16xi32>
        %add3A_138 = arith.constant 3 : i32
        %add3A_139 = arith.addi %mul3A_55, %add3A_138 : i32
        %get3A_140 = arith.index_cast %add3A_139 : i32 to index
        %get3A_141 = arith.constant 0 : index
        %get3A_142 = tpu.vector_load %arg5[%get3A_140, %get3A_141] {strides = array<i32>} : memref<64x128xf32, #tpu.memory_space<vmem>>, vector<16xf32>,
        %add3A_143 = arith.constant 3 : i32
        %add3A_144 = arith.addi %mul3A_55, %add3A_143 : i32
        %get3A_145 = arith.index_cast %add3A_144 : i32 to index
        %get3A_146 = arith.constant 16 : index
        %get3A_147 = tpu.vector_load %arg5[%get3A_145, %get3A_146] {strides = array<i32>} : memref<64x128xf32, #tpu.memory_space<vmem>>, vector<16xf32>,
        %add3A_148 = arith.constant 3 : i32
        %add3A_149 = arith.addi %mul3A_55, %add3A_148 : i32
        %get3A_150 = arith.index_cast %add3A_149 : i32 to index
        %get3A_151 = arith.constant 32 : index
        %get3A_152 = tpu.vector_load %arg5[%get3A_150, %get3A_151] {strides = array<i32>} : memref<64x128xf32, #tpu.memory_space<vmem>>, vector<16xf32>,
        %add3A_153 = arith.constant 3 : i32
        %add3A_154 = arith.addi %mul3A_55, %add3A_153 : i32
        %get3A_155 = arith.index_cast %add3A_154 : i32 to index
        %get3A_156 = arith.constant 48 : index
        %get3A_157 = tpu.vector_load %arg5[%get3A_155, %get3A_156] {strides = array<i32>} : memref<64x128xf32, #tpu.memory_space<vmem>>, vector<16xf32>,
        tpu.vector_store_idx %arg7[%add3A_16, %add3A_137], %get3A_142 : memref<128x129xf32, #tpu.memory_space<vmem>>[vector<16xi32>, vector<16xi32>], vector<16xf32>,
        tpu.vector_store_idx %arg7[%add3A_19, %add3A_137], %get3A_147 : memref<128x129xf32, #tpu.memory_space<vmem>>[vector<16xi32>, vector<16xi32>], vector<16xf32>,
        tpu.vector_store_idx %arg7[%add3A_22, %add3A_137], %get3A_152 : memref<128x129xf32, #tpu.memory_space<vmem>>[vector<16xi32>, vector<16xi32>], vector<16xf32>,
        tpu.vector_store_idx %arg7[%add3A_25, %add3A_137], %get3A_157 : memref<128x129xf32, #tpu.memory_space<vmem>>[vector<16xi32>, vector<16xi32>], vector<16xf32>,
        %broadcast_in_dim3A_158 = arith.constant 0 : i32
        %broadcast_in_dim3A_159 = vector.broadcast %broadcast_in_dim3A_158 : i32 to vector<16xi32>
        %add3A_160 = arith.constant 4 : i32
        %add3A_161 = arith.addi %mul3A_55, %add3A_160 : i32
        %add3A_162 = vector.broadcast %add3A_161 : i32 to vector<16xi32>
        %add3A_163 = arith.addi %broadcast_in_dim3A_159, %add3A_162 : vector<16xi32>
        %add3A_164 = arith.constant 4 : i32
        %add3A_165 = arith.addi %mul3A_55, %add3A_164 : i32
        %get3A_166 = arith.index_cast %add3A_165 : i32 to index
        %get3A_167 = arith.constant 0 : index
        %get3A_168 = tpu.vector_load %arg5[%get3A_166, %get3A_167] {strides = array<i32>} : memref<64x128xf32, #tpu.memory_space<vmem>>, vector<16xf32>,
        %add3A_169 = arith.constant 4 : i32
        %add3A_170 = arith.addi %mul3A_55, %add3A_169 : i32
        %get3A_171 = arith.index_cast %add3A_170 : i32 to index
        %get3A_172 = arith.constant 16 : index
        %get3A_173 = tpu.vector_load %arg5[%get3A_171, %get3A_172] {strides = array<i32>} : memref<64x128xf32, #tpu.memory_space<vmem>>, vector<16xf32>,
        %add3A_174 = arith.constant 4 : i32
        %add3A_175 = arith.addi %mul3A_55, %add3A_174 : i32
        %get3A_176 = arith.index_cast %add3A_175 : i32 to index
        %get3A_177 = arith.constant 32 : index
        %get3A_178 = tpu.vector_load %arg5[%get3A_176, %get3A_177] {strides = array<i32>} : memref<64x128xf32, #tpu.memory_space<vmem>>, vector<16xf32>,
        %add3A_179 = arith.constant 4 : i32
        %add3A_180 = arith.addi %mul3A_55, %add3A_179 : i32
        %get3A_181 = arith.index_cast %add3A_180 : i32 to index
        %get3A_182 = arith.constant 48 : index
        %get3A_183 = tpu.vector_load %arg5[%get3A_181, %get3A_182] {strides = array<i32>} : memref<64x128xf32, #tpu.memory_space<vmem>>, vector<16xf32>,
        tpu.vector_store_idx %arg7[%add3A_16, %add3A_163], %get3A_168 : memref<128x129xf32, #tpu.memory_space<vmem>>[vector<16xi32>, vector<16xi32>], vector<16xf32>,
        tpu.vector_store_idx %arg7[%add3A_19, %add3A_163], %get3A_173 : memref<128x129xf32, #tpu.memory_space<vmem>>[vector<16xi32>, vector<16xi32>], vector<16xf32>,
        tpu.vector_store_idx %arg7[%add3A_22, %add3A_163], %get3A_178 : memref<128x129xf32, #tpu.memory_space<vmem>>[vector<16xi32>, vector<16xi32>], vector<16xf32>,
        tpu.vector_store_idx %arg7[%add3A_25, %add3A_163], %get3A_183 : memref<128x129xf32, #tpu.memory_space<vmem>>[vector<16xi32>, vector<16xi32>], vector<16xf32>,
        %broadcast_in_dim3A_184 = arith.constant 0 : i32
        %broadcast_in_dim3A_185 = vector.broadcast %broadcast_in_dim3A_184 : i32 to vector<16xi32>
        %add3A_186 = arith.constant 5 : i32
        %add3A_187 = arith.addi %mul3A_55, %add3A_186 : i32
        %add3A_188 = vector.broadcast %add3A_187 : i32 to vector<16xi32>
        %add3A_189 = arith.addi %broadcast_in_dim3A_185, %add3A_188 : vector<16xi32>
        %add3A_190 = arith.constant 5 : i32
        %add3A_191 = arith.addi %mul3A_55, %add3A_190 : i32
        %get3A_192 = arith.index_cast %add3A_191 : i32 to index
        %get3A_193 = arith.constant 0 : index
        %get3A_194 = tpu.vector_load %arg5[%get3A_192, %get3A_193] {strides = array<i32>} : memref<64x128xf32, #tpu.memory_space<vmem>>, vector<16xf32>,
        %add3A_195 = arith.constant 5 : i32
        %add3A_196 = arith.addi %mul3A_55, %add3A_195 : i32
        %get3A_197 = arith.index_cast %add3A_196 : i32 to index
        %get3A_198 = arith.constant 16 : index
        %get3A_199 = tpu.vector_load %arg5[%get3A_197, %get3A_198] {strides = array<i32>} : memref<64x128xf32, #tpu.memory_space<vmem>>, vector<16xf32>,
        %add3A_200 = arith.constant 5 : i32
        %add3A_201 = arith.addi %mul3A_55, %add3A_200 : i32
        %get3A_202 = arith.index_cast %add3A_201 : i32 to index
        %get3A_203 = arith.constant 32 : index
        %get3A_204 = tpu.vector_load %arg5[%get3A_202, %get3A_203] {strides = array<i32>} : memref<64x128xf32, #tpu.memory_space<vmem>>, vector<16xf32>,
        %add3A_205 = arith.constant 5 : i32
        %add3A_206 = arith.addi %mul3A_55, %add3A_205 : i32
        %get3A_207 = arith.index_cast %add3A_206 : i32 to index
        %get3A_208 = arith.constant 48 : index
        %get3A_209 = tpu.vector_load %arg5[%get3A_207, %get3A_208] {strides = array<i32>} : memref<64x128xf32, #tpu.memory_space<vmem>>, vector<16xf32>,
        tpu.vector_store_idx %arg7[%add3A_16, %add3A_189], %get3A_194 : memref<128x129xf32, #tpu.memory_space<vmem>>[vector<16xi32>, vector<16xi32>], vector<16xf32>,
        tpu.vector_store_idx %arg7[%add3A_19, %add3A_189], %get3A_199 : memref<128x129xf32, #tpu.memory_space<vmem>>[vector<16xi32>, vector<16xi32>], vector<16xf32>,
        tpu.vector_store_idx %arg7[%add3A_22, %add3A_189], %get3A_204 : memref<128x129xf32, #tpu.memory_space<vmem>>[vector<16xi32>, vector<16xi32>], vector<16xf32>,
        tpu.vector_store_idx %arg7[%add3A_25, %add3A_189], %get3A_209 : memref<128x129xf32, #tpu.memory_space<vmem>>[vector<16xi32>, vector<16xi32>], vector<16xf32>,
        %broadcast_in_dim3A_210 = arith.constant 0 : i32
        %broadcast_in_dim3A_211 = vector.broadcast %broadcast_in_dim3A_210 : i32 to vector<16xi32>
        %add3A_212 = arith.constant 6 : i32
        %add3A_213 = arith.addi %mul3A_55, %add3A_212 : i32
        %add3A_214 = vector.broadcast %add3A_213 : i32 to vector<16xi32>
        %add3A_215 = arith.addi %broadcast_in_dim3A_211, %add3A_214 : vector<16xi32>
        %add3A_216 = arith.constant 6 : i32
        %add3A_217 = arith.addi %mul3A_55, %add3A_216 : i32
        %get3A_218 = arith.index_cast %add3A_217 : i32 to index
        %get3A_219 = arith.constant 0 : index
        %get3A_220 = tpu.vector_load %arg5[%get3A_218, %get3A_219] {strides = array<i32>} : memref<64x128xf32, #tpu.memory_space<vmem>>, vector<16xf32>,
        %add3A_221 = arith.constant 6 : i32
        %add3A_222 = arith.addi %mul3A_55, %add3A_221 : i32
        %get3A_223 = arith.index_cast %add3A_222 : i32 to index
        %get3A_224 = arith.constant 16 : index
        %get3A_225 = tpu.vector_load %arg5[%get3A_223, %get3A_224] {strides = array<i32>} : memref<64x128xf32, #tpu.memory_space<vmem>>, vector<16xf32>,
        %add3A_226 = arith.constant 6 : i32
        %add3A_227 = arith.addi %mul3A_55, %add3A_226 : i32
        %get3A_228 = arith.index_cast %add3A_227 : i32 to index
        %get3A_229 = arith.constant 32 : index
        %get3A_230 = tpu.vector_load %arg5[%get3A_228, %get3A_229] {strides = array<i32>} : memref<64x128xf32, #tpu.memory_space<vmem>>, vector<16xf32>,
        %add3A_231 = arith.constant 6 : i32
        %add3A_232 = arith.addi %mul3A_55, %add3A_231 : i32
        %get3A_233 = arith.index_cast %add3A_232 : i32 to index
        %get3A_234 = arith.constant 48 : index
        %get3A_235 = tpu.vector_load %arg5[%get3A_233, %get3A_234] {strides = array<i32>} : memref<64x128xf32, #tpu.memory_space<vmem>>, vector<16xf32>,
        tpu.vector_store_idx %arg7[%add3A_16, %add3A_215], %get3A_220 : memref<128x129xf32, #tpu.memory_space<vmem>>[vector<16xi32>, vector<16xi32>], vector<16xf32>,
        tpu.vector_store_idx %arg7[%add3A_19, %add3A_215], %get3A_225 : memref<128x129xf32, #tpu.memory_space<vmem>>[vector<16xi32>, vector<16xi32>], vector<16xf32>,
        tpu.vector_store_idx %arg7[%add3A_22, %add3A_215], %get3A_230 : memref<128x129xf32, #tpu.memory_space<vmem>>[vector<16xi32>, vector<16xi32>], vector<16xf32>,
        tpu.vector_store_idx %arg7[%add3A_25, %add3A_215], %get3A_235 : memref<128x129xf32, #tpu.memory_space<vmem>>[vector<16xi32>, vector<16xi32>], vector<16xf32>,
        %broadcast_in_dim3A_236 = arith.constant 0 : i32
        %broadcast_in_dim3A_237 = vector.broadcast %broadcast_in_dim3A_236 : i32 to vector<16xi32>
        %add3A_238 = arith.constant 7 : i32
        %add3A_239 = arith.addi %mul3A_55, %add3A_238 : i32
        %add3A_240 = vector.broadcast %add3A_239 : i32 to vector<16xi32>
        %add3A_241 = arith.addi %broadcast_in_dim3A_237, %add3A_240 : vector<16xi32>
        %add3A_242 = arith.constant 7 : i32
        %add3A_243 = arith.addi %mul3A_55, %add3A_242 : i32
        %get3A_244 = arith.index_cast %add3A_243 : i32 to index
        %get3A_245 = arith.constant 0 : index
        %get3A_246 = tpu.vector_load %arg5[%get3A_244, %get3A_245] {strides = array<i32>} : memref<64x128xf32, #tpu.memory_space<vmem>>, vector<16xf32>,
        %add3A_247 = arith.constant 7 : i32
        %add3A_248 = arith.addi %mul3A_55, %add3A_247 : i32
        %get3A_249 = arith.index_cast %add3A_248 : i32 to index
        %get3A_250 = arith.constant 16 : index
        %get3A_251 = tpu.vector_load %arg5[%get3A_249, %get3A_250] {strides = array<i32>} : memref<64x128xf32, #tpu.memory_space<vmem>>, vector<16xf32>,
        %add3A_252 = arith.constant 7 : i32
        %add3A_253 = arith.addi %mul3A_55, %add3A_252 : i32
        %get3A_254 = arith.index_cast %add3A_253 : i32 to index
        %get3A_255 = arith.constant 32 : index
        %get3A_256 = tpu.vector_load %arg5[%get3A_254, %get3A_255] {strides = array<i32>} : memref<64x128xf32, #tpu.memory_space<vmem>>, vector<16xf32>,
        %add3A_257 = arith.constant 7 : i32
        %add3A_258 = arith.addi %mul3A_55, %add3A_257 : i32
        %get3A_259 = arith.index_cast %add3A_258 : i32 to index
        %get3A_260 = arith.constant 48 : index
        %get3A_261 = tpu.vector_load %arg5[%get3A_259, %get3A_260] {strides = array<i32>} : memref<64x128xf32, #tpu.memory_space<vmem>>, vector<16xf32>,
        tpu.vector_store_idx %arg7[%add3A_16, %add3A_241], %get3A_246 : memref<128x129xf32, #tpu.memory_space<vmem>>[vector<16xi32>, vector<16xi32>], vector<16xf32>,
        tpu.vector_store_idx %arg7[%add3A_19, %add3A_241], %get3A_251 : memref<128x129xf32, #tpu.memory_space<vmem>>[vector<16xi32>, vector<16xi32>], vector<16xf32>,
        tpu.vector_store_idx %arg7[%add3A_22, %add3A_241], %get3A_256 : memref<128x129xf32, #tpu.memory_space<vmem>>[vector<16xi32>, vector<16xi32>], vector<16xf32>,
        tpu.vector_store_idx %arg7[%add3A_25, %add3A_241], %get3A_261 : memref<128x129xf32, #tpu.memory_space<vmem>>[vector<16xi32>, vector<16xi32>], vector<16xf32>,
      }
      %scan3A_30 = arith.constant 8 : i32
      %dma_start3A = arith.constant 0 : i32
      %dma_start3A_31 = arith.constant 0 : i32
      %dma_start3A_32 = tpu.memref_slice %arg7[%dma_start3A, %dma_start3A_31] : memref<128x129xf32, #tpu.memory_space<vmem>> -> memref<64x128xf32, #tpu.memory_space<vmem>>
      %dma_start3A_33 = arith.constant 1000000 : i32
      %dma_start3A_34 = arith.constant 0 : i32
      %dma_start3A_35 = tpu.memref_slice %arg4[%dma_start3A_33, %dma_start3A_34] : memref<1000064x128xf32, #tpu.memory_space<hbm>> -> memref<64x128xf32, #tpu.memory_space<hbm>>
      %dma_start3A_36 = arith.constant 1000000 : i32
      %dma_start3A_37 = arith.constant 0 : i32
      %dma_start3A_38 = tpu.memref_slice %arg4[%dma_start3A_36, %dma_start3A_37] : memref<1000064x128xf32, #tpu.memory_space<hbm>> -> memref<64x128xf32, #tpu.memory_space<hbm>>
      %dma_start3A_39 = arith.constant 0 : i32
      %dma_start3A_40 = arith.constant 0 : i32
      %dma_start3A_41 = tpu.memref_slice %arg7[%dma_start3A_39, %dma_start3A_40] : memref<128x129xf32, #tpu.memory_space<vmem>> -> memref<64x128xf32, #tpu.memory_space<vmem>>
      tpu.enqueue_dma source(%dma_start3A_41 : memref<64x128xf32, #tpu.memory_space<vmem>>) target(%dma_start3A_38 : memref<64x128xf32, #tpu.memory_space<hbm>>) target_semaphore(%arg11 : memref<!tpu.dma_semaphore, #tpu.memory_space<semaphore_mem>>)
      %dma_wait3A = arith.constant 0 : i32
      %dma_wait3A_42 = arith.constant 0 : i32
      %dma_wait3A_43 = tpu.memref_slice %arg7[%dma_wait3A, %dma_wait3A_42] : memref<128x129xf32, #tpu.memory_space<vmem>> -> memref<64x128xf32, #tpu.memory_space<vmem>>
      %dma_wait3A_44 = arith.constant 1000000 : i32
      %dma_wait3A_45 = arith.constant 0 : i32
      %dma_wait3A_46 = tpu.memref_slice %arg4[%dma_wait3A_44, %dma_wait3A_45] : memref<1000064x128xf32, #tpu.memory_space<hbm>> -> memref<64x128xf32, #tpu.memory_space<hbm>>
      %dma_wait3A_47 = arith.constant 1000000 : i32
      %dma_wait3A_48 = arith.constant 0 : i32
      %dma_wait3A_49 = tpu.memref_slice %arg4[%dma_wait3A_47, %dma_wait3A_48] : memref<1000064x128xf32, #tpu.memory_space<hbm>> -> memref<64x128xf32, #tpu.memory_space<hbm>>
      %dma_wait3A_50 = arith.constant 0 : i32
      %dma_wait3A_51 = arith.constant 0 : i32
      %dma_wait3A_52 = tpu.memref_slice %arg7[%dma_wait3A_50, %dma_wait3A_51] : memref<128x129xf32, #tpu.memory_space<vmem>> -> memref<64x128xf32, #tpu.memory_space<vmem>>
      tpu.wait_dma2 semaphore(%arg11 : memref<!tpu.dma_semaphore, #tpu.memory_space<semaphore_mem>>) src(%dma_wait3A_52 : memref<64x128xf32, #tpu.memory_space<vmem>>) dst(%dma_wait3A_49 : memref<64x128xf32, #tpu.memory_space<hbm>>)
    } else {
    }
    return
  }
}

#map = affine_map<(d0, d1) -> (0, 0, 0)>
#map1 = affine_map<(d0, d1) -> (0, 0)>
module attributes {stable_mosaic.version = 14 : i64} {
  func.func @_gather_body(%arg0: i32, %arg1: i32, %arg2: memref<32x200x128xi32, #tpu.memory_space<hbm>>, %arg3: memref<2000128x64xf32, #tpu.memory_space<hbm>>, %arg4: memref<819200x128xf32, #tpu.memory_space<hbm>>, %arg5: memref<200x128xi32, #tpu.memory_space<vmem>>, %arg6: memref<128x64xf32, #tpu.memory_space<vmem>>, %arg7: memref<128x64xf32, #tpu.memory_space<vmem>>, %arg8: memref<128x64xf32, #tpu.memory_space<vmem>>, %arg9: memref<128x64xf32, #tpu.memory_space<vmem>>, %arg10: memref<128x64xf32, #tpu.memory_space<vmem>>, %arg11: memref<128x64xf32, #tpu.memory_space<vmem>>, %arg12: memref<128x64xf32, #tpu.memory_space<vmem>>, %arg13: memref<128x64xf32, #tpu.memory_space<vmem>>, %arg14: memref<!tpu.dma_semaphore, #tpu.memory_space<semaphore_mem>>, %arg15: memref<!tpu.dma_semaphore, #tpu.memory_space<semaphore_mem>>, %arg16: memref<!tpu.dma_semaphore, #tpu.memory_space<semaphore_mem>>, %arg17: memref<!tpu.dma_semaphore, #tpu.memory_space<semaphore_mem>>, %arg18: memref<!tpu.dma_semaphore, #tpu.memory_space<semaphore_mem>>, %arg19: memref<!tpu.dma_semaphore, #tpu.memory_space<semaphore_mem>>, %arg20: memref<!tpu.dma_semaphore, #tpu.memory_space<semaphore_mem>>, %arg21: memref<!tpu.dma_semaphore, #tpu.memory_space<semaphore_mem>>) attributes {dimension_semantics = [#tpu.dimension_semantics<core_parallel>, #tpu.dimension_semantics<subcore_parallel>], iteration_bounds = array<i64: 2, 16>, scalar_prefetch = 0 : i64, scratch_operands = 17 : i64, tpu.core_type = #tpu.core_type<sc_vector_subcore>, window_params = [{transform_indices = #map}, {transform_indices = #map1}, {transform_indices = #map1}]} {
    %mul3A = arith.constant 2 : i32
    %mul3A_0 = arith.muli %arg1, %mul3A : i32
    %add3A = arith.addi %mul3A_0, %arg0 : i32
    "tpu.region"() ({
      %run_scoped3A = tpu.sem_alloc : memref<!tpu.dma_semaphore, #tpu.memory_space<semaphore_mem>>
      %dma_start3A_406 = arith.constant 0 : i32
      %dma_start3A_407 = arith.constant 0 : i32
      %dma_start3A_408 = tpu.memref_slice %arg2[%add3A, %dma_start3A_406, %dma_start3A_407] : memref<32x200x128xi32, #tpu.memory_space<hbm>> -> memref<1x200x128xi32, #tpu.memory_space<hbm>>
      %dma_start3A_409 = tpu.memref_squeeze %dma_start3A_408 : memref<1x200x128xi32, #tpu.memory_space<hbm>> -> memref<200x128xi32, #tpu.memory_space<hbm>>
      %dma_start3A_410 = arith.constant 0 : i32
      %dma_start3A_411 = arith.constant 0 : i32
      %dma_start3A_412 = tpu.memref_slice %arg2[%add3A, %dma_start3A_410, %dma_start3A_411] : memref<32x200x128xi32, #tpu.memory_space<hbm>> -> memref<1x200x128xi32, #tpu.memory_space<hbm>>
      %dma_start3A_413 = tpu.memref_squeeze %dma_start3A_412 : memref<1x200x128xi32, #tpu.memory_space<hbm>> -> memref<200x128xi32, #tpu.memory_space<hbm>>
      tpu.enqueue_dma source(%dma_start3A_413 : memref<200x128xi32, #tpu.memory_space<hbm>>) target(%arg5 : memref<200x128xi32, #tpu.memory_space<vmem>>) target_semaphore(%run_scoped3A : memref<!tpu.dma_semaphore, #tpu.memory_space<semaphore_mem>>)
      %dma_wait3A_414 = arith.constant 0 : i32
      %dma_wait3A_415 = arith.constant 0 : i32
      %dma_wait3A_416 = tpu.memref_slice %arg2[%add3A, %dma_wait3A_414, %dma_wait3A_415] : memref<32x200x128xi32, #tpu.memory_space<hbm>> -> memref<1x200x128xi32, #tpu.memory_space<hbm>>
      %dma_wait3A_417 = tpu.memref_squeeze %dma_wait3A_416 : memref<1x200x128xi32, #tpu.memory_space<hbm>> -> memref<200x128xi32, #tpu.memory_space<hbm>>
      %dma_wait3A_418 = arith.constant 0 : i32
      %dma_wait3A_419 = arith.constant 0 : i32
      %dma_wait3A_420 = tpu.memref_slice %arg2[%add3A, %dma_wait3A_418, %dma_wait3A_419] : memref<32x200x128xi32, #tpu.memory_space<hbm>> -> memref<1x200x128xi32, #tpu.memory_space<hbm>>
      %dma_wait3A_421 = tpu.memref_squeeze %dma_wait3A_420 : memref<1x200x128xi32, #tpu.memory_space<hbm>> -> memref<200x128xi32, #tpu.memory_space<hbm>>
      tpu.wait_dma2 semaphore(%run_scoped3A : memref<!tpu.dma_semaphore, #tpu.memory_space<semaphore_mem>>) src(%dma_wait3A_421 : memref<200x128xi32, #tpu.memory_space<hbm>>) dst(%arg5 : memref<200x128xi32, #tpu.memory_space<vmem>>)
      tpu.yield
    }) : () -> ()
    %mul3A_1 = arith.constant 25600 : i32
    %mul3A_2 = arith.muli %add3A, %mul3A_1 : i32
    %dma_start3A = arith.constant 0 : i32
    %dma_start3A_3 = arith.constant 0 : i32
    %dma_start3A_4 = tpu.memref_slice %arg5[%dma_start3A, %dma_start3A_3] : memref<200x128xi32, #tpu.memory_space<vmem>> -> memref<1x128xi32, #tpu.memory_space<vmem>>
    %dma_start3A_5 = tpu.memref_squeeze %dma_start3A_4 : memref<1x128xi32, #tpu.memory_space<vmem>> -> memref<128xi32, #tpu.memory_space<vmem>>
    %dma_start3A_6 = arith.constant 0 : i32
    %dma_start3A_7 = arith.constant 0 : i32
    %dma_start3A_8 = tpu.memref_slice %arg3[%dma_start3A_6, %dma_start3A_7] : memref<2000128x64xf32, #tpu.memory_space<hbm>> -> memref<2000128x64xf32, #tpu.memory_space<hbm>>
    tpu.enqueue_indirect_dma source(%dma_start3A_8 : memref<2000128x64xf32, #tpu.memory_space<hbm>>) target(%arg6 : memref<128x64xf32, #tpu.memory_space<vmem>>) offsets(%dma_start3A_5 : memref<128xi32, #tpu.memory_space<vmem>>) semaphore(%arg14 : memref<!tpu.dma_semaphore, #tpu.memory_space<semaphore_mem>>)
    %dma_start3A_9 = arith.constant 1 : i32
    %dma_start3A_10 = arith.constant 0 : i32
    %dma_start3A_11 = tpu.memref_slice %arg5[%dma_start3A_9, %dma_start3A_10] : memref<200x128xi32, #tpu.memory_space<vmem>> -> memref<1x128xi32, #tpu.memory_space<vmem>>
    %dma_start3A_12 = tpu.memref_squeeze %dma_start3A_11 : memref<1x128xi32, #tpu.memory_space<vmem>> -> memref<128xi32, #tpu.memory_space<vmem>>
    %dma_start3A_13 = arith.constant 0 : i32
    %dma_start3A_14 = arith.constant 0 : i32
    %dma_start3A_15 = tpu.memref_slice %arg3[%dma_start3A_13, %dma_start3A_14] : memref<2000128x64xf32, #tpu.memory_space<hbm>> -> memref<2000128x64xf32, #tpu.memory_space<hbm>>
    tpu.enqueue_indirect_dma source(%dma_start3A_15 : memref<2000128x64xf32, #tpu.memory_space<hbm>>) target(%arg7 : memref<128x64xf32, #tpu.memory_space<vmem>>) offsets(%dma_start3A_12 : memref<128xi32, #tpu.memory_space<vmem>>) semaphore(%arg15 : memref<!tpu.dma_semaphore, #tpu.memory_space<semaphore_mem>>)
    %dma_start3A_16 = arith.constant 2 : i32
    %dma_start3A_17 = arith.constant 0 : i32
    %dma_start3A_18 = tpu.memref_slice %arg5[%dma_start3A_16, %dma_start3A_17] : memref<200x128xi32, #tpu.memory_space<vmem>> -> memref<1x128xi32, #tpu.memory_space<vmem>>
    %dma_start3A_19 = tpu.memref_squeeze %dma_start3A_18 : memref<1x128xi32, #tpu.memory_space<vmem>> -> memref<128xi32, #tpu.memory_space<vmem>>
    %dma_start3A_20 = arith.constant 0 : i32
    %dma_start3A_21 = arith.constant 0 : i32
    %dma_start3A_22 = tpu.memref_slice %arg3[%dma_start3A_20, %dma_start3A_21] : memref<2000128x64xf32, #tpu.memory_space<hbm>> -> memref<2000128x64xf32, #tpu.memory_space<hbm>>
    tpu.enqueue_indirect_dma source(%dma_start3A_22 : memref<2000128x64xf32, #tpu.memory_space<hbm>>) target(%arg8 : memref<128x64xf32, #tpu.memory_space<vmem>>) offsets(%dma_start3A_19 : memref<128xi32, #tpu.memory_space<vmem>>) semaphore(%arg16 : memref<!tpu.dma_semaphore, #tpu.memory_space<semaphore_mem>>)
    %dma_start3A_23 = arith.constant 3 : i32
    %dma_start3A_24 = arith.constant 0 : i32
    %dma_start3A_25 = tpu.memref_slice %arg5[%dma_start3A_23, %dma_start3A_24] : memref<200x128xi32, #tpu.memory_space<vmem>> -> memref<1x128xi32, #tpu.memory_space<vmem>>
    %dma_start3A_26 = tpu.memref_squeeze %dma_start3A_25 : memref<1x128xi32, #tpu.memory_space<vmem>> -> memref<128xi32, #tpu.memory_space<vmem>>
    %dma_start3A_27 = arith.constant 0 : i32
    %dma_start3A_28 = arith.constant 0 : i32
    %dma_start3A_29 = tpu.memref_slice %arg3[%dma_start3A_27, %dma_start3A_28] : memref<2000128x64xf32, #tpu.memory_space<hbm>> -> memref<2000128x64xf32, #tpu.memory_space<hbm>>
    tpu.enqueue_indirect_dma source(%dma_start3A_29 : memref<2000128x64xf32, #tpu.memory_space<hbm>>) target(%arg9 : memref<128x64xf32, #tpu.memory_space<vmem>>) offsets(%dma_start3A_26 : memref<128xi32, #tpu.memory_space<vmem>>) semaphore(%arg17 : memref<!tpu.dma_semaphore, #tpu.memory_space<semaphore_mem>>)
    %dma_wait3A = arith.constant 0 : i32
    %dma_wait3A_30 = arith.constant 0 : i32
    %dma_wait3A_31 = tpu.memref_slice %arg4[%dma_wait3A, %dma_wait3A_30] : memref<819200x128xf32, #tpu.memory_space<hbm>> -> memref<128x64xf32, #tpu.memory_space<hbm>>
    %dma_wait3A_32 = arith.constant 0 : i32
    %dma_wait3A_33 = arith.constant 0 : i32
    %dma_wait3A_34 = tpu.memref_slice %arg4[%dma_wait3A_32, %dma_wait3A_33] : memref<819200x128xf32, #tpu.memory_space<hbm>> -> memref<128x64xf32, #tpu.memory_space<hbm>>
    tpu.wait_dma2 semaphore(%arg14 : memref<!tpu.dma_semaphore, #tpu.memory_space<semaphore_mem>>) src(%dma_wait3A_34 : memref<128x64xf32, #tpu.memory_space<hbm>>) dst(%arg6 : memref<128x64xf32, #tpu.memory_space<vmem>>)
    %add3A_35 = arith.constant 0 : i32
    %add3A_36 = arith.addi %mul3A_2, %add3A_35 : i32
    %dma_start3A_37 = arith.constant 0 : i32
    %dma_start3A_38 = tpu.memref_slice %arg4[%add3A_36, %dma_start3A_37] : memref<819200x128xf32, #tpu.memory_space<hbm>> -> memref<128x64xf32, #tpu.memory_space<hbm>>
    %dma_start3A_39 = arith.constant 0 : i32
    %dma_start3A_40 = tpu.memref_slice %arg4[%add3A_36, %dma_start3A_39] : memref<819200x128xf32, #tpu.memory_space<hbm>> -> memref<128x64xf32, #tpu.memory_space<hbm>>
    tpu.enqueue_dma source(%arg6 : memref<128x64xf32, #tpu.memory_space<vmem>>) target(%dma_start3A_40 : memref<128x64xf32, #tpu.memory_space<hbm>>) target_semaphore(%arg14 : memref<!tpu.dma_semaphore, #tpu.memory_space<semaphore_mem>>)
    %dma_start3A_41 = arith.constant 4 : i32
    %dma_start3A_42 = arith.constant 0 : i32
    %dma_start3A_43 = tpu.memref_slice %arg5[%dma_start3A_41, %dma_start3A_42] : memref<200x128xi32, #tpu.memory_space<vmem>> -> memref<1x128xi32, #tpu.memory_space<vmem>>
    %dma_start3A_44 = tpu.memref_squeeze %dma_start3A_43 : memref<1x128xi32, #tpu.memory_space<vmem>> -> memref<128xi32, #tpu.memory_space<vmem>>
    %dma_start3A_45 = arith.constant 0 : i32
    %dma_start3A_46 = arith.constant 0 : i32
    %dma_start3A_47 = tpu.memref_slice %arg3[%dma_start3A_45, %dma_start3A_46] : memref<2000128x64xf32, #tpu.memory_space<hbm>> -> memref<2000128x64xf32, #tpu.memory_space<hbm>>
    tpu.enqueue_indirect_dma source(%dma_start3A_47 : memref<2000128x64xf32, #tpu.memory_space<hbm>>) target(%arg10 : memref<128x64xf32, #tpu.memory_space<vmem>>) offsets(%dma_start3A_44 : memref<128xi32, #tpu.memory_space<vmem>>) semaphore(%arg18 : memref<!tpu.dma_semaphore, #tpu.memory_space<semaphore_mem>>)
    %dma_wait3A_48 = arith.constant 0 : i32
    %dma_wait3A_49 = arith.constant 0 : i32
    %dma_wait3A_50 = tpu.memref_slice %arg4[%dma_wait3A_48, %dma_wait3A_49] : memref<819200x128xf32, #tpu.memory_space<hbm>> -> memref<128x64xf32, #tpu.memory_space<hbm>>
    %dma_wait3A_51 = arith.constant 0 : i32
    %dma_wait3A_52 = arith.constant 0 : i32
    %dma_wait3A_53 = tpu.memref_slice %arg4[%dma_wait3A_51, %dma_wait3A_52] : memref<819200x128xf32, #tpu.memory_space<hbm>> -> memref<128x64xf32, #tpu.memory_space<hbm>>
    tpu.wait_dma2 semaphore(%arg15 : memref<!tpu.dma_semaphore, #tpu.memory_space<semaphore_mem>>) src(%dma_wait3A_53 : memref<128x64xf32, #tpu.memory_space<hbm>>) dst(%arg7 : memref<128x64xf32, #tpu.memory_space<vmem>>)
    %add3A_54 = arith.constant 128 : i32
    %add3A_55 = arith.addi %mul3A_2, %add3A_54 : i32
    %dma_start3A_56 = arith.constant 0 : i32
    %dma_start3A_57 = tpu.memref_slice %arg4[%add3A_55, %dma_start3A_56] : memref<819200x128xf32, #tpu.memory_space<hbm>> -> memref<128x64xf32, #tpu.memory_space<hbm>>
    %dma_start3A_58 = arith.constant 0 : i32
    %dma_start3A_59 = tpu.memref_slice %arg4[%add3A_55, %dma_start3A_58] : memref<819200x128xf32, #tpu.memory_space<hbm>> -> memref<128x64xf32, #tpu.memory_space<hbm>>
    tpu.enqueue_dma source(%arg7 : memref<128x64xf32, #tpu.memory_space<vmem>>) target(%dma_start3A_59 : memref<128x64xf32, #tpu.memory_space<hbm>>) target_semaphore(%arg15 : memref<!tpu.dma_semaphore, #tpu.memory_space<semaphore_mem>>)
    %dma_start3A_60 = arith.constant 5 : i32
    %dma_start3A_61 = arith.constant 0 : i32
    %dma_start3A_62 = tpu.memref_slice %arg5[%dma_start3A_60, %dma_start3A_61] : memref<200x128xi32, #tpu.memory_space<vmem>> -> memref<1x128xi32, #tpu.memory_space<vmem>>
    %dma_start3A_63 = tpu.memref_squeeze %dma_start3A_62 : memref<1x128xi32, #tpu.memory_space<vmem>> -> memref<128xi32, #tpu.memory_space<vmem>>
    %dma_start3A_64 = arith.constant 0 : i32
    %dma_start3A_65 = arith.constant 0 : i32
    %dma_start3A_66 = tpu.memref_slice %arg3[%dma_start3A_64, %dma_start3A_65] : memref<2000128x64xf32, #tpu.memory_space<hbm>> -> memref<2000128x64xf32, #tpu.memory_space<hbm>>
    tpu.enqueue_indirect_dma source(%dma_start3A_66 : memref<2000128x64xf32, #tpu.memory_space<hbm>>) target(%arg11 : memref<128x64xf32, #tpu.memory_space<vmem>>) offsets(%dma_start3A_63 : memref<128xi32, #tpu.memory_space<vmem>>) semaphore(%arg19 : memref<!tpu.dma_semaphore, #tpu.memory_space<semaphore_mem>>)
    %dma_wait3A_67 = arith.constant 0 : i32
    %dma_wait3A_68 = arith.constant 0 : i32
    %dma_wait3A_69 = tpu.memref_slice %arg4[%dma_wait3A_67, %dma_wait3A_68] : memref<819200x128xf32, #tpu.memory_space<hbm>> -> memref<128x64xf32, #tpu.memory_space<hbm>>
    %dma_wait3A_70 = arith.constant 0 : i32
    %dma_wait3A_71 = arith.constant 0 : i32
    %dma_wait3A_72 = tpu.memref_slice %arg4[%dma_wait3A_70, %dma_wait3A_71] : memref<819200x128xf32, #tpu.memory_space<hbm>> -> memref<128x64xf32, #tpu.memory_space<hbm>>
    tpu.wait_dma2 semaphore(%arg16 : memref<!tpu.dma_semaphore, #tpu.memory_space<semaphore_mem>>) src(%dma_wait3A_72 : memref<128x64xf32, #tpu.memory_space<hbm>>) dst(%arg8 : memref<128x64xf32, #tpu.memory_space<vmem>>)
    %add3A_73 = arith.constant 256 : i32
    %add3A_74 = arith.addi %mul3A_2, %add3A_73 : i32
    %dma_start3A_75 = arith.constant 0 : i32
    %dma_start3A_76 = tpu.memref_slice %arg4[%add3A_74, %dma_start3A_75] : memref<819200x128xf32, #tpu.memory_space<hbm>> -> memref<128x64xf32, #tpu.memory_space<hbm>>
    %dma_start3A_77 = arith.constant 0 : i32
    %dma_start3A_78 = tpu.memref_slice %arg4[%add3A_74, %dma_start3A_77] : memref<819200x128xf32, #tpu.memory_space<hbm>> -> memref<128x64xf32, #tpu.memory_space<hbm>>
    tpu.enqueue_dma source(%arg8 : memref<128x64xf32, #tpu.memory_space<vmem>>) target(%dma_start3A_78 : memref<128x64xf32, #tpu.memory_space<hbm>>) target_semaphore(%arg16 : memref<!tpu.dma_semaphore, #tpu.memory_space<semaphore_mem>>)
    %dma_start3A_79 = arith.constant 6 : i32
    %dma_start3A_80 = arith.constant 0 : i32
    %dma_start3A_81 = tpu.memref_slice %arg5[%dma_start3A_79, %dma_start3A_80] : memref<200x128xi32, #tpu.memory_space<vmem>> -> memref<1x128xi32, #tpu.memory_space<vmem>>
    %dma_start3A_82 = tpu.memref_squeeze %dma_start3A_81 : memref<1x128xi32, #tpu.memory_space<vmem>> -> memref<128xi32, #tpu.memory_space<vmem>>
    %dma_start3A_83 = arith.constant 0 : i32
    %dma_start3A_84 = arith.constant 0 : i32
    %dma_start3A_85 = tpu.memref_slice %arg3[%dma_start3A_83, %dma_start3A_84] : memref<2000128x64xf32, #tpu.memory_space<hbm>> -> memref<2000128x64xf32, #tpu.memory_space<hbm>>
    tpu.enqueue_indirect_dma source(%dma_start3A_85 : memref<2000128x64xf32, #tpu.memory_space<hbm>>) target(%arg12 : memref<128x64xf32, #tpu.memory_space<vmem>>) offsets(%dma_start3A_82 : memref<128xi32, #tpu.memory_space<vmem>>) semaphore(%arg20 : memref<!tpu.dma_semaphore, #tpu.memory_space<semaphore_mem>>)
    %dma_wait3A_86 = arith.constant 0 : i32
    %dma_wait3A_87 = arith.constant 0 : i32
    %dma_wait3A_88 = tpu.memref_slice %arg4[%dma_wait3A_86, %dma_wait3A_87] : memref<819200x128xf32, #tpu.memory_space<hbm>> -> memref<128x64xf32, #tpu.memory_space<hbm>>
    %dma_wait3A_89 = arith.constant 0 : i32
    %dma_wait3A_90 = arith.constant 0 : i32
    %dma_wait3A_91 = tpu.memref_slice %arg4[%dma_wait3A_89, %dma_wait3A_90] : memref<819200x128xf32, #tpu.memory_space<hbm>> -> memref<128x64xf32, #tpu.memory_space<hbm>>
    tpu.wait_dma2 semaphore(%arg17 : memref<!tpu.dma_semaphore, #tpu.memory_space<semaphore_mem>>) src(%dma_wait3A_91 : memref<128x64xf32, #tpu.memory_space<hbm>>) dst(%arg9 : memref<128x64xf32, #tpu.memory_space<vmem>>)
    %add3A_92 = arith.constant 384 : i32
    %add3A_93 = arith.addi %mul3A_2, %add3A_92 : i32
    %dma_start3A_94 = arith.constant 0 : i32
    %dma_start3A_95 = tpu.memref_slice %arg4[%add3A_93, %dma_start3A_94] : memref<819200x128xf32, #tpu.memory_space<hbm>> -> memref<128x64xf32, #tpu.memory_space<hbm>>
    %dma_start3A_96 = arith.constant 0 : i32
    %dma_start3A_97 = tpu.memref_slice %arg4[%add3A_93, %dma_start3A_96] : memref<819200x128xf32, #tpu.memory_space<hbm>> -> memref<128x64xf32, #tpu.memory_space<hbm>>
    tpu.enqueue_dma source(%arg9 : memref<128x64xf32, #tpu.memory_space<vmem>>) target(%dma_start3A_97 : memref<128x64xf32, #tpu.memory_space<hbm>>) target_semaphore(%arg17 : memref<!tpu.dma_semaphore, #tpu.memory_space<semaphore_mem>>)
    %dma_start3A_98 = arith.constant 7 : i32
    %dma_start3A_99 = arith.constant 0 : i32
    %dma_start3A_100 = tpu.memref_slice %arg5[%dma_start3A_98, %dma_start3A_99] : memref<200x128xi32, #tpu.memory_space<vmem>> -> memref<1x128xi32, #tpu.memory_space<vmem>>
    %dma_start3A_101 = tpu.memref_squeeze %dma_start3A_100 : memref<1x128xi32, #tpu.memory_space<vmem>> -> memref<128xi32, #tpu.memory_space<vmem>>
    %dma_start3A_102 = arith.constant 0 : i32
    %dma_start3A_103 = arith.constant 0 : i32
    %dma_start3A_104 = tpu.memref_slice %arg3[%dma_start3A_102, %dma_start3A_103] : memref<2000128x64xf32, #tpu.memory_space<hbm>> -> memref<2000128x64xf32, #tpu.memory_space<hbm>>
    tpu.enqueue_indirect_dma source(%dma_start3A_104 : memref<2000128x64xf32, #tpu.memory_space<hbm>>) target(%arg13 : memref<128x64xf32, #tpu.memory_space<vmem>>) offsets(%dma_start3A_101 : memref<128xi32, #tpu.memory_space<vmem>>) semaphore(%arg21 : memref<!tpu.dma_semaphore, #tpu.memory_space<semaphore_mem>>)
    %dma_wait3A_105 = arith.constant 0 : i32
    %dma_wait3A_106 = arith.constant 0 : i32
    %dma_wait3A_107 = tpu.memref_slice %arg4[%dma_wait3A_105, %dma_wait3A_106] : memref<819200x128xf32, #tpu.memory_space<hbm>> -> memref<128x64xf32, #tpu.memory_space<hbm>>
    %dma_wait3A_108 = arith.constant 0 : i32
    %dma_wait3A_109 = arith.constant 0 : i32
    %dma_wait3A_110 = tpu.memref_slice %arg4[%dma_wait3A_108, %dma_wait3A_109] : memref<819200x128xf32, #tpu.memory_space<hbm>> -> memref<128x64xf32, #tpu.memory_space<hbm>>
    tpu.wait_dma2 semaphore(%arg14 : memref<!tpu.dma_semaphore, #tpu.memory_space<semaphore_mem>>) src(%dma_wait3A_110 : memref<128x64xf32, #tpu.memory_space<hbm>>) dst(%arg6 : memref<128x64xf32, #tpu.memory_space<vmem>>)
    %dma_start3A_111 = arith.constant 8 : i32
    %dma_start3A_112 = arith.constant 0 : i32
    %dma_start3A_113 = tpu.memref_slice %arg5[%dma_start3A_111, %dma_start3A_112] : memref<200x128xi32, #tpu.memory_space<vmem>> -> memref<1x128xi32, #tpu.memory_space<vmem>>
    %dma_start3A_114 = tpu.memref_squeeze %dma_start3A_113 : memref<1x128xi32, #tpu.memory_space<vmem>> -> memref<128xi32, #tpu.memory_space<vmem>>
    %dma_start3A_115 = arith.constant 0 : i32
    %dma_start3A_116 = arith.constant 0 : i32
    %dma_start3A_117 = tpu.memref_slice %arg3[%dma_start3A_115, %dma_start3A_116] : memref<2000128x64xf32, #tpu.memory_space<hbm>> -> memref<2000128x64xf32, #tpu.memory_space<hbm>>
    tpu.enqueue_indirect_dma source(%dma_start3A_117 : memref<2000128x64xf32, #tpu.memory_space<hbm>>) target(%arg6 : memref<128x64xf32, #tpu.memory_space<vmem>>) offsets(%dma_start3A_114 : memref<128xi32, #tpu.memory_space<vmem>>) semaphore(%arg14 : memref<!tpu.dma_semaphore, #tpu.memory_space<semaphore_mem>>)
    %dma_wait3A_118 = arith.constant 0 : i32
    %dma_wait3A_119 = arith.constant 0 : i32
    %dma_wait3A_120 = tpu.memref_slice %arg4[%dma_wait3A_118, %dma_wait3A_119] : memref<819200x128xf32, #tpu.memory_space<hbm>> -> memref<128x64xf32, #tpu.memory_space<hbm>>
    %dma_wait3A_121 = arith.constant 0 : i32
    %dma_wait3A_122 = arith.constant 0 : i32
    %dma_wait3A_123 = tpu.memref_slice %arg4[%dma_wait3A_121, %dma_wait3A_122] : memref<819200x128xf32, #tpu.memory_space<hbm>> -> memref<128x64xf32, #tpu.memory_space<hbm>>
    tpu.wait_dma2 semaphore(%arg18 : memref<!tpu.dma_semaphore, #tpu.memory_space<semaphore_mem>>) src(%dma_wait3A_123 : memref<128x64xf32, #tpu.memory_space<hbm>>) dst(%arg10 : memref<128x64xf32, #tpu.memory_space<vmem>>)
    %add3A_124 = arith.constant 512 : i32
    %add3A_125 = arith.addi %mul3A_2, %add3A_124 : i32
    %dma_start3A_126 = arith.constant 0 : i32
    %dma_start3A_127 = tpu.memref_slice %arg4[%add3A_125, %dma_start3A_126] : memref<819200x128xf32, #tpu.memory_space<hbm>> -> memref<128x64xf32, #tpu.memory_space<hbm>>
    %dma_start3A_128 = arith.constant 0 : i32
    %dma_start3A_129 = tpu.memref_slice %arg4[%add3A_125, %dma_start3A_128] : memref<819200x128xf32, #tpu.memory_space<hbm>> -> memref<128x64xf32, #tpu.memory_space<hbm>>
    tpu.enqueue_dma source(%arg10 : memref<128x64xf32, #tpu.memory_space<vmem>>) target(%dma_start3A_129 : memref<128x64xf32, #tpu.memory_space<hbm>>) target_semaphore(%arg18 : memref<!tpu.dma_semaphore, #tpu.memory_space<semaphore_mem>>)
    %dma_wait3A_130 = arith.constant 0 : i32
    %dma_wait3A_131 = arith.constant 0 : i32
    %dma_wait3A_132 = tpu.memref_slice %arg4[%dma_wait3A_130, %dma_wait3A_131] : memref<819200x128xf32, #tpu.memory_space<hbm>> -> memref<128x64xf32, #tpu.memory_space<hbm>>
    %dma_wait3A_133 = arith.constant 0 : i32
    %dma_wait3A_134 = arith.constant 0 : i32
    %dma_wait3A_135 = tpu.memref_slice %arg4[%dma_wait3A_133, %dma_wait3A_134] : memref<819200x128xf32, #tpu.memory_space<hbm>> -> memref<128x64xf32, #tpu.memory_space<hbm>>
    tpu.wait_dma2 semaphore(%arg15 : memref<!tpu.dma_semaphore, #tpu.memory_space<semaphore_mem>>) src(%dma_wait3A_135 : memref<128x64xf32, #tpu.memory_space<hbm>>) dst(%arg7 : memref<128x64xf32, #tpu.memory_space<vmem>>)
    %dma_start3A_136 = arith.constant 9 : i32
    %dma_start3A_137 = arith.constant 0 : i32
    %dma_start3A_138 = tpu.memref_slice %arg5[%dma_start3A_136, %dma_start3A_137] : memref<200x128xi32, #tpu.memory_space<vmem>> -> memref<1x128xi32, #tpu.memory_space<vmem>>
    %dma_start3A_139 = tpu.memref_squeeze %dma_start3A_138 : memref<1x128xi32, #tpu.memory_space<vmem>> -> memref<128xi32, #tpu.memory_space<vmem>>
    %dma_start3A_140 = arith.constant 0 : i32
    %dma_start3A_141 = arith.constant 0 : i32
    %dma_start3A_142 = tpu.memref_slice %arg3[%dma_start3A_140, %dma_start3A_141] : memref<2000128x64xf32, #tpu.memory_space<hbm>> -> memref<2000128x64xf32, #tpu.memory_space<hbm>>
    tpu.enqueue_indirect_dma source(%dma_start3A_142 : memref<2000128x64xf32, #tpu.memory_space<hbm>>) target(%arg7 : memref<128x64xf32, #tpu.memory_space<vmem>>) offsets(%dma_start3A_139 : memref<128xi32, #tpu.memory_space<vmem>>) semaphore(%arg15 : memref<!tpu.dma_semaphore, #tpu.memory_space<semaphore_mem>>)
    %dma_wait3A_143 = arith.constant 0 : i32
    %dma_wait3A_144 = arith.constant 0 : i32
    %dma_wait3A_145 = tpu.memref_slice %arg4[%dma_wait3A_143, %dma_wait3A_144] : memref<819200x128xf32, #tpu.memory_space<hbm>> -> memref<128x64xf32, #tpu.memory_space<hbm>>
    %dma_wait3A_146 = arith.constant 0 : i32
    %dma_wait3A_147 = arith.constant 0 : i32
    %dma_wait3A_148 = tpu.memref_slice %arg4[%dma_wait3A_146, %dma_wait3A_147] : memref<819200x128xf32, #tpu.memory_space<hbm>> -> memref<128x64xf32, #tpu.memory_space<hbm>>
    tpu.wait_dma2 semaphore(%arg19 : memref<!tpu.dma_semaphore, #tpu.memory_space<semaphore_mem>>) src(%dma_wait3A_148 : memref<128x64xf32, #tpu.memory_space<hbm>>) dst(%arg11 : memref<128x64xf32, #tpu.memory_space<vmem>>)
    %add3A_149 = arith.constant 640 : i32
    %add3A_150 = arith.addi %mul3A_2, %add3A_149 : i32
    %dma_start3A_151 = arith.constant 0 : i32
    %dma_start3A_152 = tpu.memref_slice %arg4[%add3A_150, %dma_start3A_151] : memref<819200x128xf32, #tpu.memory_space<hbm>> -> memref<128x64xf32, #tpu.memory_space<hbm>>
    %dma_start3A_153 = arith.constant 0 : i32
    %dma_start3A_154 = tpu.memref_slice %arg4[%add3A_150, %dma_start3A_153] : memref<819200x128xf32, #tpu.memory_space<hbm>> -> memref<128x64xf32, #tpu.memory_space<hbm>>
    tpu.enqueue_dma source(%arg11 : memref<128x64xf32, #tpu.memory_space<vmem>>) target(%dma_start3A_154 : memref<128x64xf32, #tpu.memory_space<hbm>>) target_semaphore(%arg19 : memref<!tpu.dma_semaphore, #tpu.memory_space<semaphore_mem>>)
    %dma_wait3A_155 = arith.constant 0 : i32
    %dma_wait3A_156 = arith.constant 0 : i32
    %dma_wait3A_157 = tpu.memref_slice %arg4[%dma_wait3A_155, %dma_wait3A_156] : memref<819200x128xf32, #tpu.memory_space<hbm>> -> memref<128x64xf32, #tpu.memory_space<hbm>>
    %dma_wait3A_158 = arith.constant 0 : i32
    %dma_wait3A_159 = arith.constant 0 : i32
    %dma_wait3A_160 = tpu.memref_slice %arg4[%dma_wait3A_158, %dma_wait3A_159] : memref<819200x128xf32, #tpu.memory_space<hbm>> -> memref<128x64xf32, #tpu.memory_space<hbm>>
    tpu.wait_dma2 semaphore(%arg16 : memref<!tpu.dma_semaphore, #tpu.memory_space<semaphore_mem>>) src(%dma_wait3A_160 : memref<128x64xf32, #tpu.memory_space<hbm>>) dst(%arg8 : memref<128x64xf32, #tpu.memory_space<vmem>>)
    %dma_start3A_161 = arith.constant 10 : i32
    %dma_start3A_162 = arith.constant 0 : i32
    %dma_start3A_163 = tpu.memref_slice %arg5[%dma_start3A_161, %dma_start3A_162] : memref<200x128xi32, #tpu.memory_space<vmem>> -> memref<1x128xi32, #tpu.memory_space<vmem>>
    %dma_start3A_164 = tpu.memref_squeeze %dma_start3A_163 : memref<1x128xi32, #tpu.memory_space<vmem>> -> memref<128xi32, #tpu.memory_space<vmem>>
    %dma_start3A_165 = arith.constant 0 : i32
    %dma_start3A_166 = arith.constant 0 : i32
    %dma_start3A_167 = tpu.memref_slice %arg3[%dma_start3A_165, %dma_start3A_166] : memref<2000128x64xf32, #tpu.memory_space<hbm>> -> memref<2000128x64xf32, #tpu.memory_space<hbm>>
    tpu.enqueue_indirect_dma source(%dma_start3A_167 : memref<2000128x64xf32, #tpu.memory_space<hbm>>) target(%arg8 : memref<128x64xf32, #tpu.memory_space<vmem>>) offsets(%dma_start3A_164 : memref<128xi32, #tpu.memory_space<vmem>>) semaphore(%arg16 : memref<!tpu.dma_semaphore, #tpu.memory_space<semaphore_mem>>)
    %dma_wait3A_168 = arith.constant 0 : i32
    %dma_wait3A_169 = arith.constant 0 : i32
    %dma_wait3A_170 = tpu.memref_slice %arg4[%dma_wait3A_168, %dma_wait3A_169] : memref<819200x128xf32, #tpu.memory_space<hbm>> -> memref<128x64xf32, #tpu.memory_space<hbm>>
    %dma_wait3A_171 = arith.constant 0 : i32
    %dma_wait3A_172 = arith.constant 0 : i32
    %dma_wait3A_173 = tpu.memref_slice %arg4[%dma_wait3A_171, %dma_wait3A_172] : memref<819200x128xf32, #tpu.memory_space<hbm>> -> memref<128x64xf32, #tpu.memory_space<hbm>>
    tpu.wait_dma2 semaphore(%arg20 : memref<!tpu.dma_semaphore, #tpu.memory_space<semaphore_mem>>) src(%dma_wait3A_173 : memref<128x64xf32, #tpu.memory_space<hbm>>) dst(%arg12 : memref<128x64xf32, #tpu.memory_space<vmem>>)
    %add3A_174 = arith.constant 768 : i32
    %add3A_175 = arith.addi %mul3A_2, %add3A_174 : i32
    %dma_start3A_176 = arith.constant 0 : i32
    %dma_start3A_177 = tpu.memref_slice %arg4[%add3A_175, %dma_start3A_176] : memref<819200x128xf32, #tpu.memory_space<hbm>> -> memref<128x64xf32, #tpu.memory_space<hbm>>
    %dma_start3A_178 = arith.constant 0 : i32
    %dma_start3A_179 = tpu.memref_slice %arg4[%add3A_175, %dma_start3A_178] : memref<819200x128xf32, #tpu.memory_space<hbm>> -> memref<128x64xf32, #tpu.memory_space<hbm>>
    tpu.enqueue_dma source(%arg12 : memref<128x64xf32, #tpu.memory_space<vmem>>) target(%dma_start3A_179 : memref<128x64xf32, #tpu.memory_space<hbm>>) target_semaphore(%arg20 : memref<!tpu.dma_semaphore, #tpu.memory_space<semaphore_mem>>)
    %dma_wait3A_180 = arith.constant 0 : i32
    %dma_wait3A_181 = arith.constant 0 : i32
    %dma_wait3A_182 = tpu.memref_slice %arg4[%dma_wait3A_180, %dma_wait3A_181] : memref<819200x128xf32, #tpu.memory_space<hbm>> -> memref<128x64xf32, #tpu.memory_space<hbm>>
    %dma_wait3A_183 = arith.constant 0 : i32
    %dma_wait3A_184 = arith.constant 0 : i32
    %dma_wait3A_185 = tpu.memref_slice %arg4[%dma_wait3A_183, %dma_wait3A_184] : memref<819200x128xf32, #tpu.memory_space<hbm>> -> memref<128x64xf32, #tpu.memory_space<hbm>>
    tpu.wait_dma2 semaphore(%arg17 : memref<!tpu.dma_semaphore, #tpu.memory_space<semaphore_mem>>) src(%dma_wait3A_185 : memref<128x64xf32, #tpu.memory_space<hbm>>) dst(%arg9 : memref<128x64xf32, #tpu.memory_space<vmem>>)
    %dma_start3A_186 = arith.constant 11 : i32
    %dma_start3A_187 = arith.constant 0 : i32
    %dma_start3A_188 = tpu.memref_slice %arg5[%dma_start3A_186, %dma_start3A_187] : memref<200x128xi32, #tpu.memory_space<vmem>> -> memref<1x128xi32, #tpu.memory_space<vmem>>
    %dma_start3A_189 = tpu.memref_squeeze %dma_start3A_188 : memref<1x128xi32, #tpu.memory_space<vmem>> -> memref<128xi32, #tpu.memory_space<vmem>>
    %dma_start3A_190 = arith.constant 0 : i32
    %dma_start3A_191 = arith.constant 0 : i32
    %dma_start3A_192 = tpu.memref_slice %arg3[%dma_start3A_190, %dma_start3A_191] : memref<2000128x64xf32, #tpu.memory_space<hbm>> -> memref<2000128x64xf32, #tpu.memory_space<hbm>>
    tpu.enqueue_indirect_dma source(%dma_start3A_192 : memref<2000128x64xf32, #tpu.memory_space<hbm>>) target(%arg9 : memref<128x64xf32, #tpu.memory_space<vmem>>) offsets(%dma_start3A_189 : memref<128xi32, #tpu.memory_space<vmem>>) semaphore(%arg17 : memref<!tpu.dma_semaphore, #tpu.memory_space<semaphore_mem>>)
    %dma_wait3A_193 = arith.constant 0 : i32
    %dma_wait3A_194 = arith.constant 0 : i32
    %dma_wait3A_195 = tpu.memref_slice %arg4[%dma_wait3A_193, %dma_wait3A_194] : memref<819200x128xf32, #tpu.memory_space<hbm>> -> memref<128x64xf32, #tpu.memory_space<hbm>>
    %dma_wait3A_196 = arith.constant 0 : i32
    %dma_wait3A_197 = arith.constant 0 : i32
    %dma_wait3A_198 = tpu.memref_slice %arg4[%dma_wait3A_196, %dma_wait3A_197] : memref<819200x128xf32, #tpu.memory_space<hbm>> -> memref<128x64xf32, #tpu.memory_space<hbm>>
    tpu.wait_dma2 semaphore(%arg21 : memref<!tpu.dma_semaphore, #tpu.memory_space<semaphore_mem>>) src(%dma_wait3A_198 : memref<128x64xf32, #tpu.memory_space<hbm>>) dst(%arg13 : memref<128x64xf32, #tpu.memory_space<vmem>>)
    %add3A_199 = arith.constant 896 : i32
    %add3A_200 = arith.addi %mul3A_2, %add3A_199 : i32
    %dma_start3A_201 = arith.constant 0 : i32
    %dma_start3A_202 = tpu.memref_slice %arg4[%add3A_200, %dma_start3A_201] : memref<819200x128xf32, #tpu.memory_space<hbm>> -> memref<128x64xf32, #tpu.memory_space<hbm>>
    %dma_start3A_203 = arith.constant 0 : i32
    %dma_start3A_204 = tpu.memref_slice %arg4[%add3A_200, %dma_start3A_203] : memref<819200x128xf32, #tpu.memory_space<hbm>> -> memref<128x64xf32, #tpu.memory_space<hbm>>
    tpu.enqueue_dma source(%arg13 : memref<128x64xf32, #tpu.memory_space<vmem>>) target(%dma_start3A_204 : memref<128x64xf32, #tpu.memory_space<hbm>>) target_semaphore(%arg21 : memref<!tpu.dma_semaphore, #tpu.memory_space<semaphore_mem>>)
    %scan3A = arith.constant 0 : i32
    %scan3A_205 = arith.constant 1 : i32
    %scan3A_206 = arith.constant 23 : i32
    %scan3A_207 = arith.addi %scan3A_205, %scan3A_206 : i32
    %scan3A_208 = arith.constant 1 : i32
    scf.for %scan3A_406 = %scan3A_205 to %scan3A_207 step %scan3A_208  : i32 {
      %mul3A_407 = arith.constant 8 : i32
      %mul3A_408 = arith.muli %scan3A_406, %mul3A_407 : i32
      %add3A_409 = arith.constant 0 : i32
      %add3A_410 = arith.addi %mul3A_408, %add3A_409 : i32
      %dma_wait3A_411 = arith.constant 0 : i32
      %dma_wait3A_412 = arith.constant 0 : i32
      %dma_wait3A_413 = tpu.memref_slice %arg4[%dma_wait3A_411, %dma_wait3A_412] : memref<819200x128xf32, #tpu.memory_space<hbm>> -> memref<128x64xf32, #tpu.memory_space<hbm>>
      %dma_wait3A_414 = arith.constant 0 : i32
      %dma_wait3A_415 = arith.constant 0 : i32
      %dma_wait3A_416 = tpu.memref_slice %arg4[%dma_wait3A_414, %dma_wait3A_415] : memref<819200x128xf32, #tpu.memory_space<hbm>> -> memref<128x64xf32, #tpu.memory_space<hbm>>
      tpu.wait_dma2 semaphore(%arg18 : memref<!tpu.dma_semaphore, #tpu.memory_space<semaphore_mem>>) src(%dma_wait3A_416 : memref<128x64xf32, #tpu.memory_space<hbm>>) dst(%arg10 : memref<128x64xf32, #tpu.memory_space<vmem>>)
      %add3A_417 = arith.constant 4 : i32
      %add3A_418 = arith.addi %add3A_410, %add3A_417 : i32
      %dma_start3A_419 = arith.constant 0 : i32
      %dma_start3A_420 = tpu.memref_slice %arg5[%add3A_418, %dma_start3A_419] : memref<200x128xi32, #tpu.memory_space<vmem>> -> memref<1x128xi32, #tpu.memory_space<vmem>>
      %dma_start3A_421 = tpu.memref_squeeze %dma_start3A_420 : memref<1x128xi32, #tpu.memory_space<vmem>> -> memref<128xi32, #tpu.memory_space<vmem>>
      %dma_start3A_422 = arith.constant 0 : i32
      %dma_start3A_423 = arith.constant 0 : i32
      %dma_start3A_424 = tpu.memref_slice %arg3[%dma_start3A_422, %dma_start3A_423] : memref<2000128x64xf32, #tpu.memory_space<hbm>> -> memref<2000128x64xf32, #tpu.memory_space<hbm>>
      tpu.enqueue_indirect_dma source(%dma_start3A_424 : memref<2000128x64xf32, #tpu.memory_space<hbm>>) target(%arg10 : memref<128x64xf32, #tpu.memory_space<vmem>>) offsets(%dma_start3A_421 : memref<128xi32, #tpu.memory_space<vmem>>) semaphore(%arg18 : memref<!tpu.dma_semaphore, #tpu.memory_space<semaphore_mem>>)
      %dma_wait3A_425 = arith.constant 0 : i32
      %dma_wait3A_426 = arith.constant 0 : i32
      %dma_wait3A_427 = tpu.memref_slice %arg4[%dma_wait3A_425, %dma_wait3A_426] : memref<819200x128xf32, #tpu.memory_space<hbm>> -> memref<128x64xf32, #tpu.memory_space<hbm>>
      %dma_wait3A_428 = arith.constant 0 : i32
      %dma_wait3A_429 = arith.constant 0 : i32
      %dma_wait3A_430 = tpu.memref_slice %arg4[%dma_wait3A_428, %dma_wait3A_429] : memref<819200x128xf32, #tpu.memory_space<hbm>> -> memref<128x64xf32, #tpu.memory_space<hbm>>
      tpu.wait_dma2 semaphore(%arg14 : memref<!tpu.dma_semaphore, #tpu.memory_space<semaphore_mem>>) src(%dma_wait3A_430 : memref<128x64xf32, #tpu.memory_space<hbm>>) dst(%arg6 : memref<128x64xf32, #tpu.memory_space<vmem>>)
      %mul3A_431 = arith.constant 128 : i32
      %mul3A_432 = arith.muli %add3A_410, %mul3A_431 : i32
      %add3A_433 = arith.addi %mul3A_2, %mul3A_432 : i32
      %dma_start3A_434 = arith.constant 0 : i32
      %dma_start3A_435 = tpu.memref_slice %arg4[%add3A_433, %dma_start3A_434] : memref<819200x128xf32, #tpu.memory_space<hbm>> -> memref<128x64xf32, #tpu.memory_space<hbm>>
      %dma_start3A_436 = arith.constant 0 : i32
      %dma_start3A_437 = tpu.memref_slice %arg4[%add3A_433, %dma_start3A_436] : memref<819200x128xf32, #tpu.memory_space<hbm>> -> memref<128x64xf32, #tpu.memory_space<hbm>>
      tpu.enqueue_dma source(%arg6 : memref<128x64xf32, #tpu.memory_space<vmem>>) target(%dma_start3A_437 : memref<128x64xf32, #tpu.memory_space<hbm>>) target_semaphore(%arg14 : memref<!tpu.dma_semaphore, #tpu.memory_space<semaphore_mem>>)
      %add3A_438 = arith.constant 1 : i32
      %add3A_439 = arith.addi %mul3A_408, %add3A_438 : i32
      %dma_wait3A_440 = arith.constant 0 : i32
      %dma_wait3A_441 = arith.constant 0 : i32
      %dma_wait3A_442 = tpu.memref_slice %arg4[%dma_wait3A_440, %dma_wait3A_441] : memref<819200x128xf32, #tpu.memory_space<hbm>> -> memref<128x64xf32, #tpu.memory_space<hbm>>
      %dma_wait3A_443 = arith.constant 0 : i32
      %dma_wait3A_444 = arith.constant 0 : i32
      %dma_wait3A_445 = tpu.memref_slice %arg4[%dma_wait3A_443, %dma_wait3A_444] : memref<819200x128xf32, #tpu.memory_space<hbm>> -> memref<128x64xf32, #tpu.memory_space<hbm>>
      tpu.wait_dma2 semaphore(%arg19 : memref<!tpu.dma_semaphore, #tpu.memory_space<semaphore_mem>>) src(%dma_wait3A_445 : memref<128x64xf32, #tpu.memory_space<hbm>>) dst(%arg11 : memref<128x64xf32, #tpu.memory_space<vmem>>)
      %add3A_446 = arith.constant 4 : i32
      %add3A_447 = arith.addi %add3A_439, %add3A_446 : i32
      %dma_start3A_448 = arith.constant 0 : i32
      %dma_start3A_449 = tpu.memref_slice %arg5[%add3A_447, %dma_start3A_448] : memref<200x128xi32, #tpu.memory_space<vmem>> -> memref<1x128xi32, #tpu.memory_space<vmem>>
      %dma_start3A_450 = tpu.memref_squeeze %dma_start3A_449 : memref<1x128xi32, #tpu.memory_space<vmem>> -> memref<128xi32, #tpu.memory_space<vmem>>
      %dma_start3A_451 = arith.constant 0 : i32
      %dma_start3A_452 = arith.constant 0 : i32
      %dma_start3A_453 = tpu.memref_slice %arg3[%dma_start3A_451, %dma_start3A_452] : memref<2000128x64xf32, #tpu.memory_space<hbm>> -> memref<2000128x64xf32, #tpu.memory_space<hbm>>
      tpu.enqueue_indirect_dma source(%dma_start3A_453 : memref<2000128x64xf32, #tpu.memory_space<hbm>>) target(%arg11 : memref<128x64xf32, #tpu.memory_space<vmem>>) offsets(%dma_start3A_450 : memref<128xi32, #tpu.memory_space<vmem>>) semaphore(%arg19 : memref<!tpu.dma_semaphore, #tpu.memory_space<semaphore_mem>>)
      %dma_wait3A_454 = arith.constant 0 : i32
      %dma_wait3A_455 = arith.constant 0 : i32
      %dma_wait3A_456 = tpu.memref_slice %arg4[%dma_wait3A_454, %dma_wait3A_455] : memref<819200x128xf32, #tpu.memory_space<hbm>> -> memref<128x64xf32, #tpu.memory_space<hbm>>
      %dma_wait3A_457 = arith.constant 0 : i32
      %dma_wait3A_458 = arith.constant 0 : i32
      %dma_wait3A_459 = tpu.memref_slice %arg4[%dma_wait3A_457, %dma_wait3A_458] : memref<819200x128xf32, #tpu.memory_space<hbm>> -> memref<128x64xf32, #tpu.memory_space<hbm>>
      tpu.wait_dma2 semaphore(%arg15 : memref<!tpu.dma_semaphore, #tpu.memory_space<semaphore_mem>>) src(%dma_wait3A_459 : memref<128x64xf32, #tpu.memory_space<hbm>>) dst(%arg7 : memref<128x64xf32, #tpu.memory_space<vmem>>)
      %mul3A_460 = arith.constant 128 : i32
      %mul3A_461 = arith.muli %add3A_439, %mul3A_460 : i32
      %add3A_462 = arith.addi %mul3A_2, %mul3A_461 : i32
      %dma_start3A_463 = arith.constant 0 : i32
      %dma_start3A_464 = tpu.memref_slice %arg4[%add3A_462, %dma_start3A_463] : memref<819200x128xf32, #tpu.memory_space<hbm>> -> memref<128x64xf32, #tpu.memory_space<hbm>>
      %dma_start3A_465 = arith.constant 0 : i32
      %dma_start3A_466 = tpu.memref_slice %arg4[%add3A_462, %dma_start3A_465] : memref<819200x128xf32, #tpu.memory_space<hbm>> -> memref<128x64xf32, #tpu.memory_space<hbm>>
      tpu.enqueue_dma source(%arg7 : memref<128x64xf32, #tpu.memory_space<vmem>>) target(%dma_start3A_466 : memref<128x64xf32, #tpu.memory_space<hbm>>) target_semaphore(%arg15 : memref<!tpu.dma_semaphore, #tpu.memory_space<semaphore_mem>>)
      %add3A_467 = arith.constant 2 : i32
      %add3A_468 = arith.addi %mul3A_408, %add3A_467 : i32
      %dma_wait3A_469 = arith.constant 0 : i32
      %dma_wait3A_470 = arith.constant 0 : i32
      %dma_wait3A_471 = tpu.memref_slice %arg4[%dma_wait3A_469, %dma_wait3A_470] : memref<819200x128xf32, #tpu.memory_space<hbm>> -> memref<128x64xf32, #tpu.memory_space<hbm>>
      %dma_wait3A_472 = arith.constant 0 : i32
      %dma_wait3A_473 = arith.constant 0 : i32
      %dma_wait3A_474 = tpu.memref_slice %arg4[%dma_wait3A_472, %dma_wait3A_473] : memref<819200x128xf32, #tpu.memory_space<hbm>> -> memref<128x64xf32, #tpu.memory_space<hbm>>
      tpu.wait_dma2 semaphore(%arg20 : memref<!tpu.dma_semaphore, #tpu.memory_space<semaphore_mem>>) src(%dma_wait3A_474 : memref<128x64xf32, #tpu.memory_space<hbm>>) dst(%arg12 : memref<128x64xf32, #tpu.memory_space<vmem>>)
      %add3A_475 = arith.constant 4 : i32
      %add3A_476 = arith.addi %add3A_468, %add3A_475 : i32
      %dma_start3A_477 = arith.constant 0 : i32
      %dma_start3A_478 = tpu.memref_slice %arg5[%add3A_476, %dma_start3A_477] : memref<200x128xi32, #tpu.memory_space<vmem>> -> memref<1x128xi32, #tpu.memory_space<vmem>>
      %dma_start3A_479 = tpu.memref_squeeze %dma_start3A_478 : memref<1x128xi32, #tpu.memory_space<vmem>> -> memref<128xi32, #tpu.memory_space<vmem>>
      %dma_start3A_480 = arith.constant 0 : i32
      %dma_start3A_481 = arith.constant 0 : i32
      %dma_start3A_482 = tpu.memref_slice %arg3[%dma_start3A_480, %dma_start3A_481] : memref<2000128x64xf32, #tpu.memory_space<hbm>> -> memref<2000128x64xf32, #tpu.memory_space<hbm>>
      tpu.enqueue_indirect_dma source(%dma_start3A_482 : memref<2000128x64xf32, #tpu.memory_space<hbm>>) target(%arg12 : memref<128x64xf32, #tpu.memory_space<vmem>>) offsets(%dma_start3A_479 : memref<128xi32, #tpu.memory_space<vmem>>) semaphore(%arg20 : memref<!tpu.dma_semaphore, #tpu.memory_space<semaphore_mem>>)
      %dma_wait3A_483 = arith.constant 0 : i32
      %dma_wait3A_484 = arith.constant 0 : i32
      %dma_wait3A_485 = tpu.memref_slice %arg4[%dma_wait3A_483, %dma_wait3A_484] : memref<819200x128xf32, #tpu.memory_space<hbm>> -> memref<128x64xf32, #tpu.memory_space<hbm>>
      %dma_wait3A_486 = arith.constant 0 : i32
      %dma_wait3A_487 = arith.constant 0 : i32
      %dma_wait3A_488 = tpu.memref_slice %arg4[%dma_wait3A_486, %dma_wait3A_487] : memref<819200x128xf32, #tpu.memory_space<hbm>> -> memref<128x64xf32, #tpu.memory_space<hbm>>
      tpu.wait_dma2 semaphore(%arg16 : memref<!tpu.dma_semaphore, #tpu.memory_space<semaphore_mem>>) src(%dma_wait3A_488 : memref<128x64xf32, #tpu.memory_space<hbm>>) dst(%arg8 : memref<128x64xf32, #tpu.memory_space<vmem>>)
      %mul3A_489 = arith.constant 128 : i32
      %mul3A_490 = arith.muli %add3A_468, %mul3A_489 : i32
      %add3A_491 = arith.addi %mul3A_2, %mul3A_490 : i32
      %dma_start3A_492 = arith.constant 0 : i32
      %dma_start3A_493 = tpu.memref_slice %arg4[%add3A_491, %dma_start3A_492] : memref<819200x128xf32, #tpu.memory_space<hbm>> -> memref<128x64xf32, #tpu.memory_space<hbm>>
      %dma_start3A_494 = arith.constant 0 : i32
      %dma_start3A_495 = tpu.memref_slice %arg4[%add3A_491, %dma_start3A_494] : memref<819200x128xf32, #tpu.memory_space<hbm>> -> memref<128x64xf32, #tpu.memory_space<hbm>>
      tpu.enqueue_dma source(%arg8 : memref<128x64xf32, #tpu.memory_space<vmem>>) target(%dma_start3A_495 : memref<128x64xf32, #tpu.memory_space<hbm>>) target_semaphore(%arg16 : memref<!tpu.dma_semaphore, #tpu.memory_space<semaphore_mem>>)
      %add3A_496 = arith.constant 3 : i32
      %add3A_497 = arith.addi %mul3A_408, %add3A_496 : i32
      %dma_wait3A_498 = arith.constant 0 : i32
      %dma_wait3A_499 = arith.constant 0 : i32
      %dma_wait3A_500 = tpu.memref_slice %arg4[%dma_wait3A_498, %dma_wait3A_499] : memref<819200x128xf32, #tpu.memory_space<hbm>> -> memref<128x64xf32, #tpu.memory_space<hbm>>
      %dma_wait3A_501 = arith.constant 0 : i32
      %dma_wait3A_502 = arith.constant 0 : i32
      %dma_wait3A_503 = tpu.memref_slice %arg4[%dma_wait3A_501, %dma_wait3A_502] : memref<819200x128xf32, #tpu.memory_space<hbm>> -> memref<128x64xf32, #tpu.memory_space<hbm>>
      tpu.wait_dma2 semaphore(%arg21 : memref<!tpu.dma_semaphore, #tpu.memory_space<semaphore_mem>>) src(%dma_wait3A_503 : memref<128x64xf32, #tpu.memory_space<hbm>>) dst(%arg13 : memref<128x64xf32, #tpu.memory_space<vmem>>)
      %add3A_504 = arith.constant 4 : i32
      %add3A_505 = arith.addi %add3A_497, %add3A_504 : i32
      %dma_start3A_506 = arith.constant 0 : i32
      %dma_start3A_507 = tpu.memref_slice %arg5[%add3A_505, %dma_start3A_506] : memref<200x128xi32, #tpu.memory_space<vmem>> -> memref<1x128xi32, #tpu.memory_space<vmem>>
      %dma_start3A_508 = tpu.memref_squeeze %dma_start3A_507 : memref<1x128xi32, #tpu.memory_space<vmem>> -> memref<128xi32, #tpu.memory_space<vmem>>
      %dma_start3A_509 = arith.constant 0 : i32
      %dma_start3A_510 = arith.constant 0 : i32
      %dma_start3A_511 = tpu.memref_slice %arg3[%dma_start3A_509, %dma_start3A_510] : memref<2000128x64xf32, #tpu.memory_space<hbm>> -> memref<2000128x64xf32, #tpu.memory_space<hbm>>
      tpu.enqueue_indirect_dma source(%dma_start3A_511 : memref<2000128x64xf32, #tpu.memory_space<hbm>>) target(%arg13 : memref<128x64xf32, #tpu.memory_space<vmem>>) offsets(%dma_start3A_508 : memref<128xi32, #tpu.memory_space<vmem>>) semaphore(%arg21 : memref<!tpu.dma_semaphore, #tpu.memory_space<semaphore_mem>>)
      %dma_wait3A_512 = arith.constant 0 : i32
      %dma_wait3A_513 = arith.constant 0 : i32
      %dma_wait3A_514 = tpu.memref_slice %arg4[%dma_wait3A_512, %dma_wait3A_513] : memref<819200x128xf32, #tpu.memory_space<hbm>> -> memref<128x64xf32, #tpu.memory_space<hbm>>
      %dma_wait3A_515 = arith.constant 0 : i32
      %dma_wait3A_516 = arith.constant 0 : i32
      %dma_wait3A_517 = tpu.memref_slice %arg4[%dma_wait3A_515, %dma_wait3A_516] : memref<819200x128xf32, #tpu.memory_space<hbm>> -> memref<128x64xf32, #tpu.memory_space<hbm>>
      tpu.wait_dma2 semaphore(%arg17 : memref<!tpu.dma_semaphore, #tpu.memory_space<semaphore_mem>>) src(%dma_wait3A_517 : memref<128x64xf32, #tpu.memory_space<hbm>>) dst(%arg9 : memref<128x64xf32, #tpu.memory_space<vmem>>)
      %mul3A_518 = arith.constant 128 : i32
      %mul3A_519 = arith.muli %add3A_497, %mul3A_518 : i32
      %add3A_520 = arith.addi %mul3A_2, %mul3A_519 : i32
      %dma_start3A_521 = arith.constant 0 : i32
      %dma_start3A_522 = tpu.memref_slice %arg4[%add3A_520, %dma_start3A_521] : memref<819200x128xf32, #tpu.memory_space<hbm>> -> memref<128x64xf32, #tpu.memory_space<hbm>>
      %dma_start3A_523 = arith.constant 0 : i32
      %dma_start3A_524 = tpu.memref_slice %arg4[%add3A_520, %dma_start3A_523] : memref<819200x128xf32, #tpu.memory_space<hbm>> -> memref<128x64xf32, #tpu.memory_space<hbm>>
      tpu.enqueue_dma source(%arg9 : memref<128x64xf32, #tpu.memory_space<vmem>>) target(%dma_start3A_524 : memref<128x64xf32, #tpu.memory_space<hbm>>) target_semaphore(%arg17 : memref<!tpu.dma_semaphore, #tpu.memory_space<semaphore_mem>>)
      %add3A_525 = arith.constant 4 : i32
      %add3A_526 = arith.addi %mul3A_408, %add3A_525 : i32
      %dma_wait3A_527 = arith.constant 0 : i32
      %dma_wait3A_528 = arith.constant 0 : i32
      %dma_wait3A_529 = tpu.memref_slice %arg4[%dma_wait3A_527, %dma_wait3A_528] : memref<819200x128xf32, #tpu.memory_space<hbm>> -> memref<128x64xf32, #tpu.memory_space<hbm>>
      %dma_wait3A_530 = arith.constant 0 : i32
      %dma_wait3A_531 = arith.constant 0 : i32
      %dma_wait3A_532 = tpu.memref_slice %arg4[%dma_wait3A_530, %dma_wait3A_531] : memref<819200x128xf32, #tpu.memory_space<hbm>> -> memref<128x64xf32, #tpu.memory_space<hbm>>
      tpu.wait_dma2 semaphore(%arg14 : memref<!tpu.dma_semaphore, #tpu.memory_space<semaphore_mem>>) src(%dma_wait3A_532 : memref<128x64xf32, #tpu.memory_space<hbm>>) dst(%arg6 : memref<128x64xf32, #tpu.memory_space<vmem>>)
      %add3A_533 = arith.constant 4 : i32
      %add3A_534 = arith.addi %add3A_526, %add3A_533 : i32
      %dma_start3A_535 = arith.constant 0 : i32
      %dma_start3A_536 = tpu.memref_slice %arg5[%add3A_534, %dma_start3A_535] : memref<200x128xi32, #tpu.memory_space<vmem>> -> memref<1x128xi32, #tpu.memory_space<vmem>>
      %dma_start3A_537 = tpu.memref_squeeze %dma_start3A_536 : memref<1x128xi32, #tpu.memory_space<vmem>> -> memref<128xi32, #tpu.memory_space<vmem>>
      %dma_start3A_538 = arith.constant 0 : i32
      %dma_start3A_539 = arith.constant 0 : i32
      %dma_start3A_540 = tpu.memref_slice %arg3[%dma_start3A_538, %dma_start3A_539] : memref<2000128x64xf32, #tpu.memory_space<hbm>> -> memref<2000128x64xf32, #tpu.memory_space<hbm>>
      tpu.enqueue_indirect_dma source(%dma_start3A_540 : memref<2000128x64xf32, #tpu.memory_space<hbm>>) target(%arg6 : memref<128x64xf32, #tpu.memory_space<vmem>>) offsets(%dma_start3A_537 : memref<128xi32, #tpu.memory_space<vmem>>) semaphore(%arg14 : memref<!tpu.dma_semaphore, #tpu.memory_space<semaphore_mem>>)
      %dma_wait3A_541 = arith.constant 0 : i32
      %dma_wait3A_542 = arith.constant 0 : i32
      %dma_wait3A_543 = tpu.memref_slice %arg4[%dma_wait3A_541, %dma_wait3A_542] : memref<819200x128xf32, #tpu.memory_space<hbm>> -> memref<128x64xf32, #tpu.memory_space<hbm>>
      %dma_wait3A_544 = arith.constant 0 : i32
      %dma_wait3A_545 = arith.constant 0 : i32
      %dma_wait3A_546 = tpu.memref_slice %arg4[%dma_wait3A_544, %dma_wait3A_545] : memref<819200x128xf32, #tpu.memory_space<hbm>> -> memref<128x64xf32, #tpu.memory_space<hbm>>
      tpu.wait_dma2 semaphore(%arg18 : memref<!tpu.dma_semaphore, #tpu.memory_space<semaphore_mem>>) src(%dma_wait3A_546 : memref<128x64xf32, #tpu.memory_space<hbm>>) dst(%arg10 : memref<128x64xf32, #tpu.memory_space<vmem>>)
      %mul3A_547 = arith.constant 128 : i32
      %mul3A_548 = arith.muli %add3A_526, %mul3A_547 : i32
      %add3A_549 = arith.addi %mul3A_2, %mul3A_548 : i32
      %dma_start3A_550 = arith.constant 0 : i32
      %dma_start3A_551 = tpu.memref_slice %arg4[%add3A_549, %dma_start3A_550] : memref<819200x128xf32, #tpu.memory_space<hbm>> -> memref<128x64xf32, #tpu.memory_space<hbm>>
      %dma_start3A_552 = arith.constant 0 : i32
      %dma_start3A_553 = tpu.memref_slice %arg4[%add3A_549, %dma_start3A_552] : memref<819200x128xf32, #tpu.memory_space<hbm>> -> memref<128x64xf32, #tpu.memory_space<hbm>>
      tpu.enqueue_dma source(%arg10 : memref<128x64xf32, #tpu.memory_space<vmem>>) target(%dma_start3A_553 : memref<128x64xf32, #tpu.memory_space<hbm>>) target_semaphore(%arg18 : memref<!tpu.dma_semaphore, #tpu.memory_space<semaphore_mem>>)
      %add3A_554 = arith.constant 5 : i32
      %add3A_555 = arith.addi %mul3A_408, %add3A_554 : i32
      %dma_wait3A_556 = arith.constant 0 : i32
      %dma_wait3A_557 = arith.constant 0 : i32
      %dma_wait3A_558 = tpu.memref_slice %arg4[%dma_wait3A_556, %dma_wait3A_557] : memref<819200x128xf32, #tpu.memory_space<hbm>> -> memref<128x64xf32, #tpu.memory_space<hbm>>
      %dma_wait3A_559 = arith.constant 0 : i32
      %dma_wait3A_560 = arith.constant 0 : i32
      %dma_wait3A_561 = tpu.memref_slice %arg4[%dma_wait3A_559, %dma_wait3A_560] : memref<819200x128xf32, #tpu.memory_space<hbm>> -> memref<128x64xf32, #tpu.memory_space<hbm>>
      tpu.wait_dma2 semaphore(%arg15 : memref<!tpu.dma_semaphore, #tpu.memory_space<semaphore_mem>>) src(%dma_wait3A_561 : memref<128x64xf32, #tpu.memory_space<hbm>>) dst(%arg7 : memref<128x64xf32, #tpu.memory_space<vmem>>)
      %add3A_562 = arith.constant 4 : i32
      %add3A_563 = arith.addi %add3A_555, %add3A_562 : i32
      %dma_start3A_564 = arith.constant 0 : i32
      %dma_start3A_565 = tpu.memref_slice %arg5[%add3A_563, %dma_start3A_564] : memref<200x128xi32, #tpu.memory_space<vmem>> -> memref<1x128xi32, #tpu.memory_space<vmem>>
      %dma_start3A_566 = tpu.memref_squeeze %dma_start3A_565 : memref<1x128xi32, #tpu.memory_space<vmem>> -> memref<128xi32, #tpu.memory_space<vmem>>
      %dma_start3A_567 = arith.constant 0 : i32
      %dma_start3A_568 = arith.constant 0 : i32
      %dma_start3A_569 = tpu.memref_slice %arg3[%dma_start3A_567, %dma_start3A_568] : memref<2000128x64xf32, #tpu.memory_space<hbm>> -> memref<2000128x64xf32, #tpu.memory_space<hbm>>
      tpu.enqueue_indirect_dma source(%dma_start3A_569 : memref<2000128x64xf32, #tpu.memory_space<hbm>>) target(%arg7 : memref<128x64xf32, #tpu.memory_space<vmem>>) offsets(%dma_start3A_566 : memref<128xi32, #tpu.memory_space<vmem>>) semaphore(%arg15 : memref<!tpu.dma_semaphore, #tpu.memory_space<semaphore_mem>>)
      %dma_wait3A_570 = arith.constant 0 : i32
      %dma_wait3A_571 = arith.constant 0 : i32
      %dma_wait3A_572 = tpu.memref_slice %arg4[%dma_wait3A_570, %dma_wait3A_571] : memref<819200x128xf32, #tpu.memory_space<hbm>> -> memref<128x64xf32, #tpu.memory_space<hbm>>
      %dma_wait3A_573 = arith.constant 0 : i32
      %dma_wait3A_574 = arith.constant 0 : i32
      %dma_wait3A_575 = tpu.memref_slice %arg4[%dma_wait3A_573, %dma_wait3A_574] : memref<819200x128xf32, #tpu.memory_space<hbm>> -> memref<128x64xf32, #tpu.memory_space<hbm>>
      tpu.wait_dma2 semaphore(%arg19 : memref<!tpu.dma_semaphore, #tpu.memory_space<semaphore_mem>>) src(%dma_wait3A_575 : memref<128x64xf32, #tpu.memory_space<hbm>>) dst(%arg11 : memref<128x64xf32, #tpu.memory_space<vmem>>)
      %mul3A_576 = arith.constant 128 : i32
      %mul3A_577 = arith.muli %add3A_555, %mul3A_576 : i32
      %add3A_578 = arith.addi %mul3A_2, %mul3A_577 : i32
      %dma_start3A_579 = arith.constant 0 : i32
      %dma_start3A_580 = tpu.memref_slice %arg4[%add3A_578, %dma_start3A_579] : memref<819200x128xf32, #tpu.memory_space<hbm>> -> memref<128x64xf32, #tpu.memory_space<hbm>>
      %dma_start3A_581 = arith.constant 0 : i32
      %dma_start3A_582 = tpu.memref_slice %arg4[%add3A_578, %dma_start3A_581] : memref<819200x128xf32, #tpu.memory_space<hbm>> -> memref<128x64xf32, #tpu.memory_space<hbm>>
      tpu.enqueue_dma source(%arg11 : memref<128x64xf32, #tpu.memory_space<vmem>>) target(%dma_start3A_582 : memref<128x64xf32, #tpu.memory_space<hbm>>) target_semaphore(%arg19 : memref<!tpu.dma_semaphore, #tpu.memory_space<semaphore_mem>>)
      %add3A_583 = arith.constant 6 : i32
      %add3A_584 = arith.addi %mul3A_408, %add3A_583 : i32
      %dma_wait3A_585 = arith.constant 0 : i32
      %dma_wait3A_586 = arith.constant 0 : i32
      %dma_wait3A_587 = tpu.memref_slice %arg4[%dma_wait3A_585, %dma_wait3A_586] : memref<819200x128xf32, #tpu.memory_space<hbm>> -> memref<128x64xf32, #tpu.memory_space<hbm>>
      %dma_wait3A_588 = arith.constant 0 : i32
      %dma_wait3A_589 = arith.constant 0 : i32
      %dma_wait3A_590 = tpu.memref_slice %arg4[%dma_wait3A_588, %dma_wait3A_589] : memref<819200x128xf32, #tpu.memory_space<hbm>> -> memref<128x64xf32, #tpu.memory_space<hbm>>
      tpu.wait_dma2 semaphore(%arg16 : memref<!tpu.dma_semaphore, #tpu.memory_space<semaphore_mem>>) src(%dma_wait3A_590 : memref<128x64xf32, #tpu.memory_space<hbm>>) dst(%arg8 : memref<128x64xf32, #tpu.memory_space<vmem>>)
      %add3A_591 = arith.constant 4 : i32
      %add3A_592 = arith.addi %add3A_584, %add3A_591 : i32
      %dma_start3A_593 = arith.constant 0 : i32
      %dma_start3A_594 = tpu.memref_slice %arg5[%add3A_592, %dma_start3A_593] : memref<200x128xi32, #tpu.memory_space<vmem>> -> memref<1x128xi32, #tpu.memory_space<vmem>>
      %dma_start3A_595 = tpu.memref_squeeze %dma_start3A_594 : memref<1x128xi32, #tpu.memory_space<vmem>> -> memref<128xi32, #tpu.memory_space<vmem>>
      %dma_start3A_596 = arith.constant 0 : i32
      %dma_start3A_597 = arith.constant 0 : i32
      %dma_start3A_598 = tpu.memref_slice %arg3[%dma_start3A_596, %dma_start3A_597] : memref<2000128x64xf32, #tpu.memory_space<hbm>> -> memref<2000128x64xf32, #tpu.memory_space<hbm>>
      tpu.enqueue_indirect_dma source(%dma_start3A_598 : memref<2000128x64xf32, #tpu.memory_space<hbm>>) target(%arg8 : memref<128x64xf32, #tpu.memory_space<vmem>>) offsets(%dma_start3A_595 : memref<128xi32, #tpu.memory_space<vmem>>) semaphore(%arg16 : memref<!tpu.dma_semaphore, #tpu.memory_space<semaphore_mem>>)
      %dma_wait3A_599 = arith.constant 0 : i32
      %dma_wait3A_600 = arith.constant 0 : i32
      %dma_wait3A_601 = tpu.memref_slice %arg4[%dma_wait3A_599, %dma_wait3A_600] : memref<819200x128xf32, #tpu.memory_space<hbm>> -> memref<128x64xf32, #tpu.memory_space<hbm>>
      %dma_wait3A_602 = arith.constant 0 : i32
      %dma_wait3A_603 = arith.constant 0 : i32
      %dma_wait3A_604 = tpu.memref_slice %arg4[%dma_wait3A_602, %dma_wait3A_603] : memref<819200x128xf32, #tpu.memory_space<hbm>> -> memref<128x64xf32, #tpu.memory_space<hbm>>
      tpu.wait_dma2 semaphore(%arg20 : memref<!tpu.dma_semaphore, #tpu.memory_space<semaphore_mem>>) src(%dma_wait3A_604 : memref<128x64xf32, #tpu.memory_space<hbm>>) dst(%arg12 : memref<128x64xf32, #tpu.memory_space<vmem>>)
      %mul3A_605 = arith.constant 128 : i32
      %mul3A_606 = arith.muli %add3A_584, %mul3A_605 : i32
      %add3A_607 = arith.addi %mul3A_2, %mul3A_606 : i32
      %dma_start3A_608 = arith.constant 0 : i32
      %dma_start3A_609 = tpu.memref_slice %arg4[%add3A_607, %dma_start3A_608] : memref<819200x128xf32, #tpu.memory_space<hbm>> -> memref<128x64xf32, #tpu.memory_space<hbm>>
      %dma_start3A_610 = arith.constant 0 : i32
      %dma_start3A_611 = tpu.memref_slice %arg4[%add3A_607, %dma_start3A_610] : memref<819200x128xf32, #tpu.memory_space<hbm>> -> memref<128x64xf32, #tpu.memory_space<hbm>>
      tpu.enqueue_dma source(%arg12 : memref<128x64xf32, #tpu.memory_space<vmem>>) target(%dma_start3A_611 : memref<128x64xf32, #tpu.memory_space<hbm>>) target_semaphore(%arg20 : memref<!tpu.dma_semaphore, #tpu.memory_space<semaphore_mem>>)
      %add3A_612 = arith.constant 7 : i32
      %add3A_613 = arith.addi %mul3A_408, %add3A_612 : i32
      %dma_wait3A_614 = arith.constant 0 : i32
      %dma_wait3A_615 = arith.constant 0 : i32
      %dma_wait3A_616 = tpu.memref_slice %arg4[%dma_wait3A_614, %dma_wait3A_615] : memref<819200x128xf32, #tpu.memory_space<hbm>> -> memref<128x64xf32, #tpu.memory_space<hbm>>
      %dma_wait3A_617 = arith.constant 0 : i32
      %dma_wait3A_618 = arith.constant 0 : i32
      %dma_wait3A_619 = tpu.memref_slice %arg4[%dma_wait3A_617, %dma_wait3A_618] : memref<819200x128xf32, #tpu.memory_space<hbm>> -> memref<128x64xf32, #tpu.memory_space<hbm>>
      tpu.wait_dma2 semaphore(%arg17 : memref<!tpu.dma_semaphore, #tpu.memory_space<semaphore_mem>>) src(%dma_wait3A_619 : memref<128x64xf32, #tpu.memory_space<hbm>>) dst(%arg9 : memref<128x64xf32, #tpu.memory_space<vmem>>)
      %add3A_620 = arith.constant 4 : i32
      %add3A_621 = arith.addi %add3A_613, %add3A_620 : i32
      %dma_start3A_622 = arith.constant 0 : i32
      %dma_start3A_623 = tpu.memref_slice %arg5[%add3A_621, %dma_start3A_622] : memref<200x128xi32, #tpu.memory_space<vmem>> -> memref<1x128xi32, #tpu.memory_space<vmem>>
      %dma_start3A_624 = tpu.memref_squeeze %dma_start3A_623 : memref<1x128xi32, #tpu.memory_space<vmem>> -> memref<128xi32, #tpu.memory_space<vmem>>
      %dma_start3A_625 = arith.constant 0 : i32
      %dma_start3A_626 = arith.constant 0 : i32
      %dma_start3A_627 = tpu.memref_slice %arg3[%dma_start3A_625, %dma_start3A_626] : memref<2000128x64xf32, #tpu.memory_space<hbm>> -> memref<2000128x64xf32, #tpu.memory_space<hbm>>
      tpu.enqueue_indirect_dma source(%dma_start3A_627 : memref<2000128x64xf32, #tpu.memory_space<hbm>>) target(%arg9 : memref<128x64xf32, #tpu.memory_space<vmem>>) offsets(%dma_start3A_624 : memref<128xi32, #tpu.memory_space<vmem>>) semaphore(%arg17 : memref<!tpu.dma_semaphore, #tpu.memory_space<semaphore_mem>>)
      %dma_wait3A_628 = arith.constant 0 : i32
      %dma_wait3A_629 = arith.constant 0 : i32
      %dma_wait3A_630 = tpu.memref_slice %arg4[%dma_wait3A_628, %dma_wait3A_629] : memref<819200x128xf32, #tpu.memory_space<hbm>> -> memref<128x64xf32, #tpu.memory_space<hbm>>
      %dma_wait3A_631 = arith.constant 0 : i32
      %dma_wait3A_632 = arith.constant 0 : i32
      %dma_wait3A_633 = tpu.memref_slice %arg4[%dma_wait3A_631, %dma_wait3A_632] : memref<819200x128xf32, #tpu.memory_space<hbm>> -> memref<128x64xf32, #tpu.memory_space<hbm>>
      tpu.wait_dma2 semaphore(%arg21 : memref<!tpu.dma_semaphore, #tpu.memory_space<semaphore_mem>>) src(%dma_wait3A_633 : memref<128x64xf32, #tpu.memory_space<hbm>>) dst(%arg13 : memref<128x64xf32, #tpu.memory_space<vmem>>)
      %mul3A_634 = arith.constant 128 : i32
      %mul3A_635 = arith.muli %add3A_613, %mul3A_634 : i32
      %add3A_636 = arith.addi %mul3A_2, %mul3A_635 : i32
      %dma_start3A_637 = arith.constant 0 : i32
      %dma_start3A_638 = tpu.memref_slice %arg4[%add3A_636, %dma_start3A_637] : memref<819200x128xf32, #tpu.memory_space<hbm>> -> memref<128x64xf32, #tpu.memory_space<hbm>>
      %dma_start3A_639 = arith.constant 0 : i32
      %dma_start3A_640 = tpu.memref_slice %arg4[%add3A_636, %dma_start3A_639] : memref<819200x128xf32, #tpu.memory_space<hbm>> -> memref<128x64xf32, #tpu.memory_space<hbm>>
      tpu.enqueue_dma source(%arg13 : memref<128x64xf32, #tpu.memory_space<vmem>>) target(%dma_start3A_640 : memref<128x64xf32, #tpu.memory_space<hbm>>) target_semaphore(%arg21 : memref<!tpu.dma_semaphore, #tpu.memory_space<semaphore_mem>>)
    }
    %scan3A_209 = arith.constant 23 : i32
    %dma_wait3A_210 = arith.constant 0 : i32
    %dma_wait3A_211 = arith.constant 0 : i32
    %dma_wait3A_212 = tpu.memref_slice %arg4[%dma_wait3A_210, %dma_wait3A_211] : memref<819200x128xf32, #tpu.memory_space<hbm>> -> memref<128x64xf32, #tpu.memory_space<hbm>>
    %dma_wait3A_213 = arith.constant 0 : i32
    %dma_wait3A_214 = arith.constant 0 : i32
    %dma_wait3A_215 = tpu.memref_slice %arg4[%dma_wait3A_213, %dma_wait3A_214] : memref<819200x128xf32, #tpu.memory_space<hbm>> -> memref<128x64xf32, #tpu.memory_space<hbm>>
    tpu.wait_dma2 semaphore(%arg18 : memref<!tpu.dma_semaphore, #tpu.memory_space<semaphore_mem>>) src(%dma_wait3A_215 : memref<128x64xf32, #tpu.memory_space<hbm>>) dst(%arg10 : memref<128x64xf32, #tpu.memory_space<vmem>>)
    %dma_start3A_216 = arith.constant 196 : i32
    %dma_start3A_217 = arith.constant 0 : i32
    %dma_start3A_218 = tpu.memref_slice %arg5[%dma_start3A_216, %dma_start3A_217] : memref<200x128xi32, #tpu.memory_space<vmem>> -> memref<1x128xi32, #tpu.memory_space<vmem>>
    %dma_start3A_219 = tpu.memref_squeeze %dma_start3A_218 : memref<1x128xi32, #tpu.memory_space<vmem>> -> memref<128xi32, #tpu.memory_space<vmem>>
    %dma_start3A_220 = arith.constant 0 : i32
    %dma_start3A_221 = arith.constant 0 : i32
    %dma_start3A_222 = tpu.memref_slice %arg3[%dma_start3A_220, %dma_start3A_221] : memref<2000128x64xf32, #tpu.memory_space<hbm>> -> memref<2000128x64xf32, #tpu.memory_space<hbm>>
    tpu.enqueue_indirect_dma source(%dma_start3A_222 : memref<2000128x64xf32, #tpu.memory_space<hbm>>) target(%arg10 : memref<128x64xf32, #tpu.memory_space<vmem>>) offsets(%dma_start3A_219 : memref<128xi32, #tpu.memory_space<vmem>>) semaphore(%arg18 : memref<!tpu.dma_semaphore, #tpu.memory_space<semaphore_mem>>)
    %dma_wait3A_223 = arith.constant 0 : i32
    %dma_wait3A_224 = arith.constant 0 : i32
    %dma_wait3A_225 = tpu.memref_slice %arg4[%dma_wait3A_223, %dma_wait3A_224] : memref<819200x128xf32, #tpu.memory_space<hbm>> -> memref<128x64xf32, #tpu.memory_space<hbm>>
    %dma_wait3A_226 = arith.constant 0 : i32
    %dma_wait3A_227 = arith.constant 0 : i32
    %dma_wait3A_228 = tpu.memref_slice %arg4[%dma_wait3A_226, %dma_wait3A_227] : memref<819200x128xf32, #tpu.memory_space<hbm>> -> memref<128x64xf32, #tpu.memory_space<hbm>>
    tpu.wait_dma2 semaphore(%arg14 : memref<!tpu.dma_semaphore, #tpu.memory_space<semaphore_mem>>) src(%dma_wait3A_228 : memref<128x64xf32, #tpu.memory_space<hbm>>) dst(%arg6 : memref<128x64xf32, #tpu.memory_space<vmem>>)
    %add3A_229 = arith.constant 24576 : i32
    %add3A_230 = arith.addi %mul3A_2, %add3A_229 : i32
    %dma_start3A_231 = arith.constant 0 : i32
    %dma_start3A_232 = tpu.memref_slice %arg4[%add3A_230, %dma_start3A_231] : memref<819200x128xf32, #tpu.memory_space<hbm>> -> memref<128x64xf32, #tpu.memory_space<hbm>>
    %dma_start3A_233 = arith.constant 0 : i32
    %dma_start3A_234 = tpu.memref_slice %arg4[%add3A_230, %dma_start3A_233] : memref<819200x128xf32, #tpu.memory_space<hbm>> -> memref<128x64xf32, #tpu.memory_space<hbm>>
    tpu.enqueue_dma source(%arg6 : memref<128x64xf32, #tpu.memory_space<vmem>>) target(%dma_start3A_234 : memref<128x64xf32, #tpu.memory_space<hbm>>) target_semaphore(%arg14 : memref<!tpu.dma_semaphore, #tpu.memory_space<semaphore_mem>>)
    %dma_wait3A_235 = arith.constant 0 : i32
    %dma_wait3A_236 = arith.constant 0 : i32
    %dma_wait3A_237 = tpu.memref_slice %arg4[%dma_wait3A_235, %dma_wait3A_236] : memref<819200x128xf32, #tpu.memory_space<hbm>> -> memref<128x64xf32, #tpu.memory_space<hbm>>
    %dma_wait3A_238 = arith.constant 0 : i32
    %dma_wait3A_239 = arith.constant 0 : i32
    %dma_wait3A_240 = tpu.memref_slice %arg4[%dma_wait3A_238, %dma_wait3A_239] : memref<819200x128xf32, #tpu.memory_space<hbm>> -> memref<128x64xf32, #tpu.memory_space<hbm>>
    tpu.wait_dma2 semaphore(%arg19 : memref<!tpu.dma_semaphore, #tpu.memory_space<semaphore_mem>>) src(%dma_wait3A_240 : memref<128x64xf32, #tpu.memory_space<hbm>>) dst(%arg11 : memref<128x64xf32, #tpu.memory_space<vmem>>)
    %dma_start3A_241 = arith.constant 197 : i32
    %dma_start3A_242 = arith.constant 0 : i32
    %dma_start3A_243 = tpu.memref_slice %arg5[%dma_start3A_241, %dma_start3A_242] : memref<200x128xi32, #tpu.memory_space<vmem>> -> memref<1x128xi32, #tpu.memory_space<vmem>>
    %dma_start3A_244 = tpu.memref_squeeze %dma_start3A_243 : memref<1x128xi32, #tpu.memory_space<vmem>> -> memref<128xi32, #tpu.memory_space<vmem>>
    %dma_start3A_245 = arith.constant 0 : i32
    %dma_start3A_246 = arith.constant 0 : i32
    %dma_start3A_247 = tpu.memref_slice %arg3[%dma_start3A_245, %dma_start3A_246] : memref<2000128x64xf32, #tpu.memory_space<hbm>> -> memref<2000128x64xf32, #tpu.memory_space<hbm>>
    tpu.enqueue_indirect_dma source(%dma_start3A_247 : memref<2000128x64xf32, #tpu.memory_space<hbm>>) target(%arg11 : memref<128x64xf32, #tpu.memory_space<vmem>>) offsets(%dma_start3A_244 : memref<128xi32, #tpu.memory_space<vmem>>) semaphore(%arg19 : memref<!tpu.dma_semaphore, #tpu.memory_space<semaphore_mem>>)
    %dma_wait3A_248 = arith.constant 0 : i32
    %dma_wait3A_249 = arith.constant 0 : i32
    %dma_wait3A_250 = tpu.memref_slice %arg4[%dma_wait3A_248, %dma_wait3A_249] : memref<819200x128xf32, #tpu.memory_space<hbm>> -> memref<128x64xf32, #tpu.memory_space<hbm>>
    %dma_wait3A_251 = arith.constant 0 : i32
    %dma_wait3A_252 = arith.constant 0 : i32
    %dma_wait3A_253 = tpu.memref_slice %arg4[%dma_wait3A_251, %dma_wait3A_252] : memref<819200x128xf32, #tpu.memory_space<hbm>> -> memref<128x64xf32, #tpu.memory_space<hbm>>
    tpu.wait_dma2 semaphore(%arg15 : memref<!tpu.dma_semaphore, #tpu.memory_space<semaphore_mem>>) src(%dma_wait3A_253 : memref<128x64xf32, #tpu.memory_space<hbm>>) dst(%arg7 : memref<128x64xf32, #tpu.memory_space<vmem>>)
    %add3A_254 = arith.constant 24704 : i32
    %add3A_255 = arith.addi %mul3A_2, %add3A_254 : i32
    %dma_start3A_256 = arith.constant 0 : i32
    %dma_start3A_257 = tpu.memref_slice %arg4[%add3A_255, %dma_start3A_256] : memref<819200x128xf32, #tpu.memory_space<hbm>> -> memref<128x64xf32, #tpu.memory_space<hbm>>
    %dma_start3A_258 = arith.constant 0 : i32
    %dma_start3A_259 = tpu.memref_slice %arg4[%add3A_255, %dma_start3A_258] : memref<819200x128xf32, #tpu.memory_space<hbm>> -> memref<128x64xf32, #tpu.memory_space<hbm>>
    tpu.enqueue_dma source(%arg7 : memref<128x64xf32, #tpu.memory_space<vmem>>) target(%dma_start3A_259 : memref<128x64xf32, #tpu.memory_space<hbm>>) target_semaphore(%arg15 : memref<!tpu.dma_semaphore, #tpu.memory_space<semaphore_mem>>)
    %dma_wait3A_260 = arith.constant 0 : i32
    %dma_wait3A_261 = arith.constant 0 : i32
    %dma_wait3A_262 = tpu.memref_slice %arg4[%dma_wait3A_260, %dma_wait3A_261] : memref<819200x128xf32, #tpu.memory_space<hbm>> -> memref<128x64xf32, #tpu.memory_space<hbm>>
    %dma_wait3A_263 = arith.constant 0 : i32
    %dma_wait3A_264 = arith.constant 0 : i32
    %dma_wait3A_265 = tpu.memref_slice %arg4[%dma_wait3A_263, %dma_wait3A_264] : memref<819200x128xf32, #tpu.memory_space<hbm>> -> memref<128x64xf32, #tpu.memory_space<hbm>>
    tpu.wait_dma2 semaphore(%arg20 : memref<!tpu.dma_semaphore, #tpu.memory_space<semaphore_mem>>) src(%dma_wait3A_265 : memref<128x64xf32, #tpu.memory_space<hbm>>) dst(%arg12 : memref<128x64xf32, #tpu.memory_space<vmem>>)
    %dma_start3A_266 = arith.constant 198 : i32
    %dma_start3A_267 = arith.constant 0 : i32
    %dma_start3A_268 = tpu.memref_slice %arg5[%dma_start3A_266, %dma_start3A_267] : memref<200x128xi32, #tpu.memory_space<vmem>> -> memref<1x128xi32, #tpu.memory_space<vmem>>
    %dma_start3A_269 = tpu.memref_squeeze %dma_start3A_268 : memref<1x128xi32, #tpu.memory_space<vmem>> -> memref<128xi32, #tpu.memory_space<vmem>>
    %dma_start3A_270 = arith.constant 0 : i32
    %dma_start3A_271 = arith.constant 0 : i32
    %dma_start3A_272 = tpu.memref_slice %arg3[%dma_start3A_270, %dma_start3A_271] : memref<2000128x64xf32, #tpu.memory_space<hbm>> -> memref<2000128x64xf32, #tpu.memory_space<hbm>>
    tpu.enqueue_indirect_dma source(%dma_start3A_272 : memref<2000128x64xf32, #tpu.memory_space<hbm>>) target(%arg12 : memref<128x64xf32, #tpu.memory_space<vmem>>) offsets(%dma_start3A_269 : memref<128xi32, #tpu.memory_space<vmem>>) semaphore(%arg20 : memref<!tpu.dma_semaphore, #tpu.memory_space<semaphore_mem>>)
    %dma_wait3A_273 = arith.constant 0 : i32
    %dma_wait3A_274 = arith.constant 0 : i32
    %dma_wait3A_275 = tpu.memref_slice %arg4[%dma_wait3A_273, %dma_wait3A_274] : memref<819200x128xf32, #tpu.memory_space<hbm>> -> memref<128x64xf32, #tpu.memory_space<hbm>>
    %dma_wait3A_276 = arith.constant 0 : i32
    %dma_wait3A_277 = arith.constant 0 : i32
    %dma_wait3A_278 = tpu.memref_slice %arg4[%dma_wait3A_276, %dma_wait3A_277] : memref<819200x128xf32, #tpu.memory_space<hbm>> -> memref<128x64xf32, #tpu.memory_space<hbm>>
    tpu.wait_dma2 semaphore(%arg16 : memref<!tpu.dma_semaphore, #tpu.memory_space<semaphore_mem>>) src(%dma_wait3A_278 : memref<128x64xf32, #tpu.memory_space<hbm>>) dst(%arg8 : memref<128x64xf32, #tpu.memory_space<vmem>>)
    %add3A_279 = arith.constant 24832 : i32
    %add3A_280 = arith.addi %mul3A_2, %add3A_279 : i32
    %dma_start3A_281 = arith.constant 0 : i32
    %dma_start3A_282 = tpu.memref_slice %arg4[%add3A_280, %dma_start3A_281] : memref<819200x128xf32, #tpu.memory_space<hbm>> -> memref<128x64xf32, #tpu.memory_space<hbm>>
    %dma_start3A_283 = arith.constant 0 : i32
    %dma_start3A_284 = tpu.memref_slice %arg4[%add3A_280, %dma_start3A_283] : memref<819200x128xf32, #tpu.memory_space<hbm>> -> memref<128x64xf32, #tpu.memory_space<hbm>>
    tpu.enqueue_dma source(%arg8 : memref<128x64xf32, #tpu.memory_space<vmem>>) target(%dma_start3A_284 : memref<128x64xf32, #tpu.memory_space<hbm>>) target_semaphore(%arg16 : memref<!tpu.dma_semaphore, #tpu.memory_space<semaphore_mem>>)
    %dma_wait3A_285 = arith.constant 0 : i32
    %dma_wait3A_286 = arith.constant 0 : i32
    %dma_wait3A_287 = tpu.memref_slice %arg4[%dma_wait3A_285, %dma_wait3A_286] : memref<819200x128xf32, #tpu.memory_space<hbm>> -> memref<128x64xf32, #tpu.memory_space<hbm>>
    %dma_wait3A_288 = arith.constant 0 : i32
    %dma_wait3A_289 = arith.constant 0 : i32
    %dma_wait3A_290 = tpu.memref_slice %arg4[%dma_wait3A_288, %dma_wait3A_289] : memref<819200x128xf32, #tpu.memory_space<hbm>> -> memref<128x64xf32, #tpu.memory_space<hbm>>
    tpu.wait_dma2 semaphore(%arg21 : memref<!tpu.dma_semaphore, #tpu.memory_space<semaphore_mem>>) src(%dma_wait3A_290 : memref<128x64xf32, #tpu.memory_space<hbm>>) dst(%arg13 : memref<128x64xf32, #tpu.memory_space<vmem>>)
    %dma_start3A_291 = arith.constant 199 : i32
    %dma_start3A_292 = arith.constant 0 : i32
    %dma_start3A_293 = tpu.memref_slice %arg5[%dma_start3A_291, %dma_start3A_292] : memref<200x128xi32, #tpu.memory_space<vmem>> -> memref<1x128xi32, #tpu.memory_space<vmem>>
    %dma_start3A_294 = tpu.memref_squeeze %dma_start3A_293 : memref<1x128xi32, #tpu.memory_space<vmem>> -> memref<128xi32, #tpu.memory_space<vmem>>
    %dma_start3A_295 = arith.constant 0 : i32
    %dma_start3A_296 = arith.constant 0 : i32
    %dma_start3A_297 = tpu.memref_slice %arg3[%dma_start3A_295, %dma_start3A_296] : memref<2000128x64xf32, #tpu.memory_space<hbm>> -> memref<2000128x64xf32, #tpu.memory_space<hbm>>
    tpu.enqueue_indirect_dma source(%dma_start3A_297 : memref<2000128x64xf32, #tpu.memory_space<hbm>>) target(%arg13 : memref<128x64xf32, #tpu.memory_space<vmem>>) offsets(%dma_start3A_294 : memref<128xi32, #tpu.memory_space<vmem>>) semaphore(%arg21 : memref<!tpu.dma_semaphore, #tpu.memory_space<semaphore_mem>>)
    %dma_wait3A_298 = arith.constant 0 : i32
    %dma_wait3A_299 = arith.constant 0 : i32
    %dma_wait3A_300 = tpu.memref_slice %arg4[%dma_wait3A_298, %dma_wait3A_299] : memref<819200x128xf32, #tpu.memory_space<hbm>> -> memref<128x64xf32, #tpu.memory_space<hbm>>
    %dma_wait3A_301 = arith.constant 0 : i32
    %dma_wait3A_302 = arith.constant 0 : i32
    %dma_wait3A_303 = tpu.memref_slice %arg4[%dma_wait3A_301, %dma_wait3A_302] : memref<819200x128xf32, #tpu.memory_space<hbm>> -> memref<128x64xf32, #tpu.memory_space<hbm>>
    tpu.wait_dma2 semaphore(%arg17 : memref<!tpu.dma_semaphore, #tpu.memory_space<semaphore_mem>>) src(%dma_wait3A_303 : memref<128x64xf32, #tpu.memory_space<hbm>>) dst(%arg9 : memref<128x64xf32, #tpu.memory_space<vmem>>)
    %add3A_304 = arith.constant 24960 : i32
    %add3A_305 = arith.addi %mul3A_2, %add3A_304 : i32
    %dma_start3A_306 = arith.constant 0 : i32
    %dma_start3A_307 = tpu.memref_slice %arg4[%add3A_305, %dma_start3A_306] : memref<819200x128xf32, #tpu.memory_space<hbm>> -> memref<128x64xf32, #tpu.memory_space<hbm>>
    %dma_start3A_308 = arith.constant 0 : i32
    %dma_start3A_309 = tpu.memref_slice %arg4[%add3A_305, %dma_start3A_308] : memref<819200x128xf32, #tpu.memory_space<hbm>> -> memref<128x64xf32, #tpu.memory_space<hbm>>
    tpu.enqueue_dma source(%arg9 : memref<128x64xf32, #tpu.memory_space<vmem>>) target(%dma_start3A_309 : memref<128x64xf32, #tpu.memory_space<hbm>>) target_semaphore(%arg17 : memref<!tpu.dma_semaphore, #tpu.memory_space<semaphore_mem>>)
    %dma_wait3A_310 = arith.constant 0 : i32
    %dma_wait3A_311 = arith.constant 0 : i32
    %dma_wait3A_312 = tpu.memref_slice %arg4[%dma_wait3A_310, %dma_wait3A_311] : memref<819200x128xf32, #tpu.memory_space<hbm>> -> memref<128x64xf32, #tpu.memory_space<hbm>>
    %dma_wait3A_313 = arith.constant 0 : i32
    %dma_wait3A_314 = arith.constant 0 : i32
    %dma_wait3A_315 = tpu.memref_slice %arg4[%dma_wait3A_313, %dma_wait3A_314] : memref<819200x128xf32, #tpu.memory_space<hbm>> -> memref<128x64xf32, #tpu.memory_space<hbm>>
    tpu.wait_dma2 semaphore(%arg14 : memref<!tpu.dma_semaphore, #tpu.memory_space<semaphore_mem>>) src(%dma_wait3A_315 : memref<128x64xf32, #tpu.memory_space<hbm>>) dst(%arg6 : memref<128x64xf32, #tpu.memory_space<vmem>>)
    %dma_wait3A_316 = arith.constant 0 : i32
    %dma_wait3A_317 = arith.constant 0 : i32
    %dma_wait3A_318 = tpu.memref_slice %arg4[%dma_wait3A_316, %dma_wait3A_317] : memref<819200x128xf32, #tpu.memory_space<hbm>> -> memref<128x64xf32, #tpu.memory_space<hbm>>
    %dma_wait3A_319 = arith.constant 0 : i32
    %dma_wait3A_320 = arith.constant 0 : i32
    %dma_wait3A_321 = tpu.memref_slice %arg4[%dma_wait3A_319, %dma_wait3A_320] : memref<819200x128xf32, #tpu.memory_space<hbm>> -> memref<128x64xf32, #tpu.memory_space<hbm>>
    tpu.wait_dma2 semaphore(%arg18 : memref<!tpu.dma_semaphore, #tpu.memory_space<semaphore_mem>>) src(%dma_wait3A_321 : memref<128x64xf32, #tpu.memory_space<hbm>>) dst(%arg10 : memref<128x64xf32, #tpu.memory_space<vmem>>)
    %add3A_322 = arith.constant 25088 : i32
    %add3A_323 = arith.addi %mul3A_2, %add3A_322 : i32
    %dma_start3A_324 = arith.constant 0 : i32
    %dma_start3A_325 = tpu.memref_slice %arg4[%add3A_323, %dma_start3A_324] : memref<819200x128xf32, #tpu.memory_space<hbm>> -> memref<128x64xf32, #tpu.memory_space<hbm>>
    %dma_start3A_326 = arith.constant 0 : i32
    %dma_start3A_327 = tpu.memref_slice %arg4[%add3A_323, %dma_start3A_326] : memref<819200x128xf32, #tpu.memory_space<hbm>> -> memref<128x64xf32, #tpu.memory_space<hbm>>
    tpu.enqueue_dma source(%arg10 : memref<128x64xf32, #tpu.memory_space<vmem>>) target(%dma_start3A_327 : memref<128x64xf32, #tpu.memory_space<hbm>>) target_semaphore(%arg18 : memref<!tpu.dma_semaphore, #tpu.memory_space<semaphore_mem>>)
    %dma_wait3A_328 = arith.constant 0 : i32
    %dma_wait3A_329 = arith.constant 0 : i32
    %dma_wait3A_330 = tpu.memref_slice %arg4[%dma_wait3A_328, %dma_wait3A_329] : memref<819200x128xf32, #tpu.memory_space<hbm>> -> memref<128x64xf32, #tpu.memory_space<hbm>>
    %dma_wait3A_331 = arith.constant 0 : i32
    %dma_wait3A_332 = arith.constant 0 : i32
    %dma_wait3A_333 = tpu.memref_slice %arg4[%dma_wait3A_331, %dma_wait3A_332] : memref<819200x128xf32, #tpu.memory_space<hbm>> -> memref<128x64xf32, #tpu.memory_space<hbm>>
    tpu.wait_dma2 semaphore(%arg15 : memref<!tpu.dma_semaphore, #tpu.memory_space<semaphore_mem>>) src(%dma_wait3A_333 : memref<128x64xf32, #tpu.memory_space<hbm>>) dst(%arg7 : memref<128x64xf32, #tpu.memory_space<vmem>>)
    %dma_wait3A_334 = arith.constant 0 : i32
    %dma_wait3A_335 = arith.constant 0 : i32
    %dma_wait3A_336 = tpu.memref_slice %arg4[%dma_wait3A_334, %dma_wait3A_335] : memref<819200x128xf32, #tpu.memory_space<hbm>> -> memref<128x64xf32, #tpu.memory_space<hbm>>
    %dma_wait3A_337 = arith.constant 0 : i32
    %dma_wait3A_338 = arith.constant 0 : i32
    %dma_wait3A_339 = tpu.memref_slice %arg4[%dma_wait3A_337, %dma_wait3A_338] : memref<819200x128xf32, #tpu.memory_space<hbm>> -> memref<128x64xf32, #tpu.memory_space<hbm>>
    tpu.wait_dma2 semaphore(%arg19 : memref<!tpu.dma_semaphore, #tpu.memory_space<semaphore_mem>>) src(%dma_wait3A_339 : memref<128x64xf32, #tpu.memory_space<hbm>>) dst(%arg11 : memref<128x64xf32, #tpu.memory_space<vmem>>)
    %add3A_340 = arith.constant 25216 : i32
    %add3A_341 = arith.addi %mul3A_2, %add3A_340 : i32
    %dma_start3A_342 = arith.constant 0 : i32
    %dma_start3A_343 = tpu.memref_slice %arg4[%add3A_341, %dma_start3A_342] : memref<819200x128xf32, #tpu.memory_space<hbm>> -> memref<128x64xf32, #tpu.memory_space<hbm>>
    %dma_start3A_344 = arith.constant 0 : i32
    %dma_start3A_345 = tpu.memref_slice %arg4[%add3A_341, %dma_start3A_344] : memref<819200x128xf32, #tpu.memory_space<hbm>> -> memref<128x64xf32, #tpu.memory_space<hbm>>
    tpu.enqueue_dma source(%arg11 : memref<128x64xf32, #tpu.memory_space<vmem>>) target(%dma_start3A_345 : memref<128x64xf32, #tpu.memory_space<hbm>>) target_semaphore(%arg19 : memref<!tpu.dma_semaphore, #tpu.memory_space<semaphore_mem>>)
    %dma_wait3A_346 = arith.constant 0 : i32
    %dma_wait3A_347 = arith.constant 0 : i32
    %dma_wait3A_348 = tpu.memref_slice %arg4[%dma_wait3A_346, %dma_wait3A_347] : memref<819200x128xf32, #tpu.memory_space<hbm>> -> memref<128x64xf32, #tpu.memory_space<hbm>>
    %dma_wait3A_349 = arith.constant 0 : i32
    %dma_wait3A_350 = arith.constant 0 : i32
    %dma_wait3A_351 = tpu.memref_slice %arg4[%dma_wait3A_349, %dma_wait3A_350] : memref<819200x128xf32, #tpu.memory_space<hbm>> -> memref<128x64xf32, #tpu.memory_space<hbm>>
    tpu.wait_dma2 semaphore(%arg16 : memref<!tpu.dma_semaphore, #tpu.memory_space<semaphore_mem>>) src(%dma_wait3A_351 : memref<128x64xf32, #tpu.memory_space<hbm>>) dst(%arg8 : memref<128x64xf32, #tpu.memory_space<vmem>>)
    %dma_wait3A_352 = arith.constant 0 : i32
    %dma_wait3A_353 = arith.constant 0 : i32
    %dma_wait3A_354 = tpu.memref_slice %arg4[%dma_wait3A_352, %dma_wait3A_353] : memref<819200x128xf32, #tpu.memory_space<hbm>> -> memref<128x64xf32, #tpu.memory_space<hbm>>
    %dma_wait3A_355 = arith.constant 0 : i32
    %dma_wait3A_356 = arith.constant 0 : i32
    %dma_wait3A_357 = tpu.memref_slice %arg4[%dma_wait3A_355, %dma_wait3A_356] : memref<819200x128xf32, #tpu.memory_space<hbm>> -> memref<128x64xf32, #tpu.memory_space<hbm>>
    tpu.wait_dma2 semaphore(%arg20 : memref<!tpu.dma_semaphore, #tpu.memory_space<semaphore_mem>>) src(%dma_wait3A_357 : memref<128x64xf32, #tpu.memory_space<hbm>>) dst(%arg12 : memref<128x64xf32, #tpu.memory_space<vmem>>)
    %add3A_358 = arith.constant 25344 : i32
    %add3A_359 = arith.addi %mul3A_2, %add3A_358 : i32
    %dma_start3A_360 = arith.constant 0 : i32
    %dma_start3A_361 = tpu.memref_slice %arg4[%add3A_359, %dma_start3A_360] : memref<819200x128xf32, #tpu.memory_space<hbm>> -> memref<128x64xf32, #tpu.memory_space<hbm>>
    %dma_start3A_362 = arith.constant 0 : i32
    %dma_start3A_363 = tpu.memref_slice %arg4[%add3A_359, %dma_start3A_362] : memref<819200x128xf32, #tpu.memory_space<hbm>> -> memref<128x64xf32, #tpu.memory_space<hbm>>
    tpu.enqueue_dma source(%arg12 : memref<128x64xf32, #tpu.memory_space<vmem>>) target(%dma_start3A_363 : memref<128x64xf32, #tpu.memory_space<hbm>>) target_semaphore(%arg20 : memref<!tpu.dma_semaphore, #tpu.memory_space<semaphore_mem>>)
    %dma_wait3A_364 = arith.constant 0 : i32
    %dma_wait3A_365 = arith.constant 0 : i32
    %dma_wait3A_366 = tpu.memref_slice %arg4[%dma_wait3A_364, %dma_wait3A_365] : memref<819200x128xf32, #tpu.memory_space<hbm>> -> memref<128x64xf32, #tpu.memory_space<hbm>>
    %dma_wait3A_367 = arith.constant 0 : i32
    %dma_wait3A_368 = arith.constant 0 : i32
    %dma_wait3A_369 = tpu.memref_slice %arg4[%dma_wait3A_367, %dma_wait3A_368] : memref<819200x128xf32, #tpu.memory_space<hbm>> -> memref<128x64xf32, #tpu.memory_space<hbm>>
    tpu.wait_dma2 semaphore(%arg17 : memref<!tpu.dma_semaphore, #tpu.memory_space<semaphore_mem>>) src(%dma_wait3A_369 : memref<128x64xf32, #tpu.memory_space<hbm>>) dst(%arg9 : memref<128x64xf32, #tpu.memory_space<vmem>>)
    %dma_wait3A_370 = arith.constant 0 : i32
    %dma_wait3A_371 = arith.constant 0 : i32
    %dma_wait3A_372 = tpu.memref_slice %arg4[%dma_wait3A_370, %dma_wait3A_371] : memref<819200x128xf32, #tpu.memory_space<hbm>> -> memref<128x64xf32, #tpu.memory_space<hbm>>
    %dma_wait3A_373 = arith.constant 0 : i32
    %dma_wait3A_374 = arith.constant 0 : i32
    %dma_wait3A_375 = tpu.memref_slice %arg4[%dma_wait3A_373, %dma_wait3A_374] : memref<819200x128xf32, #tpu.memory_space<hbm>> -> memref<128x64xf32, #tpu.memory_space<hbm>>
    tpu.wait_dma2 semaphore(%arg21 : memref<!tpu.dma_semaphore, #tpu.memory_space<semaphore_mem>>) src(%dma_wait3A_375 : memref<128x64xf32, #tpu.memory_space<hbm>>) dst(%arg13 : memref<128x64xf32, #tpu.memory_space<vmem>>)
    %add3A_376 = arith.constant 25472 : i32
    %add3A_377 = arith.addi %mul3A_2, %add3A_376 : i32
    %dma_start3A_378 = arith.constant 0 : i32
    %dma_start3A_379 = tpu.memref_slice %arg4[%add3A_377, %dma_start3A_378] : memref<819200x128xf32, #tpu.memory_space<hbm>> -> memref<128x64xf32, #tpu.memory_space<hbm>>
    %dma_start3A_380 = arith.constant 0 : i32
    %dma_start3A_381 = tpu.memref_slice %arg4[%add3A_377, %dma_start3A_380] : memref<819200x128xf32, #tpu.memory_space<hbm>> -> memref<128x64xf32, #tpu.memory_space<hbm>>
    tpu.enqueue_dma source(%arg13 : memref<128x64xf32, #tpu.memory_space<vmem>>) target(%dma_start3A_381 : memref<128x64xf32, #tpu.memory_space<hbm>>) target_semaphore(%arg21 : memref<!tpu.dma_semaphore, #tpu.memory_space<semaphore_mem>>)
    %dma_wait3A_382 = arith.constant 0 : i32
    %dma_wait3A_383 = arith.constant 0 : i32
    %dma_wait3A_384 = tpu.memref_slice %arg4[%dma_wait3A_382, %dma_wait3A_383] : memref<819200x128xf32, #tpu.memory_space<hbm>> -> memref<128x64xf32, #tpu.memory_space<hbm>>
    %dma_wait3A_385 = arith.constant 0 : i32
    %dma_wait3A_386 = arith.constant 0 : i32
    %dma_wait3A_387 = tpu.memref_slice %arg4[%dma_wait3A_385, %dma_wait3A_386] : memref<819200x128xf32, #tpu.memory_space<hbm>> -> memref<128x64xf32, #tpu.memory_space<hbm>>
    tpu.wait_dma2 semaphore(%arg18 : memref<!tpu.dma_semaphore, #tpu.memory_space<semaphore_mem>>) src(%dma_wait3A_387 : memref<128x64xf32, #tpu.memory_space<hbm>>) dst(%arg10 : memref<128x64xf32, #tpu.memory_space<vmem>>)
    %dma_wait3A_388 = arith.constant 0 : i32
    %dma_wait3A_389 = arith.constant 0 : i32
    %dma_wait3A_390 = tpu.memref_slice %arg4[%dma_wait3A_388, %dma_wait3A_389] : memref<819200x128xf32, #tpu.memory_space<hbm>> -> memref<128x64xf32, #tpu.memory_space<hbm>>
    %dma_wait3A_391 = arith.constant 0 : i32
    %dma_wait3A_392 = arith.constant 0 : i32
    %dma_wait3A_393 = tpu.memref_slice %arg4[%dma_wait3A_391, %dma_wait3A_392] : memref<819200x128xf32, #tpu.memory_space<hbm>> -> memref<128x64xf32, #tpu.memory_space<hbm>>
    tpu.wait_dma2 semaphore(%arg19 : memref<!tpu.dma_semaphore, #tpu.memory_space<semaphore_mem>>) src(%dma_wait3A_393 : memref<128x64xf32, #tpu.memory_space<hbm>>) dst(%arg11 : memref<128x64xf32, #tpu.memory_space<vmem>>)
    %dma_wait3A_394 = arith.constant 0 : i32
    %dma_wait3A_395 = arith.constant 0 : i32
    %dma_wait3A_396 = tpu.memref_slice %arg4[%dma_wait3A_394, %dma_wait3A_395] : memref<819200x128xf32, #tpu.memory_space<hbm>> -> memref<128x64xf32, #tpu.memory_space<hbm>>
    %dma_wait3A_397 = arith.constant 0 : i32
    %dma_wait3A_398 = arith.constant 0 : i32
    %dma_wait3A_399 = tpu.memref_slice %arg4[%dma_wait3A_397, %dma_wait3A_398] : memref<819200x128xf32, #tpu.memory_space<hbm>> -> memref<128x64xf32, #tpu.memory_space<hbm>>
    tpu.wait_dma2 semaphore(%arg20 : memref<!tpu.dma_semaphore, #tpu.memory_space<semaphore_mem>>) src(%dma_wait3A_399 : memref<128x64xf32, #tpu.memory_space<hbm>>) dst(%arg12 : memref<128x64xf32, #tpu.memory_space<vmem>>)
    %dma_wait3A_400 = arith.constant 0 : i32
    %dma_wait3A_401 = arith.constant 0 : i32
    %dma_wait3A_402 = tpu.memref_slice %arg4[%dma_wait3A_400, %dma_wait3A_401] : memref<819200x128xf32, #tpu.memory_space<hbm>> -> memref<128x64xf32, #tpu.memory_space<hbm>>
    %dma_wait3A_403 = arith.constant 0 : i32
    %dma_wait3A_404 = arith.constant 0 : i32
    %dma_wait3A_405 = tpu.memref_slice %arg4[%dma_wait3A_403, %dma_wait3A_404] : memref<819200x128xf32, #tpu.memory_space<hbm>> -> memref<128x64xf32, #tpu.memory_space<hbm>>
    tpu.wait_dma2 semaphore(%arg21 : memref<!tpu.dma_semaphore, #tpu.memory_space<semaphore_mem>>) src(%dma_wait3A_405 : memref<128x64xf32, #tpu.memory_space<hbm>>) dst(%arg13 : memref<128x64xf32, #tpu.memory_space<vmem>>)
    return
  }
}

</mosaic_0001>

<sc_bundles>
// kernel: kernel.4.cloned.1.call-start
scs
__scs_entry_jumppad:
0x0: {  	(pc) =	sbr.rel $0x88, $3  }
0x1: {  	(tag) =	ssettag $0x0;
	lr =	simm.s32 $0x1  }
0x2: {  	[smem:$0x3F9F] =	sst lr;
	_ =	strace $0xD0000000  }
0x3: {  	_ = 	snop  }
0x4: {  	_ = 	snop  }
0x5: {  	_ = 	snop  }
0x6: {  	_ = 	snop  }
0x7: {  	_ = 	snop  }
__scs_overlays_trampoline_lowered:
0x8: {  	[smem:$0x3FAE] =	sst s0  }
0x9: {  	[smem:$0x3FAF] =	sst s1  }
0xa: {  	[smem:$0x3FB0] =	sst s2  }
0xb: {  	[smem:$0x3FB1] =	sst s3  }
0xc: {  	[smem:$0x3FB2] =	sst s4  }
0xd: {  	[smem:$0x3FB3] =	sst s5  }
0xe: {  	[smem:$0x3FB4] =	sst s6  }
0xf: {  	[smem:$0x3FB5] =	sst s7  }
0x10: {  	[smem:$0x3FB6] =	sst s8  }
0x11: {  	[smem:$0x3FB7] =	sst s9;
	s0 =	simm.s32 @!p0 $0x0  }
0x12: {  	s1 =	sld [smem:$0x3F9D];
	s0 =	simm.s32 @p0 $0x1  }
0x13: {  	[smem:$0x3FB8] =	sst s0;
	s0 =	simm.s32 @!p1 $0x0  }
0x14: {  	s2 =	sld [smem:$0x3F9C];
	s0 =	simm.s32 @p1 $0x1  }
0x15: {  	[smem:$0x3FB9] =	sst s0;
	s0 =	simm.s32 @!p2 $0x0  }
0x16: {  	s3 =	sld [smem:$0x3FDB];
	s0 =	simm.s32 @p2 $0x1  }
0x17: {  	s4 =	simm.s32 $0x1BF5;
	[smem:$0x3FBB] =	sst s0  }
0x18: {  	s0 =	sld [smem:$0x3F9E];
	_ =	swait.ge [sflag:s4], $0x0  }
0x19: {  	s7 =	sld [smem:$0x3F9F]  }
0x1a: {  	s8 =	sadd.s32 $0xFFFFE003, lr  }
0x1b: {  	s9 =	sadd.s32 $0xFFFFFEF7, lr;
	s5 =	simm.s32 $0xFFFFFFFF;
	p2 =	slt.u32 s8, $0xFFFFF086  }
0x1c: {  	p1 =	slt.u32 s9, $0xF7A;
	s5 =	simm.s32 @!p2 $0x0  }
0x1d: {  	s5 =	simm.s32 @p1 $0x1;
	p0 =	seq.s32 s7, s2  }
0x1e: {  	s7 =	smul.u32 @!p0 $0xF7A, s2;
	p2 =	seq.s32 @!p0 s5, $0x0  }
0x1f: {  	s9 =	smul.u32 $0xF7A, s1;
	s8 =	simm.s32 @!p0 $0x1BF5;
	p2 =	por !p2, p0  }
0x20: {  	[sflag:s8] =	ssyncset.s32 @!p0 $0xFFFFF086;
	s6 =	sadd.s32 @!p0 s3, s7;
	s7 =	simm.s32 @!p0 $0x108  }
0x21: {  	s3 =	sadd.s32 s3, s9;
	s6 =	sadd.s32 @!p0 $0x88, s6;
	s7 =	simm.s32 @p2 $0x1082  }
0x22: {  	[simem:s7], [sflag:s8] =	dma.local @!p0 [hbm:s6], $0xF7A  }
0x23: {  	s9 =	sor.u32 $0xD0000000, s2;
	s6 =	simm.s32 $0x108;
	_ =	swait.ge @!p0 [sflag:s8], $0x0  }
0x24: {  	s3 =	sadd.s32 $0x88, s3;
	s6 =	simm.s32 @!p1 $0x1082;
	[sflag:s4] =	ssyncset.s32 $0xFFFFF086  }
0x25: {  	[simem:s6], [sflag:s4] =	dma.local [hbm:s3], $0xF7A  }
0x26: {  	[smem:$0x3F9F] =	sst s1;
	(tag) =	ssettag s2;
	_ =	strace s9  }
0x27: {  	s1 =	sld [smem:$0x3FAF]  }
0x28: {  	s2 =	sld [smem:$0x3FB0]  }
0x29: {  	s4 =	sld [smem:$0x3FB2]  }
0x2a: {  	p0 =	seq.s32 s5, $0x0;
	s5 =	sld [smem:$0x3FB3]  }
0x2b: {  	s6 =	sld [smem:$0x3FB4]  }
0x2c: {  	s7 =	sld [smem:$0x3FB5]  }
0x2d: {  	s3 =	simm.s32 $0x108;
	s8 =	sld [smem:$0x3FB6]  }
0x2e: {  	s3 =	simm.s32 @!p0 $0x1082;
	s9 =	sld [smem:$0x3FB7]  }
0x2f: {  	lr =	sadd.s32 s0, s3;
	s0 =	sld [smem:$0x3FAE]  }
0x30: {  	s3 =	sld [smem:$0x3FB1]  }
0x31: {  	[smem:$0x3FBA] =	sst s10  }
0x32: {  	s10 =	sld [smem:$0x3FB8];
	_ =	sdelay $0x3  }
0x33: {  	p0 =	seq.s32 s10, $0x1;
	s10 =	sld [smem:$0x3FBA];
	_ =	sdelay $0x3  }
0x34: {  	[smem:$0x3FBA] =	sst s10  }
0x35: {  	s10 =	sld [smem:$0x3FB9];
	_ =	sdelay $0x3  }
0x36: {  	p1 =	seq.s32 s10, $0x1;
	s10 =	sld [smem:$0x3FBA];
	_ =	sdelay $0x3  }
0x37: {  	[smem:$0x3FBA] =	sst s10  }
0x38: {  	s10 =	sld [smem:$0x3FBB]  }
0x39: {  	_ = 	snop;
	(pc) =	sbr.ind lr, $3  }
0x3a: {  	_ = 	snop  }
0x3b: {  	_ = 	snop  }
0x3c: {  	p2 =	seq.s32 s10, $0x1;
	s10 =	sld [smem:$0x3FBA]  }
0x3d: {  	_ =	shalt  }
0x3e: {  	_ =	shalt  }
0x3f: {  	_ =	shalt  }
0x40: {  	_ =	shalt  }
0x41: {  	_ =	shalt  }
0x42: {  	_ =	shalt  }
0x43: {  	_ =	shalt  }
0x44: {  	_ =	shalt  }
0x45: {  	_ =	shalt  }
0x46: {  	_ =	shalt  }
0x47: {  	_ =	shalt  }
0x48: {  	_ =	shalt  }
0x49: {  	_ =	shalt  }
0x4a: {  	_ =	shalt  }
0x4b: {  	_ =	shalt  }
0x4c: {  	_ =	shalt  }
0x4d: {  	_ =	shalt  }
0x4e: {  	_ =	shalt  }
0x4f: {  	_ =	shalt  }
0x50: {  	_ =	shalt  }
0x51: {  	_ =	shalt  }
0x52: {  	_ =	shalt  }
0x53: {  	_ =	shalt  }
0x54: {  	_ =	shalt  }
0x55: {  	_ =	shalt  }
0x56: {  	_ =	shalt  }
0x57: {  	_ =	shalt  }
0x58: {  	_ =	shalt  }
0x59: {  	_ =	shalt  }
0x5a: {  	_ =	shalt  }
0x5b: {  	_ =	shalt  }
0x5c: {  	_ =	shalt  }
0x5d: {  	_ =	shalt  }
0x5e: {  	_ =	shalt  }
0x5f: {  	_ =	shalt  }
0x60: {  	_ =	shalt  }
0x61: {  	_ =	shalt  }
0x62: {  	_ =	shalt  }
0x63: {  	_ =	shalt  }
0x64: {  	_ =	shalt  }
0x65: {  	_ =	shalt  }
0x66: {  	_ =	shalt  }
0x67: {  	_ =	shalt  }
0x68: {  	_ =	shalt  }
0x69: {  	_ =	shalt  }
0x6a: {  	_ =	shalt  }
0x6b: {  	_ =	shalt  }
0x6c: {  	_ =	shalt  }
0x6d: {  	_ =	shalt  }
0x6e: {  	_ =	shalt  }
0x6f: {  	_ =	shalt  }
0x70: {  	_ =	shalt  }
0x71: {  	_ =	shalt  }
0x72: {  	_ =	shalt  }
0x73: {  	_ =	shalt  }
0x74: {  	_ =	shalt  }
0x75: {  	_ =	shalt  }
0x76: {  	_ =	shalt  }
0x77: {  	_ =	shalt  }
0x78: {  	_ =	shalt  }
0x79: {  	_ =	shalt  }
0x7a: {  	_ =	shalt  }
0x7b: {  	_ =	shalt  }
0x7c: {  	_ =	shalt  }
0x7d: {  	_ =	shalt  }
0x7e: {  	_ =	shalt  }
0x7f: {  	_ =	shalt  }
0x80: {  	_ =	shalt  }
0x81: {  	_ =	shalt  }
0x82: {  	_ =	shalt  }
0x83: {  	_ =	shalt  }
0x84: {  	_ =	shalt  }
0x85: {  	_ =	shalt  }
0x86: {  	_ =	shalt  }
0x87: {  	_ =	shalt  }
.Lfunc_end0:
.L_simem_size_0:
called_computation.1_lowered:
.L_overlay_start_0:
0x88: {  	s2 =	sld [smem:$0x3FD9]  }
0x89: {  	s3 =	sld [smem:$0x3FFE];
	_ =	sdelay $0x1  }
0x8a: {  	s1 =	srdreg.scid  }
0x8b: {  	s0 =	sand.u32 $0x1, s1  }
0x8c: {  	s17 =	sshll.u32 s0, $0xA;
	s2 =	sadd.s32 s3, s2  }
0x8d: {  	s2 =	sadd.s32 s2, s17  }
0x8e: {  	[smem:$0x3FC6] =	sst s2  }
0x8f: {  	_ = 	snop  }
0x90: {  	s2 =	sld [smem:$0x3FC8];
	(tm) =	ssettm $0x1  }
0x91: {  	s18 =	sld [smem:$0x3FFB];
	_ =	sdelay $0x3  }
0x92: {  	_ =	strace s18  }
0x93: {  	s3 =	sld [smem:$0x3FFC];
	_ =	sdelay $0x3  }
0x94: {  	_ =	strace s3  }
0x95: {  	s3 =	sld [smem:$0x3FFD];
	_ =	sdelay $0x3  }
0x96: {  	_ =	strace s3  }
0x97: {  	_ =	strace $0x8FFFFFFF  }
0x98: {  	s19 =	sld [smem:$0x3FDB];
	_ =	sdelay $0x1  }
0x99: {  	s4 =	simm.s32 $_scs_section_size  }
0x9a: {  	s5 =	simm.s32 $_size__tile_overlayer_lowered;
	s6 =	simm.s32 $_tile_overlayer_lowered  }
0x9b: {  	s22 =	simm.s32 $0x1BFF;
	s21 =	sshll.u32 s6, $0x1;
	s3 =	sadd.s32 s4, s19  }
0x9c: {  	s7 =	simm.s32 $0x0;
	s20 =	sshll.u32 s5, $0x1;
	s5 =	sadd.s32 s21, s3  }
0x9d: {  	[timem:s7], [sflag:s22] =	dma.local [hbm:s5], s20  }
0x9e: {  	_ =	swait.ge [sflag:s22], s20  }
0x9f: {  	s4 =	ssub.s32 $0x0, s20;
	[sflag:s22] =	ssyncset.done $0x0  }
0xa0: {  	[sflag:s22] =	ssyncadd.s32 s4;
	_ =	sdelay $0x1  }
0xa1: {  	s23 =	simm.s32 $0x1B8B  }
0xa2: {  	_ =	swait.ge [sflag:s23], $0x1  }
0xa3: {  	[sflag:s23] =	ssyncset.done $0x0  }
0xa4: {  	s25 =	simm.s32 $0x1B8E;
	s24 =	sld [smem:$0x3FFE];
	[sflag:s23] =	ssyncadd.s32 $0xFFFFFFFF  }
0xa5: {  	s26 =	simm.s32 $execute0_lowered;
	[smem:$0x3FD2] =	sst s25  }
0xa6: {  	s5 =	sshll.u32 s26, $0x1;
	_ =	strace $0x80000046;
	[dreg:$0x1] =	wrdreg $0xFFFFFFFF  }
0xa7: {  	s28 =	simm.s32 $_size_execute0_lowered;
	s3 =	sadd.s32 s3, s5;
	[dreg:$0x0] =	wrdreg $0x0  }
0xa8: {  	s5 =	sshll.u32 s28, $0x1;
	[dreg:$0x2] =	wrdreg s3  }
0xa9: {  	[dreg:$0x3] =	wrdreg s5  }
0xaa: {  	[dreg:$0x4] =	wrdreg $0xC0  }
0xab: {  	_ =	task [dreg:s7], $0x5FFFF  }
0xac: {  	[dreg:$0x1] =	wrdreg $0xFFFFFFFF  }
0xad: {  	[dreg:$0x0] =	wrdreg $0x60  }
0xae: {  	[dreg:$0x2] =	wrdreg s2  }
0xaf: {  	[dreg:$0x3] =	wrdreg s24  }
0xb0: {  	[dreg:$0x4] =	wrdreg $0x9  }
0xb1: {  	_ =	task.clear_ibuf [dreg:s7], $0x5FFFF;
	_ =	strace $0x90000046  }
0xb2: {  	s29 =	simm.s32 $0x9;
	_ =	strace $0x80000048  }
0xb3: {  	_ =	swait.ge [sflag:s29], $0x1  }
0xb4: {  	[sflag:s29] =	ssyncadd.s32 $0xFFFFFFFF  }
0xb5: {  	_ =	strace $0x90000048  }
0xb6: {  	_ =	sfence  }
0xb7: {  	s30 =	sld [smem:$0x0];
	_ =	sdelay $0x2  }
0xb8: {  	s31 =	sshll.u32 s1, $0xD;
	s1 =	sshrl.u32 s1, $0x2  }
0xb9: {  	s3 =	sand.u32 $0x4000, s31;
	s1 =	sadd.s32 s1, s30  }
0xba: {  	s0 =	sor.u32 s3, s0;
	s1 =	sshll.u32 s1, $0x11  }
0xbb: {  	s0 =	sor.u32 s1, s0  }
0xbc: {  	s0 =	sadd.s32 $0x8F2B, s0  }
0xbd: {  	[sflag:s0] =	ssyncadd.remote.s32 $0x1  }
0xbe: {  	_ =	sfence.sel $0xFFFF  }
0xbf: {  	[dreg:$0x0] =	wrdreg $0xFFFFFFFF;
	(pc) =	sbr.abs _section_cstart, $3  }
0xc0: {  	[dreg:$0x1] =	wrdreg $0xFFFFFFFF  }
0xc1: {  	_ =	task.clear_ibuf [dreg:s7], $0x2FFFF;
	_ =	strace $0x9FFFFFFF  }
0xc2: {  	(tm) =	ssettm $0x7FFFFFFF  }
0xc3: {  	_ =	shalt  }
tec
execute0_lowered:
.L_overlay_start_1:
0x0: {  	(tag) =	ssettag $0x1  }
0x1: {  	v0 =	vimm.s32 $0xB80;
	vm14 =	vcmask $0x300  }
0x2: {  	v1 =	vimm.s32 $0x1B80;
	vm13 =	vcmask $0x704;
	vm11 =	vcmask $0xB08  }
0x3: {  	vm12 =	vcmask $0xF0C;
	vm10 =	vcmask $0x1310;
	vm9 =	vcmask $0x1714  }
0x4: {  	vm8 =	vcmask $0x1B18;
	vm7 =	vcmask $0x1F1C;
	vm6 =	vcmask $0x2320  }
0x5: {  	vm5 =	vcmask $0x2724;
	vm4 =	vcmask $0x2B28;
	vm3 =	vcmask $0x2F2C  }
0x6: {  	vm2 =	vcmask $0x3330;
	vm1 =	vcmask $0x3734;
	vm0 =	vcmask $0x3B38  }
0x7: {  	v2 =	vimm.s32 $0x2B80;
	v3 =	vimm.s32 $0x3B80;
	v4 =	vimm.s32 $0x4B80  }
0x8: {  	v5 =	vimm.s32 $0x5B80;
	v6 =	vimm.s32 $0x6B80;
	v7 =	vimm.s32 $0x7B80  }
0x9: {  	v0 =	vsel vm14, $0x0, v0;
	v1 =	vsel vm14, $0x1000, v1;
	v2 =	vsel vm14, $0x2000, v2  }
0xa: {  	v3 =	vsel vm14, $0x3000, v3;
	v4 =	vsel vm14, $0x4000, v4;
	v5 =	vsel vm14, $0x5000, v5  }
0xb: {  	v6 =	vsel vm14, $0x6000, v6;
	v7 =	vsel vm14, $0x7000, v7;
	v0 =	vsel vm13, $0x80, v0  }
0xc: {  	v1 =	vsel vm13, $0x1080, v1;
	v2 =	vsel vm13, $0x2080, v2;
	v3 =	vsel vm13, $0x3080, v3  }
0xd: {  	v4 =	vsel vm13, $0x4080, v4;
	v5 =	vsel vm13, $0x5080, v5;
	v6 =	vsel vm13, $0x6080, v6  }
0xe: {  	v7 =	vsel vm13, $0x7080, v7;
	v0 =	vsel vm11, $0x100, v0;
	v1 =	vsel vm11, $0x1100, v1  }
0xf: {  	v2 =	vsel vm11, $0x2100, v2;
	v3 =	vsel vm11, $0x3100, v3;
	v4 =	vsel vm11, $0x4100, v4  }
0x10: {  	v5 =	vsel vm11, $0x5100, v5;
	v6 =	vsel vm11, $0x6100, v6;
	v7 =	vsel vm11, $0x7100, v7  }
0x11: {  	v0 =	vsel vm12, $0x180, v0;
	v1 =	vsel vm12, $0x1180, v1;
	v2 =	vsel vm12, $0x2180, v2  }
0x12: {  	v3 =	vsel vm12, $0x3180, v3;
	v4 =	vsel vm12, $0x4180, v4;
	v5 =	vsel vm12, $0x5180, v5  }
0x13: {  	v6 =	vsel vm12, $0x6180, v6;
	v7 =	vsel vm12, $0x7180, v7;
	v0 =	vsel vm10, $0x200, v0  }
0x14: {  	v1 =	vsel vm10, $0x1200, v1;
	v2 =	vsel vm10, $0x2200, v2;
	v3 =	vsel vm10, $0x3200, v3  }
0x15: {  	v4 =	vsel vm10, $0x4200, v4;
	v5 =	vsel vm10, $0x5200, v5;
	v6 =	vsel vm10, $0x6200, v6  }
0x16: {  	v7 =	vsel vm10, $0x7200, v7;
	v0 =	vsel vm9, $0x280, v0;
	v1 =	vsel vm9, $0x1280, v1  }
0x17: {  	v2 =	vsel vm9, $0x2280, v2;
	v3 =	vsel vm9, $0x3280, v3;
	v4 =	vsel vm9, $0x4280, v4  }
0x18: {  	v5 =	vsel vm9, $0x5280, v5;
	v6 =	vsel vm9, $0x6280, v6;
	v7 =	vsel vm9, $0x7280, v7  }
0x19: {  	v0 =	vsel vm8, $0x300, v0;
	v1 =	vsel vm8, $0x1300, v1;
	v2 =	vsel vm8, $0x2300, v2  }
0x1a: {  	v3 =	vsel vm8, $0x3300, v3;
	v4 =	vsel vm8, $0x4300, v4;
	v5 =	vsel vm8, $0x5300, v5  }
0x1b: {  	v6 =	vsel vm8, $0x6300, v6;
	v7 =	vsel vm8, $0x7300, v7;
	v0 =	vsel vm7, $0x380, v0  }
0x1c: {  	v1 =	vsel vm7, $0x1380, v1;
	v2 =	vsel vm7, $0x2380, v2;
	v3 =	vsel vm7, $0x3380, v3  }
0x1d: {  	v4 =	vsel vm7, $0x4380, v4;
	v5 =	vsel vm7, $0x5380, v5;
	v6 =	vsel vm7, $0x6380, v6  }
0x1e: {  	v7 =	vsel vm7, $0x7380, v7;
	v0 =	vsel vm6, $0x800, v0;
	v1 =	vsel vm6, $0x1800, v1  }
0x1f: {  	s0 =	rddreg [dreg:$0x0];
	v2 =	vsel vm6, $0x2800, v2;
	v3 =	vsel vm6, $0x3800, v3;
	v4 =	vsel vm6, $0x4800, v4  }
0x20: {  	s1 =	rddreg [dreg:$0x1];
	v5 =	vsel vm6, $0x5800, v5;
	v6 =	vsel vm6, $0x6800, v6;
	v7 =	vsel vm6, $0x7800, v7  }
0x21: {  	s2 =	simm.s32 $0x0;
	s3 =	srdreg.scid;
	s8 =	stileid.u32;
	v0 =	vsel vm5, $0x880, v0;
	v1 =	vsel vm5, $0x1880, v1;
	v2 =	vsel vm5, $0x2880, v2  }
0x22: {  	s14 =	simm.s32 $0x2;
	s15 =	simm.s32 $0xC000;
	s12 =	simm.s32 $0x1;
	v3 =	vsel vm5, $0x3880, v3;
	v4 =	vsel vm5, $0x4880, v4;
	v5 =	vsel vm5, $0x5880, v5  }
0x23: {  	s13 =	simm.s32 $0x4800;
	s11 =	simm.s32 $0x5800;
	s10 =	simm.s32 $0x7000;
	v6 =	vsel vm5, $0x6880, v6;
	v7 =	vsel vm5, $0x7880, v7;
	v0 =	vsel vm4, $0x900, v0  }
0x24: {  	s16 =	simm.s32 $0x7800;
	s17 =	simm.s32 $0x8000;
	s18 =	simm.s32 $0x8800;
	v1 =	vsel vm4, $0x1900, v1;
	v2 =	vsel vm4, $0x2900, v2;
	v3 =	vsel vm4, $0x3900, v3  }
0x25: {  	s19 =	simm.s32 $0x9000;
	s20 =	simm.s32 $0x9800;
	s21 =	simm.s32 $0xA000;
	v4 =	vsel vm4, $0x4900, v4;
	v5 =	vsel vm4, $0x5900, v5;
	v6 =	vsel vm4, $0x6900, v6  }
0x26: {  	s22 =	simm.s32 $0xA800;
	s23 =	simm.s32 $0xB000;
	s24 =	simm.s32 $0xB800;
	v7 =	vsel vm4, $0x7900, v7;
	v0 =	vsel vm3, $0x980, v0;
	v1 =	vsel vm3, $0x1980, v1  }
0x27: {  	s26 =	simm.s32 $0x0;
	[smem:$0x7FF] =	sst s2;
	s4 =	sadd.s32 $0xE00, s1;
	v2 =	vsel vm3, $0x2980, v2;
	v3 =	vsel vm3, $0x3980, v3;
	v4 =	vsel vm3, $0x4980, v4  }
0x28: {  	s3 =	sand.u32 $0x1, s3;
	s5 =	sadd.s32 $0x1200, s1;
	s1 =	sadd.s32 $0xF43600, s1;
	v5 =	vsel vm3, $0x5980, v5;
	v6 =	vsel vm3, $0x6980, v6;
	v7 =	vsel vm3, $0x7980, v7  }
0x29: {  	s6 =	sshll.u32 s8, $0x1;
	p0 =	slt.u32 s8, $0x2;
	_ =	strace $0x80000047;
	v0 =	vsel vm2, $0xA00, v0;
	v1 =	vsel vm2, $0x1A00, v1;
	v2 =	vsel vm2, $0x2A00, v2  }
0x2a: {  	[dreg:$0x3] =	wrdreg s4;
	s29 =	ssub.s32 $0x2, s3;
	s3 =	sor.u32 s3, s6;
	v3 =	vsel vm2, $0x3A00, v3;
	v4 =	vsel vm2, $0x4A00, v4;
	v5 =	vsel vm2, $0x5A00, v5  }
0x2b: {  	s6 =	simm.s32 $0xF5;
	[dreg:$0x5] =	wrdreg s1;
	s1 =	simm.s32 $0x6800;
	v6 =	vsel vm2, $0x6A00, v6;
	v7 =	vsel vm2, $0x7A00, v7;
	v0 =	vsel vm1, $0xA80, v0  }
.Ltmp0:
0x2c: {  	s7 =	sshrl.u32 s29, $0x1;
	s6 =	simm.s32 @!p0 $0xF4;
	v1 =	vsel vm1, $0x1A80, v1;
	v2 =	vsel vm1, $0x2A80, v2;
	v3 =	vsel vm1, $0x3A80, v3;
	(pc) =	sbr.rel .LBB2_1-.Ltmp0, $4  }
0x2d: {  	s30 =	sshll.u32 s3, $0x7;
	s8 =	sshll.u32 s3, $0xA;
	s9 =	sshll.u32 s3, $0xE;
	v4 =	vsel vm1, $0x4A80, v4;
	v5 =	vsel vm1, $0x5A80, v5;
	v6 =	vsel vm1, $0x6A80, v6  }
0x2e: {  	p0 =	sne.s32 s3, $0x1F;
	s4 =	ssub.s32 s29, s7;
	s7 =	sadd.s32 s0, s30;
	v7 =	vsel vm1, $0x7A80, v7;
	v0 =	vsel vm0, $0xB00, v0;
	v1 =	vsel vm0, $0x1B00, v1  }
0x2f: {  	s3 =	simm.s32 $0x6000;
	[dreg:$0x4] =	wrdreg s7;
	s31 =	smax.u32 s4, $0x1;
	v2 =	vsel vm0, $0x2B00, v2;
	v3 =	vsel vm0, $0x3B00, v3;
	v4 =	vsel vm0, $0x4B00, v4  }
0x30: {  	s4 =	simm.s32 $0x4000;
	s7 =	simm.s32 $0x5000;
	[dreg:$0x6] =	wrdreg s31;
	v5 =	vsel vm0, $0x5B00, v5;
	v6 =	vsel vm0, $0x6B00, v6;
	v7 =	vsel vm0, $0x7B00, v7  }
.LBB2_13:
0x31: {  	_ =	sdelay $0x3  }
0x32: {  	s28 =	sadd.s32 $0xFFFFFFF9, s26;
	[tilespmem:v9+s4+$0x0] =	vst.idx.msk $0xffff, v8;
	s25 =	sadd.s32 $0x400, s25  }
0x33: {  	v8 =	vld [tilespmem:s25+$0xFFFFFE00];
	v35 =	vor.u32 s28, v0  }
0x34: {  	v10 =	vld [tilespmem:s25+$0xFFFFFE10];
	v11 =	vor.u32 s28, v1  }
0x35: {  	v12 =	vld [tilespmem:s25+$0xFFFFFE20];
	v13 =	vor.u32 s28, v2  }
0x36: {  	v14 =	vld [tilespmem:s25+$0xFFFFFE30];
	v15 =	vor.u32 s28, v3;
	_ =	sdelay $0x1  }
0x37: {  	[tilespmem:v35+s4+$0x0] =	vst.idx.msk $0xffff, v8  }
0x38: {  	[tilespmem:v11+s4+$0x0] =	vst.idx.msk $0xffff, v10  }
0x39: {  	[tilespmem:v13+s4+$0x0] =	vst.idx.msk $0xffff, v12  }
0x3a: {  	s29 =	sadd.s32 $0xFFFFFFFA, s26;
	[tilespmem:v15+s4+$0x0] =	vst.idx.msk $0xffff, v14  }
0x3b: {  	v36 =	vor.u32 s29, v0;
	v8 =	vld [tilespmem:s25+$0xFFFFFE80]  }
0x3c: {  	v37 =	vor.u32 s29, v1;
	v10 =	vld [tilespmem:s25+$0xFFFFFE90]  }
0x3d: {  	v38 =	vor.u32 s29, v2;
	v12 =	vld [tilespmem:s25+$0xFFFFFEA0]  }
0x3e: {  	v39 =	vor.u32 s29, v3;
	v14 =	vld [tilespmem:s25+$0xFFFFFEB0];
	_ =	sdelay $0x1  }
0x3f: {  	[tilespmem:v36+s4+$0x0] =	vst.idx.msk $0xffff, v8  }
0x40: {  	[tilespmem:v37+s4+$0x0] =	vst.idx.msk $0xffff, v10  }
0x41: {  	[tilespmem:v38+s4+$0x0] =	vst.idx.msk $0xffff, v12  }
0x42: {  	s30 =	sadd.s32 $0xFFFFFFFB, s26;
	[tilespmem:v39+s4+$0x0] =	vst.idx.msk $0xffff, v14  }
0x43: {  	v40 =	vor.u32 s30, v0;
	v8 =	vld [tilespmem:s25+$0xFFFFFF00]  }
0x44: {  	v41 =	vor.u32 s30, v1;
	v10 =	vld [tilespmem:s25+$0xFFFFFF10]  }
0x45: {  	v42 =	vor.u32 s30, v2;
	v12 =	vld [tilespmem:s25+$0xFFFFFF20]  }
0x46: {  	v43 =	vor.u32 s30, v3;
	v14 =	vld [tilespmem:s25+$0xFFFFFF30];
	_ =	sdelay $0x1  }
0x47: {  	[tilespmem:v40+s4+$0x0] =	vst.idx.msk $0xffff, v8  }
0x48: {  	[tilespmem:v41+s4+$0x0] =	vst.idx.msk $0xffff, v10  }
0x49: {  	[tilespmem:v42+s4+$0x0] =	vst.idx.msk $0xffff, v12  }
0x4a: {  	s31 =	sadd.s32 $0xFFFFFFFC, s26;
	[tilespmem:v43+s4+$0x0] =	vst.idx.msk $0xffff, v14  }
0x4b: {  	v44 =	vor.u32 s31, v0;
	v8 =	vld [tilespmem:s25+$0xFFFFFF80]  }
0x4c: {  	v45 =	vor.u32 s31, v1;
	v10 =	vld [tilespmem:s25+$0xFFFFFF90]  }
0x4d: {  	v46 =	vor.u32 s31, v2;
	v12 =	vld [tilespmem:s25+$0xFFFFFFA0]  }
0x4e: {  	v47 =	vor.u32 s31, v3;
	v14 =	vld [tilespmem:s25+$0xFFFFFFB0];
	_ =	sdelay $0x1  }
0x4f: {  	[tilespmem:v44+s4+$0x0] =	vst.idx.msk $0xffff, v8  }
0x50: {  	[tilespmem:v45+s4+$0x0] =	vst.idx.msk $0xffff, v10  }
0x51: {  	[tilespmem:v46+s4+$0x0] =	vst.idx.msk $0xffff, v12  }
0x52: {  	s29 =	sadd.s32 $0xFFFFFFFD, s26;
	[tilespmem:v47+s4+$0x0] =	vst.idx.msk $0xffff, v14  }
0x53: {  	v48 =	vor.u32 s29, v0;
	v8 =	vld [tilespmem:s25+$0x0]  }
0x54: {  	v49 =	vor.u32 s29, v1;
	v10 =	vld [tilespmem:s25+$0x10]  }
0x55: {  	v50 =	vor.u32 s29, v2;
	v12 =	vld [tilespmem:s25+$0x20]  }
0x56: {  	v51 =	vor.u32 s29, v3;
	v14 =	vld [tilespmem:s25+$0x30];
	_ =	sdelay $0x1  }
0x57: {  	[tilespmem:v48+s4+$0x0] =	vst.idx.msk $0xffff, v8  }
0x58: {  	[tilespmem:v49+s4+$0x0] =	vst.idx.msk $0xffff, v10  }
0x59: {  	[tilespmem:v50+s4+$0x0] =	vst.idx.msk $0xffff, v12  }
0x5a: {  	s30 =	sadd.s32 $0xFFFFFFFE, s26;
	[tilespmem:v51+s4+$0x0] =	vst.idx.msk $0xffff, v14  }
0x5b: {  	v52 =	vor.u32 s30, v0;
	v8 =	vld [tilespmem:s25+$0x80]  }
0x5c: {  	v53 =	vor.u32 s30, v1;
	v10 =	vld [tilespmem:s25+$0x90]  }
0x5d: {  	v54 =	vor.u32 s30, v2;
	v12 =	vld [tilespmem:s25+$0xA0]  }
0x5e: {  	v55 =	vor.u32 s30, v3;
	v14 =	vld [tilespmem:s25+$0xB0];
	_ =	sdelay $0x1  }
0x5f: {  	[tilespmem:v52+s4+$0x0] =	vst.idx.msk $0xffff, v8  }
0x60: {  	[tilespmem:v53+s4+$0x0] =	vst.idx.msk $0xffff, v10  }
0x61: {  	[tilespmem:v54+s4+$0x0] =	vst.idx.msk $0xffff, v12  }
0x62: {  	s31 =	sadd.s32 $0xFFFFFFFF, s26;
	[tilespmem:v55+s4+$0x0] =	vst.idx.msk $0xffff, v14  }
0x63: {  	v56 =	vor.u32 s31, v0;
	v8 =	vld [tilespmem:s25+$0x100]  }
0x64: {  	v57 =	vor.u32 s31, v1;
	v10 =	vld [tilespmem:s25+$0x110]  }
0x65: {  	v58 =	vor.u32 s31, v2;
	v12 =	vld [tilespmem:s25+$0x120]  }
0x66: {  	v59 =	vor.u32 s31, v3;
	v14 =	vld [tilespmem:s25+$0x130];
	_ =	sdelay $0x1  }
0x67: {  	[tilespmem:v56+s4+$0x0] =	vst.idx.msk $0xffff, v8  }
0x68: {  	[tilespmem:v57+s4+$0x0] =	vst.idx.msk $0xffff, v10  }
0x69: {  	[tilespmem:v58+s4+$0x0] =	vst.idx.msk $0xffff, v12  }
0x6a: {  	[tilespmem:v59+s4+$0x0] =	vst.idx.msk $0xffff, v14  }
0x6b: {  	v60 =	vor.u32 s26, v0;
	v8 =	vld [tilespmem:s25+$0x180]  }
0x6c: {  	v61 =	vor.u32 s26, v1;
	v10 =	vld [tilespmem:s25+$0x190]  }
0x6d: {  	v62 =	vor.u32 s26, v2;
	v12 =	vld [tilespmem:s25+$0x1A0]  }
0x6e: {  	v63 =	vor.u32 s26, v3;
	v14 =	vld [tilespmem:s25+$0x1B0];
	_ =	sdelay $0x1  }
0x6f: {  	[tilespmem:v60+s4+$0x0] =	vst.idx.msk $0xffff, v8  }
0x70: {  	[tilespmem:v61+s4+$0x0] =	vst.idx.msk $0xffff, v10  }
0x71: {  	[tilespmem:v62+s4+$0x0] =	vst.idx.msk $0xffff, v12  }
0x72: {  	s26 =	rddreg [dreg:$0x5];
	[tilespmem:v63+s4+$0x0] =	vst.idx.msk $0xffff, v14  }
0x73: {  	[hbm4b:s26+s2] =	stream.linear.scatter [tilespmem:s4], [sflag:$0x3], $0x400, $0x38;
	[tilespmem:$0x14000] =	vst v63  }
0x74: {  	s28 =	sadd.s32 $0x80, s26  }
0x75: {  	[hbm4b:s28+s2] =	stream.linear.scatter [tilespmem:s13], [sflag:$0x3], $0x400, $0x38;
	[tilespmem:$0x14000] =	vst v63  }
0x76: {  	s29 =	sadd.s32 $0x100, s26  }
0x77: {  	[hbm4b:s29+s2] =	stream.linear.scatter [tilespmem:s7], [sflag:$0x3], $0x400, $0x38;
	[tilespmem:$0x14000] =	vst v63  }
0x78: {  	s30 =	sadd.s32 $0x180, s26  }
0x79: {  	[hbm4b:s30+s2] =	stream.linear.scatter [tilespmem:s11], [sflag:$0x3], $0x400, $0x38;
	[tilespmem:$0x14000] =	vst v63  }
0x7a: {  	s31 =	sadd.s32 $0x200, s26  }
0x7b: {  	[hbm4b:s31+s2] =	stream.linear.scatter [tilespmem:s3], [sflag:$0x3], $0x400, $0x38;
	[tilespmem:$0x14000] =	vst v63  }
0x7c: {  	s28 =	sadd.s32 $0x280, s26  }
0x7d: {  	[hbm4b:s28+s2] =	stream.linear.scatter [tilespmem:s1], [sflag:$0x3], $0x400, $0x38;
	[tilespmem:$0x14000] =	vst v63  }
0x7e: {  	s29 =	sadd.s32 $0x300, s26  }
0x7f: {  	[hbm4b:s29+s2] =	stream.linear.scatter [tilespmem:s10], [sflag:$0x3], $0x400, $0x38;
	[tilespmem:$0x14000] =	vst v63  }
0x80: {  	s30 =	sadd.s32 $0x380, s26;
	s31 =	simm.s32 $0x3  }
0x81: {  	[hbm4b:s30+s2] =	stream.linear.scatter [tilespmem:s16], [sflag:$0x3], $0x400, $0x38;
	[tilespmem:$0x14000] =	vst v63  }
0x82: {  	_ =	swait.ge [sflag:s31], $0x2000  }
0x83: {  	[sflag:s31] =	ssyncset.done $0x0  }
0x84: {  	s26 =	rddreg [dreg:$0x7];
	[sflag:s31] =	ssyncadd.s32 $0xFFFFE000  }
.LBB2_14:
0x85: {  	s26 =	sadd.s32 $0x1, s26;
	s25 =	rddreg [dreg:$0x6]  }
0x86: {  	p1 =	sne.s32 s26, s25  }
.Ltmp1:
0x87: {  	_ = 	snop;
	(pc) =	sbr.rel @!p1 .LBB2_15-.Ltmp1, $1  }
0x88: {  	_ =	sdelay $0x3  }
.LBB2_1:
.Ltmp2:
0x89: {  	(pc) =	sbr.rel .LBB2_2-.Ltmp2, $4  }
0x8a: {  	_ = 	snop  }
0x8b: {  	s25 =	rddreg [dreg:$0x4];
	s31 =	simm.s32 $0x400;
	s28 =	simm.s32 $0x7A1400  }
0x8c: {  	[tilespmem:s2], [sflag:$0x1] =	stream.strided.gather [hbm4b:s25+s31], $0x2000, s28, s31, $0x38;
	[tilespmem:$0x14000] =	vst v63  }
0x8d: {  	[dreg:$0x7] =	wrdreg s26;
	s25 =	simm.s32 $0x0  }
.LBB2_5:
0x8e: {  	s25 =	sshll.u32 s25, $0x13  }
0x8f: {  	s25 =	sor.u32 s9, s25  }
0x90: {  	s25 =	sshrl.u32 s25, $0x3  }
0x91: {  	s25 =	sadd.s32 s5, s25  }
0x92: {  	[hbm4b:s25+s2] =	stream.linear.scatter [tilespmem:s4], [sflag:$0x3], $0x400, $0x38;
	[tilespmem:$0x14000] =	vst v63  }
0x93: {  	s28 =	sadd.s32 $0x80, s25  }
0x94: {  	[hbm4b:s28+s2] =	stream.linear.scatter [tilespmem:s13], [sflag:$0x3], $0x400, $0x38;
	[tilespmem:$0x14000] =	vst v63  }
0x95: {  	s31 =	sadd.s32 $0x100, s25  }
0x96: {  	[hbm4b:s31+s2] =	stream.linear.scatter [tilespmem:s7], [sflag:$0x3], $0x400, $0x38;
	[tilespmem:$0x14000] =	vst v63  }
0x97: {  	s29 =	sadd.s32 $0x180, s25  }
0x98: {  	[hbm4b:s29+s2] =	stream.linear.scatter [tilespmem:s11], [sflag:$0x3], $0x400, $0x38;
	[tilespmem:$0x14000] =	vst v63  }
0x99: {  	s30 =	sadd.s32 $0x200, s25  }
0x9a: {  	[hbm4b:s30+s2] =	stream.linear.scatter [tilespmem:s3], [sflag:$0x3], $0x400, $0x38;
	[tilespmem:$0x14000] =	vst v63  }
0x9b: {  	s31 =	sadd.s32 $0x280, s25  }
0x9c: {  	[hbm4b:s31+s2] =	stream.linear.scatter [tilespmem:s1], [sflag:$0x3], $0x400, $0x38;
	[tilespmem:$0x14000] =	vst v63  }
0x9d: {  	s29 =	sadd.s32 $0x300, s25  }
0x9e: {  	[hbm4b:s29+s2] =	stream.linear.scatter [tilespmem:s10], [sflag:$0x3], $0x400, $0x38;
	[tilespmem:$0x14000] =	vst v63  }
0x9f: {  	s30 =	sadd.s32 $0x380, s25  }
0xa0: {  	[hbm4b:s30+s2] =	stream.linear.scatter [tilespmem:s16], [sflag:$0x3], $0x400, $0x38;
	[tilespmem:$0x14000] =	vst v63  }
0xa1: {  	s31 =	sadd.s32 $0x400, s25  }
0xa2: {  	[hbm4b:s31+s2] =	stream.linear.scatter [tilespmem:s17], [sflag:$0x3], $0x400, $0x38;
	[tilespmem:$0x14000] =	vst v63  }
0xa3: {  	s29 =	sadd.s32 $0x480, s25  }
0xa4: {  	[hbm4b:s29+s2] =	stream.linear.scatter [tilespmem:s18], [sflag:$0x3], $0x400, $0x38;
	[tilespmem:$0x14000] =	vst v63  }
0xa5: {  	s30 =	sadd.s32 $0x500, s25  }
0xa6: {  	[hbm4b:s30+s2] =	stream.linear.scatter [tilespmem:s19], [sflag:$0x3], $0x400, $0x38;
	[tilespmem:$0x14000] =	vst v63  }
0xa7: {  	s31 =	sadd.s32 $0x580, s25  }
0xa8: {  	[hbm4b:s31+s2] =	stream.linear.scatter [tilespmem:s20], [sflag:$0x3], $0x400, $0x38;
	[tilespmem:$0x14000] =	vst v63  }
0xa9: {  	s29 =	sadd.s32 $0x600, s25  }
0xaa: {  	[hbm4b:s29+s2] =	stream.linear.scatter [tilespmem:s21], [sflag:$0x3], $0x400, $0x38;
	[tilespmem:$0x14000] =	vst v63  }
0xab: {  	s30 =	sadd.s32 $0x680, s25  }
0xac: {  	[hbm4b:s30+s2] =	stream.linear.scatter [tilespmem:s22], [sflag:$0x3], $0x400, $0x38;
	[tilespmem:$0x14000] =	vst v63  }
0xad: {  	s31 =	sadd.s32 $0x700, s25  }
0xae: {  	[hbm4b:s31+s2] =	stream.linear.scatter [tilespmem:s23], [sflag:$0x3], $0x400, $0x38;
	[tilespmem:$0x14000] =	vst v63  }
0xaf: {  	s25 =	sadd.s32 $0x780, s25  }
0xb0: {  	[hbm4b:s25+s2] =	stream.linear.scatter [tilespmem:s24], [sflag:$0x3], $0x400, $0x38;
	[tilespmem:$0x14000] =	vst v63  }
.LBB2_9:
0xb1: {  	p1 =	sne.s32 s26, s6  }
.Ltmp3:
0xb2: {  	_ = 	snop;
	(pc) =	sbr.rel @!p1 .LBB2_10-.Ltmp3, $2  }
0xb3: {  	_ =	sdelay $0x2  }
0xb4: {  	s25 =	smov.u32 s26  }
.LBB2_2:
0xb5: {  	s26 =	sand.u32 $0x1, s25  }
0xb6: {  	p1 =	seq.s32 s26, $0x1  }
.Ltmp4:
0xb7: {  	_ = 	snop;
	(pc) =	sbr.rel @!p1 .LBB2_3-.Ltmp4, $1  }
0xb8: {  	_ =	sdelay $0x3  }
0xb9: {  	s26 =	sadd.s32 $0x1, s25  }
0xba: {  	p1 =	sge.u32 s26, s6  }
0xbb: {  	s28 =	sshll.u32 @!p1 s26, $0xF  }
0xbc: {  	s28 =	sor.u32 @!p1 s8, s28  }
0xbd: {  	s29 =	simm.s32 @!p1 $0x400;
	s28 =	sshrl.u32 @!p1 s28, $0x3  }
0xbe: {  	s30 =	simm.s32 @!p1 $0x7A1400;
	s31 =	simm.s32 @!p1 $0x0;
	s28 =	sadd.s32 @!p1 s0, s28  }
0xbf: {  	[tilespmem:s31], [sflag:$0x1] =	stream.strided.gather @!p1 [hbm4b:s28+s29], $0x2000, s30, s29, $0x38;
	[tilespmem:$0x14000] =	vst v63  }
0xc0: {  	_ =	swait.ge [sflag:s14], $0x2000  }
0xc1: {  	p1 =	slt.u32 s25, $0x2;
	[sflag:s14] =	ssyncset.done $0x0  }
0xc2: {  	s28 =	simm.s32 @!p1 $0x4;
	[sflag:s14] =	ssyncadd.s32 $0xFFFFE000  }
0xc3: {  	_ =	swait.ge @!p1 [sflag:s28], $0x4000  }
0xc4: {  	[sflag:s28] =	ssyncset.done @!p1 $0x0  }
0xc5: {  	s29 =	simm.s32 $0x2200;
	[sflag:s28] =	ssyncadd.s32 @!p1 $0xFFFFC000;
	s28 =	simm.s32 $0x7  }
.LBB2_7:
0xc6: {  	v8 =	vld [tilespmem:s29+$0xFFFFFE00]  }
0xc7: {  	v9 =	vld [tilespmem:s29+$0xFFFFFE10];
	s30 =	sadd.s32 $0xFFFFFFF9, s28  }
0xc8: {  	v10 =	vld [tilespmem:s29+$0xFFFFFE20];
	v12 =	vor.u32 s30, v0  }
0xc9: {  	v11 =	vld [tilespmem:s29+$0xFFFFFE30];
	v14 =	vor.u32 s30, v1  }
0xca: {  	v13 =	vld [tilespmem:s29+$0xFFFFFE40];
	v16 =	vor.u32 s30, v2  }
0xcb: {  	v15 =	vld [tilespmem:s29+$0xFFFFFE50];
	v18 =	vor.u32 s30, v3  }
0xcc: {  	v17 =	vld [tilespmem:s29+$0xFFFFFE60];
	v20 =	vor.u32 s30, v4  }
0xcd: {  	v19 =	vld [tilespmem:s29+$0xFFFFFE70];
	[tilespmem:v12+s15+$0x0] =	vst.idx.msk $0xffff, v8;
	v8 =	vor.u32 s30, v5  }
0xce: {  	v53 =	vor.u32 s30, v6;
	[tilespmem:v14+s15+$0x0] =	vst.idx.msk $0xffff, v9  }
0xcf: {  	v54 =	vor.u32 s30, v7;
	[tilespmem:v16+s15+$0x0] =	vst.idx.msk $0xffff, v10  }
0xd0: {  	[tilespmem:v18+s15+$0x0] =	vst.idx.msk $0xffff, v11  }
0xd1: {  	[tilespmem:v20+s15+$0x0] =	vst.idx.msk $0xffff, v13  }
0xd2: {  	[tilespmem:v8+s15+$0x0] =	vst.idx.msk $0xffff, v15  }
0xd3: {  	[tilespmem:v53+s15+$0x0] =	vst.idx.msk $0xffff, v17  }
0xd4: {  	[tilespmem:v54+s15+$0x0] =	vst.idx.msk $0xffff, v19  }
0xd5: {  	v8 =	vld [tilespmem:s29+$0xFFFFFE80]  }
0xd6: {  	s31 =	sadd.s32 $0xFFFFFFFA, s28;
	v9 =	vld [tilespmem:s29+$0xFFFFFE90]  }
0xd7: {  	v55 =	vor.u32 s31, v0;
	v10 =	vld [tilespmem:s29+$0xFFFFFEA0]  }
0xd8: {  	v56 =	vor.u32 s31, v1;
	v11 =	vld [tilespmem:s29+$0xFFFFFEB0]  }
0xd9: {  	v57 =	vor.u32 s31, v2;
	v13 =	vld [tilespmem:s29+$0xFFFFFEC0]  }
0xda: {  	v58 =	vor.u32 s31, v3;
	v15 =	vld [tilespmem:s29+$0xFFFFFED0]  }
0xdb: {  	v59 =	vor.u32 s31, v4;
	v17 =	vld [tilespmem:s29+$0xFFFFFEE0]  }
0xdc: {  	v19 =	vld [tilespmem:s29+$0xFFFFFEF0];
	[tilespmem:v55+s15+$0x0] =	vst.idx.msk $0xffff, v8;
	v8 =	vor.u32 s31, v5  }
0xdd: {  	v60 =	vor.u32 s31, v6;
	[tilespmem:v56+s15+$0x0] =	vst.idx.msk $0xffff, v9  }
0xde: {  	v61 =	vor.u32 s31, v7;
	[tilespmem:v57+s15+$0x0] =	vst.idx.msk $0xffff, v10  }
0xdf: {  	[tilespmem:v58+s15+$0x0] =	vst.idx.msk $0xffff, v11  }
0xe0: {  	[tilespmem:v59+s15+$0x0] =	vst.idx.msk $0xffff, v13  }
0xe1: {  	[tilespmem:v8+s15+$0x0] =	vst.idx.msk $0xffff, v15  }
0xe2: {  	[tilespmem:v60+s15+$0x0] =	vst.idx.msk $0xffff, v17  }
0xe3: {  	[tilespmem:v61+s15+$0x0] =	vst.idx.msk $0xffff, v19  }
0xe4: {  	v8 =	vld [tilespmem:s29+$0xFFFFFF00]  }
0xe5: {  	s31 =	sadd.s32 $0xFFFFFFFB, s28;
	v9 =	vld [tilespmem:s29+$0xFFFFFF10]  }
0xe6: {  	v62 =	vor.u32 s31, v0;
	v10 =	vld [tilespmem:s29+$0xFFFFFF20]  }
0xe7: {  	v63 =	vor.u32 s31, v1;
	v11 =	vld [tilespmem:s29+$0xFFFFFF30]  }
0xe8: {  	v24 =	vor.u32 s31, v2;
	v13 =	vld [tilespmem:s29+$0xFFFFFF40]  }
0xe9: {  	v25 =	vor.u32 s31, v3;
	v15 =	vld [tilespmem:s29+$0xFFFFFF50]  }
0xea: {  	v26 =	vor.u32 s31, v4;
	v17 =	vld [tilespmem:s29+$0xFFFFFF60]  }
0xeb: {  	v19 =	vld [tilespmem:s29+$0xFFFFFF70];
	[tilespmem:v62+s15+$0x0] =	vst.idx.msk $0xffff, v8;
	v8 =	vor.u32 s31, v5  }
0xec: {  	v27 =	vor.u32 s31, v6;
	[tilespmem:v63+s15+$0x0] =	vst.idx.msk $0xffff, v9  }
0xed: {  	v28 =	vor.u32 s31, v7;
	[tilespmem:v24+s15+$0x0] =	vst.idx.msk $0xffff, v10  }
0xee: {  	[tilespmem:v25+s15+$0x0] =	vst.idx.msk $0xffff, v11  }
0xef: {  	[tilespmem:v26+s15+$0x0] =	vst.idx.msk $0xffff, v13  }
0xf0: {  	[tilespmem:v8+s15+$0x0] =	vst.idx.msk $0xffff, v15  }
0xf1: {  	[tilespmem:v27+s15+$0x0] =	vst.idx.msk $0xffff, v17  }
0xf2: {  	[tilespmem:v28+s15+$0x0] =	vst.idx.msk $0xffff, v19  }
0xf3: {  	v8 =	vld [tilespmem:s29+$0xFFFFFF80]  }
0xf4: {  	s31 =	sadd.s32 $0xFFFFFFFC, s28;
	v9 =	vld [tilespmem:s29+$0xFFFFFF90]  }
0xf5: {  	v29 =	vor.u32 s31, v0;
	v10 =	vld [tilespmem:s29+$0xFFFFFFA0]  }
0xf6: {  	v30 =	vor.u32 s31, v1;
	v11 =	vld [tilespmem:s29+$0xFFFFFFB0]  }
0xf7: {  	v31 =	vor.u32 s31, v2;
	v13 =	vld [tilespmem:s29+$0xFFFFFFC0]  }
0xf8: {  	v32 =	vor.u32 s31, v3;
	v15 =	vld [tilespmem:s29+$0xFFFFFFD0]  }
0xf9: {  	v33 =	vor.u32 s31, v4;
	v17 =	vld [tilespmem:s29+$0xFFFFFFE0]  }
0xfa: {  	v19 =	vld [tilespmem:s29+$0xFFFFFFF0];
	[tilespmem:v29+s15+$0x0] =	vst.idx.msk $0xffff, v8;
	v8 =	vor.u32 s31, v5  }
0xfb: {  	v34 =	vor.u32 s31, v6;
	[tilespmem:v30+s15+$0x0] =	vst.idx.msk $0xffff, v9  }
0xfc: {  	v35 =	vor.u32 s31, v7;
	[tilespmem:v31+s15+$0x0] =	vst.idx.msk $0xffff, v10  }
0xfd: {  	[tilespmem:v32+s15+$0x0] =	vst.idx.msk $0xffff, v11  }
0xfe: {  	[tilespmem:v33+s15+$0x0] =	vst.idx.msk $0xffff, v13  }
0xff: {  	[tilespmem:v8+s15+$0x0] =	vst.idx.msk $0xffff, v15  }
0x100: {  	[tilespmem:v34+s15+$0x0] =	vst.idx.msk $0xffff, v17  }
0x101: {  	[tilespmem:v35+s15+$0x0] =	vst.idx.msk $0xffff, v19  }
0x102: {  	v8 =	vld [tilespmem:s29+$0x0]  }
0x103: {  	s31 =	sadd.s32 $0xFFFFFFFD, s28;
	v9 =	vld [tilespmem:s29+$0x10]  }
0x104: {  	v36 =	vor.u32 s31, v0;
	v10 =	vld [tilespmem:s29+$0x20]  }
0x105: {  	v37 =	vor.u32 s31, v1;
	v11 =	vld [tilespmem:s29+$0x30]  }
0x106: {  	v38 =	vor.u32 s31, v2;
	v13 =	vld [tilespmem:s29+$0x40]  }
0x107: {  	v39 =	vor.u32 s31, v3;
	v15 =	vld [tilespmem:s29+$0x50]  }
0x108: {  	v40 =	vor.u32 s31, v4;
	v17 =	vld [tilespmem:s29+$0x60]  }
0x109: {  	v19 =	vld [tilespmem:s29+$0x70];
	[tilespmem:v36+s15+$0x0] =	vst.idx.msk $0xffff, v8;
	v8 =	vor.u32 s31, v5  }
0x10a: {  	v41 =	vor.u32 s31, v6;
	[tilespmem:v37+s15+$0x0] =	vst.idx.msk $0xffff, v9  }
0x10b: {  	v42 =	vor.u32 s31, v7;
	[tilespmem:v38+s15+$0x0] =	vst.idx.msk $0xffff, v10  }
0x10c: {  	[tilespmem:v39+s15+$0x0] =	vst.idx.msk $0xffff, v11  }
0x10d: {  	[tilespmem:v40+s15+$0x0] =	vst.idx.msk $0xffff, v13  }
0x10e: {  	[tilespmem:v8+s15+$0x0] =	vst.idx.msk $0xffff, v15  }
0x10f: {  	[tilespmem:v41+s15+$0x0] =	vst.idx.msk $0xffff, v17  }
0x110: {  	[tilespmem:v42+s15+$0x0] =	vst.idx.msk $0xffff, v19  }
0x111: {  	v8 =	vld [tilespmem:s29+$0x80]  }
0x112: {  	s31 =	sadd.s32 $0xFFFFFFFE, s28;
	v9 =	vld [tilespmem:s29+$0x90]  }
0x113: {  	v43 =	vor.u32 s31, v0;
	v10 =	vld [tilespmem:s29+$0xA0]  }
0x114: {  	v44 =	vor.u32 s31, v1;
	v11 =	vld [tilespmem:s29+$0xB0]  }
0x115: {  	v45 =	vor.u32 s31, v2;
	v13 =	vld [tilespmem:s29+$0xC0]  }
0x116: {  	v46 =	vor.u32 s31, v3;
	v15 =	vld [tilespmem:s29+$0xD0]  }
0x117: {  	v47 =	vor.u32 s31, v4;
	v17 =	vld [tilespmem:s29+$0xE0]  }
0x118: {  	v19 =	vld [tilespmem:s29+$0xF0];
	[tilespmem:v43+s15+$0x0] =	vst.idx.msk $0xffff, v8;
	v8 =	vor.u32 s31, v5  }
0x119: {  	v48 =	vor.u32 s31, v6;
	[tilespmem:v44+s15+$0x0] =	vst.idx.msk $0xffff, v9  }
0x11a: {  	v49 =	vor.u32 s31, v7;
	[tilespmem:v45+s15+$0x0] =	vst.idx.msk $0xffff, v10  }
0x11b: {  	[tilespmem:v46+s15+$0x0] =	vst.idx.msk $0xffff, v11  }
0x11c: {  	[tilespmem:v47+s15+$0x0] =	vst.idx.msk $0xffff, v13  }
0x11d: {  	[tilespmem:v8+s15+$0x0] =	vst.idx.msk $0xffff, v15  }
0x11e: {  	[tilespmem:v48+s15+$0x0] =	vst.idx.msk $0xffff, v17  }
0x11f: {  	[tilespmem:v49+s15+$0x0] =	vst.idx.msk $0xffff, v19  }
0x120: {  	v8 =	vld [tilespmem:s29+$0x100]  }
0x121: {  	s31 =	sadd.s32 $0xFFFFFFFF, s28;
	v9 =	vld [tilespmem:s29+$0x110]  }
0x122: {  	v50 =	vor.u32 s31, v0;
	v10 =	vld [tilespmem:s29+$0x120]  }
0x123: {  	v51 =	vor.u32 s31, v1;
	v11 =	vld [tilespmem:s29+$0x130]  }
0x124: {  	v52 =	vor.u32 s31, v2;
	v13 =	vld [tilespmem:s29+$0x140]  }
0x125: {  	v53 =	vor.u32 s31, v3;
	v15 =	vld [tilespmem:s29+$0x150]  }
0x126: {  	v54 =	vor.u32 s31, v4;
	v17 =	vld [tilespmem:s29+$0x160]  }
0x127: {  	v19 =	vld [tilespmem:s29+$0x170];
	[tilespmem:v50+s15+$0x0] =	vst.idx.msk $0xffff, v8;
	v8 =	vor.u32 s31, v5  }
0x128: {  	v55 =	vor.u32 s31, v6;
	[tilespmem:v51+s15+$0x0] =	vst.idx.msk $0xffff, v9  }
0x129: {  	v56 =	vor.u32 s31, v7;
	[tilespmem:v52+s15+$0x0] =	vst.idx.msk $0xffff, v10  }
0x12a: {  	[tilespmem:v53+s15+$0x0] =	vst.idx.msk $0xffff, v11  }
0x12b: {  	[tilespmem:v54+s15+$0x0] =	vst.idx.msk $0xffff, v13  }
0x12c: {  	[tilespmem:v8+s15+$0x0] =	vst.idx.msk $0xffff, v15  }
0x12d: {  	[tilespmem:v55+s15+$0x0] =	vst.idx.msk $0xffff, v17  }
0x12e: {  	[tilespmem:v56+s15+$0x0] =	vst.idx.msk $0xffff, v19  }
0x12f: {  	v8 =	vld [tilespmem:s29+$0x180]  }
0x130: {  	v9 =	vld [tilespmem:s29+$0x190]  }
0x131: {  	v57 =	vor.u32 s28, v0;
	v10 =	vld [tilespmem:s29+$0x1A0]  }
0x132: {  	v58 =	vor.u32 s28, v1;
	v11 =	vld [tilespmem:s29+$0x1B0]  }
0x133: {  	v59 =	vor.u32 s28, v2;
	v13 =	vld [tilespmem:s29+$0x1C0]  }
0x134: {  	v60 =	vor.u32 s28, v3;
	v15 =	vld [tilespmem:s29+$0x1D0]  }
0x135: {  	v61 =	vor.u32 s28, v4;
	v17 =	vld [tilespmem:s29+$0x1E0]  }
0x136: {  	v19 =	vld [tilespmem:s29+$0x1F0];
	[tilespmem:v57+s15+$0x0] =	vst.idx.msk $0xffff, v8;
	v8 =	vor.u32 s28, v5  }
0x137: {  	v62 =	vor.u32 s28, v6;
	[tilespmem:v58+s15+$0x0] =	vst.idx.msk $0xffff, v9  }
0x138: {  	p1 =	sne.s32 s28, $0x3F;
	v63 =	vor.u32 s28, v7;
	[tilespmem:v59+s15+$0x0] =	vst.idx.msk $0xffff, v10  }
.Ltmp5:
0x139: {  	[tilespmem:v60+s15+$0x0] =	vst.idx.msk $0xffff, v11;
	(pc) =	sbr.rel @p1 .LBB2_7-.Ltmp5, $4  }
0x13a: {  	[tilespmem:v61+s15+$0x0] =	vst.idx.msk $0xffff, v13  }
0x13b: {  	[tilespmem:v8+s15+$0x0] =	vst.idx.msk $0xffff, v15  }
0x13c: {  	[tilespmem:v62+s15+$0x0] =	vst.idx.msk $0xffff, v17  }
0x13d: {  	s29 =	sadd.s32 $0x400, s29;
	s28 =	sadd.s32 $0x8, s28;
	[tilespmem:v63+s15+$0x0] =	vst.idx.msk $0xffff, v19  }
0x13e: {  	s25 =	sshll.u32 s25, $0x13  }
0x13f: {  	s25 =	sor.u32 s9, s25  }
0x140: {  	s25 =	sshrl.u32 s25, $0x3  }
0x141: {  	s25 =	sadd.s32 s5, s25  }
0x142: {  	[hbm4b:s25+s2] =	stream.linear.scatter [tilespmem:s15], [sflag:$0x4], $0x400, $0x38;
	[tilespmem:$0x14000] =	vst v63  }
0x143: {  	s29 =	simm.s32 $0xC800;
	s28 =	sadd.s32 $0x80, s25  }
0x144: {  	[hbm4b:s28+s2] =	stream.linear.scatter [tilespmem:s29], [sflag:$0x4], $0x400, $0x38;
	[tilespmem:$0x14000] =	vst v63  }
0x145: {  	s30 =	simm.s32 $0xD000;
	s31 =	sadd.s32 $0x100, s25  }
0x146: {  	[hbm4b:s31+s2] =	stream.linear.scatter [tilespmem:s30], [sflag:$0x4], $0x400, $0x38;
	[tilespmem:$0x14000] =	vst v63  }
0x147: {  	s31 =	sadd.s32 $0x180, s25;
	s30 =	simm.s32 $0xD800  }
0x148: {  	[hbm4b:s31+s2] =	stream.linear.scatter [tilespmem:s30], [sflag:$0x4], $0x400, $0x38;
	[tilespmem:$0x14000] =	vst v63  }
0x149: {  	s31 =	sadd.s32 $0x200, s25;
	s30 =	simm.s32 $0xE000  }
0x14a: {  	[hbm4b:s31+s2] =	stream.linear.scatter [tilespmem:s30], [sflag:$0x4], $0x400, $0x38;
	[tilespmem:$0x14000] =	vst v63  }
0x14b: {  	s31 =	sadd.s32 $0x280, s25;
	s30 =	simm.s32 $0xE800  }
0x14c: {  	[hbm4b:s31+s2] =	stream.linear.scatter [tilespmem:s30], [sflag:$0x4], $0x400, $0x38;
	[tilespmem:$0x14000] =	vst v63  }
0x14d: {  	s31 =	sadd.s32 $0x300, s25;
	s30 =	simm.s32 $0xF000  }
0x14e: {  	[hbm4b:s31+s2] =	stream.linear.scatter [tilespmem:s30], [sflag:$0x4], $0x400, $0x38;
	[tilespmem:$0x14000] =	vst v63  }
0x14f: {  	s31 =	sadd.s32 $0x380, s25;
	s30 =	simm.s32 $0xF800  }
0x150: {  	[hbm4b:s31+s2] =	stream.linear.scatter [tilespmem:s30], [sflag:$0x4], $0x400, $0x38;
	[tilespmem:$0x14000] =	vst v63  }
0x151: {  	s31 =	sadd.s32 $0x400, s25;
	s30 =	simm.s32 $0x10000  }
0x152: {  	[hbm4b:s31+s2] =	stream.linear.scatter [tilespmem:s30], [sflag:$0x4], $0x400, $0x38;
	[tilespmem:$0x14000] =	vst v63  }
0x153: {  	s31 =	sadd.s32 $0x480, s25;
	s30 =	simm.s32 $0x10800  }
0x154: {  	[hbm4b:s31+s2] =	stream.linear.scatter [tilespmem:s30], [sflag:$0x4], $0x400, $0x38;
	[tilespmem:$0x14000] =	vst v63  }
0x155: {  	s31 =	sadd.s32 $0x500, s25;
	s30 =	simm.s32 $0x11000  }
0x156: {  	[hbm4b:s31+s2] =	stream.linear.scatter [tilespmem:s30], [sflag:$0x4], $0x400, $0x38;
	[tilespmem:$0x14000] =	vst v63  }
0x157: {  	s31 =	sadd.s32 $0x580, s25;
	s30 =	simm.s32 $0x11800  }
0x158: {  	[hbm4b:s31+s2] =	stream.linear.scatter [tilespmem:s30], [sflag:$0x4], $0x400, $0x38;
	[tilespmem:$0x14000] =	vst v63  }
0x159: {  	s31 =	sadd.s32 $0x600, s25;
	s30 =	simm.s32 $0x12000  }
0x15a: {  	[hbm4b:s31+s2] =	stream.linear.scatter [tilespmem:s30], [sflag:$0x4], $0x400, $0x38;
	[tilespmem:$0x14000] =	vst v63  }
0x15b: {  	s31 =	sadd.s32 $0x680, s25;
	s30 =	simm.s32 $0x12800  }
0x15c: {  	[hbm4b:s31+s2] =	stream.linear.scatter [tilespmem:s30], [sflag:$0x4], $0x400, $0x38;
	[tilespmem:$0x14000] =	vst v63  }
.Ltmp6:
0x15d: {  	_ = 	snop;
	(pc) =	sbr.rel .LBB2_9-.Ltmp6, $4  }
0x15e: {  	s31 =	sadd.s32 $0x700, s25;
	s30 =	simm.s32 $0x13000  }
0x15f: {  	[hbm4b:s31+s2] =	stream.linear.scatter [tilespmem:s30], [sflag:$0x4], $0x400, $0x38;
	[tilespmem:$0x14000] =	vst v63  }
0x160: {  	s25 =	sadd.s32 $0x780, s25;
	s31 =	simm.s32 $0x13800  }
0x161: {  	[hbm4b:s25+s2] =	stream.linear.scatter [tilespmem:s31], [sflag:$0x4], $0x400, $0x38;
	[tilespmem:$0x14000] =	vst v63  }
.LBB2_3:
0x162: {  	s26 =	sor.u32 $0x1, s25  }
0x163: {  	p1 =	sge.u32 s26, s6  }
0x164: {  	s28 =	sshll.u32 @!p1 s26, $0xF  }
0x165: {  	s28 =	sor.u32 @!p1 s8, s28  }
0x166: {  	s29 =	simm.s32 @!p1 $0x400;
	s28 =	sshrl.u32 @!p1 s28, $0x3  }
0x167: {  	s30 =	simm.s32 @!p1 $0x7A1400;
	s31 =	simm.s32 @!p1 $0x2000;
	s28 =	sadd.s32 @!p1 s0, s28  }
0x168: {  	[tilespmem:s31], [sflag:$0x2] =	stream.strided.gather @!p1 [hbm4b:s28+s29], $0x2000, s30, s29, $0x38;
	[tilespmem:$0x14000] =	vst v63  }
0x169: {  	_ =	swait.ge [sflag:s12], $0x2000  }
0x16a: {  	p1 =	slt.u32 s25, $0x2;
	[sflag:s12] =	ssyncset.done $0x0  }
0x16b: {  	s28 =	simm.s32 @!p1 $0x3;
	[sflag:s12] =	ssyncadd.s32 $0xFFFFE000  }
0x16c: {  	_ =	swait.ge @!p1 [sflag:s28], $0x4000  }
0x16d: {  	[sflag:s28] =	ssyncset.done @!p1 $0x0  }
0x16e: {  	s29 =	simm.s32 $0x200;
	[sflag:s28] =	ssyncadd.s32 @!p1 $0xFFFFC000;
	s28 =	simm.s32 $0x7  }
.LBB2_4:
0x16f: {  	v8 =	vld [tilespmem:s29+$0xFFFFFE00]  }
0x170: {  	v9 =	vld [tilespmem:s29+$0xFFFFFE10];
	s30 =	sadd.s32 $0xFFFFFFF9, s28  }
0x171: {  	v10 =	vld [tilespmem:s29+$0xFFFFFE20];
	v12 =	vor.u32 s30, v0  }
0x172: {  	v11 =	vld [tilespmem:s29+$0xFFFFFE30];
	v14 =	vor.u32 s30, v1  }
0x173: {  	v13 =	vld [tilespmem:s29+$0xFFFFFE40];
	v16 =	vor.u32 s30, v2  }
0x174: {  	v15 =	vld [tilespmem:s29+$0xFFFFFE50];
	v18 =	vor.u32 s30, v3  }
0x175: {  	v17 =	vld [tilespmem:s29+$0xFFFFFE60];
	v20 =	vor.u32 s30, v4  }
0x176: {  	v19 =	vld [tilespmem:s29+$0xFFFFFE70];
	[tilespmem:v12+s4+$0x0] =	vst.idx.msk $0xffff, v8;
	v8 =	vor.u32 s30, v5  }
0x177: {  	v53 =	vor.u32 s30, v6;
	[tilespmem:v14+s4+$0x0] =	vst.idx.msk $0xffff, v9  }
0x178: {  	v54 =	vor.u32 s30, v7;
	[tilespmem:v16+s4+$0x0] =	vst.idx.msk $0xffff, v10  }
0x179: {  	[tilespmem:v18+s4+$0x0] =	vst.idx.msk $0xffff, v11  }
0x17a: {  	[tilespmem:v20+s4+$0x0] =	vst.idx.msk $0xffff, v13  }
0x17b: {  	[tilespmem:v8+s4+$0x0] =	vst.idx.msk $0xffff, v15  }
0x17c: {  	[tilespmem:v53+s4+$0x0] =	vst.idx.msk $0xffff, v17  }
0x17d: {  	[tilespmem:v54+s4+$0x0] =	vst.idx.msk $0xffff, v19  }
0x17e: {  	v8 =	vld [tilespmem:s29+$0xFFFFFE80]  }
0x17f: {  	s31 =	sadd.s32 $0xFFFFFFFA, s28;
	v9 =	vld [tilespmem:s29+$0xFFFFFE90]  }
0x180: {  	v55 =	vor.u32 s31, v0;
	v10 =	vld [tilespmem:s29+$0xFFFFFEA0]  }
0x181: {  	v56 =	vor.u32 s31, v1;
	v11 =	vld [tilespmem:s29+$0xFFFFFEB0]  }
0x182: {  	v57 =	vor.u32 s31, v2;
	v13 =	vld [tilespmem:s29+$0xFFFFFEC0]  }
0x183: {  	v58 =	vor.u32 s31, v3;
	v15 =	vld [tilespmem:s29+$0xFFFFFED0]  }
0x184: {  	v59 =	vor.u32 s31, v4;
	v17 =	vld [tilespmem:s29+$0xFFFFFEE0]  }
0x185: {  	v19 =	vld [tilespmem:s29+$0xFFFFFEF0];
	[tilespmem:v55+s4+$0x0] =	vst.idx.msk $0xffff, v8;
	v8 =	vor.u32 s31, v5  }
0x186: {  	v60 =	vor.u32 s31, v6;
	[tilespmem:v56+s4+$0x0] =	vst.idx.msk $0xffff, v9  }
0x187: {  	v61 =	vor.u32 s31, v7;
	[tilespmem:v57+s4+$0x0] =	vst.idx.msk $0xffff, v10  }
0x188: {  	[tilespmem:v58+s4+$0x0] =	vst.idx.msk $0xffff, v11  }
0x189: {  	[tilespmem:v59+s4+$0x0] =	vst.idx.msk $0xffff, v13  }
0x18a: {  	[tilespmem:v8+s4+$0x0] =	vst.idx.msk $0xffff, v15  }
0x18b: {  	[tilespmem:v60+s4+$0x0] =	vst.idx.msk $0xffff, v17  }
0x18c: {  	[tilespmem:v61+s4+$0x0] =	vst.idx.msk $0xffff, v19  }
0x18d: {  	v8 =	vld [tilespmem:s29+$0xFFFFFF00]  }
0x18e: {  	s31 =	sadd.s32 $0xFFFFFFFB, s28;
	v9 =	vld [tilespmem:s29+$0xFFFFFF10]  }
0x18f: {  	v62 =	vor.u32 s31, v0;
	v10 =	vld [tilespmem:s29+$0xFFFFFF20]  }
0x190: {  	v63 =	vor.u32 s31, v1;
	v11 =	vld [tilespmem:s29+$0xFFFFFF30]  }
0x191: {  	v24 =	vor.u32 s31, v2;
	v13 =	vld [tilespmem:s29+$0xFFFFFF40]  }
0x192: {  	v25 =	vor.u32 s31, v3;
	v15 =	vld [tilespmem:s29+$0xFFFFFF50]  }
0x193: {  	v26 =	vor.u32 s31, v4;
	v17 =	vld [tilespmem:s29+$0xFFFFFF60]  }
0x194: {  	v19 =	vld [tilespmem:s29+$0xFFFFFF70];
	[tilespmem:v62+s4+$0x0] =	vst.idx.msk $0xffff, v8;
	v8 =	vor.u32 s31, v5  }
0x195: {  	v27 =	vor.u32 s31, v6;
	[tilespmem:v63+s4+$0x0] =	vst.idx.msk $0xffff, v9  }
0x196: {  	v28 =	vor.u32 s31, v7;
	[tilespmem:v24+s4+$0x0] =	vst.idx.msk $0xffff, v10  }
0x197: {  	[tilespmem:v25+s4+$0x0] =	vst.idx.msk $0xffff, v11  }
0x198: {  	[tilespmem:v26+s4+$0x0] =	vst.idx.msk $0xffff, v13  }
0x199: {  	[tilespmem:v8+s4+$0x0] =	vst.idx.msk $0xffff, v15  }
0x19a: {  	[tilespmem:v27+s4+$0x0] =	vst.idx.msk $0xffff, v17  }
0x19b: {  	[tilespmem:v28+s4+$0x0] =	vst.idx.msk $0xffff, v19  }
0x19c: {  	v8 =	vld [tilespmem:s29+$0xFFFFFF80]  }
0x19d: {  	s31 =	sadd.s32 $0xFFFFFFFC, s28;
	v9 =	vld [tilespmem:s29+$0xFFFFFF90]  }
0x19e: {  	v29 =	vor.u32 s31, v0;
	v10 =	vld [tilespmem:s29+$0xFFFFFFA0]  }
0x19f: {  	v30 =	vor.u32 s31, v1;
	v11 =	vld [tilespmem:s29+$0xFFFFFFB0]  }
0x1a0: {  	v31 =	vor.u32 s31, v2;
	v13 =	vld [tilespmem:s29+$0xFFFFFFC0]  }
0x1a1: {  	v32 =	vor.u32 s31, v3;
	v15 =	vld [tilespmem:s29+$0xFFFFFFD0]  }
0x1a2: {  	v33 =	vor.u32 s31, v4;
	v17 =	vld [tilespmem:s29+$0xFFFFFFE0]  }
0x1a3: {  	v19 =	vld [tilespmem:s29+$0xFFFFFFF0];
	[tilespmem:v29+s4+$0x0] =	vst.idx.msk $0xffff, v8;
	v8 =	vor.u32 s31, v5  }
0x1a4: {  	v34 =	vor.u32 s31, v6;
	[tilespmem:v30+s4+$0x0] =	vst.idx.msk $0xffff, v9  }
0x1a5: {  	v35 =	vor.u32 s31, v7;
	[tilespmem:v31+s4+$0x0] =	vst.idx.msk $0xffff, v10  }
0x1a6: {  	[tilespmem:v32+s4+$0x0] =	vst.idx.msk $0xffff, v11  }
0x1a7: {  	[tilespmem:v33+s4+$0x0] =	vst.idx.msk $0xffff, v13  }
0x1a8: {  	[tilespmem:v8+s4+$0x0] =	vst.idx.msk $0xffff, v15  }
0x1a9: {  	[tilespmem:v34+s4+$0x0] =	vst.idx.msk $0xffff, v17  }
0x1aa: {  	[tilespmem:v35+s4+$0x0] =	vst.idx.msk $0xffff, v19  }
0x1ab: {  	v8 =	vld [tilespmem:s29+$0x0]  }
0x1ac: {  	s31 =	sadd.s32 $0xFFFFFFFD, s28;
	v9 =	vld [tilespmem:s29+$0x10]  }
0x1ad: {  	v36 =	vor.u32 s31, v0;
	v10 =	vld [tilespmem:s29+$0x20]  }
0x1ae: {  	v37 =	vor.u32 s31, v1;
	v11 =	vld [tilespmem:s29+$0x30]  }
0x1af: {  	v38 =	vor.u32 s31, v2;
	v13 =	vld [tilespmem:s29+$0x40]  }
0x1b0: {  	v39 =	vor.u32 s31, v3;
	v15 =	vld [tilespmem:s29+$0x50]  }
0x1b1: {  	v40 =	vor.u32 s31, v4;
	v17 =	vld [tilespmem:s29+$0x60]  }
0x1b2: {  	v19 =	vld [tilespmem:s29+$0x70];
	[tilespmem:v36+s4+$0x0] =	vst.idx.msk $0xffff, v8;
	v8 =	vor.u32 s31, v5  }
0x1b3: {  	v41 =	vor.u32 s31, v6;
	[tilespmem:v37+s4+$0x0] =	vst.idx.msk $0xffff, v9  }
0x1b4: {  	v42 =	vor.u32 s31, v7;
	[tilespmem:v38+s4+$0x0] =	vst.idx.msk $0xffff, v10  }
0x1b5: {  	[tilespmem:v39+s4+$0x0] =	vst.idx.msk $0xffff, v11  }
0x1b6: {  	[tilespmem:v40+s4+$0x0] =	vst.idx.msk $0xffff, v13  }
0x1b7: {  	[tilespmem:v8+s4+$0x0] =	vst.idx.msk $0xffff, v15  }
0x1b8: {  	[tilespmem:v41+s4+$0x0] =	vst.idx.msk $0xffff, v17  }
0x1b9: {  	[tilespmem:v42+s4+$0x0] =	vst.idx.msk $0xffff, v19  }
0x1ba: {  	v8 =	vld [tilespmem:s29+$0x80]  }
0x1bb: {  	s31 =	sadd.s32 $0xFFFFFFFE, s28;
	v9 =	vld [tilespmem:s29+$0x90]  }
0x1bc: {  	v43 =	vor.u32 s31, v0;
	v10 =	vld [tilespmem:s29+$0xA0]  }
0x1bd: {  	v44 =	vor.u32 s31, v1;
	v11 =	vld [tilespmem:s29+$0xB0]  }
0x1be: {  	v45 =	vor.u32 s31, v2;
	v13 =	vld [tilespmem:s29+$0xC0]  }
0x1bf: {  	v46 =	vor.u32 s31, v3;
	v15 =	vld [tilespmem:s29+$0xD0]  }
0x1c0: {  	v47 =	vor.u32 s31, v4;
	v17 =	vld [tilespmem:s29+$0xE0]  }
0x1c1: {  	v19 =	vld [tilespmem:s29+$0xF0];
	[tilespmem:v43+s4+$0x0] =	vst.idx.msk $0xffff, v8;
	v8 =	vor.u32 s31, v5  }
0x1c2: {  	v48 =	vor.u32 s31, v6;
	[tilespmem:v44+s4+$0x0] =	vst.idx.msk $0xffff, v9  }
0x1c3: {  	v49 =	vor.u32 s31, v7;
	[tilespmem:v45+s4+$0x0] =	vst.idx.msk $0xffff, v10  }
0x1c4: {  	[tilespmem:v46+s4+$0x0] =	vst.idx.msk $0xffff, v11  }
0x1c5: {  	[tilespmem:v47+s4+$0x0] =	vst.idx.msk $0xffff, v13  }
0x1c6: {  	[tilespmem:v8+s4+$0x0] =	vst.idx.msk $0xffff, v15  }
0x1c7: {  	[tilespmem:v48+s4+$0x0] =	vst.idx.msk $0xffff, v17  }
0x1c8: {  	[tilespmem:v49+s4+$0x0] =	vst.idx.msk $0xffff, v19  }
0x1c9: {  	v8 =	vld [tilespmem:s29+$0x100]  }
0x1ca: {  	s31 =	sadd.s32 $0xFFFFFFFF, s28;
	v9 =	vld [tilespmem:s29+$0x110]  }
0x1cb: {  	v50 =	vor.u32 s31, v0;
	v10 =	vld [tilespmem:s29+$0x120]  }
0x1cc: {  	v51 =	vor.u32 s31, v1;
	v11 =	vld [tilespmem:s29+$0x130]  }
0x1cd: {  	v52 =	vor.u32 s31, v2;
	v13 =	vld [tilespmem:s29+$0x140]  }
0x1ce: {  	v53 =	vor.u32 s31, v3;
	v15 =	vld [tilespmem:s29+$0x150]  }
0x1cf: {  	v54 =	vor.u32 s31, v4;
	v17 =	vld [tilespmem:s29+$0x160]  }
0x1d0: {  	v19 =	vld [tilespmem:s29+$0x170];
	[tilespmem:v50+s4+$0x0] =	vst.idx.msk $0xffff, v8;
	v8 =	vor.u32 s31, v5  }
0x1d1: {  	v55 =	vor.u32 s31, v6;
	[tilespmem:v51+s4+$0x0] =	vst.idx.msk $0xffff, v9  }
0x1d2: {  	v56 =	vor.u32 s31, v7;
	[tilespmem:v52+s4+$0x0] =	vst.idx.msk $0xffff, v10  }
0x1d3: {  	[tilespmem:v53+s4+$0x0] =	vst.idx.msk $0xffff, v11  }
0x1d4: {  	[tilespmem:v54+s4+$0x0] =	vst.idx.msk $0xffff, v13  }
0x1d5: {  	[tilespmem:v8+s4+$0x0] =	vst.idx.msk $0xffff, v15  }
0x1d6: {  	[tilespmem:v55+s4+$0x0] =	vst.idx.msk $0xffff, v17  }
0x1d7: {  	[tilespmem:v56+s4+$0x0] =	vst.idx.msk $0xffff, v19  }
0x1d8: {  	v8 =	vld [tilespmem:s29+$0x180]  }
0x1d9: {  	v9 =	vld [tilespmem:s29+$0x190]  }
0x1da: {  	v57 =	vor.u32 s28, v0;
	v10 =	vld [tilespmem:s29+$0x1A0]  }
0x1db: {  	v58 =	vor.u32 s28, v1;
	v11 =	vld [tilespmem:s29+$0x1B0]  }
0x1dc: {  	v59 =	vor.u32 s28, v2;
	v13 =	vld [tilespmem:s29+$0x1C0]  }
0x1dd: {  	v60 =	vor.u32 s28, v3;
	v15 =	vld [tilespmem:s29+$0x1D0]  }
0x1de: {  	v61 =	vor.u32 s28, v4;
	v17 =	vld [tilespmem:s29+$0x1E0]  }
0x1df: {  	v19 =	vld [tilespmem:s29+$0x1F0];
	[tilespmem:v57+s4+$0x0] =	vst.idx.msk $0xffff, v8;
	v8 =	vor.u32 s28, v5  }
0x1e0: {  	v62 =	vor.u32 s28, v6;
	[tilespmem:v58+s4+$0x0] =	vst.idx.msk $0xffff, v9  }
0x1e1: {  	p1 =	sne.s32 s28, $0x3F;
	v63 =	vor.u32 s28, v7;
	[tilespmem:v59+s4+$0x0] =	vst.idx.msk $0xffff, v10  }
.Ltmp7:
0x1e2: {  	[tilespmem:v60+s4+$0x0] =	vst.idx.msk $0xffff, v11;
	(pc) =	sbr.rel @p1 .LBB2_4-.Ltmp7, $4  }
0x1e3: {  	[tilespmem:v61+s4+$0x0] =	vst.idx.msk $0xffff, v13  }
0x1e4: {  	[tilespmem:v8+s4+$0x0] =	vst.idx.msk $0xffff, v15  }
0x1e5: {  	[tilespmem:v62+s4+$0x0] =	vst.idx.msk $0xffff, v17  }
0x1e6: {  	s29 =	sadd.s32 $0x400, s29;
	s28 =	sadd.s32 $0x8, s28;
	[tilespmem:v63+s4+$0x0] =	vst.idx.msk $0xffff, v19  }
.Ltmp8:
0x1e7: {  	_ = 	snop;
	(pc) =	sbr.rel .LBB2_5-.Ltmp8, $1  }
0x1e8: {  	_ =	sdelay $0x3  }
.LBB2_10:
0x1e9: {  	s25 =	simm.s32 $0x3  }
0x1ea: {  	_ =	swait.ge [sflag:s25], $0x4000  }
.Ltmp9:
0x1eb: {  	[sflag:s25] =	ssyncset.done $0x0;
	(pc) =	sbr.rel @p0 .LBB2_14-.Ltmp9, $4  }
0x1ec: {  	s31 =	simm.s32 $0x4;
	[sflag:s25] =	ssyncadd.s32 $0xFFFFC000  }
0x1ed: {  	_ =	swait.ge [sflag:s31], $0x4000  }
0x1ee: {  	[sflag:s31] =	ssyncset.done $0x0  }
0x1ef: {  	s26 =	rddreg [dreg:$0x7];
	[sflag:s31] =	ssyncadd.s32 $0xFFFFC000  }
0x1f0: {  	s25 =	rddreg [dreg:$0x3]  }
0x1f1: {  	[tilespmem:s2], [sflag:$0x1] =	stream.linear.gather [hbm4b:s25+s2], $0x2000, $0x38;
	[tilespmem:$0x14000] =	vst v63  }
0x1f2: {  	_ =	swait.ge [sflag:s12], $0x2000  }
0x1f3: {  	[sflag:s12] =	ssyncset.done $0x0  }
0x1f4: {  	s26 =	simm.s32 $0x0;
	s25 =	simm.s32 $0x200;
	[sflag:s12] =	ssyncadd.s32 $0xFFFFE000  }
0x1f5: {  	v9 =	vor.u32 s26, v0;
	v8 =	vld [tilespmem:s25+$0xFFFFFE00]  }
0x1f6: {  	v11 =	vor.u32 s26, v1;
	v10 =	vld [tilespmem:s25+$0xFFFFFE10]  }
0x1f7: {  	v13 =	vor.u32 s26, v2;
	v12 =	vld [tilespmem:s25+$0xFFFFFE20]  }
0x1f8: {  	v15 =	vor.u32 s26, v3;
	v14 =	vld [tilespmem:s25+$0xFFFFFE30];
	_ =	sdelay $0x1  }
0x1f9: {  	[tilespmem:v9+s4+$0x0] =	vst.idx.msk $0xffff, v8  }
0x1fa: {  	[tilespmem:v11+s4+$0x0] =	vst.idx.msk $0xffff, v10  }
0x1fb: {  	[tilespmem:v13+s4+$0x0] =	vst.idx.msk $0xffff, v12  }
0x1fc: {  	s29 =	simm.s32 $0x1;
	[tilespmem:v15+s4+$0x0] =	vst.idx.msk $0xffff, v14  }
0x1fd: {  	v9 =	vor.u32 s29, v0;
	v8 =	vld [tilespmem:s25+$0xFFFFFE80]  }
0x1fe: {  	v11 =	vor.u32 s29, v1;
	v10 =	vld [tilespmem:s25+$0xFFFFFE90]  }
0x1ff: {  	v50 =	vor.u32 s29, v2;
	v12 =	vld [tilespmem:s25+$0xFFFFFEA0]  }
0x200: {  	v51 =	vor.u32 s29, v3;
	v14 =	vld [tilespmem:s25+$0xFFFFFEB0];
	_ =	sdelay $0x1  }
0x201: {  	[tilespmem:v9+s4+$0x0] =	vst.idx.msk $0xffff, v8  }
0x202: {  	[tilespmem:v11+s4+$0x0] =	vst.idx.msk $0xffff, v10  }
0x203: {  	[tilespmem:v50+s4+$0x0] =	vst.idx.msk $0xffff, v12  }
0x204: {  	s30 =	simm.s32 $0x2;
	[tilespmem:v51+s4+$0x0] =	vst.idx.msk $0xffff, v14  }
0x205: {  	v9 =	vor.u32 s30, v0;
	v8 =	vld [tilespmem:s25+$0xFFFFFF00]  }
0x206: {  	v11 =	vor.u32 s30, v1;
	v10 =	vld [tilespmem:s25+$0xFFFFFF10]  }
0x207: {  	v52 =	vor.u32 s30, v2;
	v12 =	vld [tilespmem:s25+$0xFFFFFF20]  }
0x208: {  	v53 =	vor.u32 s30, v3;
	v14 =	vld [tilespmem:s25+$0xFFFFFF30];
	_ =	sdelay $0x1  }
0x209: {  	[tilespmem:v9+s4+$0x0] =	vst.idx.msk $0xffff, v8  }
0x20a: {  	[tilespmem:v11+s4+$0x0] =	vst.idx.msk $0xffff, v10  }
0x20b: {  	[tilespmem:v52+s4+$0x0] =	vst.idx.msk $0xffff, v12  }
0x20c: {  	s31 =	simm.s32 $0x3;
	[tilespmem:v53+s4+$0x0] =	vst.idx.msk $0xffff, v14  }
0x20d: {  	v9 =	vor.u32 s31, v0;
	v8 =	vld [tilespmem:s25+$0xFFFFFF80]  }
0x20e: {  	v11 =	vor.u32 s31, v1;
	v10 =	vld [tilespmem:s25+$0xFFFFFF90]  }
0x20f: {  	v54 =	vor.u32 s31, v2;
	v12 =	vld [tilespmem:s25+$0xFFFFFFA0]  }
0x210: {  	v55 =	vor.u32 s31, v3;
	v14 =	vld [tilespmem:s25+$0xFFFFFFB0];
	_ =	sdelay $0x1  }
0x211: {  	[tilespmem:v9+s4+$0x0] =	vst.idx.msk $0xffff, v8  }
0x212: {  	[tilespmem:v11+s4+$0x0] =	vst.idx.msk $0xffff, v10  }
0x213: {  	[tilespmem:v54+s4+$0x0] =	vst.idx.msk $0xffff, v12  }
0x214: {  	s29 =	simm.s32 $0x4;
	[tilespmem:v55+s4+$0x0] =	vst.idx.msk $0xffff, v14  }
0x215: {  	v9 =	vor.u32 s29, v0;
	v8 =	vld [tilespmem:s25+$0x0]  }
0x216: {  	v11 =	vor.u32 s29, v1;
	v10 =	vld [tilespmem:s25+$0x10]  }
0x217: {  	v56 =	vor.u32 s29, v2;
	v12 =	vld [tilespmem:s25+$0x20]  }
0x218: {  	v57 =	vor.u32 s29, v3;
	v14 =	vld [tilespmem:s25+$0x30];
	_ =	sdelay $0x1  }
0x219: {  	[tilespmem:v9+s4+$0x0] =	vst.idx.msk $0xffff, v8  }
0x21a: {  	[tilespmem:v11+s4+$0x0] =	vst.idx.msk $0xffff, v10  }
0x21b: {  	[tilespmem:v56+s4+$0x0] =	vst.idx.msk $0xffff, v12  }
0x21c: {  	s30 =	simm.s32 $0x5;
	[tilespmem:v57+s4+$0x0] =	vst.idx.msk $0xffff, v14  }
0x21d: {  	v9 =	vor.u32 s30, v0;
	v8 =	vld [tilespmem:s25+$0x80]  }
0x21e: {  	v11 =	vor.u32 s30, v1;
	v10 =	vld [tilespmem:s25+$0x90]  }
0x21f: {  	v58 =	vor.u32 s30, v2;
	v12 =	vld [tilespmem:s25+$0xA0]  }
0x220: {  	v59 =	vor.u32 s30, v3;
	v14 =	vld [tilespmem:s25+$0xB0];
	_ =	sdelay $0x1  }
0x221: {  	[tilespmem:v9+s4+$0x0] =	vst.idx.msk $0xffff, v8  }
0x222: {  	[tilespmem:v11+s4+$0x0] =	vst.idx.msk $0xffff, v10  }
0x223: {  	[tilespmem:v58+s4+$0x0] =	vst.idx.msk $0xffff, v12  }
0x224: {  	s31 =	simm.s32 $0x6;
	[tilespmem:v59+s4+$0x0] =	vst.idx.msk $0xffff, v14  }
0x225: {  	v9 =	vor.u32 s31, v0;
	v8 =	vld [tilespmem:s25+$0x100]  }
0x226: {  	v11 =	vor.u32 s31, v1;
	v10 =	vld [tilespmem:s25+$0x110]  }
0x227: {  	v60 =	vor.u32 s31, v2;
	v12 =	vld [tilespmem:s25+$0x120]  }
0x228: {  	v61 =	vor.u32 s31, v3;
	v14 =	vld [tilespmem:s25+$0x130];
	_ =	sdelay $0x1  }
0x229: {  	[tilespmem:v9+s4+$0x0] =	vst.idx.msk $0xffff, v8  }
0x22a: {  	[tilespmem:v11+s4+$0x0] =	vst.idx.msk $0xffff, v10  }
0x22b: {  	[tilespmem:v60+s4+$0x0] =	vst.idx.msk $0xffff, v12  }
0x22c: {  	s29 =	simm.s32 $0x7;
	[tilespmem:v61+s4+$0x0] =	vst.idx.msk $0xffff, v14  }
0x22d: {  	v10 =	vor.u32 s29, v0;
	v9 =	vld [tilespmem:s25+$0x180];
	_ =	sdelay $0x1  }
0x22e: {  	v62 =	vor.u32 s29, v1;
	v11 =	vld [tilespmem:s25+$0x190]  }
0x22f: {  	v63 =	vor.u32 s29, v2;
	v13 =	vld [tilespmem:s25+$0x1A0];
	_ =	sdelay $0x1  }
0x230: {  	v8 =	vld [tilespmem:s25+$0x1B0];
	[tilespmem:v10+s4+$0x0] =	vst.idx.msk $0xffff, v9;
	v9 =	vor.u32 s29, v3;
	_ =	sdelay $0x1  }
0x231: {  	[tilespmem:v62+s4+$0x0] =	vst.idx.msk $0xffff, v11  }
0x232: {  	s28 =	simm.s32 $0x17;
	s26 =	simm.s32 $0xF;
	[tilespmem:v63+s4+$0x0] =	vst.idx.msk $0xffff, v13  }
.LBB2_12:
0x233: {  	s31 =	sadd.s32 $0xFFFFFFF9, s26  }
0x234: {  	[tilespmem:v9+s4+$0x0] =	vst.idx.msk $0xffff, v8;
	s25 =	sadd.s32 $0x400, s25;
	s29 =	smov.u32 s28;
	s30 =	sadd.s32 $0x8, s28  }
0x235: {  	p1 =	sne.s32 s28, $0x3F;
	v8 =	vld [tilespmem:s25+$0xFFFFFE00];
	v9 =	vor.u32 s31, v0  }
0x236: {  	v11 =	vor.u32 s31, v1;
	v10 =	vld [tilespmem:s25+$0xFFFFFE10]  }
0x237: {  	v13 =	vor.u32 s31, v2;
	v12 =	vld [tilespmem:s25+$0xFFFFFE20]  }
0x238: {  	v15 =	vor.u32 s31, v3;
	v14 =	vld [tilespmem:s25+$0xFFFFFE30];
	_ =	sdelay $0x1  }
0x239: {  	[tilespmem:v9+s4+$0x0] =	vst.idx.msk $0xffff, v8  }
0x23a: {  	[tilespmem:v11+s4+$0x0] =	vst.idx.msk $0xffff, v10  }
0x23b: {  	[tilespmem:v13+s4+$0x0] =	vst.idx.msk $0xffff, v12  }
0x23c: {  	s28 =	sadd.s32 $0xFFFFFFFA, s26;
	[tilespmem:v15+s4+$0x0] =	vst.idx.msk $0xffff, v14  }
0x23d: {  	v9 =	vor.u32 s28, v0;
	v8 =	vld [tilespmem:s25+$0xFFFFFE80]  }
0x23e: {  	v11 =	vor.u32 s28, v1;
	v10 =	vld [tilespmem:s25+$0xFFFFFE90]  }
0x23f: {  	v13 =	vor.u32 s28, v2;
	v12 =	vld [tilespmem:s25+$0xFFFFFEA0]  }
0x240: {  	v15 =	vor.u32 s28, v3;
	v14 =	vld [tilespmem:s25+$0xFFFFFEB0];
	_ =	sdelay $0x1  }
0x241: {  	[tilespmem:v9+s4+$0x0] =	vst.idx.msk $0xffff, v8  }
0x242: {  	[tilespmem:v11+s4+$0x0] =	vst.idx.msk $0xffff, v10  }
0x243: {  	[tilespmem:v13+s4+$0x0] =	vst.idx.msk $0xffff, v12  }
0x244: {  	s28 =	sadd.s32 $0xFFFFFFFB, s26;
	[tilespmem:v15+s4+$0x0] =	vst.idx.msk $0xffff, v14  }
0x245: {  	v9 =	vor.u32 s28, v0;
	v8 =	vld [tilespmem:s25+$0xFFFFFF00]  }
0x246: {  	v11 =	vor.u32 s28, v1;
	v10 =	vld [tilespmem:s25+$0xFFFFFF10]  }
0x247: {  	v13 =	vor.u32 s28, v2;
	v12 =	vld [tilespmem:s25+$0xFFFFFF20]  }
0x248: {  	v15 =	vor.u32 s28, v3;
	v14 =	vld [tilespmem:s25+$0xFFFFFF30];
	_ =	sdelay $0x1  }
0x249: {  	[tilespmem:v9+s4+$0x0] =	vst.idx.msk $0xffff, v8  }
0x24a: {  	[tilespmem:v11+s4+$0x0] =	vst.idx.msk $0xffff, v10  }
0x24b: {  	[tilespmem:v13+s4+$0x0] =	vst.idx.msk $0xffff, v12  }
0x24c: {  	s28 =	sadd.s32 $0xFFFFFFFC, s26;
	[tilespmem:v15+s4+$0x0] =	vst.idx.msk $0xffff, v14  }
0x24d: {  	v9 =	vor.u32 s28, v0;
	v8 =	vld [tilespmem:s25+$0xFFFFFF80]  }
0x24e: {  	v11 =	vor.u32 s28, v1;
	v10 =	vld [tilespmem:s25+$0xFFFFFF90]  }
0x24f: {  	v13 =	vor.u32 s28, v2;
	v12 =	vld [tilespmem:s25+$0xFFFFFFA0]  }
0x250: {  	v15 =	vor.u32 s28, v3;
	v14 =	vld [tilespmem:s25+$0xFFFFFFB0];
	_ =	sdelay $0x1  }
0x251: {  	[tilespmem:v9+s4+$0x0] =	vst.idx.msk $0xffff, v8  }
0x252: {  	[tilespmem:v11+s4+$0x0] =	vst.idx.msk $0xffff, v10  }
0x253: {  	[tilespmem:v13+s4+$0x0] =	vst.idx.msk $0xffff, v12  }
0x254: {  	s28 =	sadd.s32 $0xFFFFFFFD, s26;
	[tilespmem:v15+s4+$0x0] =	vst.idx.msk $0xffff, v14  }
0x255: {  	v9 =	vor.u32 s28, v0;
	v8 =	vld [tilespmem:s25+$0x0]  }
0x256: {  	v11 =	vor.u32 s28, v1;
	v10 =	vld [tilespmem:s25+$0x10]  }
0x257: {  	v13 =	vor.u32 s28, v2;
	v12 =	vld [tilespmem:s25+$0x20]  }
0x258: {  	v15 =	vor.u32 s28, v3;
	v14 =	vld [tilespmem:s25+$0x30];
	_ =	sdelay $0x1  }
0x259: {  	[tilespmem:v9+s4+$0x0] =	vst.idx.msk $0xffff, v8  }
0x25a: {  	[tilespmem:v11+s4+$0x0] =	vst.idx.msk $0xffff, v10  }
0x25b: {  	[tilespmem:v13+s4+$0x0] =	vst.idx.msk $0xffff, v12  }
0x25c: {  	s28 =	sadd.s32 $0xFFFFFFFE, s26;
	[tilespmem:v15+s4+$0x0] =	vst.idx.msk $0xffff, v14  }
0x25d: {  	v9 =	vor.u32 s28, v0;
	v8 =	vld [tilespmem:s25+$0x80]  }
0x25e: {  	v11 =	vor.u32 s28, v1;
	v10 =	vld [tilespmem:s25+$0x90]  }
0x25f: {  	v13 =	vor.u32 s28, v2;
	v12 =	vld [tilespmem:s25+$0xA0]  }
0x260: {  	v15 =	vor.u32 s28, v3;
	v14 =	vld [tilespmem:s25+$0xB0];
	_ =	sdelay $0x1  }
0x261: {  	[tilespmem:v9+s4+$0x0] =	vst.idx.msk $0xffff, v8  }
0x262: {  	[tilespmem:v11+s4+$0x0] =	vst.idx.msk $0xffff, v10  }
0x263: {  	[tilespmem:v13+s4+$0x0] =	vst.idx.msk $0xffff, v12  }
0x264: {  	s28 =	sadd.s32 $0xFFFFFFFF, s26;
	[tilespmem:v15+s4+$0x0] =	vst.idx.msk $0xffff, v14  }
0x265: {  	v9 =	vor.u32 s28, v0;
	v8 =	vld [tilespmem:s25+$0x100]  }
0x266: {  	v11 =	vor.u32 s28, v1;
	v10 =	vld [tilespmem:s25+$0x110]  }
0x267: {  	v13 =	vor.u32 s28, v2;
	v12 =	vld [tilespmem:s25+$0x120]  }
0x268: {  	v15 =	vor.u32 s28, v3;
	v14 =	vld [tilespmem:s25+$0x130];
	_ =	sdelay $0x1  }
0x269: {  	[tilespmem:v9+s4+$0x0] =	vst.idx.msk $0xffff, v8  }
0x26a: {  	[tilespmem:v11+s4+$0x0] =	vst.idx.msk $0xffff, v10  }
0x26b: {  	[tilespmem:v13+s4+$0x0] =	vst.idx.msk $0xffff, v12  }
0x26c: {  	[tilespmem:v15+s4+$0x0] =	vst.idx.msk $0xffff, v14  }
0x26d: {  	v11 =	vor.u32 s26, v0;
	v10 =	vld [tilespmem:s25+$0x180]  }
0x26e: {  	v13 =	vor.u32 s26, v1;
	v12 =	vld [tilespmem:s25+$0x190]  }
0x26f: {  	v15 =	vor.u32 s26, v2;
	v14 =	vld [tilespmem:s25+$0x1A0]  }
.Ltmp10:
0x270: {  	v9 =	vor.u32 s26, v3;
	s26 =	smov.u32 s29;
	v8 =	vld [tilespmem:s25+$0x1B0];
	(pc) =	sbr.rel @p1 .LBB2_12-.Ltmp10, $4  }
0x271: {  	_ = 	snop  }
0x272: {  	[tilespmem:v11+s4+$0x0] =	vst.idx.msk $0xffff, v10  }
0x273: {  	[tilespmem:v13+s4+$0x0] =	vst.idx.msk $0xffff, v12  }
0x274: {  	s28 =	smov.u32 s30;
	[tilespmem:v15+s4+$0x0] =	vst.idx.msk $0xffff, v14  }
.Ltmp11:
0x275: {  	_ = 	snop;
	(pc) =	sbr.rel .LBB2_13-.Ltmp11, $1  }
0x276: {  	_ =	sdelay $0x3  }
.LBB2_15:
0x277: {  	_ =	sfence.sel $0x180000  }
0x278: {  	[bflag:$0x0] =	sbarrier.arrive $0xFFFF  }
0x279: {  	_ =	strace $0x90000047  }
0x27a: {  	s0 =	stileid.u32;
	[bflag:$0x2] =	sbarrier.arrive $0xFFFF  }
0x27b: {  	p0 =	sne.s32 s0, $0x0;
	s0 =	rddreg [dreg:$0x2]  }
0x27c: {  	s0 =	sadd.s32 @!p0 $0x100000, s0  }
0x27d: {  	[sflag:s0] =	ssyncadd.tile.s32 @!p0 $0x1;
	_ =	shalt  }
.Lfunc_end2:
_tile_overlayer_lowered:
.L_overlay_start_2:
0x27e: {  	(tag) =	ssettag $0x2  }
0x27f: {  	s0 =	rddreg [dreg:$0x0];
	s2 =	stileid.u32  }
0x280: {  	s1 =	rddreg [dreg:$0x1];
	p0 =	sne.s32 s2, $0x0  }
0x281: {  	s3 =	rddreg [dreg:$0x2];
	[bflag:$0x3] =	sbarrier.arrive $0xFFFF;
	s2 =	simm.s32 @!p0 $0x1C05  }
0x282: {  	[timem:s3], [sflag:s2] =	dma.local @!p0 [hbm:s0], s1  }
0x283: {  	s0 =	simm.s32 @!p0 $0x5  }
0x284: {  	_ =	swait.ge @!p0 [sflag:s0], s1  }
0x285: {  	s1 =	ssub.s32 @!p0 $0x0, s1;
	[sflag:s0] =	ssyncset.done @!p0 $0x0  }
0x286: {  	[sflag:s0] =	ssyncadd.s32 @!p0 s1  }
0x287: {  	[bflag:$0x3] =	sbarrier.arrive $0xFFFF  }
0x288: {  	_ =	shalt  }

// kernel: kernel.7.cloned.1.call-start
scs
__scs_entry_jumppad:
0x0: {  	(pc) =	sbr.rel $0x88, $3  }
0x1: {  	(tag) =	ssettag $0x0;
	lr =	simm.s32 $0x1  }
0x2: {  	[smem:$0x3F9F] =	sst lr;
	_ =	strace $0xD0000000  }
0x3: {  	_ = 	snop  }
0x4: {  	_ = 	snop  }
0x5: {  	_ = 	snop  }
0x6: {  	_ = 	snop  }
0x7: {  	_ = 	snop  }
__scs_overlays_trampoline_lowered:
0x8: {  	[smem:$0x3FAE] =	sst s0  }
0x9: {  	[smem:$0x3FAF] =	sst s1  }
0xa: {  	[smem:$0x3FB0] =	sst s2  }
0xb: {  	[smem:$0x3FB1] =	sst s3  }
0xc: {  	[smem:$0x3FB2] =	sst s4  }
0xd: {  	[smem:$0x3FB3] =	sst s5  }
0xe: {  	[smem:$0x3FB4] =	sst s6  }
0xf: {  	[smem:$0x3FB5] =	sst s7  }
0x10: {  	[smem:$0x3FB6] =	sst s8  }
0x11: {  	[smem:$0x3FB7] =	sst s9;
	s0 =	simm.s32 @!p0 $0x0  }
0x12: {  	s1 =	sld [smem:$0x3F9D];
	s0 =	simm.s32 @p0 $0x1  }
0x13: {  	[smem:$0x3FB8] =	sst s0;
	s0 =	simm.s32 @!p1 $0x0  }
0x14: {  	s2 =	sld [smem:$0x3F9C];
	s0 =	simm.s32 @p1 $0x1  }
0x15: {  	[smem:$0x3FB9] =	sst s0;
	s0 =	simm.s32 @!p2 $0x0  }
0x16: {  	s3 =	sld [smem:$0x3FDB];
	s0 =	simm.s32 @p2 $0x1  }
0x17: {  	s4 =	simm.s32 $0x1BF5;
	[smem:$0x3FBB] =	sst s0  }
0x18: {  	s0 =	sld [smem:$0x3F9E];
	_ =	swait.ge [sflag:s4], $0x0  }
0x19: {  	s7 =	sld [smem:$0x3F9F]  }
0x1a: {  	s8 =	sadd.s32 $0xFFFFE003, lr  }
0x1b: {  	s9 =	sadd.s32 $0xFFFFFEF7, lr;
	s5 =	simm.s32 $0xFFFFFFFF;
	p2 =	slt.u32 s8, $0xFFFFF086  }
0x1c: {  	p1 =	slt.u32 s9, $0xF7A;
	s5 =	simm.s32 @!p2 $0x0  }
0x1d: {  	s5 =	simm.s32 @p1 $0x1;
	p0 =	seq.s32 s7, s2  }
0x1e: {  	s7 =	smul.u32 @!p0 $0xF7A, s2;
	p2 =	seq.s32 @!p0 s5, $0x0  }
0x1f: {  	s9 =	smul.u32 $0xF7A, s1;
	s8 =	simm.s32 @!p0 $0x1BF5;
	p2 =	por !p2, p0  }
0x20: {  	[sflag:s8] =	ssyncset.s32 @!p0 $0xFFFFF086;
	s6 =	sadd.s32 @!p0 s3, s7;
	s7 =	simm.s32 @!p0 $0x108  }
0x21: {  	s3 =	sadd.s32 s3, s9;
	s6 =	sadd.s32 @!p0 $0x88, s6;
	s7 =	simm.s32 @p2 $0x1082  }
0x22: {  	[simem:s7], [sflag:s8] =	dma.local @!p0 [hbm:s6], $0xF7A  }
0x23: {  	s9 =	sor.u32 $0xD0000000, s2;
	s6 =	simm.s32 $0x108;
	_ =	swait.ge @!p0 [sflag:s8], $0x0  }
0x24: {  	s3 =	sadd.s32 $0x88, s3;
	s6 =	simm.s32 @!p1 $0x1082;
	[sflag:s4] =	ssyncset.s32 $0xFFFFF086  }
0x25: {  	[simem:s6], [sflag:s4] =	dma.local [hbm:s3], $0xF7A  }
0x26: {  	[smem:$0x3F9F] =	sst s1;
	(tag) =	ssettag s2;
	_ =	strace s9  }
0x27: {  	s1 =	sld [smem:$0x3FAF]  }
0x28: {  	s2 =	sld [smem:$0x3FB0]  }
0x29: {  	s4 =	sld [smem:$0x3FB2]  }
0x2a: {  	p0 =	seq.s32 s5, $0x0;
	s5 =	sld [smem:$0x3FB3]  }
0x2b: {  	s6 =	sld [smem:$0x3FB4]  }
0x2c: {  	s7 =	sld [smem:$0x3FB5]  }
0x2d: {  	s3 =	simm.s32 $0x108;
	s8 =	sld [smem:$0x3FB6]  }
0x2e: {  	s3 =	simm.s32 @!p0 $0x1082;
	s9 =	sld [smem:$0x3FB7]  }
0x2f: {  	lr =	sadd.s32 s0, s3;
	s0 =	sld [smem:$0x3FAE]  }
0x30: {  	s3 =	sld [smem:$0x3FB1]  }
0x31: {  	[smem:$0x3FBA] =	sst s10  }
0x32: {  	s10 =	sld [smem:$0x3FB8];
	_ =	sdelay $0x3  }
0x33: {  	p0 =	seq.s32 s10, $0x1;
	s10 =	sld [smem:$0x3FBA];
	_ =	sdelay $0x3  }
0x34: {  	[smem:$0x3FBA] =	sst s10  }
0x35: {  	s10 =	sld [smem:$0x3FB9];
	_ =	sdelay $0x3  }
0x36: {  	p1 =	seq.s32 s10, $0x1;
	s10 =	sld [smem:$0x3FBA];
	_ =	sdelay $0x3  }
0x37: {  	[smem:$0x3FBA] =	sst s10  }
0x38: {  	s10 =	sld [smem:$0x3FBB]  }
0x39: {  	_ = 	snop;
	(pc) =	sbr.ind lr, $3  }
0x3a: {  	_ = 	snop  }
0x3b: {  	_ = 	snop  }
0x3c: {  	p2 =	seq.s32 s10, $0x1;
	s10 =	sld [smem:$0x3FBA]  }
0x3d: {  	_ =	shalt  }
0x3e: {  	_ =	shalt  }
0x3f: {  	_ =	shalt  }
0x40: {  	_ =	shalt  }
0x41: {  	_ =	shalt  }
0x42: {  	_ =	shalt  }
0x43: {  	_ =	shalt  }
0x44: {  	_ =	shalt  }
0x45: {  	_ =	shalt  }
0x46: {  	_ =	shalt  }
0x47: {  	_ =	shalt  }
0x48: {  	_ =	shalt  }
0x49: {  	_ =	shalt  }
0x4a: {  	_ =	shalt  }
0x4b: {  	_ =	shalt  }
0x4c: {  	_ =	shalt  }
0x4d: {  	_ =	shalt  }
0x4e: {  	_ =	shalt  }
0x4f: {  	_ =	shalt  }
0x50: {  	_ =	shalt  }
0x51: {  	_ =	shalt  }
0x52: {  	_ =	shalt  }
0x53: {  	_ =	shalt  }
0x54: {  	_ =	shalt  }
0x55: {  	_ =	shalt  }
0x56: {  	_ =	shalt  }
0x57: {  	_ =	shalt  }
0x58: {  	_ =	shalt  }
0x59: {  	_ =	shalt  }
0x5a: {  	_ =	shalt  }
0x5b: {  	_ =	shalt  }
0x5c: {  	_ =	shalt  }
0x5d: {  	_ =	shalt  }
0x5e: {  	_ =	shalt  }
0x5f: {  	_ =	shalt  }
0x60: {  	_ =	shalt  }
0x61: {  	_ =	shalt  }
0x62: {  	_ =	shalt  }
0x63: {  	_ =	shalt  }
0x64: {  	_ =	shalt  }
0x65: {  	_ =	shalt  }
0x66: {  	_ =	shalt  }
0x67: {  	_ =	shalt  }
0x68: {  	_ =	shalt  }
0x69: {  	_ =	shalt  }
0x6a: {  	_ =	shalt  }
0x6b: {  	_ =	shalt  }
0x6c: {  	_ =	shalt  }
0x6d: {  	_ =	shalt  }
0x6e: {  	_ =	shalt  }
0x6f: {  	_ =	shalt  }
0x70: {  	_ =	shalt  }
0x71: {  	_ =	shalt  }
0x72: {  	_ =	shalt  }
0x73: {  	_ =	shalt  }
0x74: {  	_ =	shalt  }
0x75: {  	_ =	shalt  }
0x76: {  	_ =	shalt  }
0x77: {  	_ =	shalt  }
0x78: {  	_ =	shalt  }
0x79: {  	_ =	shalt  }
0x7a: {  	_ =	shalt  }
0x7b: {  	_ =	shalt  }
0x7c: {  	_ =	shalt  }
0x7d: {  	_ =	shalt  }
0x7e: {  	_ =	shalt  }
0x7f: {  	_ =	shalt  }
0x80: {  	_ =	shalt  }
0x81: {  	_ =	shalt  }
0x82: {  	_ =	shalt  }
0x83: {  	_ =	shalt  }
0x84: {  	_ =	shalt  }
0x85: {  	_ =	shalt  }
0x86: {  	_ =	shalt  }
0x87: {  	_ =	shalt  }
.Lfunc_end0:
.L_simem_size_0:
called_computation.2_lowered:
.L_overlay_start_0:
0x88: {  	s2 =	sld [smem:$0x3FD9]  }
0x89: {  	s3 =	sld [smem:$0x3FFE];
	_ =	sdelay $0x1  }
0x8a: {  	s1 =	srdreg.scid  }
0x8b: {  	s0 =	sand.u32 $0x1, s1  }
0x8c: {  	s17 =	sshll.u32 s0, $0xA;
	s2 =	sadd.s32 s3, s2  }
0x8d: {  	s2 =	sadd.s32 s2, s17  }
0x8e: {  	[smem:$0x3FC6] =	sst s2  }
0x8f: {  	_ = 	snop  }
0x90: {  	s2 =	sld [smem:$0x3FD0];
	(tm) =	ssettm $0x1  }
0x91: {  	s18 =	sld [smem:$0x3FFB];
	_ =	sdelay $0x3  }
0x92: {  	_ =	strace s18  }
0x93: {  	s3 =	sld [smem:$0x3FFC];
	_ =	sdelay $0x3  }
0x94: {  	_ =	strace s3  }
0x95: {  	s3 =	sld [smem:$0x3FFD];
	_ =	sdelay $0x3  }
0x96: {  	_ =	strace s3  }
0x97: {  	_ =	strace $0x8FFFFFFF  }
0x98: {  	s19 =	sld [smem:$0x3FDB];
	_ =	sdelay $0x1  }
0x99: {  	s4 =	simm.s32 $_scs_section_size  }
0x9a: {  	s5 =	simm.s32 $_size__tile_overlayer_lowered;
	s6 =	simm.s32 $_tile_overlayer_lowered  }
0x9b: {  	s22 =	simm.s32 $0x1BFF;
	s21 =	sshll.u32 s6, $0x1;
	s3 =	sadd.s32 s4, s19  }
0x9c: {  	s7 =	simm.s32 $0x0;
	s20 =	sshll.u32 s5, $0x1;
	s5 =	sadd.s32 s21, s3  }
0x9d: {  	[timem:s7], [sflag:s22] =	dma.local [hbm:s5], s20  }
0x9e: {  	_ =	swait.ge [sflag:s22], s20  }
0x9f: {  	s4 =	ssub.s32 $0x0, s20;
	[sflag:s22] =	ssyncset.done $0x0  }
0xa0: {  	[sflag:s22] =	ssyncadd.s32 s4;
	_ =	sdelay $0x1  }
0xa1: {  	s23 =	simm.s32 $0x1B8B  }
0xa2: {  	_ =	swait.ge [sflag:s23], $0x1  }
0xa3: {  	[sflag:s23] =	ssyncset.done $0x0  }
0xa4: {  	s25 =	simm.s32 $0x1B8E;
	s24 =	sld [smem:$0x3FFE];
	[sflag:s23] =	ssyncadd.s32 $0xFFFFFFFF  }
0xa5: {  	s26 =	simm.s32 $execute0_lowered;
	[smem:$0x3FD2] =	sst s25  }
0xa6: {  	s5 =	sshll.u32 s26, $0x1;
	_ =	strace $0x80000049;
	[dreg:$0x1] =	wrdreg $0xFFFFFFFF  }
0xa7: {  	s28 =	simm.s32 $_size_execute0_lowered;
	s3 =	sadd.s32 s3, s5;
	[dreg:$0x0] =	wrdreg $0x0  }
0xa8: {  	s5 =	sshll.u32 s28, $0x1;
	[dreg:$0x2] =	wrdreg s3  }
0xa9: {  	[dreg:$0x3] =	wrdreg s5  }
0xaa: {  	[dreg:$0x4] =	wrdreg $0xC0  }
0xab: {  	_ =	task [dreg:s7], $0x5FFFF  }
0xac: {  	[dreg:$0x1] =	wrdreg $0xFFFFFFFF  }
0xad: {  	[dreg:$0x0] =	wrdreg $0x60  }
0xae: {  	[dreg:$0x2] =	wrdreg s2  }
0xaf: {  	[dreg:$0x3] =	wrdreg s24  }
0xb0: {  	[dreg:$0x4] =	wrdreg $0x9  }
0xb1: {  	_ =	task.clear_ibuf [dreg:s7], $0x5FFFF;
	_ =	strace $0x90000049  }
0xb2: {  	s29 =	simm.s32 $0x9;
	_ =	strace $0x8000004B  }
0xb3: {  	_ =	swait.ge [sflag:s29], $0x1  }
0xb4: {  	[sflag:s29] =	ssyncadd.s32 $0xFFFFFFFF  }
0xb5: {  	_ =	strace $0x9000004B  }
0xb6: {  	_ =	sfence  }
0xb7: {  	s30 =	sld [smem:$0x0];
	_ =	sdelay $0x2  }
0xb8: {  	s31 =	sshll.u32 s1, $0xD;
	s1 =	sshrl.u32 s1, $0x2  }
0xb9: {  	s3 =	sand.u32 $0x4000, s31;
	s1 =	sadd.s32 s1, s30  }
0xba: {  	s0 =	sor.u32 s3, s0;
	s1 =	sshll.u32 s1, $0x11  }
0xbb: {  	s0 =	sor.u32 s1, s0  }
0xbc: {  	s0 =	sadd.s32 $0x8F2B, s0  }
0xbd: {  	[sflag:s0] =	ssyncadd.remote.s32 $0x1  }
0xbe: {  	_ =	sfence.sel $0xFFFF  }
0xbf: {  	[dreg:$0x0] =	wrdreg $0xFFFFFFFF;
	(pc) =	sbr.abs _section_cstart, $3  }
0xc0: {  	[dreg:$0x1] =	wrdreg $0xFFFFFFFF  }
0xc1: {  	_ =	task.clear_ibuf [dreg:s7], $0x2FFFF;
	_ =	strace $0x9FFFFFFF  }
0xc2: {  	(tm) =	ssettm $0x7FFFFFFF  }
0xc3: {  	_ =	shalt  }
tec
execute0_lowered:
.L_overlay_start_1:
0x0: {  	(tag) =	ssettag $0x1  }
0x1: {  	s0 =	rddreg [dreg:$0x0]  }
0x2: {  	s1 =	rddreg [dreg:$0x1];
	s2 =	srdreg.scid  }
0x3: {  	s9 =	stileid.u32;
	s4 =	simm.s32 $0x0;
	s28 =	simm.s32 $0x8400  }
0x4: {  	s2 =	sand.u32 $0x1, s2;
	s3 =	sshll.u32 s9, $0x1;
	s26 =	smul.u32 $0xC800, s9  }
0x5: {  	s30 =	simm.s32 $0xA400;
	s5 =	sor.u32 s2, s3;
	s10 =	smul.u32 $0x6400, s2  }
0x6: {  	s29 =	simm.s32 $0x40;
	s31 =	simm.s32 $0xE400;
	s6 =	smul.u32 $0x6400, s5  }
0x7: {  	[smem:$0x7FF] =	sst s4;
	s4 =	sadd.s32 $0xF43A00, s1;
	s8 =	smul.u32 $0x64000, s5  }
0x8: {  	s23 =	smul.u32 $0x320000, s5;
	s5 =	sadd.s32 s10, s26;
	s6 =	sshrl.u32 s6, $0x3  }
0x9: {  	s17 =	smul.u32 $0x640000, s9;
	s5 =	sshll.u32 s5, $0x4;
	s0 =	sadd.s32 s0, s6  }
0xa: {  	_ =	strace $0x8000004A;
	s18 =	sadd.s32 $0x5800, s5;
	[dreg:$0xa] =	wrdreg s0  }
0xb: {  	s9 =	simm.s32 $0x4;
	s19 =	sadd.s32 $0x5000, s5;
	[dreg:$0x3] =	wrdreg s18  }
0xc: {  	s6 =	sadd.s32 s4, s8;
	s26 =	sadd.s32 $0x6000, s5;
	[dreg:$0x4] =	wrdreg s19  }
0xd: {  	s3 =	sadd.s32 $0x1200, s1;
	s21 =	sadd.s32 $0x800, s6;
	[dreg:$0x9] =	wrdreg s26  }
0xe: {  	s7 =	ssub.s32 $0x2, s2;
	s22 =	sadd.s32 $0x1000, s6;
	[dreg:$0xb] =	wrdreg s21  }
0xf: {  	s2 =	smul.u32 $0x320000, s2;
	s24 =	sadd.s32 $0x1800, s6;
	[dreg:$0xc] =	wrdreg s22  }
0x10: {  	s20 =	sshrl.u32 s7, $0x1;
	s25 =	sadd.s32 $0x2000, s6;
	[dreg:$0xd] =	wrdreg s24  }
0x11: {  	s1 =	ssub.s32 s7, s20;
	s8 =	sadd.s32 $0x2800, s6;
	[dreg:$0xe] =	wrdreg s25  }
0x12: {  	s2 =	sadd.s32 s2, s17;
	s11 =	sadd.s32 $0x3800, s6;
	[dreg:$0xf] =	wrdreg s8  }
0x13: {  	s7 =	simm.s32 $0x3;
	s8 =	sadd.s32 $0x3000, s6;
	[dreg:$0x11] =	wrdreg s11  }
0x14: {  	s10 =	simm.s32 $0x14400;
	s21 =	sadd.s32 $0x4800, s5;
	[dreg:$0x10] =	wrdreg s8  }
0x15: {  	s0 =	sshrl.u32 s23, $0x3;
	s22 =	sadd.s32 $0x7800, s5;
	[dreg:$0x5] =	wrdreg s21  }
0x16: {  	s26 =	simm.s32 $0x6400;
	s24 =	sadd.s32 $0x7000, s5;
	[dreg:$0x6] =	wrdreg s22  }
0x17: {  	s0 =	sadd.s32 s4, s0;
	s25 =	sadd.s32 $0x6800, s5;
	[dreg:$0x7] =	wrdreg s24  }
0x18: {  	s5 =	simm.s32 $0x10400;
	s12 =	sadd.s32 $0x60000, s0;
	[dreg:$0x8] =	wrdreg s25  }
0x19: {  	s11 =	simm.s32 $0x5;
	s13 =	sadd.s32 $0x60800, s0;
	[dreg:$0x12] =	wrdreg s12  }
0x1a: {  	s14 =	sadd.s32 $0x61000, s0;
	s15 =	sadd.s32 $0x61800, s0;
	[dreg:$0x13] =	wrdreg s13  }
0x1b: {  	s16 =	sadd.s32 $0x62000, s0;
	s20 =	sadd.s32 $0x62800, s0;
	[dreg:$0x14] =	wrdreg s14  }
0x1c: {  	s23 =	sadd.s32 $0x63000, s0;
	s21 =	sadd.s32 $0x63800, s0;
	[dreg:$0x15] =	wrdreg s15  }
0x1d: {  	s22 =	smax.u32 s1, $0x1;
	s24 =	simm.s32 $0x9;
	[dreg:$0x16] =	wrdreg s16  }
0x1e: {  	s25 =	simm.s32 $0x80;
	s0 =	simm.s32 $0xC400;
	[dreg:$0x17] =	wrdreg s20  }
0x1f: {  	s1 =	simm.s32 $0x1;
	s8 =	simm.s32 $0x12400;
	[dreg:$0x18] =	wrdreg s23  }
0x20: {  	s23 =	sadd.s32 $0x20000, s2;
	s2 =	simm.s32 $0x2;
	s12 =	simm.s32 $0x6  }
0x21: {  	s13 =	simm.s32 $0x7;
	s14 =	simm.s32 $0x8;
	s15 =	simm.s32 $0x0  }
.LBB2_1:
0x22: {  	s16 =	simm.s32 $0x0;
	s17 =	rddreg [dreg:$0xa]  }
0x23: {  	[tilespmem:s16], [sflag:$0x9] =	stream.linear.gather [hbm4b:s17+s16], $0x6400, $0x38;
	[tilespmem:$0x16400] =	vst v63  }
0x24: {  	_ =	swait.ge [sflag:s24], $0x6400  }
0x25: {  	[sflag:s24] =	ssyncset.done $0x0  }
0x26: {  	[sflag:s24] =	ssyncadd.s32 $0xFFFF9C00  }
0x27: {  	[tilespmem:s26], [sflag:$0x1] =	stream.indirect.gather [hbm4b:s3+s25], $0x40, s16, s25, $0xb8;
	[tilespmem:$0x16400] =	vst v63  }
0x28: {  	_ = 	snop  }
0x29: {  	[tilespmem:s28], [sflag:$0x2] =	stream.indirect.gather [hbm4b:s3+s25], $0x40, s25, s25, $0xb8;
	[tilespmem:$0x16400] =	vst v63  }
0x2a: {  	s20 =	simm.s32 $0x100  }
0x2b: {  	[tilespmem:s30], [sflag:$0x3] =	stream.indirect.gather [hbm4b:s3+s25], $0x40, s20, s25, $0xb8;
	[tilespmem:$0x16400] =	vst v63  }
0x2c: {  	s17 =	simm.s32 $0x180  }
0x2d: {  	[tilespmem:s0], [sflag:$0x4] =	stream.indirect.gather [hbm4b:s3+s25], $0x40, s17, s25, $0xb8;
	[tilespmem:$0x16400] =	vst v63  }
0x2e: {  	_ =	swait.ge [sflag:s1], $0x2000  }
0x2f: {  	[sflag:s1] =	ssyncset.done $0x0  }
0x30: {  	[sflag:s1] =	ssyncadd.s32 $0xFFFFE000  }
0x31: {  	[hbm4b:s6+s29] =	stream.strided.scatter [tilespmem:s26], [sflag:$0x1], $0x2000, s25, s29, $0x38;
	[tilespmem:$0x16400] =	vst v63  }
0x32: {  	s18 =	simm.s32 $0x200  }
0x33: {  	[tilespmem:s31], [sflag:$0x5] =	stream.indirect.gather [hbm4b:s3+s25], $0x40, s18, s25, $0xb8;
	[tilespmem:$0x16400] =	vst v63  }
0x34: {  	_ =	swait.ge [sflag:s2], $0x2000  }
0x35: {  	[sflag:s2] =	ssyncset.done $0x0  }
0x36: {  	s19 =	rddreg [dreg:$0xb];
	[sflag:s2] =	ssyncadd.s32 $0xFFFFE000  }
0x37: {  	[hbm4b:s19+s29] =	stream.strided.scatter [tilespmem:s28], [sflag:$0x2], $0x2000, s25, s29, $0x38;
	[tilespmem:$0x16400] =	vst v63  }
0x38: {  	s20 =	simm.s32 $0x280  }
0x39: {  	[tilespmem:s5], [sflag:$0x6] =	stream.indirect.gather [hbm4b:s3+s25], $0x40, s20, s25, $0xb8;
	[tilespmem:$0x16400] =	vst v63  }
0x3a: {  	_ =	swait.ge [sflag:s7], $0x2000  }
0x3b: {  	[sflag:s7] =	ssyncset.done $0x0  }
0x3c: {  	s17 =	rddreg [dreg:$0xc];
	[sflag:s7] =	ssyncadd.s32 $0xFFFFE000  }
0x3d: {  	[hbm4b:s17+s29] =	stream.strided.scatter [tilespmem:s30], [sflag:$0x3], $0x2000, s25, s29, $0x38;
	[tilespmem:$0x16400] =	vst v63  }
0x3e: {  	s18 =	simm.s32 $0x300  }
0x3f: {  	[tilespmem:s8], [sflag:$0x7] =	stream.indirect.gather [hbm4b:s3+s25], $0x40, s18, s25, $0xb8;
	[tilespmem:$0x16400] =	vst v63  }
0x40: {  	_ =	swait.ge [sflag:s9], $0x2000  }
0x41: {  	[sflag:s9] =	ssyncset.done $0x0  }
0x42: {  	s19 =	rddreg [dreg:$0xd];
	[sflag:s9] =	ssyncadd.s32 $0xFFFFE000  }
0x43: {  	[hbm4b:s19+s29] =	stream.strided.scatter [tilespmem:s0], [sflag:$0x4], $0x2000, s25, s29, $0x38;
	[tilespmem:$0x16400] =	vst v63  }
0x44: {  	s20 =	simm.s32 $0x380  }
0x45: {  	[tilespmem:s10], [sflag:$0x8] =	stream.indirect.gather [hbm4b:s3+s25], $0x40, s20, s25, $0xb8;
	[tilespmem:$0x16400] =	vst v63  }
0x46: {  	_ =	swait.ge [sflag:s1], $0x2000  }
0x47: {  	[sflag:s1] =	ssyncset.done $0x0  }
0x48: {  	s17 =	simm.s32 $0x400;
	[sflag:s1] =	ssyncadd.s32 $0xFFFFE000  }
0x49: {  	[tilespmem:s26], [sflag:$0x1] =	stream.indirect.gather [hbm4b:s3+s25], $0x40, s17, s25, $0xb8;
	[tilespmem:$0x16400] =	vst v63  }
0x4a: {  	_ =	swait.ge [sflag:s11], $0x2000  }
0x4b: {  	[sflag:s11] =	ssyncset.done $0x0  }
0x4c: {  	s18 =	rddreg [dreg:$0xe];
	[sflag:s11] =	ssyncadd.s32 $0xFFFFE000  }
0x4d: {  	[hbm4b:s18+s29] =	stream.strided.scatter [tilespmem:s31], [sflag:$0x5], $0x2000, s25, s29, $0x38;
	[tilespmem:$0x16400] =	vst v63  }
0x4e: {  	_ =	swait.ge [sflag:s2], $0x2000  }
0x4f: {  	[sflag:s2] =	ssyncset.done $0x0  }
0x50: {  	s19 =	simm.s32 $0x480;
	[sflag:s2] =	ssyncadd.s32 $0xFFFFE000  }
0x51: {  	[tilespmem:s28], [sflag:$0x2] =	stream.indirect.gather [hbm4b:s3+s25], $0x40, s19, s25, $0xb8;
	[tilespmem:$0x16400] =	vst v63  }
0x52: {  	_ =	swait.ge [sflag:s12], $0x2000  }
0x53: {  	[sflag:s12] =	ssyncset.done $0x0  }
0x54: {  	s20 =	rddreg [dreg:$0xf];
	[sflag:s12] =	ssyncadd.s32 $0xFFFFE000  }
0x55: {  	[hbm4b:s20+s29] =	stream.strided.scatter [tilespmem:s5], [sflag:$0x6], $0x2000, s25, s29, $0x38;
	[tilespmem:$0x16400] =	vst v63  }
0x56: {  	_ =	swait.ge [sflag:s7], $0x2000  }
0x57: {  	[sflag:s7] =	ssyncset.done $0x0  }
0x58: {  	s17 =	simm.s32 $0x500;
	[sflag:s7] =	ssyncadd.s32 $0xFFFFE000  }
0x59: {  	[tilespmem:s30], [sflag:$0x3] =	stream.indirect.gather [hbm4b:s3+s25], $0x40, s17, s25, $0xb8;
	[tilespmem:$0x16400] =	vst v63  }
0x5a: {  	_ =	swait.ge [sflag:s13], $0x2000  }
0x5b: {  	[sflag:s13] =	ssyncset.done $0x0  }
0x5c: {  	s18 =	rddreg [dreg:$0x10];
	[sflag:s13] =	ssyncadd.s32 $0xFFFFE000  }
0x5d: {  	[hbm4b:s18+s29] =	stream.strided.scatter [tilespmem:s8], [sflag:$0x7], $0x2000, s25, s29, $0x38;
	[tilespmem:$0x16400] =	vst v63  }
0x5e: {  	_ =	swait.ge [sflag:s9], $0x2000  }
0x5f: {  	[sflag:s9] =	ssyncset.done $0x0  }
0x60: {  	s19 =	simm.s32 $0x580;
	[sflag:s9] =	ssyncadd.s32 $0xFFFFE000  }
0x61: {  	[tilespmem:s0], [sflag:$0x4] =	stream.indirect.gather [hbm4b:s3+s25], $0x40, s19, s25, $0xb8;
	[tilespmem:$0x16400] =	vst v63  }
0x62: {  	_ =	swait.ge [sflag:s14], $0x2000  }
0x63: {  	[sflag:s14] =	ssyncset.done $0x0  }
0x64: {  	s20 =	rddreg [dreg:$0x11];
	[sflag:s14] =	ssyncadd.s32 $0xFFFFE000  }
0x65: {  	[hbm4b:s20+s29] =	stream.strided.scatter [tilespmem:s10], [sflag:$0x8], $0x2000, s25, s29, $0x38;
	[tilespmem:$0x16400] =	vst v63  }
0x66: {  	_ =	swait.ge [sflag:s11], $0x2000  }
0x67: {  	[sflag:s11] =	ssyncset.done $0x0  }
0x68: {  	s17 =	simm.s32 $0x600;
	[sflag:s11] =	ssyncadd.s32 $0xFFFFE000  }
0x69: {  	[tilespmem:s31], [sflag:$0x5] =	stream.indirect.gather [hbm4b:s3+s25], $0x40, s17, s25, $0xb8;
	[tilespmem:$0x16400] =	vst v63  }
0x6a: {  	_ =	swait.ge [sflag:s1], $0x2000  }
0x6b: {  	s18 =	sshrl.u32 s23, $0x3;
	[sflag:s1] =	ssyncset.done $0x0  }
0x6c: {  	s16 =	sadd.s32 s4, s18;
	[sflag:s1] =	ssyncadd.s32 $0xFFFFE000  }
0x6d: {  	[hbm4b:s16+s29] =	stream.strided.scatter [tilespmem:s26], [sflag:$0x1], $0x2000, s25, s29, $0x38;
	[tilespmem:$0x16400] =	vst v63  }
0x6e: {  	_ =	swait.ge [sflag:s12], $0x2000  }
0x6f: {  	[sflag:s12] =	ssyncset.done $0x0  }
0x70: {  	s19 =	simm.s32 $0x680;
	[sflag:s12] =	ssyncadd.s32 $0xFFFFE000  }
0x71: {  	[tilespmem:s5], [sflag:$0x6] =	stream.indirect.gather [hbm4b:s3+s25], $0x40, s19, s25, $0xb8;
	[tilespmem:$0x16400] =	vst v63  }
0x72: {  	_ =	swait.ge [sflag:s2], $0x2000  }
0x73: {  	s20 =	rddreg [dreg:$0x5];
	[sflag:s2] =	ssyncset.done $0x0  }
0x74: {  	[sflag:s2] =	ssyncadd.s32 $0xFFFFE000;
	s16 =	sadd.s32 s4, s20  }
0x75: {  	[hbm4b:s16+s29] =	stream.strided.scatter [tilespmem:s28], [sflag:$0x2], $0x2000, s25, s29, $0x38;
	[tilespmem:$0x16400] =	vst v63  }
0x76: {  	_ =	swait.ge [sflag:s13], $0x2000  }
0x77: {  	[sflag:s13] =	ssyncset.done $0x0  }
0x78: {  	s17 =	simm.s32 $0x700;
	[sflag:s13] =	ssyncadd.s32 $0xFFFFE000  }
0x79: {  	[tilespmem:s8], [sflag:$0x7] =	stream.indirect.gather [hbm4b:s3+s25], $0x40, s17, s25, $0xb8;
	[tilespmem:$0x16400] =	vst v63  }
0x7a: {  	_ =	swait.ge [sflag:s7], $0x2000  }
0x7b: {  	s18 =	rddreg [dreg:$0x4];
	[sflag:s7] =	ssyncset.done $0x0  }
0x7c: {  	[sflag:s7] =	ssyncadd.s32 $0xFFFFE000;
	s16 =	sadd.s32 s4, s18  }
0x7d: {  	[hbm4b:s16+s29] =	stream.strided.scatter [tilespmem:s30], [sflag:$0x3], $0x2000, s25, s29, $0x38;
	[tilespmem:$0x16400] =	vst v63  }
0x7e: {  	_ =	swait.ge [sflag:s14], $0x2000  }
0x7f: {  	[sflag:s14] =	ssyncset.done $0x0  }
0x80: {  	s19 =	simm.s32 $0x780;
	[sflag:s14] =	ssyncadd.s32 $0xFFFFE000  }
0x81: {  	[tilespmem:s10], [sflag:$0x8] =	stream.indirect.gather [hbm4b:s3+s25], $0x40, s19, s25, $0xb8;
	[tilespmem:$0x16400] =	vst v63  }
0x82: {  	_ =	swait.ge [sflag:s9], $0x2000  }
0x83: {  	s20 =	rddreg [dreg:$0x3];
	[sflag:s9] =	ssyncset.done $0x0  }
0x84: {  	[sflag:s9] =	ssyncadd.s32 $0xFFFFE000;
	s16 =	sadd.s32 s4, s20  }
0x85: {  	[hbm4b:s16+s29] =	stream.strided.scatter [tilespmem:s0], [sflag:$0x4], $0x2000, s25, s29, $0x38;
	[tilespmem:$0x16400] =	vst v63  }
0x86: {  	_ =	swait.ge [sflag:s1], $0x2000  }
0x87: {  	[sflag:s1] =	ssyncset.done $0x0  }
0x88: {  	s17 =	simm.s32 $0x800;
	[sflag:s1] =	ssyncadd.s32 $0xFFFFE000  }
0x89: {  	[tilespmem:s26], [sflag:$0x1] =	stream.indirect.gather [hbm4b:s3+s25], $0x40, s17, s25, $0xb8;
	[tilespmem:$0x16400] =	vst v63  }
0x8a: {  	_ =	swait.ge [sflag:s11], $0x2000  }
0x8b: {  	s18 =	rddreg [dreg:$0x9];
	[sflag:s11] =	ssyncset.done $0x0  }
0x8c: {  	[sflag:s11] =	ssyncadd.s32 $0xFFFFE000;
	s16 =	sadd.s32 s4, s18  }
0x8d: {  	[hbm4b:s16+s29] =	stream.strided.scatter [tilespmem:s31], [sflag:$0x5], $0x2000, s25, s29, $0x38;
	[tilespmem:$0x16400] =	vst v63  }
0x8e: {  	_ =	swait.ge [sflag:s2], $0x2000  }
0x8f: {  	[sflag:s2] =	ssyncset.done $0x0  }
0x90: {  	s19 =	simm.s32 $0x880;
	[sflag:s2] =	ssyncadd.s32 $0xFFFFE000  }
0x91: {  	[tilespmem:s28], [sflag:$0x2] =	stream.indirect.gather [hbm4b:s3+s25], $0x40, s19, s25, $0xb8;
	[tilespmem:$0x16400] =	vst v63  }
0x92: {  	_ =	swait.ge [sflag:s12], $0x2000  }
0x93: {  	s20 =	rddreg [dreg:$0x8];
	[sflag:s12] =	ssyncset.done $0x0  }
0x94: {  	[sflag:s12] =	ssyncadd.s32 $0xFFFFE000;
	s16 =	sadd.s32 s4, s20  }
0x95: {  	[hbm4b:s16+s29] =	stream.strided.scatter [tilespmem:s5], [sflag:$0x6], $0x2000, s25, s29, $0x38;
	[tilespmem:$0x16400] =	vst v63  }
0x96: {  	_ =	swait.ge [sflag:s7], $0x2000  }
0x97: {  	[sflag:s7] =	ssyncset.done $0x0  }
0x98: {  	s17 =	simm.s32 $0x900;
	[sflag:s7] =	ssyncadd.s32 $0xFFFFE000  }
0x99: {  	[tilespmem:s30], [sflag:$0x3] =	stream.indirect.gather [hbm4b:s3+s25], $0x40, s17, s25, $0xb8;
	[tilespmem:$0x16400] =	vst v63  }
0x9a: {  	_ =	swait.ge [sflag:s13], $0x2000  }
0x9b: {  	s18 =	rddreg [dreg:$0x7];
	[sflag:s13] =	ssyncset.done $0x0  }
0x9c: {  	[sflag:s13] =	ssyncadd.s32 $0xFFFFE000;
	s16 =	sadd.s32 s4, s18  }
0x9d: {  	[hbm4b:s16+s29] =	stream.strided.scatter [tilespmem:s8], [sflag:$0x7], $0x2000, s25, s29, $0x38;
	[tilespmem:$0x16400] =	vst v63  }
0x9e: {  	_ =	swait.ge [sflag:s9], $0x2000  }
0x9f: {  	[sflag:s9] =	ssyncset.done $0x0  }
0xa0: {  	s19 =	simm.s32 $0x980;
	[sflag:s9] =	ssyncadd.s32 $0xFFFFE000  }
0xa1: {  	[tilespmem:s0], [sflag:$0x4] =	stream.indirect.gather [hbm4b:s3+s25], $0x40, s19, s25, $0xb8;
	[tilespmem:$0x16400] =	vst v63  }
0xa2: {  	s17 =	sadd.s32 $0x20000, s23;
	_ =	swait.ge [sflag:s14], $0x2000  }
0xa3: {  	s18 =	sadd.s32 $0x4000, s4;
	s20 =	rddreg [dreg:$0x6];
	[sflag:s14] =	ssyncset.done $0x0  }
0xa4: {  	s16 =	simm.s32 $0x1000;
	[sflag:s14] =	ssyncadd.s32 $0xFFFFE000;
	s19 =	sadd.s32 s4, s20  }
.LBB2_2:
0xa5: {  	[hbm4b:s19+s29] =	stream.strided.scatter [tilespmem:s10], [sflag:$0x8], $0x2000, s25, s29, $0x38;
	[tilespmem:$0x16400] =	vst v63  }
0xa6: {  	s20 =	smov.u32 s16;
	_ =	swait.ge [sflag:s11], $0x2000  }
0xa7: {  	s19 =	sshra.s32 s20, $0x2;
	[sflag:s11] =	ssyncset.done $0x0  }
0xa8: {  	s20 =	sadd.s32 $0x600, s19;
	[sflag:s11] =	ssyncadd.s32 $0xFFFFE000  }
0xa9: {  	[tilespmem:s31], [sflag:$0x5] =	stream.indirect.gather [hbm4b:s3+s25], $0x40, s20, s25, $0xb8;
	[tilespmem:$0x16400] =	vst v63  }
0xaa: {  	_ =	swait.ge [sflag:s1], $0x2000  }
0xab: {  	s20 =	sshrl.u32 s17, $0x3;
	[sflag:s1] =	ssyncset.done $0x0  }
0xac: {  	s20 =	sadd.s32 s4, s20;
	[sflag:s1] =	ssyncadd.s32 $0xFFFFE000  }
0xad: {  	[hbm4b:s20+s29] =	stream.strided.scatter [tilespmem:s26], [sflag:$0x1], $0x2000, s25, s29, $0x38;
	[tilespmem:$0x16400] =	vst v63  }
0xae: {  	_ =	swait.ge [sflag:s12], $0x2000  }
0xaf: {  	[sflag:s12] =	ssyncset.done $0x0  }
0xb0: {  	s20 =	sadd.s32 $0x680, s19;
	[sflag:s12] =	ssyncadd.s32 $0xFFFFE000  }
0xb1: {  	[tilespmem:s5], [sflag:$0x6] =	stream.indirect.gather [hbm4b:s3+s25], $0x40, s20, s25, $0xb8;
	[tilespmem:$0x16400] =	vst v63  }
0xb2: {  	_ =	swait.ge [sflag:s2], $0x2000  }
0xb3: {  	s20 =	rddreg [dreg:$0x5];
	[sflag:s2] =	ssyncset.done $0x0  }
0xb4: {  	[sflag:s2] =	ssyncadd.s32 $0xFFFFE000;
	s20 =	sadd.s32 s18, s20  }
0xb5: {  	[hbm4b:s20+s29] =	stream.strided.scatter [tilespmem:s28], [sflag:$0x2], $0x2000, s25, s29, $0x38;
	[tilespmem:$0x16400] =	vst v63  }
0xb6: {  	_ =	swait.ge [sflag:s13], $0x2000  }
0xb7: {  	[sflag:s13] =	ssyncset.done $0x0  }
0xb8: {  	s20 =	sadd.s32 $0x700, s19;
	[sflag:s13] =	ssyncadd.s32 $0xFFFFE000  }
0xb9: {  	[tilespmem:s8], [sflag:$0x7] =	stream.indirect.gather [hbm4b:s3+s25], $0x40, s20, s25, $0xb8;
	[tilespmem:$0x16400] =	vst v63  }
0xba: {  	_ =	swait.ge [sflag:s7], $0x2000  }
0xbb: {  	s20 =	rddreg [dreg:$0x4];
	[sflag:s7] =	ssyncset.done $0x0  }
0xbc: {  	[sflag:s7] =	ssyncadd.s32 $0xFFFFE000;
	s20 =	sadd.s32 s18, s20  }
0xbd: {  	[hbm4b:s20+s29] =	stream.strided.scatter [tilespmem:s30], [sflag:$0x3], $0x2000, s25, s29, $0x38;
	[tilespmem:$0x16400] =	vst v63  }
0xbe: {  	_ =	swait.ge [sflag:s14], $0x2000  }
0xbf: {  	[sflag:s14] =	ssyncset.done $0x0  }
0xc0: {  	s20 =	sadd.s32 $0x780, s19;
	[sflag:s14] =	ssyncadd.s32 $0xFFFFE000  }
0xc1: {  	[tilespmem:s10], [sflag:$0x8] =	stream.indirect.gather [hbm4b:s3+s25], $0x40, s20, s25, $0xb8;
	[tilespmem:$0x16400] =	vst v63  }
0xc2: {  	_ =	swait.ge [sflag:s9], $0x2000  }
0xc3: {  	s20 =	rddreg [dreg:$0x3];
	[sflag:s9] =	ssyncset.done $0x0  }
0xc4: {  	[sflag:s9] =	ssyncadd.s32 $0xFFFFE000;
	s20 =	sadd.s32 s18, s20  }
0xc5: {  	[hbm4b:s20+s29] =	stream.strided.scatter [tilespmem:s0], [sflag:$0x4], $0x2000, s25, s29, $0x38;
	[tilespmem:$0x16400] =	vst v63  }
0xc6: {  	_ =	swait.ge [sflag:s1], $0x2000  }
0xc7: {  	[sflag:s1] =	ssyncset.done $0x0  }
0xc8: {  	s20 =	sadd.s32 $0x800, s19;
	[sflag:s1] =	ssyncadd.s32 $0xFFFFE000  }
0xc9: {  	[tilespmem:s26], [sflag:$0x1] =	stream.indirect.gather [hbm4b:s3+s25], $0x40, s20, s25, $0xb8;
	[tilespmem:$0x16400] =	vst v63  }
0xca: {  	_ =	swait.ge [sflag:s11], $0x2000  }
0xcb: {  	s20 =	rddreg [dreg:$0x9];
	[sflag:s11] =	ssyncset.done $0x0  }
0xcc: {  	[sflag:s11] =	ssyncadd.s32 $0xFFFFE000;
	s20 =	sadd.s32 s18, s20  }
0xcd: {  	[hbm4b:s20+s29] =	stream.strided.scatter [tilespmem:s31], [sflag:$0x5], $0x2000, s25, s29, $0x38;
	[tilespmem:$0x16400] =	vst v63  }
0xce: {  	_ =	swait.ge [sflag:s2], $0x2000  }
0xcf: {  	[sflag:s2] =	ssyncset.done $0x0  }
0xd0: {  	s20 =	sadd.s32 $0x880, s19;
	[sflag:s2] =	ssyncadd.s32 $0xFFFFE000  }
0xd1: {  	[tilespmem:s28], [sflag:$0x2] =	stream.indirect.gather [hbm4b:s3+s25], $0x40, s20, s25, $0xb8;
	[tilespmem:$0x16400] =	vst v63  }
0xd2: {  	_ =	swait.ge [sflag:s12], $0x2000  }
0xd3: {  	s20 =	rddreg [dreg:$0x8];
	[sflag:s12] =	ssyncset.done $0x0  }
0xd4: {  	[sflag:s12] =	ssyncadd.s32 $0xFFFFE000;
	s20 =	sadd.s32 s18, s20  }
0xd5: {  	[hbm4b:s20+s29] =	stream.strided.scatter [tilespmem:s5], [sflag:$0x6], $0x2000, s25, s29, $0x38;
	[tilespmem:$0x16400] =	vst v63  }
0xd6: {  	_ =	swait.ge [sflag:s7], $0x2000  }
0xd7: {  	[sflag:s7] =	ssyncset.done $0x0  }
0xd8: {  	s20 =	sadd.s32 $0x900, s19;
	[sflag:s7] =	ssyncadd.s32 $0xFFFFE000  }
0xd9: {  	[tilespmem:s30], [sflag:$0x3] =	stream.indirect.gather [hbm4b:s3+s25], $0x40, s20, s25, $0xb8;
	[tilespmem:$0x16400] =	vst v63  }
0xda: {  	_ =	swait.ge [sflag:s13], $0x2000  }
0xdb: {  	s20 =	rddreg [dreg:$0x7];
	[sflag:s13] =	ssyncset.done $0x0  }
0xdc: {  	[sflag:s13] =	ssyncadd.s32 $0xFFFFE000;
	s20 =	sadd.s32 s18, s20  }
0xdd: {  	[hbm4b:s20+s29] =	stream.strided.scatter [tilespmem:s8], [sflag:$0x7], $0x2000, s25, s29, $0x38;
	[tilespmem:$0x16400] =	vst v63  }
0xde: {  	_ =	swait.ge [sflag:s9], $0x2000  }
0xdf: {  	p0 =	sne.s32 s16, $0x16000;
	[sflag:s9] =	ssyncset.done $0x0  }
.Ltmp0:
0xe0: {  	s19 =	sadd.s32 $0x980, s19;
	[sflag:s9] =	ssyncadd.s32 $0xFFFFE000;
	(pc) =	sbr.rel @p0 .LBB2_2-.Ltmp0, $4  }
0xe1: {  	[tilespmem:s0], [sflag:$0x4] =	stream.indirect.gather [hbm4b:s3+s25], $0x40, s19, s25, $0xb8;
	[tilespmem:$0x16400] =	vst v63  }
0xe2: {  	s16 =	sadd.s32 $0x1000, s16;
	_ =	swait.ge [sflag:s14], $0x2000  }
0xe3: {  	s17 =	sadd.s32 $0x20000, s17;
	[sflag:s14] =	ssyncset.done $0x0;
	s20 =	rddreg [dreg:$0x6]  }
0xe4: {  	[sflag:s14] =	ssyncadd.s32 $0xFFFFE000;
	s19 =	sadd.s32 s18, s20;
	s18 =	sadd.s32 $0x4000, s18  }
0xe5: {  	[hbm4b:s19+s29] =	stream.strided.scatter [tilespmem:s10], [sflag:$0x8], $0x2000, s25, s29, $0x38;
	[tilespmem:$0x16400] =	vst v63  }
0xe6: {  	_ =	swait.ge [sflag:s11], $0x2000  }
0xe7: {  	[sflag:s11] =	ssyncset.done $0x0  }
0xe8: {  	s16 =	simm.s32 $0x6200;
	[sflag:s11] =	ssyncadd.s32 $0xFFFFE000  }
0xe9: {  	[tilespmem:s31], [sflag:$0x5] =	stream.indirect.gather [hbm4b:s3+s25], $0x40, s16, s25, $0xb8;
	[tilespmem:$0x16400] =	vst v63  }
0xea: {  	_ =	swait.ge [sflag:s1], $0x2000  }
0xeb: {  	[sflag:s1] =	ssyncset.done $0x0  }
0xec: {  	s19 =	rddreg [dreg:$0x12];
	[sflag:s1] =	ssyncadd.s32 $0xFFFFE000  }
0xed: {  	[hbm4b:s19+s29] =	stream.strided.scatter [tilespmem:s26], [sflag:$0x1], $0x2000, s25, s29, $0x38;
	[tilespmem:$0x16400] =	vst v63  }
0xee: {  	_ =	swait.ge [sflag:s12], $0x2000  }
0xef: {  	[sflag:s12] =	ssyncset.done $0x0  }
0xf0: {  	s20 =	simm.s32 $0x6280;
	[sflag:s12] =	ssyncadd.s32 $0xFFFFE000  }
0xf1: {  	[tilespmem:s5], [sflag:$0x6] =	stream.indirect.gather [hbm4b:s3+s25], $0x40, s20, s25, $0xb8;
	[tilespmem:$0x16400] =	vst v63  }
0xf2: {  	_ =	swait.ge [sflag:s2], $0x2000  }
0xf3: {  	[sflag:s2] =	ssyncset.done $0x0  }
0xf4: {  	s17 =	rddreg [dreg:$0x13];
	[sflag:s2] =	ssyncadd.s32 $0xFFFFE000  }
0xf5: {  	[hbm4b:s17+s29] =	stream.strided.scatter [tilespmem:s28], [sflag:$0x2], $0x2000, s25, s29, $0x38;
	[tilespmem:$0x16400] =	vst v63  }
0xf6: {  	_ =	swait.ge [sflag:s13], $0x2000  }
0xf7: {  	[sflag:s13] =	ssyncset.done $0x0  }
0xf8: {  	s18 =	simm.s32 $0x6300;
	[sflag:s13] =	ssyncadd.s32 $0xFFFFE000  }
0xf9: {  	[tilespmem:s8], [sflag:$0x7] =	stream.indirect.gather [hbm4b:s3+s25], $0x40, s18, s25, $0xb8;
	[tilespmem:$0x16400] =	vst v63  }
0xfa: {  	_ =	swait.ge [sflag:s7], $0x2000  }
0xfb: {  	[sflag:s7] =	ssyncset.done $0x0  }
0xfc: {  	s19 =	rddreg [dreg:$0x14];
	[sflag:s7] =	ssyncadd.s32 $0xFFFFE000  }
0xfd: {  	[hbm4b:s19+s29] =	stream.strided.scatter [tilespmem:s30], [sflag:$0x3], $0x2000, s25, s29, $0x38;
	[tilespmem:$0x16400] =	vst v63  }
0xfe: {  	_ =	swait.ge [sflag:s14], $0x2000  }
0xff: {  	[sflag:s14] =	ssyncset.done $0x0  }
0x100: {  	s20 =	simm.s32 $0x6380;
	[sflag:s14] =	ssyncadd.s32 $0xFFFFE000  }
0x101: {  	[tilespmem:s10], [sflag:$0x8] =	stream.indirect.gather [hbm4b:s3+s25], $0x40, s20, s25, $0xb8;
	[tilespmem:$0x16400] =	vst v63  }
0x102: {  	_ =	swait.ge [sflag:s9], $0x2000  }
0x103: {  	[sflag:s9] =	ssyncset.done $0x0  }
0x104: {  	s17 =	rddreg [dreg:$0x15];
	[sflag:s9] =	ssyncadd.s32 $0xFFFFE000  }
0x105: {  	[hbm4b:s17+s29] =	stream.strided.scatter [tilespmem:s0], [sflag:$0x4], $0x2000, s25, s29, $0x38;
	[tilespmem:$0x16400] =	vst v63  }
0x106: {  	_ =	swait.ge [sflag:s1], $0x2000  }
0x107: {  	[sflag:s1] =	ssyncset.done $0x0  }
0x108: {  	[sflag:s1] =	ssyncadd.s32 $0xFFFFE000  }
0x109: {  	_ =	swait.ge [sflag:s11], $0x2000  }
0x10a: {  	[sflag:s11] =	ssyncset.done $0x0  }
0x10b: {  	s18 =	rddreg [dreg:$0x16];
	[sflag:s11] =	ssyncadd.s32 $0xFFFFE000  }
0x10c: {  	[hbm4b:s18+s29] =	stream.strided.scatter [tilespmem:s31], [sflag:$0x5], $0x2000, s25, s29, $0x38;
	[tilespmem:$0x16400] =	vst v63  }
0x10d: {  	_ =	swait.ge [sflag:s2], $0x2000  }
0x10e: {  	[sflag:s2] =	ssyncset.done $0x0  }
0x10f: {  	[sflag:s2] =	ssyncadd.s32 $0xFFFFE000  }
0x110: {  	_ =	swait.ge [sflag:s12], $0x2000  }
0x111: {  	[sflag:s12] =	ssyncset.done $0x0  }
0x112: {  	s19 =	rddreg [dreg:$0x17];
	[sflag:s12] =	ssyncadd.s32 $0xFFFFE000  }
0x113: {  	[hbm4b:s19+s29] =	stream.strided.scatter [tilespmem:s5], [sflag:$0x6], $0x2000, s25, s29, $0x38;
	[tilespmem:$0x16400] =	vst v63  }
0x114: {  	_ =	swait.ge [sflag:s7], $0x2000  }
0x115: {  	[sflag:s7] =	ssyncset.done $0x0  }
0x116: {  	[sflag:s7] =	ssyncadd.s32 $0xFFFFE000  }
0x117: {  	_ =	swait.ge [sflag:s13], $0x2000  }
0x118: {  	[sflag:s13] =	ssyncset.done $0x0  }
0x119: {  	s20 =	rddreg [dreg:$0x18];
	[sflag:s13] =	ssyncadd.s32 $0xFFFFE000  }
0x11a: {  	[hbm4b:s20+s29] =	stream.strided.scatter [tilespmem:s8], [sflag:$0x7], $0x2000, s25, s29, $0x38;
	[tilespmem:$0x16400] =	vst v63  }
0x11b: {  	_ =	swait.ge [sflag:s9], $0x2000  }
0x11c: {  	[sflag:s9] =	ssyncset.done $0x0  }
0x11d: {  	[sflag:s9] =	ssyncadd.s32 $0xFFFFE000  }
0x11e: {  	_ =	swait.ge [sflag:s14], $0x2000  }
0x11f: {  	[sflag:s14] =	ssyncset.done $0x0  }
0x120: {  	[sflag:s14] =	ssyncadd.s32 $0xFFFFE000  }
0x121: {  	[hbm4b:s21+s29] =	stream.strided.scatter [tilespmem:s10], [sflag:$0x8], $0x2000, s25, s29, $0x38;
	[tilespmem:$0x16400] =	vst v63  }
0x122: {  	_ =	swait.ge [sflag:s11], $0x2000  }
0x123: {  	[sflag:s11] =	ssyncset.done $0x0  }
0x124: {  	[sflag:s11] =	ssyncadd.s32 $0xFFFFE000  }
0x125: {  	_ =	swait.ge [sflag:s12], $0x2000  }
0x126: {  	[sflag:s12] =	ssyncset.done $0x0  }
0x127: {  	s15 =	sadd.s32 $0x1, s15;
	[sflag:s12] =	ssyncadd.s32 $0xFFFFE000  }
0x128: {  	p0 =	sne.s32 s15, s22;
	_ =	swait.ge [sflag:s13], $0x2000  }
.Ltmp1:
0x129: {  	[sflag:s13] =	ssyncset.done $0x0;
	(pc) =	sbr.rel @p0 .LBB2_1-.Ltmp1, $4  }
0x12a: {  	[sflag:s13] =	ssyncadd.s32 $0xFFFFE000  }
0x12b: {  	_ =	swait.ge [sflag:s14], $0x2000  }
0x12c: {  	[sflag:s14] =	ssyncset.done $0x0  }
0x12d: {  	[sflag:s14] =	ssyncadd.s32 $0xFFFFE000  }
0x12e: {  	_ =	sfence.sel $0x180000  }
0x12f: {  	[bflag:$0x0] =	sbarrier.arrive $0xFFFF  }
0x130: {  	_ =	strace $0x9000004A  }
0x131: {  	s0 =	stileid.u32;
	[bflag:$0x2] =	sbarrier.arrive $0xFFFF  }
0x132: {  	p0 =	sne.s32 s0, $0x0;
	s0 =	rddreg [dreg:$0x2]  }
0x133: {  	s0 =	sadd.s32 @!p0 $0x100000, s0  }
0x134: {  	[sflag:s0] =	ssyncadd.tile.s32 @!p0 $0x1;
	_ =	shalt  }
.Lfunc_end2:
_tile_overlayer_lowered:
.L_overlay_start_2:
0x135: {  	(tag) =	ssettag $0x2  }
0x136: {  	s0 =	rddreg [dreg:$0x0];
	s2 =	stileid.u32  }
0x137: {  	s1 =	rddreg [dreg:$0x1];
	p0 =	sne.s32 s2, $0x0  }
0x138: {  	s3 =	rddreg [dreg:$0x2];
	[bflag:$0x3] =	sbarrier.arrive $0xFFFF;
	s2 =	simm.s32 @!p0 $0x1C09  }
0x139: {  	[timem:s3], [sflag:s2] =	dma.local @!p0 [hbm:s0], s1  }
0x13a: {  	s0 =	simm.s32 @!p0 $0x9  }
0x13b: {  	_ =	swait.ge @!p0 [sflag:s0], s1  }
0x13c: {  	s1 =	ssub.s32 @!p0 $0x0, s1;
	[sflag:s0] =	ssyncset.done @!p0 $0x0  }
0x13d: {  	[sflag:s0] =	ssyncadd.s32 @!p0 s1  }
0x13e: {  	[bflag:$0x3] =	sbarrier.arrive $0xFFFF  }
0x13f: {  	_ =	shalt  }

// kernel: sparse-core-data-format-call.cloned.1.call-start
scs
called_computation_lowered:
.L_overlay_start_0:
0x0: {  	s2 =	sld [smem:$0x3FD9]  }
0x1: {  	s3 =	sld [smem:$0x3FFE];
	_ =	sdelay $0x1  }
0x2: {  	s1 =	srdreg.scid  }
0x3: {  	s0 =	sand.u32 $0x1, s1  }
0x4: {  	s18 =	sshll.u32 s0, $0xA;
	s2 =	sadd.s32 s3, s2  }
0x5: {  	s2 =	sadd.s32 s2, s18  }
0x6: {  	[smem:$0x3FC6] =	sst s2  }
0x7: {  	_ = 	snop  }
0x8: {  	s2 =	sld [smem:$0x3FD0];
	(tm) =	ssettm $0x1  }
0x9: {  	s19 =	sld [smem:$0x3FFB];
	_ =	sdelay $0x3  }
0xa: {  	_ =	strace s19  }
0xb: {  	s3 =	sld [smem:$0x3FFC];
	_ =	sdelay $0x3  }
0xc: {  	_ =	strace s3  }
0xd: {  	s3 =	sld [smem:$0x3FFD];
	_ =	sdelay $0x3  }
0xe: {  	_ =	strace s3  }
0xf: {  	_ =	strace $0x8FFFFFFF  }
0x10: {  	s20 =	sld [smem:$0x3FDB];
	_ =	sdelay $0x1  }
0x11: {  	s4 =	simm.s32 $_scs_section_size  }
0x12: {  	s5 =	simm.s32 $_size__tile_overlayer_lowered;
	s6 =	simm.s32 $_tile_overlayer_lowered  }
0x13: {  	s23 =	simm.s32 $0x1BFF;
	s22 =	sshll.u32 s6, $0x1;
	s3 =	sadd.s32 s4, s20  }
0x14: {  	s7 =	simm.s32 $0x0;
	s21 =	sshll.u32 s5, $0x1;
	s5 =	sadd.s32 s22, s3  }
0x15: {  	[timem:s7], [sflag:s23] =	dma.local [hbm:s5], s21  }
0x16: {  	_ =	swait.ge [sflag:s23], s21  }
0x17: {  	s4 =	ssub.s32 $0x0, s21;
	[sflag:s23] =	ssyncset.done $0x0  }
0x18: {  	[sflag:s23] =	ssyncadd.s32 s4;
	_ =	sdelay $0x1  }
0x19: {  	s24 =	simm.s32 $0x1B8B  }
0x1a: {  	_ =	swait.ge [sflag:s24], $0x1  }
0x1b: {  	[sflag:s24] =	ssyncset.done $0x0  }
0x1c: {  	s26 =	simm.s32 $0x1B8E;
	s25 =	sld [smem:$0x3FFE];
	[sflag:s24] =	ssyncadd.s32 $0xFFFFFFFF  }
0x1d: {  	s27 =	simm.s32 $execute0_lowered;
	[smem:$0x3FD2] =	sst s26  }
0x1e: {  	s5 =	sshll.u32 s27, $0x1;
	_ =	strace $0x8000004C;
	[dreg:$0x1] =	wrdreg $0xFFFFFFFF  }
0x1f: {  	s28 =	simm.s32 $_size_execute0_lowered;
	s3 =	sadd.s32 s3, s5;
	[dreg:$0x0] =	wrdreg $0x0  }
0x20: {  	s5 =	sshll.u32 s28, $0x1;
	[dreg:$0x2] =	wrdreg s3  }
0x21: {  	[dreg:$0x3] =	wrdreg s5  }
0x22: {  	[dreg:$0x4] =	wrdreg $0xC0  }
0x23: {  	_ =	task [dreg:s7], $0x5FFFF  }
0x24: {  	[dreg:$0x1] =	wrdreg $0xFFFFFFFF  }
0x25: {  	[dreg:$0x0] =	wrdreg $0x60  }
0x26: {  	[dreg:$0x2] =	wrdreg s25  }
0x27: {  	[dreg:$0x3] =	wrdreg s2  }
0x28: {  	[dreg:$0x4] =	wrdreg $0x9  }
0x29: {  	_ =	task.clear_ibuf [dreg:s7], $0x5FFFF;
	_ =	strace $0x9000004C  }
0x2a: {  	s29 =	simm.s32 $0x9;
	_ =	strace $0x8000004E  }
0x2b: {  	_ =	swait.ge [sflag:s29], $0x1  }
0x2c: {  	[sflag:s29] =	ssyncadd.s32 $0xFFFFFFFF  }
0x2d: {  	_ =	strace $0x9000004E  }
0x2e: {  	_ =	sfence  }
0x2f: {  	s30 =	sld [smem:$0x0];
	_ =	sdelay $0x2  }
0x30: {  	s31 =	sshll.u32 s1, $0xD;
	s1 =	sshrl.u32 s1, $0x2  }
0x31: {  	s3 =	sand.u32 $0x4000, s31;
	s1 =	sadd.s32 s1, s30  }
0x32: {  	s0 =	sor.u32 s3, s0;
	s1 =	sshll.u32 s1, $0x11  }
0x33: {  	s0 =	sor.u32 s1, s0  }
0x34: {  	s0 =	sadd.s32 $0x8F2B, s0  }
0x35: {  	[sflag:s0] =	ssyncadd.remote.s32 $0x1  }
0x36: {  	_ =	sfence.sel $0xFFFF  }
0x37: {  	[dreg:$0x0] =	wrdreg $0xFFFFFFFF;
	(pc) =	sbr.abs _section_cstart, $3  }
0x38: {  	[dreg:$0x1] =	wrdreg $0xFFFFFFFF  }
0x39: {  	_ =	task.clear_ibuf [dreg:s7], $0x2FFFF;
	_ =	strace $0x9FFFFFFF  }
0x3a: {  	(tm) =	ssettm $0x7FFFFFFF  }
0x3b: {  	_ =	shalt  }
tec
execute0_lowered:
.L_overlay_start_1:
0x0: {  	(tag) =	ssettag $0x1  }
0x1: {  	s0 =	srdreg.scid  }
0x2: {  	s1 =	sshll.u32 s0, $0x4  }
0x3: {  	s0 =	stileid.u32;
	s1 =	sand.u32 $0x10, s1  }
0x4: {  	s1 =	sor.u32 s0, s1  }
0x5: {  	s6 =	rddreg [dreg:$0x0];
	s4 =	simm.s32 $0x1;
	s2 =	sshll.u32 s1, $0x7  }
0x6: {  	s7 =	simm.s32 $0x2;
	s12 =	simm.s32 $0x0;
	s1 =	ssub.s32 $0x1000, s2  }
0x7: {  	s8 =	simm.s32 $0x8000;
	s13 =	simm.s32 $0x0;
	s3 =	sand.u32 $0xF80, s1  }
0x8: {  	s9 =	simm.s32 $0x0;
	s5 =	sshrl.u32 s1, $0xC;
	p0 =	sne.s32 s3, $0x0  }
.Ltmp0:
0x9: {  	s1 =	rddreg [dreg:$0x2];
	s4 =	simm.s32 @!p0 $0x0;
	(pc) =	sbr.rel .LBB1_1-.Ltmp0, $4  }
0xa: {  	s11 =	simm.s32 $0x0;
	s3 =	rddreg [dreg:$0x1];
	s5 =	sadd.s32 s4, s5  }
0xb: {  	_ =	strace $0x8000004D;
	s4 =	simm.s32 $0x1;
	s5 =	smul.u32 $0xC8, s5  }
0xc: {  	s6 =	sadd.s32 $0xF43A00, s6;
	s10 =	smov.u32 s2;
	[sflag:s4] =	ssyncpa.u1 $0x0  }
0xd: {  	p0 =	por $0x0, $0x0;
	[sflag:s7] =	ssyncpa.u1 $0x0;
	s7 =	sor.u32 $0x1, s5  }
.LBB1_4:
0xe: {  	s16 =	sshll.u32 s13, $0x3;
	s17 =	sand.u32 $0x78, s13  }
0xf: {  	s30 =	sand.u32 $0x7E00, s13;
	s12 =	sshll.u32 s12, $0xF;
	s16 =	sand.u32 $0xC00, s16  }
0x10: {  	[tilespmem:s15+$0x810 ss:$0x81] =	vst.msk $0xffff, v2;
	s31 =	sand.u32 $0x7, s13;
	s16 =	sor.u32 s17, s16;
	s17 =	sadd.s32 s3, s30  }
0x11: {  	[tilespmem:s15+$0x1020 ss:$0x81] =	vst.msk $0xffff, v0;
	s13 =	sshll.u32 s31, $0x12;
	s12 =	sadd.s32 s12, s17;
	s16 =	sshrl.u32 s16, $0x3  }
0x12: {  	[tilespmem:s15+$0x0 ss:$0x81] =	vst.msk $0xffff, v1;
	s13 =	sor.u32 $0x400, s13;
	s12 =	sadd.s32 s16, s12  }
0x13: {  	[hbm4b:s12+s13] =	stream.strided.scatter [tilespmem:s14], [sflag:$0x2], $0x2000, s8, s13, $0x20;
	[tilespmem:$0x8080] =	vst v63  }
.LBB1_5:
0x14: {  	s14 =	sadd.s32 $0x1, s9  }
0x15: {  	s12 =	sadd.s32 $0x1000, s10;
	s16 =	smov.u32 s10;
	p2 =	sgt.s32 s14, $0xC7  }
0x16: {  	s16 =	smov.u32 @p2 s12  }
0x17: {  	s14 =	simm.s32 @p2 $0x0;
	p2 =	sgt.s32 s16, $0xFFF  }
0x18: {  	s16 =	smov.u32 @p2 s2;
	p2 =	sne.s32 s11, s7  }
.Ltmp1:
0x19: {  	p1 =	slt.u32 s11, $0x2;
	(pc) =	sbr.rel @!p2 .LBB1_6-.Ltmp1, $4  }
0x1a: {  	s15 =	simm.s32 @!p1 $0x2  }
0x1b: {  	s13 =	smov.u32 s10;
	p0 =	por !p0, !p0;
	_ =	swait.ge @!p1 [sflag:s15], $0x2000  }
0x1c: {  	s12 =	smov.u32 s9;
	[sflag:s15] =	ssyncset.done @!p1 $0x0;
	s9 =	smov.u32 s14  }
0x1d: {  	s11 =	sadd.s32 $0x1, s11;
	[sflag:s15] =	ssyncadd.s32 @!p1 $0xFFFFE000;
	s10 =	smov.u32 s16  }
.LBB1_1:
0x1e: {  	p1 =	sge.u32 s11, s5  }
0x1f: {  	s14 =	sand.u32 @!p1 $0x1FFFFFF, s9  }
0x20: {  	s15 =	smulhi.u32 @!p1 $0x147AE15, s14;
	_ =	sdelay $0x1  }
0x21: {  	s15 =	smul.u32 @!p1 $0xC8, s15  }
0x22: {  	s16 =	sxor.u32 @!p1 $0xFFFFFFFF, s11;
	s17 =	smul.u32 @!p1 $0xC80, s10  }
0x23: {  	s31 =	sadd.s32 $0xFFFFFFFF, s11;
	s16 =	sshll.u32 @!p1 s16, $0xD;
	s14 =	ssub.s32 @!p1 s14, s15  }
0x24: {  	s15 =	sand.u32 @!p1 $0x2000, s16;
	s16 =	sadd.s32 @!p1 s6, s17;
	s14 =	sshll.u32 @!p1 s14, $0x4  }
0x25: {  	s17 =	simm.s32 @!p1 $0x6400;
	s14 =	sadd.s32 @!p1 s14, s16;
	s16 =	simm.s32 @!p1 $0x40  }
0x26: {  	[tilespmem:s15], [sflag:$0x1] =	stream.strided.gather @!p1 [hbm4b:s14+s16], $0x2000, s17, s16, $0x38;
	[tilespmem:$0x8080] =	vst v63  }
0x27: {  	p1 =	sge.u32 s31, s5  }
.Ltmp2:
0x28: {  	_ = 	snop;
	(pc) =	sbr.rel @p1 .LBB1_5-.Ltmp2, $1  }
0x29: {  	_ =	sdelay $0x3  }
0x2a: {  	s14 =	simm.s32 $0x1  }
0x2b: {  	_ =	swait.ge [sflag:s4], $0x2000;
	s14 =	simm.s32 @!p0 $0x0  }
0x2c: {  	[sflag:s4] =	ssyncset.done $0x0;
	s15 =	sshll.u32 s14, $0xD  }
0x2d: {  	[sflag:s4] =	ssyncadd.s32 $0xFFFFE000;
	s18 =	sor.u32 $0x20, s15  }
0x2e: {  	s14 =	smul.u32 $0x8100, s14;
	v3 =	vld [tilespmem:s18+$0x10]  }
0x2f: {  	s30 =	sand.u32 $0x1, s11;
	v2 =	vld [tilespmem:s18+$0xFFFFFFF0]  }
0x30: {  	s15 =	smul.u32 $0x8100, s30;
	s14 =	sshrl.u32 s14, $0x2;
	v0 =	vld [tilespmem:s18+$0x0]  }
0x31: {  	v1 =	vld [tilespmem:s18+$0xFFFFFFE0];
	s16 =	sor.u32 $0x4000, s14  }
0x32: {  	s31 =	sshrl.u32 s15, $0x2;
	s15 =	sadd.s32 $0x0, s16  }
0x33: {  	s17 =	simm.s32 $0x4;
	s18 =	sadd.s32 $0x40, s18;
	s14 =	sor.u32 $0x4000, s31;
	[tilespmem:s15+$0x1830 ss:$0x81] =	vst.msk $0xffff, v3  }
.LBB1_3:
0x34: {  	v3 =	vld [tilespmem:s18+$0x10];
	p1 =	sne.s32 s17, $0x1FC;
	[tilespmem:s15+$0x810 ss:$0x81] =	vst.msk $0xffff, v2;
	s19 =	smov.u32 s17;
	s17 =	sadd.s32 $0x4, s17  }
.Ltmp3:
0x35: {  	v2 =	vld [tilespmem:s18+$0xFFFFFFF0];
	[tilespmem:s15+$0x1020 ss:$0x81] =	vst.msk $0xffff, v0;
	(pc) =	sbr.rel @p1 .LBB1_3-.Ltmp3, $4  }
0x36: {  	v0 =	vld [tilespmem:s18+$0x0];
	[tilespmem:s15+$0x0 ss:$0x81] =	vst.msk $0xffff, v1  }
0x37: {  	s15 =	sshra.s32 s19, $0x2;
	v1 =	vld [tilespmem:s18+$0xFFFFFFE0]  }
0x38: {  	s15 =	sadd.s32 s15, s16  }
0x39: {  	s18 =	sadd.s32 $0x40, s18;
	[tilespmem:s15+$0x1830 ss:$0x81] =	vst.msk $0xffff, v3  }
.Ltmp4:
0x3a: {  	_ = 	snop;
	(pc) =	sbr.rel .LBB1_4-.Ltmp4, $1  }
0x3b: {  	_ =	sdelay $0x3  }
.LBB1_6:
0x3c: {  	_ =	sfence.sel $0x180000  }
0x3d: {  	s2 =	simm.s32 $0x1;
	[bflag:$0x0] =	sbarrier.arrive $0xFFFF  }
0x3e: {  	s31 =	simm.s32 $0x2;
	[sflag:s2] =	ssyncpa.u1 $0x1  }
0x3f: {  	[sflag:s31] =	ssyncpa.u1 $0x1  }
0x40: {  	p0 =	sne.s32 s0, $0x0;
	_ =	strace $0x9000004D  }
0x41: {  	s0 =	sadd.s32 @!p0 $0x100000, s1;
	[bflag:$0x2] =	sbarrier.arrive $0xFFFF  }
0x42: {  	[sflag:s0] =	ssyncadd.tile.s32 @!p0 $0x1;
	_ =	shalt  }
.Lfunc_end1:
_tile_overlayer_lowered:
.L_overlay_start_2:
0x43: {  	(tag) =	ssettag $0x2  }
0x44: {  	s0 =	rddreg [dreg:$0x0];
	s2 =	stileid.u32  }
0x45: {  	s1 =	rddreg [dreg:$0x1];
	p0 =	sne.s32 s2, $0x0  }
0x46: {  	s3 =	rddreg [dreg:$0x2];
	[bflag:$0x3] =	sbarrier.arrive $0xFFFF;
	s2 =	simm.s32 @!p0 $0x1C01  }
0x47: {  	[timem:s3], [sflag:s2] =	dma.local @!p0 [hbm:s0], s1  }
0x48: {  	s0 =	simm.s32 @!p0 $0x1  }
0x49: {  	_ =	swait.ge @!p0 [sflag:s0], s1  }
0x4a: {  	s1 =	ssub.s32 @!p0 $0x0, s1;
	[sflag:s0] =	ssyncset.done @!p0 $0x0  }
0x4b: {  	[sflag:s0] =	ssyncadd.s32 @!p0 s1  }
0x4c: {  	[bflag:$0x3] =	sbarrier.arrive $0xFFFF  }
0x4d: {  	_ =	shalt  }

</sc_bundles>
